<compile_context>
chip_gen: v7x
topology: tpu7x:2x2x1
jax: 0.10.2.dev20260603
libtpu: 0.0.44.dev20260713+nightly
codegen_flags: <defaults>
</compile_context>

<pallas_src>
import functools

import jax
import jax.numpy as jnp
from jax import lax
from jax.experimental import pallas as pl
from jax.experimental.pallas import tpu as pltpu
from jax.experimental.pallas import tpu_sc as plsc

NUM_EMBEDDINGS = 1000000
EMBEDDING_DIM = 64
BATCH = 16384
HIST_LEN = 50

NC = 2
NS = 16
NW = NC * NS

T2_ROWS = NUM_EMBEDDINGS // 2
KA_FULL = NUM_EMBEDDINGS // 128
KA_MAIN = (KA_FULL // NW) & ~1
KA_REST = KA_FULL - KA_MAIN * NW
BPW = BATCH // NW
NCHB = HIST_LEN * (BPW // 128)

_mesh = plsc.VectorSubcoreMesh(core_axis_name="c", subcore_axis_name="s")


def _iota16():
    return lax.iota(jnp.int32, 16)


def _worker_id():
    return lax.axis_index("s") * NC + lax.axis_index("c")


def _transpose_pairs(v_ref, s_ref, rows):

    @plsc.parallel_loop(0, rows, unroll=8)
    def _(r0):
        t = _iota16() + r0
        rl = t - jnp.where(t >= rows, rows, 0)
        for m in range(4):
            q16 = _iota16() + 16 * m
            vals0 = plsc.load_gather(v_ref, [q16, 2 * rl])
            plsc.store_scatter(s_ref, [rl, q16], vals0)
            vals1 = plsc.load_gather(v_ref, [q16, 2 * rl + 1])
            plsc.store_scatter(s_ref, [rl, q16 + 64], vals1)


@functools.partial(
    pl.kernel,
    mesh=_mesh,
    out_type=jax.ShapeDtypeStruct((T2_ROWS, 128), jnp.float32),
    scratch_types=(
        [pltpu.VMEM((64, 128), jnp.float32) for _ in range(4)]
        + [pltpu.SemaphoreType.DMA for _ in range(4)]
    ),
    compiler_params=pltpu.CompilerParams(needs_layout_passes=False),
)
def _repack(tabt_hbm, tail2_hbm, t2_hbm, v0, v1, s0, s1, in0, in1, out0, out1):
    w = _worker_id()
    k0 = w * KA_MAIN
    vb, sb, ins, outs = (v0, v1), (s0, s1), (in0, in1), (out0, out1)

    def in_start(k, b):
        off = pl.multiple_of(k * 128, 128)
        pltpu.make_async_copy(
            tabt_hbm.at[:, pl.ds(off, 128)], vb[b], ins[b]
        ).start()

    def in_wait(b):
        pltpu.make_async_copy(
            tabt_hbm.at[:, pl.ds(0, 128)], vb[b], ins[b]
        ).wait()

    def out_start(k, b):
        off = pl.multiple_of(k * 64, 64)
        pltpu.make_async_copy(
            sb[b], t2_hbm.at[pl.ds(off, 64), :], outs[b]
        ).start()

    def out_wait(b):
        pltpu.make_async_copy(
            sb[b], t2_hbm.at[pl.ds(0, 64), :], outs[b]
        ).wait()

    in_start(k0, 0)
    in_start(k0 + 1, 1)

    def group(g, carry):
        for b in range(2):
            k = k0 + 2 * g + b
            in_wait(b)

            @pl.when(g >= 1)
            def _():
                out_wait(b)

            _transpose_pairs(vb[b], sb[b], 64)
            out_start(k, b)

            @pl.when(g < KA_MAIN // 2 - 1)
            def _():
                in_start(k + 2, b)

        return carry

    lax.fori_loop(0, KA_MAIN // 2, group, 0)
    out_wait(0)
    out_wait(1)

    @pl.when(w < KA_REST)
    def _():
        k = KA_MAIN * NW + w
        in_start(k, 0)
        in_wait(0)
        _transpose_pairs(vb[0], sb[0], 64)
        out_start(k, 0)
        out_wait(0)

    @pl.when(w == KA_REST)
    def _():
        pltpu.make_async_copy(tail2_hbm, v0.at[pl.ds(0, 32), :], ins[0]).start()
        pltpu.make_async_copy(tail2_hbm, v0.at[pl.ds(0, 32), :], ins[0]).wait()
        pltpu.make_async_copy(
            v0.at[pl.ds(0, 32), :],
            t2_hbm.at[pl.ds(T2_ROWS - 32, 32), :],
            outs[0],
        ).start()
        pltpu.make_async_copy(
            v0.at[pl.ds(0, 32), :],
            t2_hbm.at[pl.ds(T2_ROWS - 32, 32), :],
            outs[0],
        ).wait()


@functools.partial(
    pl.kernel,
    mesh=_mesh,
    out_type=jax.ShapeDtypeStruct((HIST_LEN, EMBEDDING_DIM, BATCH), jnp.float32),
    scratch_types=(
        [pltpu.VMEM((HIST_LEN, BPW), jnp.int32)]
        + [pltpu.VMEM((128, 128), jnp.float32) for _ in range(2)]
        + [pltpu.VMEM((64, 128), jnp.float32) for _ in range(2)]
        + [pltpu.VMEM((128,), jnp.int32) for _ in range(4)]
        + [pltpu.SemaphoreType.DMA for _ in range(4)]
    ),
    compiler_params=pltpu.CompilerParams(needs_layout_passes=False),
)
def _gather(idxt_hbm, t2_hbm, q_hbm, iv, g0, g1, s0, s1,
            p0, p1, r0, r1, in0, in1, out0, out1):
    w = _worker_id()
    b0w = w * BPW
    gb, sb = (g0, g1), (s0, s1)
    pb, rb = (p0, p1), (r0, r1)
    ins, outs = (in0, in1), (out0, out1)

    pltpu.sync_copy(idxt_hbm.at[:, pl.ds(pl.multiple_of(b0w, 128), BPW)], iv)

    def prep(ci, b):
        h = ci >> 2
        cb = ci & 3
        for m in range(8):
            v = iv[h, pl.ds(cb * 128 + 16 * m, 16)]
            pb[b][pl.ds(16 * m, 16)] = v >> 1
            rb[b][pl.ds(16 * m, 16)] = (v & 1) * 64

    def in_start(b):
        pltpu.make_async_copy(t2_hbm.at[pb[b]], gb[b], ins[b]).start()

    def in_wait(b):
        pltpu.make_async_copy(t2_hbm.at[pb[b]], gb[b], ins[b]).wait()

    def out_start(ci, b):
        h = ci >> 2
        cb = ci & 3
        off = pl.multiple_of(b0w + cb * 128, 128)
        pltpu.make_async_copy(
            sb[b], q_hbm.at[h, :, pl.ds(off, 128)], outs[b]
        ).start()

    def out_wait(b):
        pltpu.make_async_copy(
            sb[b], q_hbm.at[0, :, pl.ds(0, 128)], outs[b]
        ).wait()

    def transpose_sel(b):
        for m in range(8):
            c16 = _iota16() + 16 * m
            rbase = rb[b][pl.ds(16 * m, 16)]

            @plsc.parallel_loop(0, 64, unroll=8)
            def _(j0):
                t = _iota16() + j0
                jl = t - jnp.where(t >= 64, 64, 0)
                vals = plsc.load_gather(gb[b], [c16, rbase + jl])
                plsc.store_scatter(sb[b], [jl, c16], vals)

    prep(0, 0)
    in_start(0)
    prep(1, 1)
    in_start(1)

    def group(g, carry):
        for b in range(2):
            ci = 2 * g + b
            in_wait(b)

            @pl.when(g >= 1)
            def _():
                out_wait(b)

            transpose_sel(b)
            out_start(ci, b)

            @pl.when(g < NCHB // 2 - 1)
            def _():
                prep(ci + 2, b)
                in_start(b)

        return carry

    lax.fori_loop(0, NCHB // 2, group, 0)
    out_wait(0)
    out_wait(1)


def kernel(input, table):
    tabt = table.T
    idxt = input.T.astype(jnp.int32)
    tail2 = table[NUM_EMBEDDINGS - 64:].reshape(32, 128)
    t2 = _repack(tabt, tail2)
    q = _gather(idxt, t2)
    return jnp.transpose(q, (2, 0, 1))

# --- scband reference (transcript-rebuilt; emitter-appended) ---
"""Pipeline reference for scband-remote-embedding-42760694399214 (READ-ONLY COPY).

The authoritative reference and input builder live on the scoring server;
editing this copy changes nothing except your own understanding.
"""

import jax, jax.numpy as jnp
import numpy as np

NUM_EMBEDDINGS = 1000000
EMBEDDING_DIM = 64
BATCH = 16384
HIST_LEN = 50

def setup_inputs(seed: int = 0) -> dict:
    key = jax.random.key(seed)
    k_idx, k_tab = jax.random.split(key)
    input_ids = jax.random.randint(k_idx, (BATCH, HIST_LEN), 0, NUM_EMBEDDINGS, dtype=jnp.int64 if jax.config.read('jax_enable_x64') else jnp.int32)
    table = jax.random.normal(k_tab, (NUM_EMBEDDINGS, EMBEDDING_DIM), dtype=jnp.float32)
    return {"input": input_ids, "table": table}

def reference(input, table):
    # nn.Embedding forward: row gather from the embedding table
    return jnp.take(table, input, axis=0)

if __name__ == "__main__":
    import jax
    _d = setup_inputs()
    print(jax.jit(kernel)(*tuple(_d.values())))

</pallas_src>

<mosaic_0001>
#map = affine_map<(d0, d1) -> (0, 0)>
#map1 = affine_map<(d0, d1) -> (0, 0, 0)>
module attributes {stable_mosaic.version = 14 : i64} {
  func.func @_gather(%arg0: i32, %arg1: i32, %arg2: memref<50x16384xi32, #tpu.memory_space<hbm>>, %arg3: memref<500000x128xf32, #tpu.memory_space<hbm>>, %arg4: memref<50x64x16384xf32, #tpu.memory_space<hbm>>, %arg5: memref<50x512xi32, #tpu.memory_space<vmem>>, %arg6: memref<128x128xf32, #tpu.memory_space<vmem>>, %arg7: memref<128x128xf32, #tpu.memory_space<vmem>>, %arg8: memref<64x128xf32, #tpu.memory_space<vmem>>, %arg9: memref<64x128xf32, #tpu.memory_space<vmem>>, %arg10: memref<128xi32, #tpu.memory_space<vmem>>, %arg11: memref<128xi32, #tpu.memory_space<vmem>>, %arg12: memref<128xi32, #tpu.memory_space<vmem>>, %arg13: memref<128xi32, #tpu.memory_space<vmem>>, %arg14: memref<!tpu.dma_semaphore, #tpu.memory_space<semaphore_mem>>, %arg15: memref<!tpu.dma_semaphore, #tpu.memory_space<semaphore_mem>>, %arg16: memref<!tpu.dma_semaphore, #tpu.memory_space<semaphore_mem>>, %arg17: memref<!tpu.dma_semaphore, #tpu.memory_space<semaphore_mem>>) attributes {dimension_semantics = [#tpu.dimension_semantics<core_parallel>, #tpu.dimension_semantics<subcore_parallel>], iteration_bounds = array<i64: 2, 16>, scalar_prefetch = 0 : i64, scratch_operands = 13 : i64, tpu.core_type = #tpu.core_type<sc_vector_subcore>, window_params = [{transform_indices = #map}, {transform_indices = #map}, {transform_indices = #map1}]} {
    %mul3A = arith.constant 2 : i32
    %mul3A_0 = arith.muli %arg1, %mul3A : i32
    %add3A = arith.addi %mul3A_0, %arg0 : i32
    %mul3A_1 = arith.constant 512 : i32
    %mul3A_2 = arith.muli %add3A, %mul3A_1 : i32
    %multiple_of3A = tpu.assume_multiple %mul3A_2, 128 : i32
    "tpu.region"() ({
      %run_scoped3A = tpu.sem_alloc : memref<!tpu.dma_semaphore, #tpu.memory_space<semaphore_mem>>
      %dma_start3A_298 = arith.constant 0 : i32
      %dma_start3A_299 = tpu.memref_slice %arg2[%dma_start3A_298, %multiple_of3A] : memref<50x16384xi32, #tpu.memory_space<hbm>> -> memref<50x512xi32, #tpu.memory_space<hbm>>
      %dma_start3A_300 = arith.constant 0 : i32
      %dma_start3A_301 = tpu.memref_slice %arg2[%dma_start3A_300, %multiple_of3A] : memref<50x16384xi32, #tpu.memory_space<hbm>> -> memref<50x512xi32, #tpu.memory_space<hbm>>
      tpu.enqueue_dma source(%dma_start3A_301 : memref<50x512xi32, #tpu.memory_space<hbm>>) target(%arg5 : memref<50x512xi32, #tpu.memory_space<vmem>>) target_semaphore(%run_scoped3A : memref<!tpu.dma_semaphore, #tpu.memory_space<semaphore_mem>>)
      %dma_wait3A_302 = arith.constant 0 : i32
      %dma_wait3A_303 = tpu.memref_slice %arg2[%dma_wait3A_302, %multiple_of3A] : memref<50x16384xi32, #tpu.memory_space<hbm>> -> memref<50x512xi32, #tpu.memory_space<hbm>>
      %dma_wait3A_304 = arith.constant 0 : i32
      %dma_wait3A_305 = tpu.memref_slice %arg2[%dma_wait3A_304, %multiple_of3A] : memref<50x16384xi32, #tpu.memory_space<hbm>> -> memref<50x512xi32, #tpu.memory_space<hbm>>
      tpu.wait_dma2 semaphore(%run_scoped3A : memref<!tpu.dma_semaphore, #tpu.memory_space<semaphore_mem>>) src(%dma_wait3A_305 : memref<50x512xi32, #tpu.memory_space<hbm>>) dst(%arg5 : memref<50x512xi32, #tpu.memory_space<vmem>>)
      tpu.yield
    }) : () -> ()
    %get3A = arith.constant 0 : i32
    %get3A_3 = arith.index_cast %get3A : i32 to index
    %get3A_4 = arith.constant 0 : index
    %get3A_5 = tpu.vector_load %arg5[%get3A_3, %get3A_4] {strides = array<i32>} : memref<50x512xi32, #tpu.memory_space<vmem>>, vector<16xi32>,
    %shift_right_arithmetic3A = arith.constant 1 : i32
    %shift_right_arithmetic3A_6 = vector.broadcast %shift_right_arithmetic3A : i32 to vector<16xi32>
    %shift_right_arithmetic3A_7 = arith.shrsi %get3A_5, %shift_right_arithmetic3A_6 : vector<16xi32>
    %swap3A = arith.constant 0 : index
    %swap3A_8 = tpu.vector_load %arg10[%swap3A] {strides = array<i32>} : memref<128xi32, #tpu.memory_space<vmem>>, vector<16xi32>,
    tpu.vector_store %arg10[%swap3A], %shift_right_arithmetic3A_7 {strides = array<i32>} : memref<128xi32, #tpu.memory_space<vmem>>, vector<16xi32>,
    %and3A = arith.constant 1 : i32
    %and3A_9 = vector.broadcast %and3A : i32 to vector<16xi32>
    %and3A_10 = arith.andi %get3A_5, %and3A_9 : vector<16xi32>
    %mul3A_11 = arith.constant 64 : i32
    %mul3A_12 = vector.broadcast %mul3A_11 : i32 to vector<16xi32>
    %mul3A_13 = arith.muli %and3A_10, %mul3A_12 : vector<16xi32>
    %swap3A_14 = arith.constant 0 : index
    %swap3A_15 = tpu.vector_load %arg12[%swap3A_14] {strides = array<i32>} : memref<128xi32, #tpu.memory_space<vmem>>, vector<16xi32>,
    tpu.vector_store %arg12[%swap3A_14], %mul3A_13 {strides = array<i32>} : memref<128xi32, #tpu.memory_space<vmem>>, vector<16xi32>,
    %get3A_16 = arith.constant 0 : i32
    %get3A_17 = arith.index_cast %get3A_16 : i32 to index
    %get3A_18 = arith.constant 16 : index
    %get3A_19 = tpu.vector_load %arg5[%get3A_17, %get3A_18] {strides = array<i32>} : memref<50x512xi32, #tpu.memory_space<vmem>>, vector<16xi32>,
    %shift_right_arithmetic3A_20 = arith.constant 1 : i32
    %shift_right_arithmetic3A_21 = vector.broadcast %shift_right_arithmetic3A_20 : i32 to vector<16xi32>
    %shift_right_arithmetic3A_22 = arith.shrsi %get3A_19, %shift_right_arithmetic3A_21 : vector<16xi32>
    %swap3A_23 = arith.constant 16 : index
    %swap3A_24 = tpu.vector_load %arg10[%swap3A_23] {strides = array<i32>} : memref<128xi32, #tpu.memory_space<vmem>>, vector<16xi32>,
    tpu.vector_store %arg10[%swap3A_23], %shift_right_arithmetic3A_22 {strides = array<i32>} : memref<128xi32, #tpu.memory_space<vmem>>, vector<16xi32>,
    %and3A_25 = arith.constant 1 : i32
    %and3A_26 = vector.broadcast %and3A_25 : i32 to vector<16xi32>
    %and3A_27 = arith.andi %get3A_19, %and3A_26 : vector<16xi32>
    %mul3A_28 = arith.constant 64 : i32
    %mul3A_29 = vector.broadcast %mul3A_28 : i32 to vector<16xi32>
    %mul3A_30 = arith.muli %and3A_27, %mul3A_29 : vector<16xi32>
    %swap3A_31 = arith.constant 16 : index
    %swap3A_32 = tpu.vector_load %arg12[%swap3A_31] {strides = array<i32>} : memref<128xi32, #tpu.memory_space<vmem>>, vector<16xi32>,
    tpu.vector_store %arg12[%swap3A_31], %mul3A_30 {strides = array<i32>} : memref<128xi32, #tpu.memory_space<vmem>>, vector<16xi32>,
    %get3A_33 = arith.constant 0 : i32
    %get3A_34 = arith.index_cast %get3A_33 : i32 to index
    %get3A_35 = arith.constant 32 : index
    %get3A_36 = tpu.vector_load %arg5[%get3A_34, %get3A_35] {strides = array<i32>} : memref<50x512xi32, #tpu.memory_space<vmem>>, vector<16xi32>,
    %shift_right_arithmetic3A_37 = arith.constant 1 : i32
    %shift_right_arithmetic3A_38 = vector.broadcast %shift_right_arithmetic3A_37 : i32 to vector<16xi32>
    %shift_right_arithmetic3A_39 = arith.shrsi %get3A_36, %shift_right_arithmetic3A_38 : vector<16xi32>
    %swap3A_40 = arith.constant 32 : index
    %swap3A_41 = tpu.vector_load %arg10[%swap3A_40] {strides = array<i32>} : memref<128xi32, #tpu.memory_space<vmem>>, vector<16xi32>,
    tpu.vector_store %arg10[%swap3A_40], %shift_right_arithmetic3A_39 {strides = array<i32>} : memref<128xi32, #tpu.memory_space<vmem>>, vector<16xi32>,
    %and3A_42 = arith.constant 1 : i32
    %and3A_43 = vector.broadcast %and3A_42 : i32 to vector<16xi32>
    %and3A_44 = arith.andi %get3A_36, %and3A_43 : vector<16xi32>
    %mul3A_45 = arith.constant 64 : i32
    %mul3A_46 = vector.broadcast %mul3A_45 : i32 to vector<16xi32>
    %mul3A_47 = arith.muli %and3A_44, %mul3A_46 : vector<16xi32>
    %swap3A_48 = arith.constant 32 : index
    %swap3A_49 = tpu.vector_load %arg12[%swap3A_48] {strides = array<i32>} : memref<128xi32, #tpu.memory_space<vmem>>, vector<16xi32>,
    tpu.vector_store %arg12[%swap3A_48], %mul3A_47 {strides = array<i32>} : memref<128xi32, #tpu.memory_space<vmem>>, vector<16xi32>,
    %get3A_50 = arith.constant 0 : i32
    %get3A_51 = arith.index_cast %get3A_50 : i32 to index
    %get3A_52 = arith.constant 48 : index
    %get3A_53 = tpu.vector_load %arg5[%get3A_51, %get3A_52] {strides = array<i32>} : memref<50x512xi32, #tpu.memory_space<vmem>>, vector<16xi32>,
    %shift_right_arithmetic3A_54 = arith.constant 1 : i32
    %shift_right_arithmetic3A_55 = vector.broadcast %shift_right_arithmetic3A_54 : i32 to vector<16xi32>
    %shift_right_arithmetic3A_56 = arith.shrsi %get3A_53, %shift_right_arithmetic3A_55 : vector<16xi32>
    %swap3A_57 = arith.constant 48 : index
    %swap3A_58 = tpu.vector_load %arg10[%swap3A_57] {strides = array<i32>} : memref<128xi32, #tpu.memory_space<vmem>>, vector<16xi32>,
    tpu.vector_store %arg10[%swap3A_57], %shift_right_arithmetic3A_56 {strides = array<i32>} : memref<128xi32, #tpu.memory_space<vmem>>, vector<16xi32>,
    %and3A_59 = arith.constant 1 : i32
    %and3A_60 = vector.broadcast %and3A_59 : i32 to vector<16xi32>
    %and3A_61 = arith.andi %get3A_53, %and3A_60 : vector<16xi32>
    %mul3A_62 = arith.constant 64 : i32
    %mul3A_63 = vector.broadcast %mul3A_62 : i32 to vector<16xi32>
    %mul3A_64 = arith.muli %and3A_61, %mul3A_63 : vector<16xi32>
    %swap3A_65 = arith.constant 48 : index
    %swap3A_66 = tpu.vector_load %arg12[%swap3A_65] {strides = array<i32>} : memref<128xi32, #tpu.memory_space<vmem>>, vector<16xi32>,
    tpu.vector_store %arg12[%swap3A_65], %mul3A_64 {strides = array<i32>} : memref<128xi32, #tpu.memory_space<vmem>>, vector<16xi32>,
    %get3A_67 = arith.constant 0 : i32
    %get3A_68 = arith.index_cast %get3A_67 : i32 to index
    %get3A_69 = arith.constant 64 : index
    %get3A_70 = tpu.vector_load %arg5[%get3A_68, %get3A_69] {strides = array<i32>} : memref<50x512xi32, #tpu.memory_space<vmem>>, vector<16xi32>,
    %shift_right_arithmetic3A_71 = arith.constant 1 : i32
    %shift_right_arithmetic3A_72 = vector.broadcast %shift_right_arithmetic3A_71 : i32 to vector<16xi32>
    %shift_right_arithmetic3A_73 = arith.shrsi %get3A_70, %shift_right_arithmetic3A_72 : vector<16xi32>
    %swap3A_74 = arith.constant 64 : index
    %swap3A_75 = tpu.vector_load %arg10[%swap3A_74] {strides = array<i32>} : memref<128xi32, #tpu.memory_space<vmem>>, vector<16xi32>,
    tpu.vector_store %arg10[%swap3A_74], %shift_right_arithmetic3A_73 {strides = array<i32>} : memref<128xi32, #tpu.memory_space<vmem>>, vector<16xi32>,
    %and3A_76 = arith.constant 1 : i32
    %and3A_77 = vector.broadcast %and3A_76 : i32 to vector<16xi32>
    %and3A_78 = arith.andi %get3A_70, %and3A_77 : vector<16xi32>
    %mul3A_79 = arith.constant 64 : i32
    %mul3A_80 = vector.broadcast %mul3A_79 : i32 to vector<16xi32>
    %mul3A_81 = arith.muli %and3A_78, %mul3A_80 : vector<16xi32>
    %swap3A_82 = arith.constant 64 : index
    %swap3A_83 = tpu.vector_load %arg12[%swap3A_82] {strides = array<i32>} : memref<128xi32, #tpu.memory_space<vmem>>, vector<16xi32>,
    tpu.vector_store %arg12[%swap3A_82], %mul3A_81 {strides = array<i32>} : memref<128xi32, #tpu.memory_space<vmem>>, vector<16xi32>,
    %get3A_84 = arith.constant 0 : i32
    %get3A_85 = arith.index_cast %get3A_84 : i32 to index
    %get3A_86 = arith.constant 80 : index
    %get3A_87 = tpu.vector_load %arg5[%get3A_85, %get3A_86] {strides = array<i32>} : memref<50x512xi32, #tpu.memory_space<vmem>>, vector<16xi32>,
    %shift_right_arithmetic3A_88 = arith.constant 1 : i32
    %shift_right_arithmetic3A_89 = vector.broadcast %shift_right_arithmetic3A_88 : i32 to vector<16xi32>
    %shift_right_arithmetic3A_90 = arith.shrsi %get3A_87, %shift_right_arithmetic3A_89 : vector<16xi32>
    %swap3A_91 = arith.constant 80 : index
    %swap3A_92 = tpu.vector_load %arg10[%swap3A_91] {strides = array<i32>} : memref<128xi32, #tpu.memory_space<vmem>>, vector<16xi32>,
    tpu.vector_store %arg10[%swap3A_91], %shift_right_arithmetic3A_90 {strides = array<i32>} : memref<128xi32, #tpu.memory_space<vmem>>, vector<16xi32>,
    %and3A_93 = arith.constant 1 : i32
    %and3A_94 = vector.broadcast %and3A_93 : i32 to vector<16xi32>
    %and3A_95 = arith.andi %get3A_87, %and3A_94 : vector<16xi32>
    %mul3A_96 = arith.constant 64 : i32
    %mul3A_97 = vector.broadcast %mul3A_96 : i32 to vector<16xi32>
    %mul3A_98 = arith.muli %and3A_95, %mul3A_97 : vector<16xi32>
    %swap3A_99 = arith.constant 80 : index
    %swap3A_100 = tpu.vector_load %arg12[%swap3A_99] {strides = array<i32>} : memref<128xi32, #tpu.memory_space<vmem>>, vector<16xi32>,
    tpu.vector_store %arg12[%swap3A_99], %mul3A_98 {strides = array<i32>} : memref<128xi32, #tpu.memory_space<vmem>>, vector<16xi32>,
    %get3A_101 = arith.constant 0 : i32
    %get3A_102 = arith.index_cast %get3A_101 : i32 to index
    %get3A_103 = arith.constant 96 : index
    %get3A_104 = tpu.vector_load %arg5[%get3A_102, %get3A_103] {strides = array<i32>} : memref<50x512xi32, #tpu.memory_space<vmem>>, vector<16xi32>,
    %shift_right_arithmetic3A_105 = arith.constant 1 : i32
    %shift_right_arithmetic3A_106 = vector.broadcast %shift_right_arithmetic3A_105 : i32 to vector<16xi32>
    %shift_right_arithmetic3A_107 = arith.shrsi %get3A_104, %shift_right_arithmetic3A_106 : vector<16xi32>
    %swap3A_108 = arith.constant 96 : index
    %swap3A_109 = tpu.vector_load %arg10[%swap3A_108] {strides = array<i32>} : memref<128xi32, #tpu.memory_space<vmem>>, vector<16xi32>,
    tpu.vector_store %arg10[%swap3A_108], %shift_right_arithmetic3A_107 {strides = array<i32>} : memref<128xi32, #tpu.memory_space<vmem>>, vector<16xi32>,
    %and3A_110 = arith.constant 1 : i32
    %and3A_111 = vector.broadcast %and3A_110 : i32 to vector<16xi32>
    %and3A_112 = arith.andi %get3A_104, %and3A_111 : vector<16xi32>
    %mul3A_113 = arith.constant 64 : i32
    %mul3A_114 = vector.broadcast %mul3A_113 : i32 to vector<16xi32>
    %mul3A_115 = arith.muli %and3A_112, %mul3A_114 : vector<16xi32>
    %swap3A_116 = arith.constant 96 : index
    %swap3A_117 = tpu.vector_load %arg12[%swap3A_116] {strides = array<i32>} : memref<128xi32, #tpu.memory_space<vmem>>, vector<16xi32>,
    tpu.vector_store %arg12[%swap3A_116], %mul3A_115 {strides = array<i32>} : memref<128xi32, #tpu.memory_space<vmem>>, vector<16xi32>,
    %get3A_118 = arith.constant 0 : i32
    %get3A_119 = arith.index_cast %get3A_118 : i32 to index
    %get3A_120 = arith.constant 112 : index
    %get3A_121 = tpu.vector_load %arg5[%get3A_119, %get3A_120] {strides = array<i32>} : memref<50x512xi32, #tpu.memory_space<vmem>>, vector<16xi32>,
    %shift_right_arithmetic3A_122 = arith.constant 1 : i32
    %shift_right_arithmetic3A_123 = vector.broadcast %shift_right_arithmetic3A_122 : i32 to vector<16xi32>
    %shift_right_arithmetic3A_124 = arith.shrsi %get3A_121, %shift_right_arithmetic3A_123 : vector<16xi32>
    %swap3A_125 = arith.constant 112 : index
    %swap3A_126 = tpu.vector_load %arg10[%swap3A_125] {strides = array<i32>} : memref<128xi32, #tpu.memory_space<vmem>>, vector<16xi32>,
    tpu.vector_store %arg10[%swap3A_125], %shift_right_arithmetic3A_124 {strides = array<i32>} : memref<128xi32, #tpu.memory_space<vmem>>, vector<16xi32>,
    %and3A_127 = arith.constant 1 : i32
    %and3A_128 = vector.broadcast %and3A_127 : i32 to vector<16xi32>
    %and3A_129 = arith.andi %get3A_121, %and3A_128 : vector<16xi32>
    %mul3A_130 = arith.constant 64 : i32
    %mul3A_131 = vector.broadcast %mul3A_130 : i32 to vector<16xi32>
    %mul3A_132 = arith.muli %and3A_129, %mul3A_131 : vector<16xi32>
    %swap3A_133 = arith.constant 112 : index
    %swap3A_134 = tpu.vector_load %arg12[%swap3A_133] {strides = array<i32>} : memref<128xi32, #tpu.memory_space<vmem>>, vector<16xi32>,
    tpu.vector_store %arg12[%swap3A_133], %mul3A_132 {strides = array<i32>} : memref<128xi32, #tpu.memory_space<vmem>>, vector<16xi32>,
    %dma_start3A = arith.constant 0 : i32
    %dma_start3A_135 = arith.constant 0 : i32
    %dma_start3A_136 = tpu.memref_slice %arg3[%dma_start3A, %dma_start3A_135] : memref<500000x128xf32, #tpu.memory_space<hbm>> -> memref<500000x128xf32, #tpu.memory_space<hbm>>
    tpu.enqueue_indirect_dma source(%dma_start3A_136 : memref<500000x128xf32, #tpu.memory_space<hbm>>) target(%arg6 : memref<128x128xf32, #tpu.memory_space<vmem>>) offsets(%arg10 : memref<128xi32, #tpu.memory_space<vmem>>) semaphore(%arg14 : memref<!tpu.dma_semaphore, #tpu.memory_space<semaphore_mem>>)
    %get3A_137 = arith.constant 0 : i32
    %get3A_138 = arith.index_cast %get3A_137 : i32 to index
    %get3A_139 = arith.constant 128 : index
    %get3A_140 = tpu.vector_load %arg5[%get3A_138, %get3A_139] {strides = array<i32>} : memref<50x512xi32, #tpu.memory_space<vmem>>, vector<16xi32>,
    %shift_right_arithmetic3A_141 = arith.constant 1 : i32
    %shift_right_arithmetic3A_142 = vector.broadcast %shift_right_arithmetic3A_141 : i32 to vector<16xi32>
    %shift_right_arithmetic3A_143 = arith.shrsi %get3A_140, %shift_right_arithmetic3A_142 : vector<16xi32>
    %swap3A_144 = arith.constant 0 : index
    %swap3A_145 = tpu.vector_load %arg11[%swap3A_144] {strides = array<i32>} : memref<128xi32, #tpu.memory_space<vmem>>, vector<16xi32>,
    tpu.vector_store %arg11[%swap3A_144], %shift_right_arithmetic3A_143 {strides = array<i32>} : memref<128xi32, #tpu.memory_space<vmem>>, vector<16xi32>,
    %and3A_146 = arith.constant 1 : i32
    %and3A_147 = vector.broadcast %and3A_146 : i32 to vector<16xi32>
    %and3A_148 = arith.andi %get3A_140, %and3A_147 : vector<16xi32>
    %mul3A_149 = arith.constant 64 : i32
    %mul3A_150 = vector.broadcast %mul3A_149 : i32 to vector<16xi32>
    %mul3A_151 = arith.muli %and3A_148, %mul3A_150 : vector<16xi32>
    %swap3A_152 = arith.constant 0 : index
    %swap3A_153 = tpu.vector_load %arg13[%swap3A_152] {strides = array<i32>} : memref<128xi32, #tpu.memory_space<vmem>>, vector<16xi32>,
    tpu.vector_store %arg13[%swap3A_152], %mul3A_151 {strides = array<i32>} : memref<128xi32, #tpu.memory_space<vmem>>, vector<16xi32>,
    %get3A_154 = arith.constant 0 : i32
    %get3A_155 = arith.index_cast %get3A_154 : i32 to index
    %get3A_156 = arith.constant 144 : index
    %get3A_157 = tpu.vector_load %arg5[%get3A_155, %get3A_156] {strides = array<i32>} : memref<50x512xi32, #tpu.memory_space<vmem>>, vector<16xi32>,
    %shift_right_arithmetic3A_158 = arith.constant 1 : i32
    %shift_right_arithmetic3A_159 = vector.broadcast %shift_right_arithmetic3A_158 : i32 to vector<16xi32>
    %shift_right_arithmetic3A_160 = arith.shrsi %get3A_157, %shift_right_arithmetic3A_159 : vector<16xi32>
    %swap3A_161 = arith.constant 16 : index
    %swap3A_162 = tpu.vector_load %arg11[%swap3A_161] {strides = array<i32>} : memref<128xi32, #tpu.memory_space<vmem>>, vector<16xi32>,
    tpu.vector_store %arg11[%swap3A_161], %shift_right_arithmetic3A_160 {strides = array<i32>} : memref<128xi32, #tpu.memory_space<vmem>>, vector<16xi32>,
    %and3A_163 = arith.constant 1 : i32
    %and3A_164 = vector.broadcast %and3A_163 : i32 to vector<16xi32>
    %and3A_165 = arith.andi %get3A_157, %and3A_164 : vector<16xi32>
    %mul3A_166 = arith.constant 64 : i32
    %mul3A_167 = vector.broadcast %mul3A_166 : i32 to vector<16xi32>
    %mul3A_168 = arith.muli %and3A_165, %mul3A_167 : vector<16xi32>
    %swap3A_169 = arith.constant 16 : index
    %swap3A_170 = tpu.vector_load %arg13[%swap3A_169] {strides = array<i32>} : memref<128xi32, #tpu.memory_space<vmem>>, vector<16xi32>,
    tpu.vector_store %arg13[%swap3A_169], %mul3A_168 {strides = array<i32>} : memref<128xi32, #tpu.memory_space<vmem>>, vector<16xi32>,
    %get3A_171 = arith.constant 0 : i32
    %get3A_172 = arith.index_cast %get3A_171 : i32 to index
    %get3A_173 = arith.constant 160 : index
    %get3A_174 = tpu.vector_load %arg5[%get3A_172, %get3A_173] {strides = array<i32>} : memref<50x512xi32, #tpu.memory_space<vmem>>, vector<16xi32>,
    %shift_right_arithmetic3A_175 = arith.constant 1 : i32
    %shift_right_arithmetic3A_176 = vector.broadcast %shift_right_arithmetic3A_175 : i32 to vector<16xi32>
    %shift_right_arithmetic3A_177 = arith.shrsi %get3A_174, %shift_right_arithmetic3A_176 : vector<16xi32>
    %swap3A_178 = arith.constant 32 : index
    %swap3A_179 = tpu.vector_load %arg11[%swap3A_178] {strides = array<i32>} : memref<128xi32, #tpu.memory_space<vmem>>, vector<16xi32>,
    tpu.vector_store %arg11[%swap3A_178], %shift_right_arithmetic3A_177 {strides = array<i32>} : memref<128xi32, #tpu.memory_space<vmem>>, vector<16xi32>,
    %and3A_180 = arith.constant 1 : i32
    %and3A_181 = vector.broadcast %and3A_180 : i32 to vector<16xi32>
    %and3A_182 = arith.andi %get3A_174, %and3A_181 : vector<16xi32>
    %mul3A_183 = arith.constant 64 : i32
    %mul3A_184 = vector.broadcast %mul3A_183 : i32 to vector<16xi32>
    %mul3A_185 = arith.muli %and3A_182, %mul3A_184 : vector<16xi32>
    %swap3A_186 = arith.constant 32 : index
    %swap3A_187 = tpu.vector_load %arg13[%swap3A_186] {strides = array<i32>} : memref<128xi32, #tpu.memory_space<vmem>>, vector<16xi32>,
    tpu.vector_store %arg13[%swap3A_186], %mul3A_185 {strides = array<i32>} : memref<128xi32, #tpu.memory_space<vmem>>, vector<16xi32>,
    %get3A_188 = arith.constant 0 : i32
    %get3A_189 = arith.index_cast %get3A_188 : i32 to index
    %get3A_190 = arith.constant 176 : index
    %get3A_191 = tpu.vector_load %arg5[%get3A_189, %get3A_190] {strides = array<i32>} : memref<50x512xi32, #tpu.memory_space<vmem>>, vector<16xi32>,
    %shift_right_arithmetic3A_192 = arith.constant 1 : i32
    %shift_right_arithmetic3A_193 = vector.broadcast %shift_right_arithmetic3A_192 : i32 to vector<16xi32>
    %shift_right_arithmetic3A_194 = arith.shrsi %get3A_191, %shift_right_arithmetic3A_193 : vector<16xi32>
    %swap3A_195 = arith.constant 48 : index
    %swap3A_196 = tpu.vector_load %arg11[%swap3A_195] {strides = array<i32>} : memref<128xi32, #tpu.memory_space<vmem>>, vector<16xi32>,
    tpu.vector_store %arg11[%swap3A_195], %shift_right_arithmetic3A_194 {strides = array<i32>} : memref<128xi32, #tpu.memory_space<vmem>>, vector<16xi32>,
    %and3A_197 = arith.constant 1 : i32
    %and3A_198 = vector.broadcast %and3A_197 : i32 to vector<16xi32>
    %and3A_199 = arith.andi %get3A_191, %and3A_198 : vector<16xi32>
    %mul3A_200 = arith.constant 64 : i32
    %mul3A_201 = vector.broadcast %mul3A_200 : i32 to vector<16xi32>
    %mul3A_202 = arith.muli %and3A_199, %mul3A_201 : vector<16xi32>
    %swap3A_203 = arith.constant 48 : index
    %swap3A_204 = tpu.vector_load %arg13[%swap3A_203] {strides = array<i32>} : memref<128xi32, #tpu.memory_space<vmem>>, vector<16xi32>,
    tpu.vector_store %arg13[%swap3A_203], %mul3A_202 {strides = array<i32>} : memref<128xi32, #tpu.memory_space<vmem>>, vector<16xi32>,
    %get3A_205 = arith.constant 0 : i32
    %get3A_206 = arith.index_cast %get3A_205 : i32 to index
    %get3A_207 = arith.constant 192 : index
    %get3A_208 = tpu.vector_load %arg5[%get3A_206, %get3A_207] {strides = array<i32>} : memref<50x512xi32, #tpu.memory_space<vmem>>, vector<16xi32>,
    %shift_right_arithmetic3A_209 = arith.constant 1 : i32
    %shift_right_arithmetic3A_210 = vector.broadcast %shift_right_arithmetic3A_209 : i32 to vector<16xi32>
    %shift_right_arithmetic3A_211 = arith.shrsi %get3A_208, %shift_right_arithmetic3A_210 : vector<16xi32>
    %swap3A_212 = arith.constant 64 : index
    %swap3A_213 = tpu.vector_load %arg11[%swap3A_212] {strides = array<i32>} : memref<128xi32, #tpu.memory_space<vmem>>, vector<16xi32>,
    tpu.vector_store %arg11[%swap3A_212], %shift_right_arithmetic3A_211 {strides = array<i32>} : memref<128xi32, #tpu.memory_space<vmem>>, vector<16xi32>,
    %and3A_214 = arith.constant 1 : i32
    %and3A_215 = vector.broadcast %and3A_214 : i32 to vector<16xi32>
    %and3A_216 = arith.andi %get3A_208, %and3A_215 : vector<16xi32>
    %mul3A_217 = arith.constant 64 : i32
    %mul3A_218 = vector.broadcast %mul3A_217 : i32 to vector<16xi32>
    %mul3A_219 = arith.muli %and3A_216, %mul3A_218 : vector<16xi32>
    %swap3A_220 = arith.constant 64 : index
    %swap3A_221 = tpu.vector_load %arg13[%swap3A_220] {strides = array<i32>} : memref<128xi32, #tpu.memory_space<vmem>>, vector<16xi32>,
    tpu.vector_store %arg13[%swap3A_220], %mul3A_219 {strides = array<i32>} : memref<128xi32, #tpu.memory_space<vmem>>, vector<16xi32>,
    %get3A_222 = arith.constant 0 : i32
    %get3A_223 = arith.index_cast %get3A_222 : i32 to index
    %get3A_224 = arith.constant 208 : index
    %get3A_225 = tpu.vector_load %arg5[%get3A_223, %get3A_224] {strides = array<i32>} : memref<50x512xi32, #tpu.memory_space<vmem>>, vector<16xi32>,
    %shift_right_arithmetic3A_226 = arith.constant 1 : i32
    %shift_right_arithmetic3A_227 = vector.broadcast %shift_right_arithmetic3A_226 : i32 to vector<16xi32>
    %shift_right_arithmetic3A_228 = arith.shrsi %get3A_225, %shift_right_arithmetic3A_227 : vector<16xi32>
    %swap3A_229 = arith.constant 80 : index
    %swap3A_230 = tpu.vector_load %arg11[%swap3A_229] {strides = array<i32>} : memref<128xi32, #tpu.memory_space<vmem>>, vector<16xi32>,
    tpu.vector_store %arg11[%swap3A_229], %shift_right_arithmetic3A_228 {strides = array<i32>} : memref<128xi32, #tpu.memory_space<vmem>>, vector<16xi32>,
    %and3A_231 = arith.constant 1 : i32
    %and3A_232 = vector.broadcast %and3A_231 : i32 to vector<16xi32>
    %and3A_233 = arith.andi %get3A_225, %and3A_232 : vector<16xi32>
    %mul3A_234 = arith.constant 64 : i32
    %mul3A_235 = vector.broadcast %mul3A_234 : i32 to vector<16xi32>
    %mul3A_236 = arith.muli %and3A_233, %mul3A_235 : vector<16xi32>
    %swap3A_237 = arith.constant 80 : index
    %swap3A_238 = tpu.vector_load %arg13[%swap3A_237] {strides = array<i32>} : memref<128xi32, #tpu.memory_space<vmem>>, vector<16xi32>,
    tpu.vector_store %arg13[%swap3A_237], %mul3A_236 {strides = array<i32>} : memref<128xi32, #tpu.memory_space<vmem>>, vector<16xi32>,
    %get3A_239 = arith.constant 0 : i32
    %get3A_240 = arith.index_cast %get3A_239 : i32 to index
    %get3A_241 = arith.constant 224 : index
    %get3A_242 = tpu.vector_load %arg5[%get3A_240, %get3A_241] {strides = array<i32>} : memref<50x512xi32, #tpu.memory_space<vmem>>, vector<16xi32>,
    %shift_right_arithmetic3A_243 = arith.constant 1 : i32
    %shift_right_arithmetic3A_244 = vector.broadcast %shift_right_arithmetic3A_243 : i32 to vector<16xi32>
    %shift_right_arithmetic3A_245 = arith.shrsi %get3A_242, %shift_right_arithmetic3A_244 : vector<16xi32>
    %swap3A_246 = arith.constant 96 : index
    %swap3A_247 = tpu.vector_load %arg11[%swap3A_246] {strides = array<i32>} : memref<128xi32, #tpu.memory_space<vmem>>, vector<16xi32>,
    tpu.vector_store %arg11[%swap3A_246], %shift_right_arithmetic3A_245 {strides = array<i32>} : memref<128xi32, #tpu.memory_space<vmem>>, vector<16xi32>,
    %and3A_248 = arith.constant 1 : i32
    %and3A_249 = vector.broadcast %and3A_248 : i32 to vector<16xi32>
    %and3A_250 = arith.andi %get3A_242, %and3A_249 : vector<16xi32>
    %mul3A_251 = arith.constant 64 : i32
    %mul3A_252 = vector.broadcast %mul3A_251 : i32 to vector<16xi32>
    %mul3A_253 = arith.muli %and3A_250, %mul3A_252 : vector<16xi32>
    %swap3A_254 = arith.constant 96 : index
    %swap3A_255 = tpu.vector_load %arg13[%swap3A_254] {strides = array<i32>} : memref<128xi32, #tpu.memory_space<vmem>>, vector<16xi32>,
    tpu.vector_store %arg13[%swap3A_254], %mul3A_253 {strides = array<i32>} : memref<128xi32, #tpu.memory_space<vmem>>, vector<16xi32>,
    %get3A_256 = arith.constant 0 : i32
    %get3A_257 = arith.index_cast %get3A_256 : i32 to index
    %get3A_258 = arith.constant 240 : index
    %get3A_259 = tpu.vector_load %arg5[%get3A_257, %get3A_258] {strides = array<i32>} : memref<50x512xi32, #tpu.memory_space<vmem>>, vector<16xi32>,
    %shift_right_arithmetic3A_260 = arith.constant 1 : i32
    %shift_right_arithmetic3A_261 = vector.broadcast %shift_right_arithmetic3A_260 : i32 to vector<16xi32>
    %shift_right_arithmetic3A_262 = arith.shrsi %get3A_259, %shift_right_arithmetic3A_261 : vector<16xi32>
    %swap3A_263 = arith.constant 112 : index
    %swap3A_264 = tpu.vector_load %arg11[%swap3A_263] {strides = array<i32>} : memref<128xi32, #tpu.memory_space<vmem>>, vector<16xi32>,
    tpu.vector_store %arg11[%swap3A_263], %shift_right_arithmetic3A_262 {strides = array<i32>} : memref<128xi32, #tpu.memory_space<vmem>>, vector<16xi32>,
    %and3A_265 = arith.constant 1 : i32
    %and3A_266 = vector.broadcast %and3A_265 : i32 to vector<16xi32>
    %and3A_267 = arith.andi %get3A_259, %and3A_266 : vector<16xi32>
    %mul3A_268 = arith.constant 64 : i32
    %mul3A_269 = vector.broadcast %mul3A_268 : i32 to vector<16xi32>
    %mul3A_270 = arith.muli %and3A_267, %mul3A_269 : vector<16xi32>
    %swap3A_271 = arith.constant 112 : index
    %swap3A_272 = tpu.vector_load %arg13[%swap3A_271] {strides = array<i32>} : memref<128xi32, #tpu.memory_space<vmem>>, vector<16xi32>,
    tpu.vector_store %arg13[%swap3A_271], %mul3A_270 {strides = array<i32>} : memref<128xi32, #tpu.memory_space<vmem>>, vector<16xi32>,
    %dma_start3A_273 = arith.constant 0 : i32
    %dma_start3A_274 = arith.constant 0 : i32
    %dma_start3A_275 = tpu.memref_slice %arg3[%dma_start3A_273, %dma_start3A_274] : memref<500000x128xf32, #tpu.memory_space<hbm>> -> memref<500000x128xf32, #tpu.memory_space<hbm>>
    tpu.enqueue_indirect_dma source(%dma_start3A_275 : memref<500000x128xf32, #tpu.memory_space<hbm>>) target(%arg7 : memref<128x128xf32, #tpu.memory_space<vmem>>) offsets(%arg11 : memref<128xi32, #tpu.memory_space<vmem>>) semaphore(%arg15 : memref<!tpu.dma_semaphore, #tpu.memory_space<semaphore_mem>>)
    %scan3A = arith.constant 0 : i32
    %scan3A_276 = arith.constant 0 : i32
    %scan3A_277 = arith.constant 100 : i32
    %scan3A_278 = arith.addi %scan3A_276, %scan3A_277 : i32
    %scan3A_279 = arith.constant 1 : i32
    scf.for %scan3A_298 = %scan3A_276 to %scan3A_278 step %scan3A_279  : i32 {
      %mul3A_299 = arith.constant 2 : i32
      %mul3A_300 = arith.muli %mul3A_299, %scan3A_298 : i32
      %add3A_301 = arith.constant 0 : i32
      %add3A_302 = arith.addi %mul3A_300, %add3A_301 : i32
      %dma_wait3A_303 = arith.constant 0 : i32
      %dma_wait3A_304 = arith.constant 0 : i32
      %dma_wait3A_305 = tpu.memref_slice %arg3[%dma_wait3A_303, %dma_wait3A_304] : memref<500000x128xf32, #tpu.memory_space<hbm>> -> memref<500000x128xf32, #tpu.memory_space<hbm>>
      tpu.wait_indirect_dma semaphore(%arg14 : memref<!tpu.dma_semaphore, #tpu.memory_space<semaphore_mem>>) src(%dma_wait3A_305 : memref<500000x128xf32, #tpu.memory_space<hbm>>) dst(%arg6 : memref<128x128xf32, #tpu.memory_space<vmem>>)
      %ge3A = arith.constant 1 : i32
      %ge3A_306 = arith.cmpi sge, %scan3A_298, %ge3A : i32
      %convert_element_type3A = arith.extui %ge3A_306 : i1 to i32
      %cond3A = arith.constant 0 : i32
      %cond3A_307 = arith.cmpi ne, %convert_element_type3A, %cond3A : i32
      scf.if %cond3A_307 {
        %dma_wait3A_499 = arith.constant 0 : i32
        %dma_wait3A_500 = arith.constant 0 : i32
        %dma_wait3A_501 = arith.constant 0 : i32
        %dma_wait3A_502 = tpu.memref_slice %arg4[%dma_wait3A_499, %dma_wait3A_500, %dma_wait3A_501] : memref<50x64x16384xf32, #tpu.memory_space<hbm>> -> memref<1x64x128xf32, #tpu.memory_space<hbm>>
        %dma_wait3A_503 = tpu.memref_squeeze %dma_wait3A_502 : memref<1x64x128xf32, #tpu.memory_space<hbm>> -> memref<64x128xf32, #tpu.memory_space<hbm>>
        %dma_wait3A_504 = arith.constant 0 : i32
        %dma_wait3A_505 = arith.constant 0 : i32
        %dma_wait3A_506 = tpu.memref_slice %arg4[%dma_wait3A_499, %dma_wait3A_504, %dma_wait3A_505] : memref<50x64x16384xf32, #tpu.memory_space<hbm>> -> memref<1x64x128xf32, #tpu.memory_space<hbm>>
        %dma_wait3A_507 = tpu.memref_squeeze %dma_wait3A_506 : memref<1x64x128xf32, #tpu.memory_space<hbm>> -> memref<64x128xf32, #tpu.memory_space<hbm>>
        tpu.wait_dma2 semaphore(%arg16 : memref<!tpu.dma_semaphore, #tpu.memory_space<semaphore_mem>>) src(%arg8 : memref<64x128xf32, #tpu.memory_space<vmem>>) dst(%dma_wait3A_507 : memref<64x128xf32, #tpu.memory_space<hbm>>)
      } else {
      }
      %iota3A = tpu.iota {dimensions = array<i32: 0>} : vector<16xi32>
      %add3A_308 = arith.constant 0 : i32
      %add3A_309 = vector.broadcast %add3A_308 : i32 to vector<16xi32>
      %add3A_310 = arith.addi %iota3A, %add3A_309 : vector<16xi32>
      %get3A_311 = arith.constant 0 : index
      %get3A_312 = tpu.vector_load %arg12[%get3A_311] {strides = array<i32>} : memref<128xi32, #tpu.memory_space<vmem>>, vector<16xi32>,
      %parallel_loop3A = arith.constant 0 : i32
      %parallel_loop3A_313 = arith.constant 64 : i32
      %parallel_loop3A_314 = arith.constant 1 : i32
      scf.for %parallel_loop3A_499 = %parallel_loop3A to %parallel_loop3A_313 step %parallel_loop3A_314  : i32 {
        %parallel_loop3A_500 = tpu.iota {dimensions = array<i32: 0>} : vector<16xi32>
        %parallel_loop3A_501 = vector.broadcast %parallel_loop3A_499 : i32 to vector<16xi32>
        %parallel_loop3A_502 = arith.addi %parallel_loop3A_500, %parallel_loop3A_501 : vector<16xi32>
        %parallel_loop3A_503 = arith.constant 64 : i32
        %parallel_loop3A_504 = vector.broadcast %parallel_loop3A_503 : i32 to vector<16xi32>
        %parallel_loop3A_505 = arith.cmpi sge, %parallel_loop3A_502, %parallel_loop3A_504 : vector<16xi32>
        %parallel_loop3A_506 = arith.constant 64 : i32
        %parallel_loop3A_507 = arith.constant 0 : i32
        %parallel_loop3A_508 = vector.broadcast %parallel_loop3A_506 : i32 to vector<16xi32>
        %parallel_loop3A_509 = vector.broadcast %parallel_loop3A_507 : i32 to vector<16xi32>
        %parallel_loop3A_510 = arith.select %parallel_loop3A_505, %parallel_loop3A_508, %parallel_loop3A_509 : vector<16xi1>, vector<16xi32>
        %parallel_loop3A_511 = arith.subi %parallel_loop3A_502, %parallel_loop3A_510 : vector<16xi32>
        %parallel_loop3A_512 = arith.addi %get3A_312, %parallel_loop3A_511 : vector<16xi32>
        %parallel_loop3A_513 = tpu.vector_load_idx %arg6[%add3A_310, %parallel_loop3A_512] : memref<128x128xf32, #tpu.memory_space<vmem>>[vector<16xi32>, vector<16xi32>], vector<16xf32>,
        tpu.vector_store_idx %arg8[%parallel_loop3A_511, %add3A_310], %parallel_loop3A_513 : memref<64x128xf32, #tpu.memory_space<vmem>>[vector<16xi32>, vector<16xi32>], vector<16xf32>,
      } {sc.loop_unroll_factor = 8 : i64, sc.parallel_access}
      %iota3A_315 = tpu.iota {dimensions = array<i32: 0>} : vector<16xi32>
      %add3A_316 = arith.constant 16 : i32
      %add3A_317 = vector.broadcast %add3A_316 : i32 to vector<16xi32>
      %add3A_318 = arith.addi %iota3A_315, %add3A_317 : vector<16xi32>
      %get3A_319 = arith.constant 16 : index
      %get3A_320 = tpu.vector_load %arg12[%get3A_319] {strides = array<i32>} : memref<128xi32, #tpu.memory_space<vmem>>, vector<16xi32>,
      %parallel_loop3A_321 = arith.constant 0 : i32
      %parallel_loop3A_322 = arith.constant 64 : i32
      %parallel_loop3A_323 = arith.constant 1 : i32
      scf.for %parallel_loop3A_499 = %parallel_loop3A_321 to %parallel_loop3A_322 step %parallel_loop3A_323  : i32 {
        %parallel_loop3A_500 = tpu.iota {dimensions = array<i32: 0>} : vector<16xi32>
        %parallel_loop3A_501 = vector.broadcast %parallel_loop3A_499 : i32 to vector<16xi32>
        %parallel_loop3A_502 = arith.addi %parallel_loop3A_500, %parallel_loop3A_501 : vector<16xi32>
        %parallel_loop3A_503 = arith.constant 64 : i32
        %parallel_loop3A_504 = vector.broadcast %parallel_loop3A_503 : i32 to vector<16xi32>
        %parallel_loop3A_505 = arith.cmpi sge, %parallel_loop3A_502, %parallel_loop3A_504 : vector<16xi32>
        %parallel_loop3A_506 = arith.constant 64 : i32
        %parallel_loop3A_507 = arith.constant 0 : i32
        %parallel_loop3A_508 = vector.broadcast %parallel_loop3A_506 : i32 to vector<16xi32>
        %parallel_loop3A_509 = vector.broadcast %parallel_loop3A_507 : i32 to vector<16xi32>
        %parallel_loop3A_510 = arith.select %parallel_loop3A_505, %parallel_loop3A_508, %parallel_loop3A_509 : vector<16xi1>, vector<16xi32>
        %parallel_loop3A_511 = arith.subi %parallel_loop3A_502, %parallel_loop3A_510 : vector<16xi32>
        %parallel_loop3A_512 = arith.addi %get3A_320, %parallel_loop3A_511 : vector<16xi32>
        %parallel_loop3A_513 = tpu.vector_load_idx %arg6[%add3A_318, %parallel_loop3A_512] : memref<128x128xf32, #tpu.memory_space<vmem>>[vector<16xi32>, vector<16xi32>], vector<16xf32>,
        tpu.vector_store_idx %arg8[%parallel_loop3A_511, %add3A_318], %parallel_loop3A_513 : memref<64x128xf32, #tpu.memory_space<vmem>>[vector<16xi32>, vector<16xi32>], vector<16xf32>,
      } {sc.loop_unroll_factor = 8 : i64, sc.parallel_access}
      %iota3A_324 = tpu.iota {dimensions = array<i32: 0>} : vector<16xi32>
      %add3A_325 = arith.constant 32 : i32
      %add3A_326 = vector.broadcast %add3A_325 : i32 to vector<16xi32>
      %add3A_327 = arith.addi %iota3A_324, %add3A_326 : vector<16xi32>
      %get3A_328 = arith.constant 32 : index
      %get3A_329 = tpu.vector_load %arg12[%get3A_328] {strides = array<i32>} : memref<128xi32, #tpu.memory_space<vmem>>, vector<16xi32>,
      %parallel_loop3A_330 = arith.constant 0 : i32
      %parallel_loop3A_331 = arith.constant 64 : i32
      %parallel_loop3A_332 = arith.constant 1 : i32
      scf.for %parallel_loop3A_499 = %parallel_loop3A_330 to %parallel_loop3A_331 step %parallel_loop3A_332  : i32 {
        %parallel_loop3A_500 = tpu.iota {dimensions = array<i32: 0>} : vector<16xi32>
        %parallel_loop3A_501 = vector.broadcast %parallel_loop3A_499 : i32 to vector<16xi32>
        %parallel_loop3A_502 = arith.addi %parallel_loop3A_500, %parallel_loop3A_501 : vector<16xi32>
        %parallel_loop3A_503 = arith.constant 64 : i32
        %parallel_loop3A_504 = vector.broadcast %parallel_loop3A_503 : i32 to vector<16xi32>
        %parallel_loop3A_505 = arith.cmpi sge, %parallel_loop3A_502, %parallel_loop3A_504 : vector<16xi32>
        %parallel_loop3A_506 = arith.constant 64 : i32
        %parallel_loop3A_507 = arith.constant 0 : i32
        %parallel_loop3A_508 = vector.broadcast %parallel_loop3A_506 : i32 to vector<16xi32>
        %parallel_loop3A_509 = vector.broadcast %parallel_loop3A_507 : i32 to vector<16xi32>
        %parallel_loop3A_510 = arith.select %parallel_loop3A_505, %parallel_loop3A_508, %parallel_loop3A_509 : vector<16xi1>, vector<16xi32>
        %parallel_loop3A_511 = arith.subi %parallel_loop3A_502, %parallel_loop3A_510 : vector<16xi32>
        %parallel_loop3A_512 = arith.addi %get3A_329, %parallel_loop3A_511 : vector<16xi32>
        %parallel_loop3A_513 = tpu.vector_load_idx %arg6[%add3A_327, %parallel_loop3A_512] : memref<128x128xf32, #tpu.memory_space<vmem>>[vector<16xi32>, vector<16xi32>], vector<16xf32>,
        tpu.vector_store_idx %arg8[%parallel_loop3A_511, %add3A_327], %parallel_loop3A_513 : memref<64x128xf32, #tpu.memory_space<vmem>>[vector<16xi32>, vector<16xi32>], vector<16xf32>,
      } {sc.loop_unroll_factor = 8 : i64, sc.parallel_access}
      %iota3A_333 = tpu.iota {dimensions = array<i32: 0>} : vector<16xi32>
      %add3A_334 = arith.constant 48 : i32
      %add3A_335 = vector.broadcast %add3A_334 : i32 to vector<16xi32>
      %add3A_336 = arith.addi %iota3A_333, %add3A_335 : vector<16xi32>
      %get3A_337 = arith.constant 48 : index
      %get3A_338 = tpu.vector_load %arg12[%get3A_337] {strides = array<i32>} : memref<128xi32, #tpu.memory_space<vmem>>, vector<16xi32>,
      %parallel_loop3A_339 = arith.constant 0 : i32
      %parallel_loop3A_340 = arith.constant 64 : i32
      %parallel_loop3A_341 = arith.constant 1 : i32
      scf.for %parallel_loop3A_499 = %parallel_loop3A_339 to %parallel_loop3A_340 step %parallel_loop3A_341  : i32 {
        %parallel_loop3A_500 = tpu.iota {dimensions = array<i32: 0>} : vector<16xi32>
        %parallel_loop3A_501 = vector.broadcast %parallel_loop3A_499 : i32 to vector<16xi32>
        %parallel_loop3A_502 = arith.addi %parallel_loop3A_500, %parallel_loop3A_501 : vector<16xi32>
        %parallel_loop3A_503 = arith.constant 64 : i32
        %parallel_loop3A_504 = vector.broadcast %parallel_loop3A_503 : i32 to vector<16xi32>
        %parallel_loop3A_505 = arith.cmpi sge, %parallel_loop3A_502, %parallel_loop3A_504 : vector<16xi32>
        %parallel_loop3A_506 = arith.constant 64 : i32
        %parallel_loop3A_507 = arith.constant 0 : i32
        %parallel_loop3A_508 = vector.broadcast %parallel_loop3A_506 : i32 to vector<16xi32>
        %parallel_loop3A_509 = vector.broadcast %parallel_loop3A_507 : i32 to vector<16xi32>
        %parallel_loop3A_510 = arith.select %parallel_loop3A_505, %parallel_loop3A_508, %parallel_loop3A_509 : vector<16xi1>, vector<16xi32>
        %parallel_loop3A_511 = arith.subi %parallel_loop3A_502, %parallel_loop3A_510 : vector<16xi32>
        %parallel_loop3A_512 = arith.addi %get3A_338, %parallel_loop3A_511 : vector<16xi32>
        %parallel_loop3A_513 = tpu.vector_load_idx %arg6[%add3A_336, %parallel_loop3A_512] : memref<128x128xf32, #tpu.memory_space<vmem>>[vector<16xi32>, vector<16xi32>], vector<16xf32>,
        tpu.vector_store_idx %arg8[%parallel_loop3A_511, %add3A_336], %parallel_loop3A_513 : memref<64x128xf32, #tpu.memory_space<vmem>>[vector<16xi32>, vector<16xi32>], vector<16xf32>,
      } {sc.loop_unroll_factor = 8 : i64, sc.parallel_access}
      %iota3A_342 = tpu.iota {dimensions = array<i32: 0>} : vector<16xi32>
      %add3A_343 = arith.constant 64 : i32
      %add3A_344 = vector.broadcast %add3A_343 : i32 to vector<16xi32>
      %add3A_345 = arith.addi %iota3A_342, %add3A_344 : vector<16xi32>
      %get3A_346 = arith.constant 64 : index
      %get3A_347 = tpu.vector_load %arg12[%get3A_346] {strides = array<i32>} : memref<128xi32, #tpu.memory_space<vmem>>, vector<16xi32>,
      %parallel_loop3A_348 = arith.constant 0 : i32
      %parallel_loop3A_349 = arith.constant 64 : i32
      %parallel_loop3A_350 = arith.constant 1 : i32
      scf.for %parallel_loop3A_499 = %parallel_loop3A_348 to %parallel_loop3A_349 step %parallel_loop3A_350  : i32 {
        %parallel_loop3A_500 = tpu.iota {dimensions = array<i32: 0>} : vector<16xi32>
        %parallel_loop3A_501 = vector.broadcast %parallel_loop3A_499 : i32 to vector<16xi32>
        %parallel_loop3A_502 = arith.addi %parallel_loop3A_500, %parallel_loop3A_501 : vector<16xi32>
        %parallel_loop3A_503 = arith.constant 64 : i32
        %parallel_loop3A_504 = vector.broadcast %parallel_loop3A_503 : i32 to vector<16xi32>
        %parallel_loop3A_505 = arith.cmpi sge, %parallel_loop3A_502, %parallel_loop3A_504 : vector<16xi32>
        %parallel_loop3A_506 = arith.constant 64 : i32
        %parallel_loop3A_507 = arith.constant 0 : i32
        %parallel_loop3A_508 = vector.broadcast %parallel_loop3A_506 : i32 to vector<16xi32>
        %parallel_loop3A_509 = vector.broadcast %parallel_loop3A_507 : i32 to vector<16xi32>
        %parallel_loop3A_510 = arith.select %parallel_loop3A_505, %parallel_loop3A_508, %parallel_loop3A_509 : vector<16xi1>, vector<16xi32>
        %parallel_loop3A_511 = arith.subi %parallel_loop3A_502, %parallel_loop3A_510 : vector<16xi32>
        %parallel_loop3A_512 = arith.addi %get3A_347, %parallel_loop3A_511 : vector<16xi32>
        %parallel_loop3A_513 = tpu.vector_load_idx %arg6[%add3A_345, %parallel_loop3A_512] : memref<128x128xf32, #tpu.memory_space<vmem>>[vector<16xi32>, vector<16xi32>], vector<16xf32>,
        tpu.vector_store_idx %arg8[%parallel_loop3A_511, %add3A_345], %parallel_loop3A_513 : memref<64x128xf32, #tpu.memory_space<vmem>>[vector<16xi32>, vector<16xi32>], vector<16xf32>,
      } {sc.loop_unroll_factor = 8 : i64, sc.parallel_access}
      %iota3A_351 = tpu.iota {dimensions = array<i32: 0>} : vector<16xi32>
      %add3A_352 = arith.constant 80 : i32
      %add3A_353 = vector.broadcast %add3A_352 : i32 to vector<16xi32>
      %add3A_354 = arith.addi %iota3A_351, %add3A_353 : vector<16xi32>
      %get3A_355 = arith.constant 80 : index
      %get3A_356 = tpu.vector_load %arg12[%get3A_355] {strides = array<i32>} : memref<128xi32, #tpu.memory_space<vmem>>, vector<16xi32>,
      %parallel_loop3A_357 = arith.constant 0 : i32
      %parallel_loop3A_358 = arith.constant 64 : i32
      %parallel_loop3A_359 = arith.constant 1 : i32
      scf.for %parallel_loop3A_499 = %parallel_loop3A_357 to %parallel_loop3A_358 step %parallel_loop3A_359  : i32 {
        %parallel_loop3A_500 = tpu.iota {dimensions = array<i32: 0>} : vector<16xi32>
        %parallel_loop3A_501 = vector.broadcast %parallel_loop3A_499 : i32 to vector<16xi32>
        %parallel_loop3A_502 = arith.addi %parallel_loop3A_500, %parallel_loop3A_501 : vector<16xi32>
        %parallel_loop3A_503 = arith.constant 64 : i32
        %parallel_loop3A_504 = vector.broadcast %parallel_loop3A_503 : i32 to vector<16xi32>
        %parallel_loop3A_505 = arith.cmpi sge, %parallel_loop3A_502, %parallel_loop3A_504 : vector<16xi32>
        %parallel_loop3A_506 = arith.constant 64 : i32
        %parallel_loop3A_507 = arith.constant 0 : i32
        %parallel_loop3A_508 = vector.broadcast %parallel_loop3A_506 : i32 to vector<16xi32>
        %parallel_loop3A_509 = vector.broadcast %parallel_loop3A_507 : i32 to vector<16xi32>
        %parallel_loop3A_510 = arith.select %parallel_loop3A_505, %parallel_loop3A_508, %parallel_loop3A_509 : vector<16xi1>, vector<16xi32>
        %parallel_loop3A_511 = arith.subi %parallel_loop3A_502, %parallel_loop3A_510 : vector<16xi32>
        %parallel_loop3A_512 = arith.addi %get3A_356, %parallel_loop3A_511 : vector<16xi32>
        %parallel_loop3A_513 = tpu.vector_load_idx %arg6[%add3A_354, %parallel_loop3A_512] : memref<128x128xf32, #tpu.memory_space<vmem>>[vector<16xi32>, vector<16xi32>], vector<16xf32>,
        tpu.vector_store_idx %arg8[%parallel_loop3A_511, %add3A_354], %parallel_loop3A_513 : memref<64x128xf32, #tpu.memory_space<vmem>>[vector<16xi32>, vector<16xi32>], vector<16xf32>,
      } {sc.loop_unroll_factor = 8 : i64, sc.parallel_access}
      %iota3A_360 = tpu.iota {dimensions = array<i32: 0>} : vector<16xi32>
      %add3A_361 = arith.constant 96 : i32
      %add3A_362 = vector.broadcast %add3A_361 : i32 to vector<16xi32>
      %add3A_363 = arith.addi %iota3A_360, %add3A_362 : vector<16xi32>
      %get3A_364 = arith.constant 96 : index
      %get3A_365 = tpu.vector_load %arg12[%get3A_364] {strides = array<i32>} : memref<128xi32, #tpu.memory_space<vmem>>, vector<16xi32>,
      %parallel_loop3A_366 = arith.constant 0 : i32
      %parallel_loop3A_367 = arith.constant 64 : i32
      %parallel_loop3A_368 = arith.constant 1 : i32
      scf.for %parallel_loop3A_499 = %parallel_loop3A_366 to %parallel_loop3A_367 step %parallel_loop3A_368  : i32 {
        %parallel_loop3A_500 = tpu.iota {dimensions = array<i32: 0>} : vector<16xi32>
        %parallel_loop3A_501 = vector.broadcast %parallel_loop3A_499 : i32 to vector<16xi32>
        %parallel_loop3A_502 = arith.addi %parallel_loop3A_500, %parallel_loop3A_501 : vector<16xi32>
        %parallel_loop3A_503 = arith.constant 64 : i32
        %parallel_loop3A_504 = vector.broadcast %parallel_loop3A_503 : i32 to vector<16xi32>
        %parallel_loop3A_505 = arith.cmpi sge, %parallel_loop3A_502, %parallel_loop3A_504 : vector<16xi32>
        %parallel_loop3A_506 = arith.constant 64 : i32
        %parallel_loop3A_507 = arith.constant 0 : i32
        %parallel_loop3A_508 = vector.broadcast %parallel_loop3A_506 : i32 to vector<16xi32>
        %parallel_loop3A_509 = vector.broadcast %parallel_loop3A_507 : i32 to vector<16xi32>
        %parallel_loop3A_510 = arith.select %parallel_loop3A_505, %parallel_loop3A_508, %parallel_loop3A_509 : vector<16xi1>, vector<16xi32>
        %parallel_loop3A_511 = arith.subi %parallel_loop3A_502, %parallel_loop3A_510 : vector<16xi32>
        %parallel_loop3A_512 = arith.addi %get3A_365, %parallel_loop3A_511 : vector<16xi32>
        %parallel_loop3A_513 = tpu.vector_load_idx %arg6[%add3A_363, %parallel_loop3A_512] : memref<128x128xf32, #tpu.memory_space<vmem>>[vector<16xi32>, vector<16xi32>], vector<16xf32>,
        tpu.vector_store_idx %arg8[%parallel_loop3A_511, %add3A_363], %parallel_loop3A_513 : memref<64x128xf32, #tpu.memory_space<vmem>>[vector<16xi32>, vector<16xi32>], vector<16xf32>,
      } {sc.loop_unroll_factor = 8 : i64, sc.parallel_access}
      %iota3A_369 = tpu.iota {dimensions = array<i32: 0>} : vector<16xi32>
      %add3A_370 = arith.constant 112 : i32
      %add3A_371 = vector.broadcast %add3A_370 : i32 to vector<16xi32>
      %add3A_372 = arith.addi %iota3A_369, %add3A_371 : vector<16xi32>
      %get3A_373 = arith.constant 112 : index
      %get3A_374 = tpu.vector_load %arg12[%get3A_373] {strides = array<i32>} : memref<128xi32, #tpu.memory_space<vmem>>, vector<16xi32>,
      %parallel_loop3A_375 = arith.constant 0 : i32
      %parallel_loop3A_376 = arith.constant 64 : i32
      %parallel_loop3A_377 = arith.constant 1 : i32
      scf.for %parallel_loop3A_499 = %parallel_loop3A_375 to %parallel_loop3A_376 step %parallel_loop3A_377  : i32 {
        %parallel_loop3A_500 = tpu.iota {dimensions = array<i32: 0>} : vector<16xi32>
        %parallel_loop3A_501 = vector.broadcast %parallel_loop3A_499 : i32 to vector<16xi32>
        %parallel_loop3A_502 = arith.addi %parallel_loop3A_500, %parallel_loop3A_501 : vector<16xi32>
        %parallel_loop3A_503 = arith.constant 64 : i32
        %parallel_loop3A_504 = vector.broadcast %parallel_loop3A_503 : i32 to vector<16xi32>
        %parallel_loop3A_505 = arith.cmpi sge, %parallel_loop3A_502, %parallel_loop3A_504 : vector<16xi32>
        %parallel_loop3A_506 = arith.constant 64 : i32
        %parallel_loop3A_507 = arith.constant 0 : i32
        %parallel_loop3A_508 = vector.broadcast %parallel_loop3A_506 : i32 to vector<16xi32>
        %parallel_loop3A_509 = vector.broadcast %parallel_loop3A_507 : i32 to vector<16xi32>
        %parallel_loop3A_510 = arith.select %parallel_loop3A_505, %parallel_loop3A_508, %parallel_loop3A_509 : vector<16xi1>, vector<16xi32>
        %parallel_loop3A_511 = arith.subi %parallel_loop3A_502, %parallel_loop3A_510 : vector<16xi32>
        %parallel_loop3A_512 = arith.addi %get3A_374, %parallel_loop3A_511 : vector<16xi32>
        %parallel_loop3A_513 = tpu.vector_load_idx %arg6[%add3A_372, %parallel_loop3A_512] : memref<128x128xf32, #tpu.memory_space<vmem>>[vector<16xi32>, vector<16xi32>], vector<16xf32>,
        tpu.vector_store_idx %arg8[%parallel_loop3A_511, %add3A_372], %parallel_loop3A_513 : memref<64x128xf32, #tpu.memory_space<vmem>>[vector<16xi32>, vector<16xi32>], vector<16xf32>,
      } {sc.loop_unroll_factor = 8 : i64, sc.parallel_access}
      %shift_right_arithmetic3A_378 = arith.constant 2 : i32
      %shift_right_arithmetic3A_379 = arith.shrsi %add3A_302, %shift_right_arithmetic3A_378 : i32
      %and3A_380 = arith.constant 3 : i32
      %and3A_381 = arith.andi %add3A_302, %and3A_380 : i32
      %mul3A_382 = arith.constant 128 : i32
      %mul3A_383 = arith.muli %and3A_381, %mul3A_382 : i32
      %add3A_384 = arith.addi %mul3A_2, %mul3A_383 : i32
      %multiple_of3A_385 = tpu.assume_multiple %add3A_384, 128 : i32
      %dma_start3A_386 = arith.constant 0 : i32
      %dma_start3A_387 = tpu.memref_slice %arg4[%shift_right_arithmetic3A_379, %dma_start3A_386, %multiple_of3A_385] : memref<50x64x16384xf32, #tpu.memory_space<hbm>> -> memref<1x64x128xf32, #tpu.memory_space<hbm>>
      %dma_start3A_388 = tpu.memref_squeeze %dma_start3A_387 : memref<1x64x128xf32, #tpu.memory_space<hbm>> -> memref<64x128xf32, #tpu.memory_space<hbm>>
      %dma_start3A_389 = arith.constant 0 : i32
      %dma_start3A_390 = tpu.memref_slice %arg4[%shift_right_arithmetic3A_379, %dma_start3A_389, %multiple_of3A_385] : memref<50x64x16384xf32, #tpu.memory_space<hbm>> -> memref<1x64x128xf32, #tpu.memory_space<hbm>>
      %dma_start3A_391 = tpu.memref_squeeze %dma_start3A_390 : memref<1x64x128xf32, #tpu.memory_space<hbm>> -> memref<64x128xf32, #tpu.memory_space<hbm>>
      tpu.enqueue_dma source(%arg8 : memref<64x128xf32, #tpu.memory_space<vmem>>) target(%dma_start3A_391 : memref<64x128xf32, #tpu.memory_space<hbm>>) target_semaphore(%arg16 : memref<!tpu.dma_semaphore, #tpu.memory_space<semaphore_mem>>)
      %lt3A = arith.constant 99 : i32
      %lt3A_392 = arith.cmpi slt, %scan3A_298, %lt3A : i32
      %convert_element_type3A_393 = arith.extui %lt3A_392 : i1 to i32
      %cond3A_394 = arith.constant 0 : i32
      %cond3A_395 = arith.cmpi ne, %convert_element_type3A_393, %cond3A_394 : i32
      scf.if %cond3A_395 {
        %add3A_499 = arith.constant 2 : i32
        %add3A_500 = arith.addi %add3A_302, %add3A_499 : i32
        %shift_right_arithmetic3A_501 = arith.constant 2 : i32
        %shift_right_arithmetic3A_502 = arith.shrsi %add3A_500, %shift_right_arithmetic3A_501 : i32
        %and3A_503 = arith.constant 3 : i32
        %and3A_504 = arith.andi %add3A_500, %and3A_503 : i32
        %mul3A_505 = arith.constant 128 : i32
        %mul3A_506 = arith.muli %and3A_504, %mul3A_505 : i32
        %add3A_507 = arith.constant 0 : i32
        %add3A_508 = arith.addi %mul3A_506, %add3A_507 : i32
        %get3A_509 = arith.index_cast %shift_right_arithmetic3A_502 : i32 to index
        %get3A_510 = arith.index_cast %add3A_508 : i32 to index
        %get3A_511 = tpu.vector_load %arg5[%get3A_509, %get3A_510] {strides = array<i32>} : memref<50x512xi32, #tpu.memory_space<vmem>>, vector<16xi32>,
        %shift_right_arithmetic3A_512 = arith.constant 1 : i32
        %shift_right_arithmetic3A_513 = vector.broadcast %shift_right_arithmetic3A_512 : i32 to vector<16xi32>
        %shift_right_arithmetic3A_514 = arith.shrsi %get3A_511, %shift_right_arithmetic3A_513 : vector<16xi32>
        %swap3A_515 = arith.constant 0 : index
        %swap3A_516 = tpu.vector_load %arg10[%swap3A_515] {strides = array<i32>} : memref<128xi32, #tpu.memory_space<vmem>>, vector<16xi32>,
        tpu.vector_store %arg10[%swap3A_515], %shift_right_arithmetic3A_514 {strides = array<i32>} : memref<128xi32, #tpu.memory_space<vmem>>, vector<16xi32>,
        %and3A_517 = arith.constant 1 : i32
        %and3A_518 = vector.broadcast %and3A_517 : i32 to vector<16xi32>
        %and3A_519 = arith.andi %get3A_511, %and3A_518 : vector<16xi32>
        %mul3A_520 = arith.constant 64 : i32
        %mul3A_521 = vector.broadcast %mul3A_520 : i32 to vector<16xi32>
        %mul3A_522 = arith.muli %and3A_519, %mul3A_521 : vector<16xi32>
        %swap3A_523 = arith.constant 0 : index
        %swap3A_524 = tpu.vector_load %arg12[%swap3A_523] {strides = array<i32>} : memref<128xi32, #tpu.memory_space<vmem>>, vector<16xi32>,
        tpu.vector_store %arg12[%swap3A_523], %mul3A_522 {strides = array<i32>} : memref<128xi32, #tpu.memory_space<vmem>>, vector<16xi32>,
        %mul3A_525 = arith.constant 128 : i32
        %mul3A_526 = arith.muli %and3A_504, %mul3A_525 : i32
        %add3A_527 = arith.constant 16 : i32
        %add3A_528 = arith.addi %mul3A_526, %add3A_527 : i32
        %get3A_529 = arith.index_cast %shift_right_arithmetic3A_502 : i32 to index
        %get3A_530 = arith.index_cast %add3A_528 : i32 to index
        %get3A_531 = tpu.vector_load %arg5[%get3A_529, %get3A_530] {strides = array<i32>} : memref<50x512xi32, #tpu.memory_space<vmem>>, vector<16xi32>,
        %shift_right_arithmetic3A_532 = arith.constant 1 : i32
        %shift_right_arithmetic3A_533 = vector.broadcast %shift_right_arithmetic3A_532 : i32 to vector<16xi32>
        %shift_right_arithmetic3A_534 = arith.shrsi %get3A_531, %shift_right_arithmetic3A_533 : vector<16xi32>
        %swap3A_535 = arith.constant 16 : index
        %swap3A_536 = tpu.vector_load %arg10[%swap3A_535] {strides = array<i32>} : memref<128xi32, #tpu.memory_space<vmem>>, vector<16xi32>,
        tpu.vector_store %arg10[%swap3A_535], %shift_right_arithmetic3A_534 {strides = array<i32>} : memref<128xi32, #tpu.memory_space<vmem>>, vector<16xi32>,
        %and3A_537 = arith.constant 1 : i32
        %and3A_538 = vector.broadcast %and3A_537 : i32 to vector<16xi32>
        %and3A_539 = arith.andi %get3A_531, %and3A_538 : vector<16xi32>
        %mul3A_540 = arith.constant 64 : i32
        %mul3A_541 = vector.broadcast %mul3A_540 : i32 to vector<16xi32>
        %mul3A_542 = arith.muli %and3A_539, %mul3A_541 : vector<16xi32>
        %swap3A_543 = arith.constant 16 : index
        %swap3A_544 = tpu.vector_load %arg12[%swap3A_543] {strides = array<i32>} : memref<128xi32, #tpu.memory_space<vmem>>, vector<16xi32>,
        tpu.vector_store %arg12[%swap3A_543], %mul3A_542 {strides = array<i32>} : memref<128xi32, #tpu.memory_space<vmem>>, vector<16xi32>,
        %mul3A_545 = arith.constant 128 : i32
        %mul3A_546 = arith.muli %and3A_504, %mul3A_545 : i32
        %add3A_547 = arith.constant 32 : i32
        %add3A_548 = arith.addi %mul3A_546, %add3A_547 : i32
        %get3A_549 = arith.index_cast %shift_right_arithmetic3A_502 : i32 to index
        %get3A_550 = arith.index_cast %add3A_548 : i32 to index
        %get3A_551 = tpu.vector_load %arg5[%get3A_549, %get3A_550] {strides = array<i32>} : memref<50x512xi32, #tpu.memory_space<vmem>>, vector<16xi32>,
        %shift_right_arithmetic3A_552 = arith.constant 1 : i32
        %shift_right_arithmetic3A_553 = vector.broadcast %shift_right_arithmetic3A_552 : i32 to vector<16xi32>
        %shift_right_arithmetic3A_554 = arith.shrsi %get3A_551, %shift_right_arithmetic3A_553 : vector<16xi32>
        %swap3A_555 = arith.constant 32 : index
        %swap3A_556 = tpu.vector_load %arg10[%swap3A_555] {strides = array<i32>} : memref<128xi32, #tpu.memory_space<vmem>>, vector<16xi32>,
        tpu.vector_store %arg10[%swap3A_555], %shift_right_arithmetic3A_554 {strides = array<i32>} : memref<128xi32, #tpu.memory_space<vmem>>, vector<16xi32>,
        %and3A_557 = arith.constant 1 : i32
        %and3A_558 = vector.broadcast %and3A_557 : i32 to vector<16xi32>
        %and3A_559 = arith.andi %get3A_551, %and3A_558 : vector<16xi32>
        %mul3A_560 = arith.constant 64 : i32
        %mul3A_561 = vector.broadcast %mul3A_560 : i32 to vector<16xi32>
        %mul3A_562 = arith.muli %and3A_559, %mul3A_561 : vector<16xi32>
        %swap3A_563 = arith.constant 32 : index
        %swap3A_564 = tpu.vector_load %arg12[%swap3A_563] {strides = array<i32>} : memref<128xi32, #tpu.memory_space<vmem>>, vector<16xi32>,
        tpu.vector_store %arg12[%swap3A_563], %mul3A_562 {strides = array<i32>} : memref<128xi32, #tpu.memory_space<vmem>>, vector<16xi32>,
        %mul3A_565 = arith.constant 128 : i32
        %mul3A_566 = arith.muli %and3A_504, %mul3A_565 : i32
        %add3A_567 = arith.constant 48 : i32
        %add3A_568 = arith.addi %mul3A_566, %add3A_567 : i32
        %get3A_569 = arith.index_cast %shift_right_arithmetic3A_502 : i32 to index
        %get3A_570 = arith.index_cast %add3A_568 : i32 to index
        %get3A_571 = tpu.vector_load %arg5[%get3A_569, %get3A_570] {strides = array<i32>} : memref<50x512xi32, #tpu.memory_space<vmem>>, vector<16xi32>,
        %shift_right_arithmetic3A_572 = arith.constant 1 : i32
        %shift_right_arithmetic3A_573 = vector.broadcast %shift_right_arithmetic3A_572 : i32 to vector<16xi32>
        %shift_right_arithmetic3A_574 = arith.shrsi %get3A_571, %shift_right_arithmetic3A_573 : vector<16xi32>
        %swap3A_575 = arith.constant 48 : index
        %swap3A_576 = tpu.vector_load %arg10[%swap3A_575] {strides = array<i32>} : memref<128xi32, #tpu.memory_space<vmem>>, vector<16xi32>,
        tpu.vector_store %arg10[%swap3A_575], %shift_right_arithmetic3A_574 {strides = array<i32>} : memref<128xi32, #tpu.memory_space<vmem>>, vector<16xi32>,
        %and3A_577 = arith.constant 1 : i32
        %and3A_578 = vector.broadcast %and3A_577 : i32 to vector<16xi32>
        %and3A_579 = arith.andi %get3A_571, %and3A_578 : vector<16xi32>
        %mul3A_580 = arith.constant 64 : i32
        %mul3A_581 = vector.broadcast %mul3A_580 : i32 to vector<16xi32>
        %mul3A_582 = arith.muli %and3A_579, %mul3A_581 : vector<16xi32>
        %swap3A_583 = arith.constant 48 : index
        %swap3A_584 = tpu.vector_load %arg12[%swap3A_583] {strides = array<i32>} : memref<128xi32, #tpu.memory_space<vmem>>, vector<16xi32>,
        tpu.vector_store %arg12[%swap3A_583], %mul3A_582 {strides = array<i32>} : memref<128xi32, #tpu.memory_space<vmem>>, vector<16xi32>,
        %mul3A_585 = arith.constant 128 : i32
        %mul3A_586 = arith.muli %and3A_504, %mul3A_585 : i32
        %add3A_587 = arith.constant 64 : i32
        %add3A_588 = arith.addi %mul3A_586, %add3A_587 : i32
        %get3A_589 = arith.index_cast %shift_right_arithmetic3A_502 : i32 to index
        %get3A_590 = arith.index_cast %add3A_588 : i32 to index
        %get3A_591 = tpu.vector_load %arg5[%get3A_589, %get3A_590] {strides = array<i32>} : memref<50x512xi32, #tpu.memory_space<vmem>>, vector<16xi32>,
        %shift_right_arithmetic3A_592 = arith.constant 1 : i32
        %shift_right_arithmetic3A_593 = vector.broadcast %shift_right_arithmetic3A_592 : i32 to vector<16xi32>
        %shift_right_arithmetic3A_594 = arith.shrsi %get3A_591, %shift_right_arithmetic3A_593 : vector<16xi32>
        %swap3A_595 = arith.constant 64 : index
        %swap3A_596 = tpu.vector_load %arg10[%swap3A_595] {strides = array<i32>} : memref<128xi32, #tpu.memory_space<vmem>>, vector<16xi32>,
        tpu.vector_store %arg10[%swap3A_595], %shift_right_arithmetic3A_594 {strides = array<i32>} : memref<128xi32, #tpu.memory_space<vmem>>, vector<16xi32>,
        %and3A_597 = arith.constant 1 : i32
        %and3A_598 = vector.broadcast %and3A_597 : i32 to vector<16xi32>
        %and3A_599 = arith.andi %get3A_591, %and3A_598 : vector<16xi32>
        %mul3A_600 = arith.constant 64 : i32
        %mul3A_601 = vector.broadcast %mul3A_600 : i32 to vector<16xi32>
        %mul3A_602 = arith.muli %and3A_599, %mul3A_601 : vector<16xi32>
        %swap3A_603 = arith.constant 64 : index
        %swap3A_604 = tpu.vector_load %arg12[%swap3A_603] {strides = array<i32>} : memref<128xi32, #tpu.memory_space<vmem>>, vector<16xi32>,
        tpu.vector_store %arg12[%swap3A_603], %mul3A_602 {strides = array<i32>} : memref<128xi32, #tpu.memory_space<vmem>>, vector<16xi32>,
        %mul3A_605 = arith.constant 128 : i32
        %mul3A_606 = arith.muli %and3A_504, %mul3A_605 : i32
        %add3A_607 = arith.constant 80 : i32
        %add3A_608 = arith.addi %mul3A_606, %add3A_607 : i32
        %get3A_609 = arith.index_cast %shift_right_arithmetic3A_502 : i32 to index
        %get3A_610 = arith.index_cast %add3A_608 : i32 to index
        %get3A_611 = tpu.vector_load %arg5[%get3A_609, %get3A_610] {strides = array<i32>} : memref<50x512xi32, #tpu.memory_space<vmem>>, vector<16xi32>,
        %shift_right_arithmetic3A_612 = arith.constant 1 : i32
        %shift_right_arithmetic3A_613 = vector.broadcast %shift_right_arithmetic3A_612 : i32 to vector<16xi32>
        %shift_right_arithmetic3A_614 = arith.shrsi %get3A_611, %shift_right_arithmetic3A_613 : vector<16xi32>
        %swap3A_615 = arith.constant 80 : index
        %swap3A_616 = tpu.vector_load %arg10[%swap3A_615] {strides = array<i32>} : memref<128xi32, #tpu.memory_space<vmem>>, vector<16xi32>,
        tpu.vector_store %arg10[%swap3A_615], %shift_right_arithmetic3A_614 {strides = array<i32>} : memref<128xi32, #tpu.memory_space<vmem>>, vector<16xi32>,
        %and3A_617 = arith.constant 1 : i32
        %and3A_618 = vector.broadcast %and3A_617 : i32 to vector<16xi32>
        %and3A_619 = arith.andi %get3A_611, %and3A_618 : vector<16xi32>
        %mul3A_620 = arith.constant 64 : i32
        %mul3A_621 = vector.broadcast %mul3A_620 : i32 to vector<16xi32>
        %mul3A_622 = arith.muli %and3A_619, %mul3A_621 : vector<16xi32>
        %swap3A_623 = arith.constant 80 : index
        %swap3A_624 = tpu.vector_load %arg12[%swap3A_623] {strides = array<i32>} : memref<128xi32, #tpu.memory_space<vmem>>, vector<16xi32>,
        tpu.vector_store %arg12[%swap3A_623], %mul3A_622 {strides = array<i32>} : memref<128xi32, #tpu.memory_space<vmem>>, vector<16xi32>,
        %mul3A_625 = arith.constant 128 : i32
        %mul3A_626 = arith.muli %and3A_504, %mul3A_625 : i32
        %add3A_627 = arith.constant 96 : i32
        %add3A_628 = arith.addi %mul3A_626, %add3A_627 : i32
        %get3A_629 = arith.index_cast %shift_right_arithmetic3A_502 : i32 to index
        %get3A_630 = arith.index_cast %add3A_628 : i32 to index
        %get3A_631 = tpu.vector_load %arg5[%get3A_629, %get3A_630] {strides = array<i32>} : memref<50x512xi32, #tpu.memory_space<vmem>>, vector<16xi32>,
        %shift_right_arithmetic3A_632 = arith.constant 1 : i32
        %shift_right_arithmetic3A_633 = vector.broadcast %shift_right_arithmetic3A_632 : i32 to vector<16xi32>
        %shift_right_arithmetic3A_634 = arith.shrsi %get3A_631, %shift_right_arithmetic3A_633 : vector<16xi32>
        %swap3A_635 = arith.constant 96 : index
        %swap3A_636 = tpu.vector_load %arg10[%swap3A_635] {strides = array<i32>} : memref<128xi32, #tpu.memory_space<vmem>>, vector<16xi32>,
        tpu.vector_store %arg10[%swap3A_635], %shift_right_arithmetic3A_634 {strides = array<i32>} : memref<128xi32, #tpu.memory_space<vmem>>, vector<16xi32>,
        %and3A_637 = arith.constant 1 : i32
        %and3A_638 = vector.broadcast %and3A_637 : i32 to vector<16xi32>
        %and3A_639 = arith.andi %get3A_631, %and3A_638 : vector<16xi32>
        %mul3A_640 = arith.constant 64 : i32
        %mul3A_641 = vector.broadcast %mul3A_640 : i32 to vector<16xi32>
        %mul3A_642 = arith.muli %and3A_639, %mul3A_641 : vector<16xi32>
        %swap3A_643 = arith.constant 96 : index
        %swap3A_644 = tpu.vector_load %arg12[%swap3A_643] {strides = array<i32>} : memref<128xi32, #tpu.memory_space<vmem>>, vector<16xi32>,
        tpu.vector_store %arg12[%swap3A_643], %mul3A_642 {strides = array<i32>} : memref<128xi32, #tpu.memory_space<vmem>>, vector<16xi32>,
        %mul3A_645 = arith.constant 128 : i32
        %mul3A_646 = arith.muli %and3A_504, %mul3A_645 : i32
        %add3A_647 = arith.constant 112 : i32
        %add3A_648 = arith.addi %mul3A_646, %add3A_647 : i32
        %get3A_649 = arith.index_cast %shift_right_arithmetic3A_502 : i32 to index
        %get3A_650 = arith.index_cast %add3A_648 : i32 to index
        %get3A_651 = tpu.vector_load %arg5[%get3A_649, %get3A_650] {strides = array<i32>} : memref<50x512xi32, #tpu.memory_space<vmem>>, vector<16xi32>,
        %shift_right_arithmetic3A_652 = arith.constant 1 : i32
        %shift_right_arithmetic3A_653 = vector.broadcast %shift_right_arithmetic3A_652 : i32 to vector<16xi32>
        %shift_right_arithmetic3A_654 = arith.shrsi %get3A_651, %shift_right_arithmetic3A_653 : vector<16xi32>
        %swap3A_655 = arith.constant 112 : index
        %swap3A_656 = tpu.vector_load %arg10[%swap3A_655] {strides = array<i32>} : memref<128xi32, #tpu.memory_space<vmem>>, vector<16xi32>,
        tpu.vector_store %arg10[%swap3A_655], %shift_right_arithmetic3A_654 {strides = array<i32>} : memref<128xi32, #tpu.memory_space<vmem>>, vector<16xi32>,
        %and3A_657 = arith.constant 1 : i32
        %and3A_658 = vector.broadcast %and3A_657 : i32 to vector<16xi32>
        %and3A_659 = arith.andi %get3A_651, %and3A_658 : vector<16xi32>
        %mul3A_660 = arith.constant 64 : i32
        %mul3A_661 = vector.broadcast %mul3A_660 : i32 to vector<16xi32>
        %mul3A_662 = arith.muli %and3A_659, %mul3A_661 : vector<16xi32>
        %swap3A_663 = arith.constant 112 : index
        %swap3A_664 = tpu.vector_load %arg12[%swap3A_663] {strides = array<i32>} : memref<128xi32, #tpu.memory_space<vmem>>, vector<16xi32>,
        tpu.vector_store %arg12[%swap3A_663], %mul3A_662 {strides = array<i32>} : memref<128xi32, #tpu.memory_space<vmem>>, vector<16xi32>,
        %dma_start3A_665 = arith.constant 0 : i32
        %dma_start3A_666 = arith.constant 0 : i32
        %dma_start3A_667 = tpu.memref_slice %arg3[%dma_start3A_665, %dma_start3A_666] : memref<500000x128xf32, #tpu.memory_space<hbm>> -> memref<500000x128xf32, #tpu.memory_space<hbm>>
        tpu.enqueue_indirect_dma source(%dma_start3A_667 : memref<500000x128xf32, #tpu.memory_space<hbm>>) target(%arg6 : memref<128x128xf32, #tpu.memory_space<vmem>>) offsets(%arg10 : memref<128xi32, #tpu.memory_space<vmem>>) semaphore(%arg14 : memref<!tpu.dma_semaphore, #tpu.memory_space<semaphore_mem>>)
      } else {
      }
      %mul3A_396 = arith.constant 2 : i32
      %mul3A_397 = arith.muli %mul3A_396, %scan3A_298 : i32
      %add3A_398 = arith.constant 1 : i32
      %add3A_399 = arith.addi %mul3A_397, %add3A_398 : i32
      %dma_wait3A_400 = arith.constant 0 : i32
      %dma_wait3A_401 = arith.constant 0 : i32
      %dma_wait3A_402 = tpu.memref_slice %arg3[%dma_wait3A_400, %dma_wait3A_401] : memref<500000x128xf32, #tpu.memory_space<hbm>> -> memref<500000x128xf32, #tpu.memory_space<hbm>>
      tpu.wait_indirect_dma semaphore(%arg15 : memref<!tpu.dma_semaphore, #tpu.memory_space<semaphore_mem>>) src(%dma_wait3A_402 : memref<500000x128xf32, #tpu.memory_space<hbm>>) dst(%arg7 : memref<128x128xf32, #tpu.memory_space<vmem>>)
      %ge3A_403 = arith.constant 1 : i32
      %ge3A_404 = arith.cmpi sge, %scan3A_298, %ge3A_403 : i32
      %convert_element_type3A_405 = arith.extui %ge3A_404 : i1 to i32
      %cond3A_406 = arith.constant 0 : i32
      %cond3A_407 = arith.cmpi ne, %convert_element_type3A_405, %cond3A_406 : i32
      scf.if %cond3A_407 {
        %dma_wait3A_499 = arith.constant 0 : i32
        %dma_wait3A_500 = arith.constant 0 : i32
        %dma_wait3A_501 = arith.constant 0 : i32
        %dma_wait3A_502 = tpu.memref_slice %arg4[%dma_wait3A_499, %dma_wait3A_500, %dma_wait3A_501] : memref<50x64x16384xf32, #tpu.memory_space<hbm>> -> memref<1x64x128xf32, #tpu.memory_space<hbm>>
        %dma_wait3A_503 = tpu.memref_squeeze %dma_wait3A_502 : memref<1x64x128xf32, #tpu.memory_space<hbm>> -> memref<64x128xf32, #tpu.memory_space<hbm>>
        %dma_wait3A_504 = arith.constant 0 : i32
        %dma_wait3A_505 = arith.constant 0 : i32
        %dma_wait3A_506 = tpu.memref_slice %arg4[%dma_wait3A_499, %dma_wait3A_504, %dma_wait3A_505] : memref<50x64x16384xf32, #tpu.memory_space<hbm>> -> memref<1x64x128xf32, #tpu.memory_space<hbm>>
        %dma_wait3A_507 = tpu.memref_squeeze %dma_wait3A_506 : memref<1x64x128xf32, #tpu.memory_space<hbm>> -> memref<64x128xf32, #tpu.memory_space<hbm>>
        tpu.wait_dma2 semaphore(%arg17 : memref<!tpu.dma_semaphore, #tpu.memory_space<semaphore_mem>>) src(%arg9 : memref<64x128xf32, #tpu.memory_space<vmem>>) dst(%dma_wait3A_507 : memref<64x128xf32, #tpu.memory_space<hbm>>)
      } else {
      }
      %iota3A_408 = tpu.iota {dimensions = array<i32: 0>} : vector<16xi32>
      %add3A_409 = arith.constant 0 : i32
      %add3A_410 = vector.broadcast %add3A_409 : i32 to vector<16xi32>
      %add3A_411 = arith.addi %iota3A_408, %add3A_410 : vector<16xi32>
      %get3A_412 = arith.constant 0 : index
      %get3A_413 = tpu.vector_load %arg13[%get3A_412] {strides = array<i32>} : memref<128xi32, #tpu.memory_space<vmem>>, vector<16xi32>,
      %parallel_loop3A_414 = arith.constant 0 : i32
      %parallel_loop3A_415 = arith.constant 64 : i32
      %parallel_loop3A_416 = arith.constant 1 : i32
      scf.for %parallel_loop3A_499 = %parallel_loop3A_414 to %parallel_loop3A_415 step %parallel_loop3A_416  : i32 {
        %parallel_loop3A_500 = tpu.iota {dimensions = array<i32: 0>} : vector<16xi32>
        %parallel_loop3A_501 = vector.broadcast %parallel_loop3A_499 : i32 to vector<16xi32>
        %parallel_loop3A_502 = arith.addi %parallel_loop3A_500, %parallel_loop3A_501 : vector<16xi32>
        %parallel_loop3A_503 = arith.constant 64 : i32
        %parallel_loop3A_504 = vector.broadcast %parallel_loop3A_503 : i32 to vector<16xi32>
        %parallel_loop3A_505 = arith.cmpi sge, %parallel_loop3A_502, %parallel_loop3A_504 : vector<16xi32>
        %parallel_loop3A_506 = arith.constant 64 : i32
        %parallel_loop3A_507 = arith.constant 0 : i32
        %parallel_loop3A_508 = vector.broadcast %parallel_loop3A_506 : i32 to vector<16xi32>
        %parallel_loop3A_509 = vector.broadcast %parallel_loop3A_507 : i32 to vector<16xi32>
        %parallel_loop3A_510 = arith.select %parallel_loop3A_505, %parallel_loop3A_508, %parallel_loop3A_509 : vector<16xi1>, vector<16xi32>
        %parallel_loop3A_511 = arith.subi %parallel_loop3A_502, %parallel_loop3A_510 : vector<16xi32>
        %parallel_loop3A_512 = arith.addi %get3A_413, %parallel_loop3A_511 : vector<16xi32>
        %parallel_loop3A_513 = tpu.vector_load_idx %arg7[%add3A_411, %parallel_loop3A_512] : memref<128x128xf32, #tpu.memory_space<vmem>>[vector<16xi32>, vector<16xi32>], vector<16xf32>,
        tpu.vector_store_idx %arg9[%parallel_loop3A_511, %add3A_411], %parallel_loop3A_513 : memref<64x128xf32, #tpu.memory_space<vmem>>[vector<16xi32>, vector<16xi32>], vector<16xf32>,
      } {sc.loop_unroll_factor = 8 : i64, sc.parallel_access}
      %iota3A_417 = tpu.iota {dimensions = array<i32: 0>} : vector<16xi32>
      %add3A_418 = arith.constant 16 : i32
      %add3A_419 = vector.broadcast %add3A_418 : i32 to vector<16xi32>
      %add3A_420 = arith.addi %iota3A_417, %add3A_419 : vector<16xi32>
      %get3A_421 = arith.constant 16 : index
      %get3A_422 = tpu.vector_load %arg13[%get3A_421] {strides = array<i32>} : memref<128xi32, #tpu.memory_space<vmem>>, vector<16xi32>,
      %parallel_loop3A_423 = arith.constant 0 : i32
      %parallel_loop3A_424 = arith.constant 64 : i32
      %parallel_loop3A_425 = arith.constant 1 : i32
      scf.for %parallel_loop3A_499 = %parallel_loop3A_423 to %parallel_loop3A_424 step %parallel_loop3A_425  : i32 {
        %parallel_loop3A_500 = tpu.iota {dimensions = array<i32: 0>} : vector<16xi32>
        %parallel_loop3A_501 = vector.broadcast %parallel_loop3A_499 : i32 to vector<16xi32>
        %parallel_loop3A_502 = arith.addi %parallel_loop3A_500, %parallel_loop3A_501 : vector<16xi32>
        %parallel_loop3A_503 = arith.constant 64 : i32
        %parallel_loop3A_504 = vector.broadcast %parallel_loop3A_503 : i32 to vector<16xi32>
        %parallel_loop3A_505 = arith.cmpi sge, %parallel_loop3A_502, %parallel_loop3A_504 : vector<16xi32>
        %parallel_loop3A_506 = arith.constant 64 : i32
        %parallel_loop3A_507 = arith.constant 0 : i32
        %parallel_loop3A_508 = vector.broadcast %parallel_loop3A_506 : i32 to vector<16xi32>
        %parallel_loop3A_509 = vector.broadcast %parallel_loop3A_507 : i32 to vector<16xi32>
        %parallel_loop3A_510 = arith.select %parallel_loop3A_505, %parallel_loop3A_508, %parallel_loop3A_509 : vector<16xi1>, vector<16xi32>
        %parallel_loop3A_511 = arith.subi %parallel_loop3A_502, %parallel_loop3A_510 : vector<16xi32>
        %parallel_loop3A_512 = arith.addi %get3A_422, %parallel_loop3A_511 : vector<16xi32>
        %parallel_loop3A_513 = tpu.vector_load_idx %arg7[%add3A_420, %parallel_loop3A_512] : memref<128x128xf32, #tpu.memory_space<vmem>>[vector<16xi32>, vector<16xi32>], vector<16xf32>,
        tpu.vector_store_idx %arg9[%parallel_loop3A_511, %add3A_420], %parallel_loop3A_513 : memref<64x128xf32, #tpu.memory_space<vmem>>[vector<16xi32>, vector<16xi32>], vector<16xf32>,
      } {sc.loop_unroll_factor = 8 : i64, sc.parallel_access}
      %iota3A_426 = tpu.iota {dimensions = array<i32: 0>} : vector<16xi32>
      %add3A_427 = arith.constant 32 : i32
      %add3A_428 = vector.broadcast %add3A_427 : i32 to vector<16xi32>
      %add3A_429 = arith.addi %iota3A_426, %add3A_428 : vector<16xi32>
      %get3A_430 = arith.constant 32 : index
      %get3A_431 = tpu.vector_load %arg13[%get3A_430] {strides = array<i32>} : memref<128xi32, #tpu.memory_space<vmem>>, vector<16xi32>,
      %parallel_loop3A_432 = arith.constant 0 : i32
      %parallel_loop3A_433 = arith.constant 64 : i32
      %parallel_loop3A_434 = arith.constant 1 : i32
      scf.for %parallel_loop3A_499 = %parallel_loop3A_432 to %parallel_loop3A_433 step %parallel_loop3A_434  : i32 {
        %parallel_loop3A_500 = tpu.iota {dimensions = array<i32: 0>} : vector<16xi32>
        %parallel_loop3A_501 = vector.broadcast %parallel_loop3A_499 : i32 to vector<16xi32>
        %parallel_loop3A_502 = arith.addi %parallel_loop3A_500, %parallel_loop3A_501 : vector<16xi32>
        %parallel_loop3A_503 = arith.constant 64 : i32
        %parallel_loop3A_504 = vector.broadcast %parallel_loop3A_503 : i32 to vector<16xi32>
        %parallel_loop3A_505 = arith.cmpi sge, %parallel_loop3A_502, %parallel_loop3A_504 : vector<16xi32>
        %parallel_loop3A_506 = arith.constant 64 : i32
        %parallel_loop3A_507 = arith.constant 0 : i32
        %parallel_loop3A_508 = vector.broadcast %parallel_loop3A_506 : i32 to vector<16xi32>
        %parallel_loop3A_509 = vector.broadcast %parallel_loop3A_507 : i32 to vector<16xi32>
        %parallel_loop3A_510 = arith.select %parallel_loop3A_505, %parallel_loop3A_508, %parallel_loop3A_509 : vector<16xi1>, vector<16xi32>
        %parallel_loop3A_511 = arith.subi %parallel_loop3A_502, %parallel_loop3A_510 : vector<16xi32>
        %parallel_loop3A_512 = arith.addi %get3A_431, %parallel_loop3A_511 : vector<16xi32>
        %parallel_loop3A_513 = tpu.vector_load_idx %arg7[%add3A_429, %parallel_loop3A_512] : memref<128x128xf32, #tpu.memory_space<vmem>>[vector<16xi32>, vector<16xi32>], vector<16xf32>,
        tpu.vector_store_idx %arg9[%parallel_loop3A_511, %add3A_429], %parallel_loop3A_513 : memref<64x128xf32, #tpu.memory_space<vmem>>[vector<16xi32>, vector<16xi32>], vector<16xf32>,
      } {sc.loop_unroll_factor = 8 : i64, sc.parallel_access}
      %iota3A_435 = tpu.iota {dimensions = array<i32: 0>} : vector<16xi32>
      %add3A_436 = arith.constant 48 : i32
      %add3A_437 = vector.broadcast %add3A_436 : i32 to vector<16xi32>
      %add3A_438 = arith.addi %iota3A_435, %add3A_437 : vector<16xi32>
      %get3A_439 = arith.constant 48 : index
      %get3A_440 = tpu.vector_load %arg13[%get3A_439] {strides = array<i32>} : memref<128xi32, #tpu.memory_space<vmem>>, vector<16xi32>,
      %parallel_loop3A_441 = arith.constant 0 : i32
      %parallel_loop3A_442 = arith.constant 64 : i32
      %parallel_loop3A_443 = arith.constant 1 : i32
      scf.for %parallel_loop3A_499 = %parallel_loop3A_441 to %parallel_loop3A_442 step %parallel_loop3A_443  : i32 {
        %parallel_loop3A_500 = tpu.iota {dimensions = array<i32: 0>} : vector<16xi32>
        %parallel_loop3A_501 = vector.broadcast %parallel_loop3A_499 : i32 to vector<16xi32>
        %parallel_loop3A_502 = arith.addi %parallel_loop3A_500, %parallel_loop3A_501 : vector<16xi32>
        %parallel_loop3A_503 = arith.constant 64 : i32
        %parallel_loop3A_504 = vector.broadcast %parallel_loop3A_503 : i32 to vector<16xi32>
        %parallel_loop3A_505 = arith.cmpi sge, %parallel_loop3A_502, %parallel_loop3A_504 : vector<16xi32>
        %parallel_loop3A_506 = arith.constant 64 : i32
        %parallel_loop3A_507 = arith.constant 0 : i32
        %parallel_loop3A_508 = vector.broadcast %parallel_loop3A_506 : i32 to vector<16xi32>
        %parallel_loop3A_509 = vector.broadcast %parallel_loop3A_507 : i32 to vector<16xi32>
        %parallel_loop3A_510 = arith.select %parallel_loop3A_505, %parallel_loop3A_508, %parallel_loop3A_509 : vector<16xi1>, vector<16xi32>
        %parallel_loop3A_511 = arith.subi %parallel_loop3A_502, %parallel_loop3A_510 : vector<16xi32>
        %parallel_loop3A_512 = arith.addi %get3A_440, %parallel_loop3A_511 : vector<16xi32>
        %parallel_loop3A_513 = tpu.vector_load_idx %arg7[%add3A_438, %parallel_loop3A_512] : memref<128x128xf32, #tpu.memory_space<vmem>>[vector<16xi32>, vector<16xi32>], vector<16xf32>,
        tpu.vector_store_idx %arg9[%parallel_loop3A_511, %add3A_438], %parallel_loop3A_513 : memref<64x128xf32, #tpu.memory_space<vmem>>[vector<16xi32>, vector<16xi32>], vector<16xf32>,
      } {sc.loop_unroll_factor = 8 : i64, sc.parallel_access}
      %iota3A_444 = tpu.iota {dimensions = array<i32: 0>} : vector<16xi32>
      %add3A_445 = arith.constant 64 : i32
      %add3A_446 = vector.broadcast %add3A_445 : i32 to vector<16xi32>
      %add3A_447 = arith.addi %iota3A_444, %add3A_446 : vector<16xi32>
      %get3A_448 = arith.constant 64 : index
      %get3A_449 = tpu.vector_load %arg13[%get3A_448] {strides = array<i32>} : memref<128xi32, #tpu.memory_space<vmem>>, vector<16xi32>,
      %parallel_loop3A_450 = arith.constant 0 : i32
      %parallel_loop3A_451 = arith.constant 64 : i32
      %parallel_loop3A_452 = arith.constant 1 : i32
      scf.for %parallel_loop3A_499 = %parallel_loop3A_450 to %parallel_loop3A_451 step %parallel_loop3A_452  : i32 {
        %parallel_loop3A_500 = tpu.iota {dimensions = array<i32: 0>} : vector<16xi32>
        %parallel_loop3A_501 = vector.broadcast %parallel_loop3A_499 : i32 to vector<16xi32>
        %parallel_loop3A_502 = arith.addi %parallel_loop3A_500, %parallel_loop3A_501 : vector<16xi32>
        %parallel_loop3A_503 = arith.constant 64 : i32
        %parallel_loop3A_504 = vector.broadcast %parallel_loop3A_503 : i32 to vector<16xi32>
        %parallel_loop3A_505 = arith.cmpi sge, %parallel_loop3A_502, %parallel_loop3A_504 : vector<16xi32>
        %parallel_loop3A_506 = arith.constant 64 : i32
        %parallel_loop3A_507 = arith.constant 0 : i32
        %parallel_loop3A_508 = vector.broadcast %parallel_loop3A_506 : i32 to vector<16xi32>
        %parallel_loop3A_509 = vector.broadcast %parallel_loop3A_507 : i32 to vector<16xi32>
        %parallel_loop3A_510 = arith.select %parallel_loop3A_505, %parallel_loop3A_508, %parallel_loop3A_509 : vector<16xi1>, vector<16xi32>
        %parallel_loop3A_511 = arith.subi %parallel_loop3A_502, %parallel_loop3A_510 : vector<16xi32>
        %parallel_loop3A_512 = arith.addi %get3A_449, %parallel_loop3A_511 : vector<16xi32>
        %parallel_loop3A_513 = tpu.vector_load_idx %arg7[%add3A_447, %parallel_loop3A_512] : memref<128x128xf32, #tpu.memory_space<vmem>>[vector<16xi32>, vector<16xi32>], vector<16xf32>,
        tpu.vector_store_idx %arg9[%parallel_loop3A_511, %add3A_447], %parallel_loop3A_513 : memref<64x128xf32, #tpu.memory_space<vmem>>[vector<16xi32>, vector<16xi32>], vector<16xf32>,
      } {sc.loop_unroll_factor = 8 : i64, sc.parallel_access}
      %iota3A_453 = tpu.iota {dimensions = array<i32: 0>} : vector<16xi32>
      %add3A_454 = arith.constant 80 : i32
      %add3A_455 = vector.broadcast %add3A_454 : i32 to vector<16xi32>
      %add3A_456 = arith.addi %iota3A_453, %add3A_455 : vector<16xi32>
      %get3A_457 = arith.constant 80 : index
      %get3A_458 = tpu.vector_load %arg13[%get3A_457] {strides = array<i32>} : memref<128xi32, #tpu.memory_space<vmem>>, vector<16xi32>,
      %parallel_loop3A_459 = arith.constant 0 : i32
      %parallel_loop3A_460 = arith.constant 64 : i32
      %parallel_loop3A_461 = arith.constant 1 : i32
      scf.for %parallel_loop3A_499 = %parallel_loop3A_459 to %parallel_loop3A_460 step %parallel_loop3A_461  : i32 {
        %parallel_loop3A_500 = tpu.iota {dimensions = array<i32: 0>} : vector<16xi32>
        %parallel_loop3A_501 = vector.broadcast %parallel_loop3A_499 : i32 to vector<16xi32>
        %parallel_loop3A_502 = arith.addi %parallel_loop3A_500, %parallel_loop3A_501 : vector<16xi32>
        %parallel_loop3A_503 = arith.constant 64 : i32
        %parallel_loop3A_504 = vector.broadcast %parallel_loop3A_503 : i32 to vector<16xi32>
        %parallel_loop3A_505 = arith.cmpi sge, %parallel_loop3A_502, %parallel_loop3A_504 : vector<16xi32>
        %parallel_loop3A_506 = arith.constant 64 : i32
        %parallel_loop3A_507 = arith.constant 0 : i32
        %parallel_loop3A_508 = vector.broadcast %parallel_loop3A_506 : i32 to vector<16xi32>
        %parallel_loop3A_509 = vector.broadcast %parallel_loop3A_507 : i32 to vector<16xi32>
        %parallel_loop3A_510 = arith.select %parallel_loop3A_505, %parallel_loop3A_508, %parallel_loop3A_509 : vector<16xi1>, vector<16xi32>
        %parallel_loop3A_511 = arith.subi %parallel_loop3A_502, %parallel_loop3A_510 : vector<16xi32>
        %parallel_loop3A_512 = arith.addi %get3A_458, %parallel_loop3A_511 : vector<16xi32>
        %parallel_loop3A_513 = tpu.vector_load_idx %arg7[%add3A_456, %parallel_loop3A_512] : memref<128x128xf32, #tpu.memory_space<vmem>>[vector<16xi32>, vector<16xi32>], vector<16xf32>,
        tpu.vector_store_idx %arg9[%parallel_loop3A_511, %add3A_456], %parallel_loop3A_513 : memref<64x128xf32, #tpu.memory_space<vmem>>[vector<16xi32>, vector<16xi32>], vector<16xf32>,
      } {sc.loop_unroll_factor = 8 : i64, sc.parallel_access}
      %iota3A_462 = tpu.iota {dimensions = array<i32: 0>} : vector<16xi32>
      %add3A_463 = arith.constant 96 : i32
      %add3A_464 = vector.broadcast %add3A_463 : i32 to vector<16xi32>
      %add3A_465 = arith.addi %iota3A_462, %add3A_464 : vector<16xi32>
      %get3A_466 = arith.constant 96 : index
      %get3A_467 = tpu.vector_load %arg13[%get3A_466] {strides = array<i32>} : memref<128xi32, #tpu.memory_space<vmem>>, vector<16xi32>,
      %parallel_loop3A_468 = arith.constant 0 : i32
      %parallel_loop3A_469 = arith.constant 64 : i32
      %parallel_loop3A_470 = arith.constant 1 : i32
      scf.for %parallel_loop3A_499 = %parallel_loop3A_468 to %parallel_loop3A_469 step %parallel_loop3A_470  : i32 {
        %parallel_loop3A_500 = tpu.iota {dimensions = array<i32: 0>} : vector<16xi32>
        %parallel_loop3A_501 = vector.broadcast %parallel_loop3A_499 : i32 to vector<16xi32>
        %parallel_loop3A_502 = arith.addi %parallel_loop3A_500, %parallel_loop3A_501 : vector<16xi32>
        %parallel_loop3A_503 = arith.constant 64 : i32
        %parallel_loop3A_504 = vector.broadcast %parallel_loop3A_503 : i32 to vector<16xi32>
        %parallel_loop3A_505 = arith.cmpi sge, %parallel_loop3A_502, %parallel_loop3A_504 : vector<16xi32>
        %parallel_loop3A_506 = arith.constant 64 : i32
        %parallel_loop3A_507 = arith.constant 0 : i32
        %parallel_loop3A_508 = vector.broadcast %parallel_loop3A_506 : i32 to vector<16xi32>
        %parallel_loop3A_509 = vector.broadcast %parallel_loop3A_507 : i32 to vector<16xi32>
        %parallel_loop3A_510 = arith.select %parallel_loop3A_505, %parallel_loop3A_508, %parallel_loop3A_509 : vector<16xi1>, vector<16xi32>
        %parallel_loop3A_511 = arith.subi %parallel_loop3A_502, %parallel_loop3A_510 : vector<16xi32>
        %parallel_loop3A_512 = arith.addi %get3A_467, %parallel_loop3A_511 : vector<16xi32>
        %parallel_loop3A_513 = tpu.vector_load_idx %arg7[%add3A_465, %parallel_loop3A_512] : memref<128x128xf32, #tpu.memory_space<vmem>>[vector<16xi32>, vector<16xi32>], vector<16xf32>,
        tpu.vector_store_idx %arg9[%parallel_loop3A_511, %add3A_465], %parallel_loop3A_513 : memref<64x128xf32, #tpu.memory_space<vmem>>[vector<16xi32>, vector<16xi32>], vector<16xf32>,
      } {sc.loop_unroll_factor = 8 : i64, sc.parallel_access}
      %iota3A_471 = tpu.iota {dimensions = array<i32: 0>} : vector<16xi32>
      %add3A_472 = arith.constant 112 : i32
      %add3A_473 = vector.broadcast %add3A_472 : i32 to vector<16xi32>
      %add3A_474 = arith.addi %iota3A_471, %add3A_473 : vector<16xi32>
      %get3A_475 = arith.constant 112 : index
      %get3A_476 = tpu.vector_load %arg13[%get3A_475] {strides = array<i32>} : memref<128xi32, #tpu.memory_space<vmem>>, vector<16xi32>,
      %parallel_loop3A_477 = arith.constant 0 : i32
      %parallel_loop3A_478 = arith.constant 64 : i32
      %parallel_loop3A_479 = arith.constant 1 : i32
      scf.for %parallel_loop3A_499 = %parallel_loop3A_477 to %parallel_loop3A_478 step %parallel_loop3A_479  : i32 {
        %parallel_loop3A_500 = tpu.iota {dimensions = array<i32: 0>} : vector<16xi32>
        %parallel_loop3A_501 = vector.broadcast %parallel_loop3A_499 : i32 to vector<16xi32>
        %parallel_loop3A_502 = arith.addi %parallel_loop3A_500, %parallel_loop3A_501 : vector<16xi32>
        %parallel_loop3A_503 = arith.constant 64 : i32
        %parallel_loop3A_504 = vector.broadcast %parallel_loop3A_503 : i32 to vector<16xi32>
        %parallel_loop3A_505 = arith.cmpi sge, %parallel_loop3A_502, %parallel_loop3A_504 : vector<16xi32>
        %parallel_loop3A_506 = arith.constant 64 : i32
        %parallel_loop3A_507 = arith.constant 0 : i32
        %parallel_loop3A_508 = vector.broadcast %parallel_loop3A_506 : i32 to vector<16xi32>
        %parallel_loop3A_509 = vector.broadcast %parallel_loop3A_507 : i32 to vector<16xi32>
        %parallel_loop3A_510 = arith.select %parallel_loop3A_505, %parallel_loop3A_508, %parallel_loop3A_509 : vector<16xi1>, vector<16xi32>
        %parallel_loop3A_511 = arith.subi %parallel_loop3A_502, %parallel_loop3A_510 : vector<16xi32>
        %parallel_loop3A_512 = arith.addi %get3A_476, %parallel_loop3A_511 : vector<16xi32>
        %parallel_loop3A_513 = tpu.vector_load_idx %arg7[%add3A_474, %parallel_loop3A_512] : memref<128x128xf32, #tpu.memory_space<vmem>>[vector<16xi32>, vector<16xi32>], vector<16xf32>,
        tpu.vector_store_idx %arg9[%parallel_loop3A_511, %add3A_474], %parallel_loop3A_513 : memref<64x128xf32, #tpu.memory_space<vmem>>[vector<16xi32>, vector<16xi32>], vector<16xf32>,
      } {sc.loop_unroll_factor = 8 : i64, sc.parallel_access}
      %shift_right_arithmetic3A_480 = arith.constant 2 : i32
      %shift_right_arithmetic3A_481 = arith.shrsi %add3A_399, %shift_right_arithmetic3A_480 : i32
      %and3A_482 = arith.constant 3 : i32
      %and3A_483 = arith.andi %add3A_399, %and3A_482 : i32
      %mul3A_484 = arith.constant 128 : i32
      %mul3A_485 = arith.muli %and3A_483, %mul3A_484 : i32
      %add3A_486 = arith.addi %mul3A_2, %mul3A_485 : i32
      %multiple_of3A_487 = tpu.assume_multiple %add3A_486, 128 : i32
      %dma_start3A_488 = arith.constant 0 : i32
      %dma_start3A_489 = tpu.memref_slice %arg4[%shift_right_arithmetic3A_481, %dma_start3A_488, %multiple_of3A_487] : memref<50x64x16384xf32, #tpu.memory_space<hbm>> -> memref<1x64x128xf32, #tpu.memory_space<hbm>>
      %dma_start3A_490 = tpu.memref_squeeze %dma_start3A_489 : memref<1x64x128xf32, #tpu.memory_space<hbm>> -> memref<64x128xf32, #tpu.memory_space<hbm>>
      %dma_start3A_491 = arith.constant 0 : i32
      %dma_start3A_492 = tpu.memref_slice %arg4[%shift_right_arithmetic3A_481, %dma_start3A_491, %multiple_of3A_487] : memref<50x64x16384xf32, #tpu.memory_space<hbm>> -> memref<1x64x128xf32, #tpu.memory_space<hbm>>
      %dma_start3A_493 = tpu.memref_squeeze %dma_start3A_492 : memref<1x64x128xf32, #tpu.memory_space<hbm>> -> memref<64x128xf32, #tpu.memory_space<hbm>>
      tpu.enqueue_dma source(%arg9 : memref<64x128xf32, #tpu.memory_space<vmem>>) target(%dma_start3A_493 : memref<64x128xf32, #tpu.memory_space<hbm>>) target_semaphore(%arg17 : memref<!tpu.dma_semaphore, #tpu.memory_space<semaphore_mem>>)
      %lt3A_494 = arith.constant 99 : i32
      %lt3A_495 = arith.cmpi slt, %scan3A_298, %lt3A_494 : i32
      %convert_element_type3A_496 = arith.extui %lt3A_495 : i1 to i32
      %cond3A_497 = arith.constant 0 : i32
      %cond3A_498 = arith.cmpi ne, %convert_element_type3A_496, %cond3A_497 : i32
      scf.if %cond3A_498 {
        %add3A_499 = arith.constant 2 : i32
        %add3A_500 = arith.addi %add3A_399, %add3A_499 : i32
        %shift_right_arithmetic3A_501 = arith.constant 2 : i32
        %shift_right_arithmetic3A_502 = arith.shrsi %add3A_500, %shift_right_arithmetic3A_501 : i32
        %and3A_503 = arith.constant 3 : i32
        %and3A_504 = arith.andi %add3A_500, %and3A_503 : i32
        %mul3A_505 = arith.constant 128 : i32
        %mul3A_506 = arith.muli %and3A_504, %mul3A_505 : i32
        %add3A_507 = arith.constant 0 : i32
        %add3A_508 = arith.addi %mul3A_506, %add3A_507 : i32
        %get3A_509 = arith.index_cast %shift_right_arithmetic3A_502 : i32 to index
        %get3A_510 = arith.index_cast %add3A_508 : i32 to index
        %get3A_511 = tpu.vector_load %arg5[%get3A_509, %get3A_510] {strides = array<i32>} : memref<50x512xi32, #tpu.memory_space<vmem>>, vector<16xi32>,
        %shift_right_arithmetic3A_512 = arith.constant 1 : i32
        %shift_right_arithmetic3A_513 = vector.broadcast %shift_right_arithmetic3A_512 : i32 to vector<16xi32>
        %shift_right_arithmetic3A_514 = arith.shrsi %get3A_511, %shift_right_arithmetic3A_513 : vector<16xi32>
        %swap3A_515 = arith.constant 0 : index
        %swap3A_516 = tpu.vector_load %arg11[%swap3A_515] {strides = array<i32>} : memref<128xi32, #tpu.memory_space<vmem>>, vector<16xi32>,
        tpu.vector_store %arg11[%swap3A_515], %shift_right_arithmetic3A_514 {strides = array<i32>} : memref<128xi32, #tpu.memory_space<vmem>>, vector<16xi32>,
        %and3A_517 = arith.constant 1 : i32
        %and3A_518 = vector.broadcast %and3A_517 : i32 to vector<16xi32>
        %and3A_519 = arith.andi %get3A_511, %and3A_518 : vector<16xi32>
        %mul3A_520 = arith.constant 64 : i32
        %mul3A_521 = vector.broadcast %mul3A_520 : i32 to vector<16xi32>
        %mul3A_522 = arith.muli %and3A_519, %mul3A_521 : vector<16xi32>
        %swap3A_523 = arith.constant 0 : index
        %swap3A_524 = tpu.vector_load %arg13[%swap3A_523] {strides = array<i32>} : memref<128xi32, #tpu.memory_space<vmem>>, vector<16xi32>,
        tpu.vector_store %arg13[%swap3A_523], %mul3A_522 {strides = array<i32>} : memref<128xi32, #tpu.memory_space<vmem>>, vector<16xi32>,
        %mul3A_525 = arith.constant 128 : i32
        %mul3A_526 = arith.muli %and3A_504, %mul3A_525 : i32
        %add3A_527 = arith.constant 16 : i32
        %add3A_528 = arith.addi %mul3A_526, %add3A_527 : i32
        %get3A_529 = arith.index_cast %shift_right_arithmetic3A_502 : i32 to index
        %get3A_530 = arith.index_cast %add3A_528 : i32 to index
        %get3A_531 = tpu.vector_load %arg5[%get3A_529, %get3A_530] {strides = array<i32>} : memref<50x512xi32, #tpu.memory_space<vmem>>, vector<16xi32>,
        %shift_right_arithmetic3A_532 = arith.constant 1 : i32
        %shift_right_arithmetic3A_533 = vector.broadcast %shift_right_arithmetic3A_532 : i32 to vector<16xi32>
        %shift_right_arithmetic3A_534 = arith.shrsi %get3A_531, %shift_right_arithmetic3A_533 : vector<16xi32>
        %swap3A_535 = arith.constant 16 : index
        %swap3A_536 = tpu.vector_load %arg11[%swap3A_535] {strides = array<i32>} : memref<128xi32, #tpu.memory_space<vmem>>, vector<16xi32>,
        tpu.vector_store %arg11[%swap3A_535], %shift_right_arithmetic3A_534 {strides = array<i32>} : memref<128xi32, #tpu.memory_space<vmem>>, vector<16xi32>,
        %and3A_537 = arith.constant 1 : i32
        %and3A_538 = vector.broadcast %and3A_537 : i32 to vector<16xi32>
        %and3A_539 = arith.andi %get3A_531, %and3A_538 : vector<16xi32>
        %mul3A_540 = arith.constant 64 : i32
        %mul3A_541 = vector.broadcast %mul3A_540 : i32 to vector<16xi32>
        %mul3A_542 = arith.muli %and3A_539, %mul3A_541 : vector<16xi32>
        %swap3A_543 = arith.constant 16 : index
        %swap3A_544 = tpu.vector_load %arg13[%swap3A_543] {strides = array<i32>} : memref<128xi32, #tpu.memory_space<vmem>>, vector<16xi32>,
        tpu.vector_store %arg13[%swap3A_543], %mul3A_542 {strides = array<i32>} : memref<128xi32, #tpu.memory_space<vmem>>, vector<16xi32>,
        %mul3A_545 = arith.constant 128 : i32
        %mul3A_546 = arith.muli %and3A_504, %mul3A_545 : i32
        %add3A_547 = arith.constant 32 : i32
        %add3A_548 = arith.addi %mul3A_546, %add3A_547 : i32
        %get3A_549 = arith.index_cast %shift_right_arithmetic3A_502 : i32 to index
        %get3A_550 = arith.index_cast %add3A_548 : i32 to index
        %get3A_551 = tpu.vector_load %arg5[%get3A_549, %get3A_550] {strides = array<i32>} : memref<50x512xi32, #tpu.memory_space<vmem>>, vector<16xi32>,
        %shift_right_arithmetic3A_552 = arith.constant 1 : i32
        %shift_right_arithmetic3A_553 = vector.broadcast %shift_right_arithmetic3A_552 : i32 to vector<16xi32>
        %shift_right_arithmetic3A_554 = arith.shrsi %get3A_551, %shift_right_arithmetic3A_553 : vector<16xi32>
        %swap3A_555 = arith.constant 32 : index
        %swap3A_556 = tpu.vector_load %arg11[%swap3A_555] {strides = array<i32>} : memref<128xi32, #tpu.memory_space<vmem>>, vector<16xi32>,
        tpu.vector_store %arg11[%swap3A_555], %shift_right_arithmetic3A_554 {strides = array<i32>} : memref<128xi32, #tpu.memory_space<vmem>>, vector<16xi32>,
        %and3A_557 = arith.constant 1 : i32
        %and3A_558 = vector.broadcast %and3A_557 : i32 to vector<16xi32>
        %and3A_559 = arith.andi %get3A_551, %and3A_558 : vector<16xi32>
        %mul3A_560 = arith.constant 64 : i32
        %mul3A_561 = vector.broadcast %mul3A_560 : i32 to vector<16xi32>
        %mul3A_562 = arith.muli %and3A_559, %mul3A_561 : vector<16xi32>
        %swap3A_563 = arith.constant 32 : index
        %swap3A_564 = tpu.vector_load %arg13[%swap3A_563] {strides = array<i32>} : memref<128xi32, #tpu.memory_space<vmem>>, vector<16xi32>,
        tpu.vector_store %arg13[%swap3A_563], %mul3A_562 {strides = array<i32>} : memref<128xi32, #tpu.memory_space<vmem>>, vector<16xi32>,
        %mul3A_565 = arith.constant 128 : i32
        %mul3A_566 = arith.muli %and3A_504, %mul3A_565 : i32
        %add3A_567 = arith.constant 48 : i32
        %add3A_568 = arith.addi %mul3A_566, %add3A_567 : i32
        %get3A_569 = arith.index_cast %shift_right_arithmetic3A_502 : i32 to index
        %get3A_570 = arith.index_cast %add3A_568 : i32 to index
        %get3A_571 = tpu.vector_load %arg5[%get3A_569, %get3A_570] {strides = array<i32>} : memref<50x512xi32, #tpu.memory_space<vmem>>, vector<16xi32>,
        %shift_right_arithmetic3A_572 = arith.constant 1 : i32
        %shift_right_arithmetic3A_573 = vector.broadcast %shift_right_arithmetic3A_572 : i32 to vector<16xi32>
        %shift_right_arithmetic3A_574 = arith.shrsi %get3A_571, %shift_right_arithmetic3A_573 : vector<16xi32>
        %swap3A_575 = arith.constant 48 : index
        %swap3A_576 = tpu.vector_load %arg11[%swap3A_575] {strides = array<i32>} : memref<128xi32, #tpu.memory_space<vmem>>, vector<16xi32>,
        tpu.vector_store %arg11[%swap3A_575], %shift_right_arithmetic3A_574 {strides = array<i32>} : memref<128xi32, #tpu.memory_space<vmem>>, vector<16xi32>,
        %and3A_577 = arith.constant 1 : i32
        %and3A_578 = vector.broadcast %and3A_577 : i32 to vector<16xi32>
        %and3A_579 = arith.andi %get3A_571, %and3A_578 : vector<16xi32>
        %mul3A_580 = arith.constant 64 : i32
        %mul3A_581 = vector.broadcast %mul3A_580 : i32 to vector<16xi32>
        %mul3A_582 = arith.muli %and3A_579, %mul3A_581 : vector<16xi32>
        %swap3A_583 = arith.constant 48 : index
        %swap3A_584 = tpu.vector_load %arg13[%swap3A_583] {strides = array<i32>} : memref<128xi32, #tpu.memory_space<vmem>>, vector<16xi32>,
        tpu.vector_store %arg13[%swap3A_583], %mul3A_582 {strides = array<i32>} : memref<128xi32, #tpu.memory_space<vmem>>, vector<16xi32>,
        %mul3A_585 = arith.constant 128 : i32
        %mul3A_586 = arith.muli %and3A_504, %mul3A_585 : i32
        %add3A_587 = arith.constant 64 : i32
        %add3A_588 = arith.addi %mul3A_586, %add3A_587 : i32
        %get3A_589 = arith.index_cast %shift_right_arithmetic3A_502 : i32 to index
        %get3A_590 = arith.index_cast %add3A_588 : i32 to index
        %get3A_591 = tpu.vector_load %arg5[%get3A_589, %get3A_590] {strides = array<i32>} : memref<50x512xi32, #tpu.memory_space<vmem>>, vector<16xi32>,
        %shift_right_arithmetic3A_592 = arith.constant 1 : i32
        %shift_right_arithmetic3A_593 = vector.broadcast %shift_right_arithmetic3A_592 : i32 to vector<16xi32>
        %shift_right_arithmetic3A_594 = arith.shrsi %get3A_591, %shift_right_arithmetic3A_593 : vector<16xi32>
        %swap3A_595 = arith.constant 64 : index
        %swap3A_596 = tpu.vector_load %arg11[%swap3A_595] {strides = array<i32>} : memref<128xi32, #tpu.memory_space<vmem>>, vector<16xi32>,
        tpu.vector_store %arg11[%swap3A_595], %shift_right_arithmetic3A_594 {strides = array<i32>} : memref<128xi32, #tpu.memory_space<vmem>>, vector<16xi32>,
        %and3A_597 = arith.constant 1 : i32
        %and3A_598 = vector.broadcast %and3A_597 : i32 to vector<16xi32>
        %and3A_599 = arith.andi %get3A_591, %and3A_598 : vector<16xi32>
        %mul3A_600 = arith.constant 64 : i32
        %mul3A_601 = vector.broadcast %mul3A_600 : i32 to vector<16xi32>
        %mul3A_602 = arith.muli %and3A_599, %mul3A_601 : vector<16xi32>
        %swap3A_603 = arith.constant 64 : index
        %swap3A_604 = tpu.vector_load %arg13[%swap3A_603] {strides = array<i32>} : memref<128xi32, #tpu.memory_space<vmem>>, vector<16xi32>,
        tpu.vector_store %arg13[%swap3A_603], %mul3A_602 {strides = array<i32>} : memref<128xi32, #tpu.memory_space<vmem>>, vector<16xi32>,
        %mul3A_605 = arith.constant 128 : i32
        %mul3A_606 = arith.muli %and3A_504, %mul3A_605 : i32
        %add3A_607 = arith.constant 80 : i32
        %add3A_608 = arith.addi %mul3A_606, %add3A_607 : i32
        %get3A_609 = arith.index_cast %shift_right_arithmetic3A_502 : i32 to index
        %get3A_610 = arith.index_cast %add3A_608 : i32 to index
        %get3A_611 = tpu.vector_load %arg5[%get3A_609, %get3A_610] {strides = array<i32>} : memref<50x512xi32, #tpu.memory_space<vmem>>, vector<16xi32>,
        %shift_right_arithmetic3A_612 = arith.constant 1 : i32
        %shift_right_arithmetic3A_613 = vector.broadcast %shift_right_arithmetic3A_612 : i32 to vector<16xi32>
        %shift_right_arithmetic3A_614 = arith.shrsi %get3A_611, %shift_right_arithmetic3A_613 : vector<16xi32>
        %swap3A_615 = arith.constant 80 : index
        %swap3A_616 = tpu.vector_load %arg11[%swap3A_615] {strides = array<i32>} : memref<128xi32, #tpu.memory_space<vmem>>, vector<16xi32>,
        tpu.vector_store %arg11[%swap3A_615], %shift_right_arithmetic3A_614 {strides = array<i32>} : memref<128xi32, #tpu.memory_space<vmem>>, vector<16xi32>,
        %and3A_617 = arith.constant 1 : i32
        %and3A_618 = vector.broadcast %and3A_617 : i32 to vector<16xi32>
        %and3A_619 = arith.andi %get3A_611, %and3A_618 : vector<16xi32>
        %mul3A_620 = arith.constant 64 : i32
        %mul3A_621 = vector.broadcast %mul3A_620 : i32 to vector<16xi32>
        %mul3A_622 = arith.muli %and3A_619, %mul3A_621 : vector<16xi32>
        %swap3A_623 = arith.constant 80 : index
        %swap3A_624 = tpu.vector_load %arg13[%swap3A_623] {strides = array<i32>} : memref<128xi32, #tpu.memory_space<vmem>>, vector<16xi32>,
        tpu.vector_store %arg13[%swap3A_623], %mul3A_622 {strides = array<i32>} : memref<128xi32, #tpu.memory_space<vmem>>, vector<16xi32>,
        %mul3A_625 = arith.constant 128 : i32
        %mul3A_626 = arith.muli %and3A_504, %mul3A_625 : i32
        %add3A_627 = arith.constant 96 : i32
        %add3A_628 = arith.addi %mul3A_626, %add3A_627 : i32
        %get3A_629 = arith.index_cast %shift_right_arithmetic3A_502 : i32 to index
        %get3A_630 = arith.index_cast %add3A_628 : i32 to index
        %get3A_631 = tpu.vector_load %arg5[%get3A_629, %get3A_630] {strides = array<i32>} : memref<50x512xi32, #tpu.memory_space<vmem>>, vector<16xi32>,
        %shift_right_arithmetic3A_632 = arith.constant 1 : i32
        %shift_right_arithmetic3A_633 = vector.broadcast %shift_right_arithmetic3A_632 : i32 to vector<16xi32>
        %shift_right_arithmetic3A_634 = arith.shrsi %get3A_631, %shift_right_arithmetic3A_633 : vector<16xi32>
        %swap3A_635 = arith.constant 96 : index
        %swap3A_636 = tpu.vector_load %arg11[%swap3A_635] {strides = array<i32>} : memref<128xi32, #tpu.memory_space<vmem>>, vector<16xi32>,
        tpu.vector_store %arg11[%swap3A_635], %shift_right_arithmetic3A_634 {strides = array<i32>} : memref<128xi32, #tpu.memory_space<vmem>>, vector<16xi32>,
        %and3A_637 = arith.constant 1 : i32
        %and3A_638 = vector.broadcast %and3A_637 : i32 to vector<16xi32>
        %and3A_639 = arith.andi %get3A_631, %and3A_638 : vector<16xi32>
        %mul3A_640 = arith.constant 64 : i32
        %mul3A_641 = vector.broadcast %mul3A_640 : i32 to vector<16xi32>
        %mul3A_642 = arith.muli %and3A_639, %mul3A_641 : vector<16xi32>
        %swap3A_643 = arith.constant 96 : index
        %swap3A_644 = tpu.vector_load %arg13[%swap3A_643] {strides = array<i32>} : memref<128xi32, #tpu.memory_space<vmem>>, vector<16xi32>,
        tpu.vector_store %arg13[%swap3A_643], %mul3A_642 {strides = array<i32>} : memref<128xi32, #tpu.memory_space<vmem>>, vector<16xi32>,
        %mul3A_645 = arith.constant 128 : i32
        %mul3A_646 = arith.muli %and3A_504, %mul3A_645 : i32
        %add3A_647 = arith.constant 112 : i32
        %add3A_648 = arith.addi %mul3A_646, %add3A_647 : i32
        %get3A_649 = arith.index_cast %shift_right_arithmetic3A_502 : i32 to index
        %get3A_650 = arith.index_cast %add3A_648 : i32 to index
        %get3A_651 = tpu.vector_load %arg5[%get3A_649, %get3A_650] {strides = array<i32>} : memref<50x512xi32, #tpu.memory_space<vmem>>, vector<16xi32>,
        %shift_right_arithmetic3A_652 = arith.constant 1 : i32
        %shift_right_arithmetic3A_653 = vector.broadcast %shift_right_arithmetic3A_652 : i32 to vector<16xi32>
        %shift_right_arithmetic3A_654 = arith.shrsi %get3A_651, %shift_right_arithmetic3A_653 : vector<16xi32>
        %swap3A_655 = arith.constant 112 : index
        %swap3A_656 = tpu.vector_load %arg11[%swap3A_655] {strides = array<i32>} : memref<128xi32, #tpu.memory_space<vmem>>, vector<16xi32>,
        tpu.vector_store %arg11[%swap3A_655], %shift_right_arithmetic3A_654 {strides = array<i32>} : memref<128xi32, #tpu.memory_space<vmem>>, vector<16xi32>,
        %and3A_657 = arith.constant 1 : i32
        %and3A_658 = vector.broadcast %and3A_657 : i32 to vector<16xi32>
        %and3A_659 = arith.andi %get3A_651, %and3A_658 : vector<16xi32>
        %mul3A_660 = arith.constant 64 : i32
        %mul3A_661 = vector.broadcast %mul3A_660 : i32 to vector<16xi32>
        %mul3A_662 = arith.muli %and3A_659, %mul3A_661 : vector<16xi32>
        %swap3A_663 = arith.constant 112 : index
        %swap3A_664 = tpu.vector_load %arg13[%swap3A_663] {strides = array<i32>} : memref<128xi32, #tpu.memory_space<vmem>>, vector<16xi32>,
        tpu.vector_store %arg13[%swap3A_663], %mul3A_662 {strides = array<i32>} : memref<128xi32, #tpu.memory_space<vmem>>, vector<16xi32>,
        %dma_start3A_665 = arith.constant 0 : i32
        %dma_start3A_666 = arith.constant 0 : i32
        %dma_start3A_667 = tpu.memref_slice %arg3[%dma_start3A_665, %dma_start3A_666] : memref<500000x128xf32, #tpu.memory_space<hbm>> -> memref<500000x128xf32, #tpu.memory_space<hbm>>
        tpu.enqueue_indirect_dma source(%dma_start3A_667 : memref<500000x128xf32, #tpu.memory_space<hbm>>) target(%arg7 : memref<128x128xf32, #tpu.memory_space<vmem>>) offsets(%arg11 : memref<128xi32, #tpu.memory_space<vmem>>) semaphore(%arg15 : memref<!tpu.dma_semaphore, #tpu.memory_space<semaphore_mem>>)
      } else {
      }
    }
    %scan3A_280 = arith.constant 100 : i32
    %dma_wait3A = arith.constant 0 : i32
    %dma_wait3A_281 = arith.constant 0 : i32
    %dma_wait3A_282 = arith.constant 0 : i32
    %dma_wait3A_283 = tpu.memref_slice %arg4[%dma_wait3A, %dma_wait3A_281, %dma_wait3A_282] : memref<50x64x16384xf32, #tpu.memory_space<hbm>> -> memref<1x64x128xf32, #tpu.memory_space<hbm>>
    %dma_wait3A_284 = tpu.memref_squeeze %dma_wait3A_283 : memref<1x64x128xf32, #tpu.memory_space<hbm>> -> memref<64x128xf32, #tpu.memory_space<hbm>>
    %dma_wait3A_285 = arith.constant 0 : i32
    %dma_wait3A_286 = arith.constant 0 : i32
    %dma_wait3A_287 = tpu.memref_slice %arg4[%dma_wait3A, %dma_wait3A_285, %dma_wait3A_286] : memref<50x64x16384xf32, #tpu.memory_space<hbm>> -> memref<1x64x128xf32, #tpu.memory_space<hbm>>
    %dma_wait3A_288 = tpu.memref_squeeze %dma_wait3A_287 : memref<1x64x128xf32, #tpu.memory_space<hbm>> -> memref<64x128xf32, #tpu.memory_space<hbm>>
    tpu.wait_dma2 semaphore(%arg16 : memref<!tpu.dma_semaphore, #tpu.memory_space<semaphore_mem>>) src(%arg8 : memref<64x128xf32, #tpu.memory_space<vmem>>) dst(%dma_wait3A_288 : memref<64x128xf32, #tpu.memory_space<hbm>>)
    %dma_wait3A_289 = arith.constant 0 : i32
    %dma_wait3A_290 = arith.constant 0 : i32
    %dma_wait3A_291 = arith.constant 0 : i32
    %dma_wait3A_292 = tpu.memref_slice %arg4[%dma_wait3A_289, %dma_wait3A_290, %dma_wait3A_291] : memref<50x64x16384xf32, #tpu.memory_space<hbm>> -> memref<1x64x128xf32, #tpu.memory_space<hbm>>
    %dma_wait3A_293 = tpu.memref_squeeze %dma_wait3A_292 : memref<1x64x128xf32, #tpu.memory_space<hbm>> -> memref<64x128xf32, #tpu.memory_space<hbm>>
    %dma_wait3A_294 = arith.constant 0 : i32
    %dma_wait3A_295 = arith.constant 0 : i32
    %dma_wait3A_296 = tpu.memref_slice %arg4[%dma_wait3A_289, %dma_wait3A_294, %dma_wait3A_295] : memref<50x64x16384xf32, #tpu.memory_space<hbm>> -> memref<1x64x128xf32, #tpu.memory_space<hbm>>
    %dma_wait3A_297 = tpu.memref_squeeze %dma_wait3A_296 : memref<1x64x128xf32, #tpu.memory_space<hbm>> -> memref<64x128xf32, #tpu.memory_space<hbm>>
    tpu.wait_dma2 semaphore(%arg17 : memref<!tpu.dma_semaphore, #tpu.memory_space<semaphore_mem>>) src(%arg9 : memref<64x128xf32, #tpu.memory_space<vmem>>) dst(%dma_wait3A_297 : memref<64x128xf32, #tpu.memory_space<hbm>>)
    return
  }
}

#map = affine_map<(d0, d1) -> (0, 0)>
module attributes {stable_mosaic.version = 14 : i64} {
  func.func @_repack(%arg0: i32, %arg1: i32, %arg2: memref<64x1000000xf32, #tpu.memory_space<hbm>>, %arg3: memref<32x128xf32, #tpu.memory_space<hbm>>, %arg4: memref<500000x128xf32, #tpu.memory_space<hbm>>, %arg5: memref<64x128xf32, #tpu.memory_space<vmem>>, %arg6: memref<64x128xf32, #tpu.memory_space<vmem>>, %arg7: memref<64x128xf32, #tpu.memory_space<vmem>>, %arg8: memref<64x128xf32, #tpu.memory_space<vmem>>, %arg9: memref<!tpu.dma_semaphore, #tpu.memory_space<semaphore_mem>>, %arg10: memref<!tpu.dma_semaphore, #tpu.memory_space<semaphore_mem>>, %arg11: memref<!tpu.dma_semaphore, #tpu.memory_space<semaphore_mem>>, %arg12: memref<!tpu.dma_semaphore, #tpu.memory_space<semaphore_mem>>) attributes {dimension_semantics = [#tpu.dimension_semantics<core_parallel>, #tpu.dimension_semantics<subcore_parallel>], iteration_bounds = array<i64: 2, 16>, scalar_prefetch = 0 : i64, scratch_operands = 8 : i64, tpu.core_type = #tpu.core_type<sc_vector_subcore>, window_params = [{transform_indices = #map}, {transform_indices = #map}, {transform_indices = #map}]} {
    %mul3A = arith.constant 2 : i32
    %mul3A_0 = arith.muli %arg1, %mul3A : i32
    %add3A = arith.addi %mul3A_0, %arg0 : i32
    %mul3A_1 = arith.constant 244 : i32
    %mul3A_2 = arith.muli %add3A, %mul3A_1 : i32
    %mul3A_3 = arith.constant 128 : i32
    %mul3A_4 = arith.muli %mul3A_2, %mul3A_3 : i32
    %multiple_of3A = tpu.assume_multiple %mul3A_4, 128 : i32
    %dma_start3A = arith.constant 0 : i32
    %dma_start3A_5 = tpu.memref_slice %arg2[%dma_start3A, %multiple_of3A] : memref<64x1000000xf32, #tpu.memory_space<hbm>> -> memref<64x128xf32, #tpu.memory_space<hbm>>
    %dma_start3A_6 = arith.constant 0 : i32
    %dma_start3A_7 = tpu.memref_slice %arg2[%dma_start3A_6, %multiple_of3A] : memref<64x1000000xf32, #tpu.memory_space<hbm>> -> memref<64x128xf32, #tpu.memory_space<hbm>>
    tpu.enqueue_dma source(%dma_start3A_7 : memref<64x128xf32, #tpu.memory_space<hbm>>) target(%arg5 : memref<64x128xf32, #tpu.memory_space<vmem>>) target_semaphore(%arg9 : memref<!tpu.dma_semaphore, #tpu.memory_space<semaphore_mem>>)
    %add3A_8 = arith.constant 1 : i32
    %add3A_9 = arith.addi %mul3A_2, %add3A_8 : i32
    %mul3A_10 = arith.constant 128 : i32
    %mul3A_11 = arith.muli %add3A_9, %mul3A_10 : i32
    %multiple_of3A_12 = tpu.assume_multiple %mul3A_11, 128 : i32
    %dma_start3A_13 = arith.constant 0 : i32
    %dma_start3A_14 = tpu.memref_slice %arg2[%dma_start3A_13, %multiple_of3A_12] : memref<64x1000000xf32, #tpu.memory_space<hbm>> -> memref<64x128xf32, #tpu.memory_space<hbm>>
    %dma_start3A_15 = arith.constant 0 : i32
    %dma_start3A_16 = tpu.memref_slice %arg2[%dma_start3A_15, %multiple_of3A_12] : memref<64x1000000xf32, #tpu.memory_space<hbm>> -> memref<64x128xf32, #tpu.memory_space<hbm>>
    tpu.enqueue_dma source(%dma_start3A_16 : memref<64x128xf32, #tpu.memory_space<hbm>>) target(%arg6 : memref<64x128xf32, #tpu.memory_space<vmem>>) target_semaphore(%arg10 : memref<!tpu.dma_semaphore, #tpu.memory_space<semaphore_mem>>)
    %scan3A = arith.constant 0 : i32
    %scan3A_17 = arith.constant 0 : i32
    %scan3A_18 = arith.constant 122 : i32
    %scan3A_19 = arith.addi %scan3A_17, %scan3A_18 : i32
    %scan3A_20 = arith.constant 1 : i32
    scf.for %scan3A_39 = %scan3A_17 to %scan3A_19 step %scan3A_20  : i32 {
      %mul3A_40 = arith.constant 2 : i32
      %mul3A_41 = arith.muli %mul3A_40, %scan3A_39 : i32
      %add3A_42 = arith.addi %mul3A_2, %mul3A_41 : i32
      %add3A_43 = arith.constant 0 : i32
      %add3A_44 = arith.addi %add3A_42, %add3A_43 : i32
      %dma_wait3A_45 = arith.constant 0 : i32
      %dma_wait3A_46 = arith.constant 0 : i32
      %dma_wait3A_47 = tpu.memref_slice %arg2[%dma_wait3A_45, %dma_wait3A_46] : memref<64x1000000xf32, #tpu.memory_space<hbm>> -> memref<64x128xf32, #tpu.memory_space<hbm>>
      %dma_wait3A_48 = arith.constant 0 : i32
      %dma_wait3A_49 = arith.constant 0 : i32
      %dma_wait3A_50 = tpu.memref_slice %arg2[%dma_wait3A_48, %dma_wait3A_49] : memref<64x1000000xf32, #tpu.memory_space<hbm>> -> memref<64x128xf32, #tpu.memory_space<hbm>>
      tpu.wait_dma2 semaphore(%arg9 : memref<!tpu.dma_semaphore, #tpu.memory_space<semaphore_mem>>) src(%dma_wait3A_50 : memref<64x128xf32, #tpu.memory_space<hbm>>) dst(%arg5 : memref<64x128xf32, #tpu.memory_space<vmem>>)
      %ge3A = arith.constant 1 : i32
      %ge3A_51 = arith.cmpi sge, %scan3A_39, %ge3A : i32
      %convert_element_type3A_52 = arith.extui %ge3A_51 : i1 to i32
      %cond3A_53 = arith.constant 0 : i32
      %cond3A_54 = arith.cmpi ne, %convert_element_type3A_52, %cond3A_53 : i32
      scf.if %cond3A_54 {
        %dma_wait3A_100 = arith.constant 0 : i32
        %dma_wait3A_101 = arith.constant 0 : i32
        %dma_wait3A_102 = tpu.memref_slice %arg4[%dma_wait3A_100, %dma_wait3A_101] : memref<500000x128xf32, #tpu.memory_space<hbm>> -> memref<64x128xf32, #tpu.memory_space<hbm>>
        %dma_wait3A_103 = arith.constant 0 : i32
        %dma_wait3A_104 = arith.constant 0 : i32
        %dma_wait3A_105 = tpu.memref_slice %arg4[%dma_wait3A_103, %dma_wait3A_104] : memref<500000x128xf32, #tpu.memory_space<hbm>> -> memref<64x128xf32, #tpu.memory_space<hbm>>
        tpu.wait_dma2 semaphore(%arg11 : memref<!tpu.dma_semaphore, #tpu.memory_space<semaphore_mem>>) src(%arg7 : memref<64x128xf32, #tpu.memory_space<vmem>>) dst(%dma_wait3A_105 : memref<64x128xf32, #tpu.memory_space<hbm>>)
      } else {
      }
      %parallel_loop3A = arith.constant 0 : i32
      %parallel_loop3A_55 = arith.constant 64 : i32
      %parallel_loop3A_56 = arith.constant 1 : i32
      scf.for %parallel_loop3A_100 = %parallel_loop3A to %parallel_loop3A_55 step %parallel_loop3A_56  : i32 {
        %parallel_loop3A_101 = tpu.iota {dimensions = array<i32: 0>} : vector<16xi32>
        %parallel_loop3A_102 = vector.broadcast %parallel_loop3A_100 : i32 to vector<16xi32>
        %parallel_loop3A_103 = arith.addi %parallel_loop3A_101, %parallel_loop3A_102 : vector<16xi32>
        %parallel_loop3A_104 = arith.constant 64 : i32
        %parallel_loop3A_105 = vector.broadcast %parallel_loop3A_104 : i32 to vector<16xi32>
        %parallel_loop3A_106 = arith.cmpi sge, %parallel_loop3A_103, %parallel_loop3A_105 : vector<16xi32>
        %parallel_loop3A_107 = arith.constant 64 : i32
        %parallel_loop3A_108 = arith.constant 0 : i32
        %parallel_loop3A_109 = vector.broadcast %parallel_loop3A_107 : i32 to vector<16xi32>
        %parallel_loop3A_110 = vector.broadcast %parallel_loop3A_108 : i32 to vector<16xi32>
        %parallel_loop3A_111 = arith.select %parallel_loop3A_106, %parallel_loop3A_109, %parallel_loop3A_110 : vector<16xi1>, vector<16xi32>
        %parallel_loop3A_112 = arith.subi %parallel_loop3A_103, %parallel_loop3A_111 : vector<16xi32>
        %parallel_loop3A_113 = tpu.iota {dimensions = array<i32: 0>} : vector<16xi32>
        %parallel_loop3A_114 = arith.constant 0 : i32
        %parallel_loop3A_115 = vector.broadcast %parallel_loop3A_114 : i32 to vector<16xi32>
        %parallel_loop3A_116 = arith.addi %parallel_loop3A_113, %parallel_loop3A_115 : vector<16xi32>
        %parallel_loop3A_117 = arith.constant 2 : i32
        %parallel_loop3A_118 = vector.broadcast %parallel_loop3A_117 : i32 to vector<16xi32>
        %parallel_loop3A_119 = arith.muli %parallel_loop3A_118, %parallel_loop3A_112 : vector<16xi32>
        %parallel_loop3A_120 = tpu.vector_load_idx %arg5[%parallel_loop3A_116, %parallel_loop3A_119] : memref<64x128xf32, #tpu.memory_space<vmem>>[vector<16xi32>, vector<16xi32>], vector<16xf32>,
        tpu.vector_store_idx %arg7[%parallel_loop3A_112, %parallel_loop3A_116], %parallel_loop3A_120 : memref<64x128xf32, #tpu.memory_space<vmem>>[vector<16xi32>, vector<16xi32>], vector<16xf32>,
        %parallel_loop3A_121 = arith.constant 2 : i32
        %parallel_loop3A_122 = vector.broadcast %parallel_loop3A_121 : i32 to vector<16xi32>
        %parallel_loop3A_123 = arith.muli %parallel_loop3A_122, %parallel_loop3A_112 : vector<16xi32>
        %parallel_loop3A_124 = arith.constant 1 : i32
        %parallel_loop3A_125 = vector.broadcast %parallel_loop3A_124 : i32 to vector<16xi32>
        %parallel_loop3A_126 = arith.addi %parallel_loop3A_123, %parallel_loop3A_125 : vector<16xi32>
        %parallel_loop3A_127 = tpu.vector_load_idx %arg5[%parallel_loop3A_116, %parallel_loop3A_126] : memref<64x128xf32, #tpu.memory_space<vmem>>[vector<16xi32>, vector<16xi32>], vector<16xf32>,
        %parallel_loop3A_128 = arith.constant 64 : i32
        %parallel_loop3A_129 = vector.broadcast %parallel_loop3A_128 : i32 to vector<16xi32>
        %parallel_loop3A_130 = arith.addi %parallel_loop3A_116, %parallel_loop3A_129 : vector<16xi32>
        tpu.vector_store_idx %arg7[%parallel_loop3A_112, %parallel_loop3A_130], %parallel_loop3A_127 : memref<64x128xf32, #tpu.memory_space<vmem>>[vector<16xi32>, vector<16xi32>], vector<16xf32>,
        %parallel_loop3A_131 = tpu.iota {dimensions = array<i32: 0>} : vector<16xi32>
        %parallel_loop3A_132 = arith.constant 16 : i32
        %parallel_loop3A_133 = vector.broadcast %parallel_loop3A_132 : i32 to vector<16xi32>
        %parallel_loop3A_134 = arith.addi %parallel_loop3A_131, %parallel_loop3A_133 : vector<16xi32>
        %parallel_loop3A_135 = arith.constant 2 : i32
        %parallel_loop3A_136 = vector.broadcast %parallel_loop3A_135 : i32 to vector<16xi32>
        %parallel_loop3A_137 = arith.muli %parallel_loop3A_136, %parallel_loop3A_112 : vector<16xi32>
        %parallel_loop3A_138 = tpu.vector_load_idx %arg5[%parallel_loop3A_134, %parallel_loop3A_137] : memref<64x128xf32, #tpu.memory_space<vmem>>[vector<16xi32>, vector<16xi32>], vector<16xf32>,
        tpu.vector_store_idx %arg7[%parallel_loop3A_112, %parallel_loop3A_134], %parallel_loop3A_138 : memref<64x128xf32, #tpu.memory_space<vmem>>[vector<16xi32>, vector<16xi32>], vector<16xf32>,
        %parallel_loop3A_139 = arith.constant 2 : i32
        %parallel_loop3A_140 = vector.broadcast %parallel_loop3A_139 : i32 to vector<16xi32>
        %parallel_loop3A_141 = arith.muli %parallel_loop3A_140, %parallel_loop3A_112 : vector<16xi32>
        %parallel_loop3A_142 = arith.constant 1 : i32
        %parallel_loop3A_143 = vector.broadcast %parallel_loop3A_142 : i32 to vector<16xi32>
        %parallel_loop3A_144 = arith.addi %parallel_loop3A_141, %parallel_loop3A_143 : vector<16xi32>
        %parallel_loop3A_145 = tpu.vector_load_idx %arg5[%parallel_loop3A_134, %parallel_loop3A_144] : memref<64x128xf32, #tpu.memory_space<vmem>>[vector<16xi32>, vector<16xi32>], vector<16xf32>,
        %parallel_loop3A_146 = arith.constant 64 : i32
        %parallel_loop3A_147 = vector.broadcast %parallel_loop3A_146 : i32 to vector<16xi32>
        %parallel_loop3A_148 = arith.addi %parallel_loop3A_134, %parallel_loop3A_147 : vector<16xi32>
        tpu.vector_store_idx %arg7[%parallel_loop3A_112, %parallel_loop3A_148], %parallel_loop3A_145 : memref<64x128xf32, #tpu.memory_space<vmem>>[vector<16xi32>, vector<16xi32>], vector<16xf32>,
        %parallel_loop3A_149 = tpu.iota {dimensions = array<i32: 0>} : vector<16xi32>
        %parallel_loop3A_150 = arith.constant 32 : i32
        %parallel_loop3A_151 = vector.broadcast %parallel_loop3A_150 : i32 to vector<16xi32>
        %parallel_loop3A_152 = arith.addi %parallel_loop3A_149, %parallel_loop3A_151 : vector<16xi32>
        %parallel_loop3A_153 = arith.constant 2 : i32
        %parallel_loop3A_154 = vector.broadcast %parallel_loop3A_153 : i32 to vector<16xi32>
        %parallel_loop3A_155 = arith.muli %parallel_loop3A_154, %parallel_loop3A_112 : vector<16xi32>
        %parallel_loop3A_156 = tpu.vector_load_idx %arg5[%parallel_loop3A_152, %parallel_loop3A_155] : memref<64x128xf32, #tpu.memory_space<vmem>>[vector<16xi32>, vector<16xi32>], vector<16xf32>,
        tpu.vector_store_idx %arg7[%parallel_loop3A_112, %parallel_loop3A_152], %parallel_loop3A_156 : memref<64x128xf32, #tpu.memory_space<vmem>>[vector<16xi32>, vector<16xi32>], vector<16xf32>,
        %parallel_loop3A_157 = arith.constant 2 : i32
        %parallel_loop3A_158 = vector.broadcast %parallel_loop3A_157 : i32 to vector<16xi32>
        %parallel_loop3A_159 = arith.muli %parallel_loop3A_158, %parallel_loop3A_112 : vector<16xi32>
        %parallel_loop3A_160 = arith.constant 1 : i32
        %parallel_loop3A_161 = vector.broadcast %parallel_loop3A_160 : i32 to vector<16xi32>
        %parallel_loop3A_162 = arith.addi %parallel_loop3A_159, %parallel_loop3A_161 : vector<16xi32>
        %parallel_loop3A_163 = tpu.vector_load_idx %arg5[%parallel_loop3A_152, %parallel_loop3A_162] : memref<64x128xf32, #tpu.memory_space<vmem>>[vector<16xi32>, vector<16xi32>], vector<16xf32>,
        %parallel_loop3A_164 = arith.constant 64 : i32
        %parallel_loop3A_165 = vector.broadcast %parallel_loop3A_164 : i32 to vector<16xi32>
        %parallel_loop3A_166 = arith.addi %parallel_loop3A_152, %parallel_loop3A_165 : vector<16xi32>
        tpu.vector_store_idx %arg7[%parallel_loop3A_112, %parallel_loop3A_166], %parallel_loop3A_163 : memref<64x128xf32, #tpu.memory_space<vmem>>[vector<16xi32>, vector<16xi32>], vector<16xf32>,
        %parallel_loop3A_167 = tpu.iota {dimensions = array<i32: 0>} : vector<16xi32>
        %parallel_loop3A_168 = arith.constant 48 : i32
        %parallel_loop3A_169 = vector.broadcast %parallel_loop3A_168 : i32 to vector<16xi32>
        %parallel_loop3A_170 = arith.addi %parallel_loop3A_167, %parallel_loop3A_169 : vector<16xi32>
        %parallel_loop3A_171 = arith.constant 2 : i32
        %parallel_loop3A_172 = vector.broadcast %parallel_loop3A_171 : i32 to vector<16xi32>
        %parallel_loop3A_173 = arith.muli %parallel_loop3A_172, %parallel_loop3A_112 : vector<16xi32>
        %parallel_loop3A_174 = tpu.vector_load_idx %arg5[%parallel_loop3A_170, %parallel_loop3A_173] : memref<64x128xf32, #tpu.memory_space<vmem>>[vector<16xi32>, vector<16xi32>], vector<16xf32>,
        tpu.vector_store_idx %arg7[%parallel_loop3A_112, %parallel_loop3A_170], %parallel_loop3A_174 : memref<64x128xf32, #tpu.memory_space<vmem>>[vector<16xi32>, vector<16xi32>], vector<16xf32>,
        %parallel_loop3A_175 = arith.constant 2 : i32
        %parallel_loop3A_176 = vector.broadcast %parallel_loop3A_175 : i32 to vector<16xi32>
        %parallel_loop3A_177 = arith.muli %parallel_loop3A_176, %parallel_loop3A_112 : vector<16xi32>
        %parallel_loop3A_178 = arith.constant 1 : i32
        %parallel_loop3A_179 = vector.broadcast %parallel_loop3A_178 : i32 to vector<16xi32>
        %parallel_loop3A_180 = arith.addi %parallel_loop3A_177, %parallel_loop3A_179 : vector<16xi32>
        %parallel_loop3A_181 = tpu.vector_load_idx %arg5[%parallel_loop3A_170, %parallel_loop3A_180] : memref<64x128xf32, #tpu.memory_space<vmem>>[vector<16xi32>, vector<16xi32>], vector<16xf32>,
        %parallel_loop3A_182 = arith.constant 64 : i32
        %parallel_loop3A_183 = vector.broadcast %parallel_loop3A_182 : i32 to vector<16xi32>
        %parallel_loop3A_184 = arith.addi %parallel_loop3A_170, %parallel_loop3A_183 : vector<16xi32>
        tpu.vector_store_idx %arg7[%parallel_loop3A_112, %parallel_loop3A_184], %parallel_loop3A_181 : memref<64x128xf32, #tpu.memory_space<vmem>>[vector<16xi32>, vector<16xi32>], vector<16xf32>,
      } {sc.loop_unroll_factor = 8 : i64, sc.parallel_access}
      %mul3A_57 = arith.constant 64 : i32
      %mul3A_58 = arith.muli %add3A_44, %mul3A_57 : i32
      %multiple_of3A_59 = tpu.assume_multiple %mul3A_58, 64 : i32
      %dma_start3A_60 = arith.constant 0 : i32
      %dma_start3A_61 = tpu.memref_slice %arg4[%multiple_of3A_59, %dma_start3A_60] : memref<500000x128xf32, #tpu.memory_space<hbm>> -> memref<64x128xf32, #tpu.memory_space<hbm>>
      %dma_start3A_62 = arith.constant 0 : i32
      %dma_start3A_63 = tpu.memref_slice %arg4[%multiple_of3A_59, %dma_start3A_62] : memref<500000x128xf32, #tpu.memory_space<hbm>> -> memref<64x128xf32, #tpu.memory_space<hbm>>
      tpu.enqueue_dma source(%arg7 : memref<64x128xf32, #tpu.memory_space<vmem>>) target(%dma_start3A_63 : memref<64x128xf32, #tpu.memory_space<hbm>>) target_semaphore(%arg11 : memref<!tpu.dma_semaphore, #tpu.memory_space<semaphore_mem>>)
      %lt3A_64 = arith.constant 121 : i32
      %lt3A_65 = arith.cmpi slt, %scan3A_39, %lt3A_64 : i32
      %convert_element_type3A_66 = arith.extui %lt3A_65 : i1 to i32
      %cond3A_67 = arith.constant 0 : i32
      %cond3A_68 = arith.cmpi ne, %convert_element_type3A_66, %cond3A_67 : i32
      scf.if %cond3A_68 {
        %add3A_100 = arith.constant 2 : i32
        %add3A_101 = arith.addi %add3A_44, %add3A_100 : i32
        %mul3A_102 = arith.constant 128 : i32
        %mul3A_103 = arith.muli %add3A_101, %mul3A_102 : i32
        %multiple_of3A_104 = tpu.assume_multiple %mul3A_103, 128 : i32
        %dma_start3A_105 = arith.constant 0 : i32
        %dma_start3A_106 = tpu.memref_slice %arg2[%dma_start3A_105, %multiple_of3A_104] : memref<64x1000000xf32, #tpu.memory_space<hbm>> -> memref<64x128xf32, #tpu.memory_space<hbm>>
        %dma_start3A_107 = arith.constant 0 : i32
        %dma_start3A_108 = tpu.memref_slice %arg2[%dma_start3A_107, %multiple_of3A_104] : memref<64x1000000xf32, #tpu.memory_space<hbm>> -> memref<64x128xf32, #tpu.memory_space<hbm>>
        tpu.enqueue_dma source(%dma_start3A_108 : memref<64x128xf32, #tpu.memory_space<hbm>>) target(%arg5 : memref<64x128xf32, #tpu.memory_space<vmem>>) target_semaphore(%arg9 : memref<!tpu.dma_semaphore, #tpu.memory_space<semaphore_mem>>)
      } else {
      }
      %mul3A_69 = arith.constant 2 : i32
      %mul3A_70 = arith.muli %mul3A_69, %scan3A_39 : i32
      %add3A_71 = arith.addi %mul3A_2, %mul3A_70 : i32
      %add3A_72 = arith.constant 1 : i32
      %add3A_73 = arith.addi %add3A_71, %add3A_72 : i32
      %dma_wait3A_74 = arith.constant 0 : i32
      %dma_wait3A_75 = arith.constant 0 : i32
      %dma_wait3A_76 = tpu.memref_slice %arg2[%dma_wait3A_74, %dma_wait3A_75] : memref<64x1000000xf32, #tpu.memory_space<hbm>> -> memref<64x128xf32, #tpu.memory_space<hbm>>
      %dma_wait3A_77 = arith.constant 0 : i32
      %dma_wait3A_78 = arith.constant 0 : i32
      %dma_wait3A_79 = tpu.memref_slice %arg2[%dma_wait3A_77, %dma_wait3A_78] : memref<64x1000000xf32, #tpu.memory_space<hbm>> -> memref<64x128xf32, #tpu.memory_space<hbm>>
      tpu.wait_dma2 semaphore(%arg10 : memref<!tpu.dma_semaphore, #tpu.memory_space<semaphore_mem>>) src(%dma_wait3A_79 : memref<64x128xf32, #tpu.memory_space<hbm>>) dst(%arg6 : memref<64x128xf32, #tpu.memory_space<vmem>>)
      %ge3A_80 = arith.constant 1 : i32
      %ge3A_81 = arith.cmpi sge, %scan3A_39, %ge3A_80 : i32
      %convert_element_type3A_82 = arith.extui %ge3A_81 : i1 to i32
      %cond3A_83 = arith.constant 0 : i32
      %cond3A_84 = arith.cmpi ne, %convert_element_type3A_82, %cond3A_83 : i32
      scf.if %cond3A_84 {
        %dma_wait3A_100 = arith.constant 0 : i32
        %dma_wait3A_101 = arith.constant 0 : i32
        %dma_wait3A_102 = tpu.memref_slice %arg4[%dma_wait3A_100, %dma_wait3A_101] : memref<500000x128xf32, #tpu.memory_space<hbm>> -> memref<64x128xf32, #tpu.memory_space<hbm>>
        %dma_wait3A_103 = arith.constant 0 : i32
        %dma_wait3A_104 = arith.constant 0 : i32
        %dma_wait3A_105 = tpu.memref_slice %arg4[%dma_wait3A_103, %dma_wait3A_104] : memref<500000x128xf32, #tpu.memory_space<hbm>> -> memref<64x128xf32, #tpu.memory_space<hbm>>
        tpu.wait_dma2 semaphore(%arg12 : memref<!tpu.dma_semaphore, #tpu.memory_space<semaphore_mem>>) src(%arg8 : memref<64x128xf32, #tpu.memory_space<vmem>>) dst(%dma_wait3A_105 : memref<64x128xf32, #tpu.memory_space<hbm>>)
      } else {
      }
      %parallel_loop3A_85 = arith.constant 0 : i32
      %parallel_loop3A_86 = arith.constant 64 : i32
      %parallel_loop3A_87 = arith.constant 1 : i32
      scf.for %parallel_loop3A_100 = %parallel_loop3A_85 to %parallel_loop3A_86 step %parallel_loop3A_87  : i32 {
        %parallel_loop3A_101 = tpu.iota {dimensions = array<i32: 0>} : vector<16xi32>
        %parallel_loop3A_102 = vector.broadcast %parallel_loop3A_100 : i32 to vector<16xi32>
        %parallel_loop3A_103 = arith.addi %parallel_loop3A_101, %parallel_loop3A_102 : vector<16xi32>
        %parallel_loop3A_104 = arith.constant 64 : i32
        %parallel_loop3A_105 = vector.broadcast %parallel_loop3A_104 : i32 to vector<16xi32>
        %parallel_loop3A_106 = arith.cmpi sge, %parallel_loop3A_103, %parallel_loop3A_105 : vector<16xi32>
        %parallel_loop3A_107 = arith.constant 64 : i32
        %parallel_loop3A_108 = arith.constant 0 : i32
        %parallel_loop3A_109 = vector.broadcast %parallel_loop3A_107 : i32 to vector<16xi32>
        %parallel_loop3A_110 = vector.broadcast %parallel_loop3A_108 : i32 to vector<16xi32>
        %parallel_loop3A_111 = arith.select %parallel_loop3A_106, %parallel_loop3A_109, %parallel_loop3A_110 : vector<16xi1>, vector<16xi32>
        %parallel_loop3A_112 = arith.subi %parallel_loop3A_103, %parallel_loop3A_111 : vector<16xi32>
        %parallel_loop3A_113 = tpu.iota {dimensions = array<i32: 0>} : vector<16xi32>
        %parallel_loop3A_114 = arith.constant 0 : i32
        %parallel_loop3A_115 = vector.broadcast %parallel_loop3A_114 : i32 to vector<16xi32>
        %parallel_loop3A_116 = arith.addi %parallel_loop3A_113, %parallel_loop3A_115 : vector<16xi32>
        %parallel_loop3A_117 = arith.constant 2 : i32
        %parallel_loop3A_118 = vector.broadcast %parallel_loop3A_117 : i32 to vector<16xi32>
        %parallel_loop3A_119 = arith.muli %parallel_loop3A_118, %parallel_loop3A_112 : vector<16xi32>
        %parallel_loop3A_120 = tpu.vector_load_idx %arg6[%parallel_loop3A_116, %parallel_loop3A_119] : memref<64x128xf32, #tpu.memory_space<vmem>>[vector<16xi32>, vector<16xi32>], vector<16xf32>,
        tpu.vector_store_idx %arg8[%parallel_loop3A_112, %parallel_loop3A_116], %parallel_loop3A_120 : memref<64x128xf32, #tpu.memory_space<vmem>>[vector<16xi32>, vector<16xi32>], vector<16xf32>,
        %parallel_loop3A_121 = arith.constant 2 : i32
        %parallel_loop3A_122 = vector.broadcast %parallel_loop3A_121 : i32 to vector<16xi32>
        %parallel_loop3A_123 = arith.muli %parallel_loop3A_122, %parallel_loop3A_112 : vector<16xi32>
        %parallel_loop3A_124 = arith.constant 1 : i32
        %parallel_loop3A_125 = vector.broadcast %parallel_loop3A_124 : i32 to vector<16xi32>
        %parallel_loop3A_126 = arith.addi %parallel_loop3A_123, %parallel_loop3A_125 : vector<16xi32>
        %parallel_loop3A_127 = tpu.vector_load_idx %arg6[%parallel_loop3A_116, %parallel_loop3A_126] : memref<64x128xf32, #tpu.memory_space<vmem>>[vector<16xi32>, vector<16xi32>], vector<16xf32>,
        %parallel_loop3A_128 = arith.constant 64 : i32
        %parallel_loop3A_129 = vector.broadcast %parallel_loop3A_128 : i32 to vector<16xi32>
        %parallel_loop3A_130 = arith.addi %parallel_loop3A_116, %parallel_loop3A_129 : vector<16xi32>
        tpu.vector_store_idx %arg8[%parallel_loop3A_112, %parallel_loop3A_130], %parallel_loop3A_127 : memref<64x128xf32, #tpu.memory_space<vmem>>[vector<16xi32>, vector<16xi32>], vector<16xf32>,
        %parallel_loop3A_131 = tpu.iota {dimensions = array<i32: 0>} : vector<16xi32>
        %parallel_loop3A_132 = arith.constant 16 : i32
        %parallel_loop3A_133 = vector.broadcast %parallel_loop3A_132 : i32 to vector<16xi32>
        %parallel_loop3A_134 = arith.addi %parallel_loop3A_131, %parallel_loop3A_133 : vector<16xi32>
        %parallel_loop3A_135 = arith.constant 2 : i32
        %parallel_loop3A_136 = vector.broadcast %parallel_loop3A_135 : i32 to vector<16xi32>
        %parallel_loop3A_137 = arith.muli %parallel_loop3A_136, %parallel_loop3A_112 : vector<16xi32>
        %parallel_loop3A_138 = tpu.vector_load_idx %arg6[%parallel_loop3A_134, %parallel_loop3A_137] : memref<64x128xf32, #tpu.memory_space<vmem>>[vector<16xi32>, vector<16xi32>], vector<16xf32>,
        tpu.vector_store_idx %arg8[%parallel_loop3A_112, %parallel_loop3A_134], %parallel_loop3A_138 : memref<64x128xf32, #tpu.memory_space<vmem>>[vector<16xi32>, vector<16xi32>], vector<16xf32>,
        %parallel_loop3A_139 = arith.constant 2 : i32
        %parallel_loop3A_140 = vector.broadcast %parallel_loop3A_139 : i32 to vector<16xi32>
        %parallel_loop3A_141 = arith.muli %parallel_loop3A_140, %parallel_loop3A_112 : vector<16xi32>
        %parallel_loop3A_142 = arith.constant 1 : i32
        %parallel_loop3A_143 = vector.broadcast %parallel_loop3A_142 : i32 to vector<16xi32>
        %parallel_loop3A_144 = arith.addi %parallel_loop3A_141, %parallel_loop3A_143 : vector<16xi32>
        %parallel_loop3A_145 = tpu.vector_load_idx %arg6[%parallel_loop3A_134, %parallel_loop3A_144] : memref<64x128xf32, #tpu.memory_space<vmem>>[vector<16xi32>, vector<16xi32>], vector<16xf32>,
        %parallel_loop3A_146 = arith.constant 64 : i32
        %parallel_loop3A_147 = vector.broadcast %parallel_loop3A_146 : i32 to vector<16xi32>
        %parallel_loop3A_148 = arith.addi %parallel_loop3A_134, %parallel_loop3A_147 : vector<16xi32>
        tpu.vector_store_idx %arg8[%parallel_loop3A_112, %parallel_loop3A_148], %parallel_loop3A_145 : memref<64x128xf32, #tpu.memory_space<vmem>>[vector<16xi32>, vector<16xi32>], vector<16xf32>,
        %parallel_loop3A_149 = tpu.iota {dimensions = array<i32: 0>} : vector<16xi32>
        %parallel_loop3A_150 = arith.constant 32 : i32
        %parallel_loop3A_151 = vector.broadcast %parallel_loop3A_150 : i32 to vector<16xi32>
        %parallel_loop3A_152 = arith.addi %parallel_loop3A_149, %parallel_loop3A_151 : vector<16xi32>
        %parallel_loop3A_153 = arith.constant 2 : i32
        %parallel_loop3A_154 = vector.broadcast %parallel_loop3A_153 : i32 to vector<16xi32>
        %parallel_loop3A_155 = arith.muli %parallel_loop3A_154, %parallel_loop3A_112 : vector<16xi32>
        %parallel_loop3A_156 = tpu.vector_load_idx %arg6[%parallel_loop3A_152, %parallel_loop3A_155] : memref<64x128xf32, #tpu.memory_space<vmem>>[vector<16xi32>, vector<16xi32>], vector<16xf32>,
        tpu.vector_store_idx %arg8[%parallel_loop3A_112, %parallel_loop3A_152], %parallel_loop3A_156 : memref<64x128xf32, #tpu.memory_space<vmem>>[vector<16xi32>, vector<16xi32>], vector<16xf32>,
        %parallel_loop3A_157 = arith.constant 2 : i32
        %parallel_loop3A_158 = vector.broadcast %parallel_loop3A_157 : i32 to vector<16xi32>
        %parallel_loop3A_159 = arith.muli %parallel_loop3A_158, %parallel_loop3A_112 : vector<16xi32>
        %parallel_loop3A_160 = arith.constant 1 : i32
        %parallel_loop3A_161 = vector.broadcast %parallel_loop3A_160 : i32 to vector<16xi32>
        %parallel_loop3A_162 = arith.addi %parallel_loop3A_159, %parallel_loop3A_161 : vector<16xi32>
        %parallel_loop3A_163 = tpu.vector_load_idx %arg6[%parallel_loop3A_152, %parallel_loop3A_162] : memref<64x128xf32, #tpu.memory_space<vmem>>[vector<16xi32>, vector<16xi32>], vector<16xf32>,
        %parallel_loop3A_164 = arith.constant 64 : i32
        %parallel_loop3A_165 = vector.broadcast %parallel_loop3A_164 : i32 to vector<16xi32>
        %parallel_loop3A_166 = arith.addi %parallel_loop3A_152, %parallel_loop3A_165 : vector<16xi32>
        tpu.vector_store_idx %arg8[%parallel_loop3A_112, %parallel_loop3A_166], %parallel_loop3A_163 : memref<64x128xf32, #tpu.memory_space<vmem>>[vector<16xi32>, vector<16xi32>], vector<16xf32>,
        %parallel_loop3A_167 = tpu.iota {dimensions = array<i32: 0>} : vector<16xi32>
        %parallel_loop3A_168 = arith.constant 48 : i32
        %parallel_loop3A_169 = vector.broadcast %parallel_loop3A_168 : i32 to vector<16xi32>
        %parallel_loop3A_170 = arith.addi %parallel_loop3A_167, %parallel_loop3A_169 : vector<16xi32>
        %parallel_loop3A_171 = arith.constant 2 : i32
        %parallel_loop3A_172 = vector.broadcast %parallel_loop3A_171 : i32 to vector<16xi32>
        %parallel_loop3A_173 = arith.muli %parallel_loop3A_172, %parallel_loop3A_112 : vector<16xi32>
        %parallel_loop3A_174 = tpu.vector_load_idx %arg6[%parallel_loop3A_170, %parallel_loop3A_173] : memref<64x128xf32, #tpu.memory_space<vmem>>[vector<16xi32>, vector<16xi32>], vector<16xf32>,
        tpu.vector_store_idx %arg8[%parallel_loop3A_112, %parallel_loop3A_170], %parallel_loop3A_174 : memref<64x128xf32, #tpu.memory_space<vmem>>[vector<16xi32>, vector<16xi32>], vector<16xf32>,
        %parallel_loop3A_175 = arith.constant 2 : i32
        %parallel_loop3A_176 = vector.broadcast %parallel_loop3A_175 : i32 to vector<16xi32>
        %parallel_loop3A_177 = arith.muli %parallel_loop3A_176, %parallel_loop3A_112 : vector<16xi32>
        %parallel_loop3A_178 = arith.constant 1 : i32
        %parallel_loop3A_179 = vector.broadcast %parallel_loop3A_178 : i32 to vector<16xi32>
        %parallel_loop3A_180 = arith.addi %parallel_loop3A_177, %parallel_loop3A_179 : vector<16xi32>
        %parallel_loop3A_181 = tpu.vector_load_idx %arg6[%parallel_loop3A_170, %parallel_loop3A_180] : memref<64x128xf32, #tpu.memory_space<vmem>>[vector<16xi32>, vector<16xi32>], vector<16xf32>,
        %parallel_loop3A_182 = arith.constant 64 : i32
        %parallel_loop3A_183 = vector.broadcast %parallel_loop3A_182 : i32 to vector<16xi32>
        %parallel_loop3A_184 = arith.addi %parallel_loop3A_170, %parallel_loop3A_183 : vector<16xi32>
        tpu.vector_store_idx %arg8[%parallel_loop3A_112, %parallel_loop3A_184], %parallel_loop3A_181 : memref<64x128xf32, #tpu.memory_space<vmem>>[vector<16xi32>, vector<16xi32>], vector<16xf32>,
      } {sc.loop_unroll_factor = 8 : i64, sc.parallel_access}
      %mul3A_88 = arith.constant 64 : i32
      %mul3A_89 = arith.muli %add3A_73, %mul3A_88 : i32
      %multiple_of3A_90 = tpu.assume_multiple %mul3A_89, 64 : i32
      %dma_start3A_91 = arith.constant 0 : i32
      %dma_start3A_92 = tpu.memref_slice %arg4[%multiple_of3A_90, %dma_start3A_91] : memref<500000x128xf32, #tpu.memory_space<hbm>> -> memref<64x128xf32, #tpu.memory_space<hbm>>
      %dma_start3A_93 = arith.constant 0 : i32
      %dma_start3A_94 = tpu.memref_slice %arg4[%multiple_of3A_90, %dma_start3A_93] : memref<500000x128xf32, #tpu.memory_space<hbm>> -> memref<64x128xf32, #tpu.memory_space<hbm>>
      tpu.enqueue_dma source(%arg8 : memref<64x128xf32, #tpu.memory_space<vmem>>) target(%dma_start3A_94 : memref<64x128xf32, #tpu.memory_space<hbm>>) target_semaphore(%arg12 : memref<!tpu.dma_semaphore, #tpu.memory_space<semaphore_mem>>)
      %lt3A_95 = arith.constant 121 : i32
      %lt3A_96 = arith.cmpi slt, %scan3A_39, %lt3A_95 : i32
      %convert_element_type3A_97 = arith.extui %lt3A_96 : i1 to i32
      %cond3A_98 = arith.constant 0 : i32
      %cond3A_99 = arith.cmpi ne, %convert_element_type3A_97, %cond3A_98 : i32
      scf.if %cond3A_99 {
        %add3A_100 = arith.constant 2 : i32
        %add3A_101 = arith.addi %add3A_73, %add3A_100 : i32
        %mul3A_102 = arith.constant 128 : i32
        %mul3A_103 = arith.muli %add3A_101, %mul3A_102 : i32
        %multiple_of3A_104 = tpu.assume_multiple %mul3A_103, 128 : i32
        %dma_start3A_105 = arith.constant 0 : i32
        %dma_start3A_106 = tpu.memref_slice %arg2[%dma_start3A_105, %multiple_of3A_104] : memref<64x1000000xf32, #tpu.memory_space<hbm>> -> memref<64x128xf32, #tpu.memory_space<hbm>>
        %dma_start3A_107 = arith.constant 0 : i32
        %dma_start3A_108 = tpu.memref_slice %arg2[%dma_start3A_107, %multiple_of3A_104] : memref<64x1000000xf32, #tpu.memory_space<hbm>> -> memref<64x128xf32, #tpu.memory_space<hbm>>
        tpu.enqueue_dma source(%dma_start3A_108 : memref<64x128xf32, #tpu.memory_space<hbm>>) target(%arg6 : memref<64x128xf32, #tpu.memory_space<vmem>>) target_semaphore(%arg10 : memref<!tpu.dma_semaphore, #tpu.memory_space<semaphore_mem>>)
      } else {
      }
    }
    %scan3A_21 = arith.constant 122 : i32
    %dma_wait3A = arith.constant 0 : i32
    %dma_wait3A_22 = arith.constant 0 : i32
    %dma_wait3A_23 = tpu.memref_slice %arg4[%dma_wait3A, %dma_wait3A_22] : memref<500000x128xf32, #tpu.memory_space<hbm>> -> memref<64x128xf32, #tpu.memory_space<hbm>>
    %dma_wait3A_24 = arith.constant 0 : i32
    %dma_wait3A_25 = arith.constant 0 : i32
    %dma_wait3A_26 = tpu.memref_slice %arg4[%dma_wait3A_24, %dma_wait3A_25] : memref<500000x128xf32, #tpu.memory_space<hbm>> -> memref<64x128xf32, #tpu.memory_space<hbm>>
    tpu.wait_dma2 semaphore(%arg11 : memref<!tpu.dma_semaphore, #tpu.memory_space<semaphore_mem>>) src(%arg7 : memref<64x128xf32, #tpu.memory_space<vmem>>) dst(%dma_wait3A_26 : memref<64x128xf32, #tpu.memory_space<hbm>>)
    %dma_wait3A_27 = arith.constant 0 : i32
    %dma_wait3A_28 = arith.constant 0 : i32
    %dma_wait3A_29 = tpu.memref_slice %arg4[%dma_wait3A_27, %dma_wait3A_28] : memref<500000x128xf32, #tpu.memory_space<hbm>> -> memref<64x128xf32, #tpu.memory_space<hbm>>
    %dma_wait3A_30 = arith.constant 0 : i32
    %dma_wait3A_31 = arith.constant 0 : i32
    %dma_wait3A_32 = tpu.memref_slice %arg4[%dma_wait3A_30, %dma_wait3A_31] : memref<500000x128xf32, #tpu.memory_space<hbm>> -> memref<64x128xf32, #tpu.memory_space<hbm>>
    tpu.wait_dma2 semaphore(%arg12 : memref<!tpu.dma_semaphore, #tpu.memory_space<semaphore_mem>>) src(%arg8 : memref<64x128xf32, #tpu.memory_space<vmem>>) dst(%dma_wait3A_32 : memref<64x128xf32, #tpu.memory_space<hbm>>)
    %lt3A = arith.constant 4 : i32
    %lt3A_33 = arith.cmpi slt, %add3A, %lt3A : i32
    %convert_element_type3A = arith.extui %lt3A_33 : i1 to i32
    %cond3A = arith.constant 0 : i32
    %cond3A_34 = arith.cmpi ne, %convert_element_type3A, %cond3A : i32
    scf.if %cond3A_34 {
      %add3A_39 = arith.constant 7808 : i32
      %add3A_40 = arith.addi %add3A_39, %add3A : i32
      %mul3A_41 = arith.constant 128 : i32
      %mul3A_42 = arith.muli %add3A_40, %mul3A_41 : i32
      %multiple_of3A_43 = tpu.assume_multiple %mul3A_42, 128 : i32
      %dma_start3A_44 = arith.constant 0 : i32
      %dma_start3A_45 = tpu.memref_slice %arg2[%dma_start3A_44, %multiple_of3A_43] : memref<64x1000000xf32, #tpu.memory_space<hbm>> -> memref<64x128xf32, #tpu.memory_space<hbm>>
      %dma_start3A_46 = arith.constant 0 : i32
      %dma_start3A_47 = tpu.memref_slice %arg2[%dma_start3A_46, %multiple_of3A_43] : memref<64x1000000xf32, #tpu.memory_space<hbm>> -> memref<64x128xf32, #tpu.memory_space<hbm>>
      tpu.enqueue_dma source(%dma_start3A_47 : memref<64x128xf32, #tpu.memory_space<hbm>>) target(%arg5 : memref<64x128xf32, #tpu.memory_space<vmem>>) target_semaphore(%arg9 : memref<!tpu.dma_semaphore, #tpu.memory_space<semaphore_mem>>)
      %dma_wait3A_48 = arith.constant 0 : i32
      %dma_wait3A_49 = arith.constant 0 : i32
      %dma_wait3A_50 = tpu.memref_slice %arg2[%dma_wait3A_48, %dma_wait3A_49] : memref<64x1000000xf32, #tpu.memory_space<hbm>> -> memref<64x128xf32, #tpu.memory_space<hbm>>
      %dma_wait3A_51 = arith.constant 0 : i32
      %dma_wait3A_52 = arith.constant 0 : i32
      %dma_wait3A_53 = tpu.memref_slice %arg2[%dma_wait3A_51, %dma_wait3A_52] : memref<64x1000000xf32, #tpu.memory_space<hbm>> -> memref<64x128xf32, #tpu.memory_space<hbm>>
      tpu.wait_dma2 semaphore(%arg9 : memref<!tpu.dma_semaphore, #tpu.memory_space<semaphore_mem>>) src(%dma_wait3A_53 : memref<64x128xf32, #tpu.memory_space<hbm>>) dst(%arg5 : memref<64x128xf32, #tpu.memory_space<vmem>>)
      %parallel_loop3A = arith.constant 0 : i32
      %parallel_loop3A_54 = arith.constant 64 : i32
      %parallel_loop3A_55 = arith.constant 1 : i32
      scf.for %parallel_loop3A_69 = %parallel_loop3A to %parallel_loop3A_54 step %parallel_loop3A_55  : i32 {
        %parallel_loop3A_70 = tpu.iota {dimensions = array<i32: 0>} : vector<16xi32>
        %parallel_loop3A_71 = vector.broadcast %parallel_loop3A_69 : i32 to vector<16xi32>
        %parallel_loop3A_72 = arith.addi %parallel_loop3A_70, %parallel_loop3A_71 : vector<16xi32>
        %parallel_loop3A_73 = arith.constant 64 : i32
        %parallel_loop3A_74 = vector.broadcast %parallel_loop3A_73 : i32 to vector<16xi32>
        %parallel_loop3A_75 = arith.cmpi sge, %parallel_loop3A_72, %parallel_loop3A_74 : vector<16xi32>
        %parallel_loop3A_76 = arith.constant 64 : i32
        %parallel_loop3A_77 = arith.constant 0 : i32
        %parallel_loop3A_78 = vector.broadcast %parallel_loop3A_76 : i32 to vector<16xi32>
        %parallel_loop3A_79 = vector.broadcast %parallel_loop3A_77 : i32 to vector<16xi32>
        %parallel_loop3A_80 = arith.select %parallel_loop3A_75, %parallel_loop3A_78, %parallel_loop3A_79 : vector<16xi1>, vector<16xi32>
        %parallel_loop3A_81 = arith.subi %parallel_loop3A_72, %parallel_loop3A_80 : vector<16xi32>
        %parallel_loop3A_82 = tpu.iota {dimensions = array<i32: 0>} : vector<16xi32>
        %parallel_loop3A_83 = arith.constant 0 : i32
        %parallel_loop3A_84 = vector.broadcast %parallel_loop3A_83 : i32 to vector<16xi32>
        %parallel_loop3A_85 = arith.addi %parallel_loop3A_82, %parallel_loop3A_84 : vector<16xi32>
        %parallel_loop3A_86 = arith.constant 2 : i32
        %parallel_loop3A_87 = vector.broadcast %parallel_loop3A_86 : i32 to vector<16xi32>
        %parallel_loop3A_88 = arith.muli %parallel_loop3A_87, %parallel_loop3A_81 : vector<16xi32>
        %parallel_loop3A_89 = tpu.vector_load_idx %arg5[%parallel_loop3A_85, %parallel_loop3A_88] : memref<64x128xf32, #tpu.memory_space<vmem>>[vector<16xi32>, vector<16xi32>], vector<16xf32>,
        tpu.vector_store_idx %arg7[%parallel_loop3A_81, %parallel_loop3A_85], %parallel_loop3A_89 : memref<64x128xf32, #tpu.memory_space<vmem>>[vector<16xi32>, vector<16xi32>], vector<16xf32>,
        %parallel_loop3A_90 = arith.constant 2 : i32
        %parallel_loop3A_91 = vector.broadcast %parallel_loop3A_90 : i32 to vector<16xi32>
        %parallel_loop3A_92 = arith.muli %parallel_loop3A_91, %parallel_loop3A_81 : vector<16xi32>
        %parallel_loop3A_93 = arith.constant 1 : i32
        %parallel_loop3A_94 = vector.broadcast %parallel_loop3A_93 : i32 to vector<16xi32>
        %parallel_loop3A_95 = arith.addi %parallel_loop3A_92, %parallel_loop3A_94 : vector<16xi32>
        %parallel_loop3A_96 = tpu.vector_load_idx %arg5[%parallel_loop3A_85, %parallel_loop3A_95] : memref<64x128xf32, #tpu.memory_space<vmem>>[vector<16xi32>, vector<16xi32>], vector<16xf32>,
        %parallel_loop3A_97 = arith.constant 64 : i32
        %parallel_loop3A_98 = vector.broadcast %parallel_loop3A_97 : i32 to vector<16xi32>
        %parallel_loop3A_99 = arith.addi %parallel_loop3A_85, %parallel_loop3A_98 : vector<16xi32>
        tpu.vector_store_idx %arg7[%parallel_loop3A_81, %parallel_loop3A_99], %parallel_loop3A_96 : memref<64x128xf32, #tpu.memory_space<vmem>>[vector<16xi32>, vector<16xi32>], vector<16xf32>,
        %parallel_loop3A_100 = tpu.iota {dimensions = array<i32: 0>} : vector<16xi32>
        %parallel_loop3A_101 = arith.constant 16 : i32
        %parallel_loop3A_102 = vector.broadcast %parallel_loop3A_101 : i32 to vector<16xi32>
        %parallel_loop3A_103 = arith.addi %parallel_loop3A_100, %parallel_loop3A_102 : vector<16xi32>
        %parallel_loop3A_104 = arith.constant 2 : i32
        %parallel_loop3A_105 = vector.broadcast %parallel_loop3A_104 : i32 to vector<16xi32>
        %parallel_loop3A_106 = arith.muli %parallel_loop3A_105, %parallel_loop3A_81 : vector<16xi32>
        %parallel_loop3A_107 = tpu.vector_load_idx %arg5[%parallel_loop3A_103, %parallel_loop3A_106] : memref<64x128xf32, #tpu.memory_space<vmem>>[vector<16xi32>, vector<16xi32>], vector<16xf32>,
        tpu.vector_store_idx %arg7[%parallel_loop3A_81, %parallel_loop3A_103], %parallel_loop3A_107 : memref<64x128xf32, #tpu.memory_space<vmem>>[vector<16xi32>, vector<16xi32>], vector<16xf32>,
        %parallel_loop3A_108 = arith.constant 2 : i32
        %parallel_loop3A_109 = vector.broadcast %parallel_loop3A_108 : i32 to vector<16xi32>
        %parallel_loop3A_110 = arith.muli %parallel_loop3A_109, %parallel_loop3A_81 : vector<16xi32>
        %parallel_loop3A_111 = arith.constant 1 : i32
        %parallel_loop3A_112 = vector.broadcast %parallel_loop3A_111 : i32 to vector<16xi32>
        %parallel_loop3A_113 = arith.addi %parallel_loop3A_110, %parallel_loop3A_112 : vector<16xi32>
        %parallel_loop3A_114 = tpu.vector_load_idx %arg5[%parallel_loop3A_103, %parallel_loop3A_113] : memref<64x128xf32, #tpu.memory_space<vmem>>[vector<16xi32>, vector<16xi32>], vector<16xf32>,
        %parallel_loop3A_115 = arith.constant 64 : i32
        %parallel_loop3A_116 = vector.broadcast %parallel_loop3A_115 : i32 to vector<16xi32>
        %parallel_loop3A_117 = arith.addi %parallel_loop3A_103, %parallel_loop3A_116 : vector<16xi32>
        tpu.vector_store_idx %arg7[%parallel_loop3A_81, %parallel_loop3A_117], %parallel_loop3A_114 : memref<64x128xf32, #tpu.memory_space<vmem>>[vector<16xi32>, vector<16xi32>], vector<16xf32>,
        %parallel_loop3A_118 = tpu.iota {dimensions = array<i32: 0>} : vector<16xi32>
        %parallel_loop3A_119 = arith.constant 32 : i32
        %parallel_loop3A_120 = vector.broadcast %parallel_loop3A_119 : i32 to vector<16xi32>
        %parallel_loop3A_121 = arith.addi %parallel_loop3A_118, %parallel_loop3A_120 : vector<16xi32>
        %parallel_loop3A_122 = arith.constant 2 : i32
        %parallel_loop3A_123 = vector.broadcast %parallel_loop3A_122 : i32 to vector<16xi32>
        %parallel_loop3A_124 = arith.muli %parallel_loop3A_123, %parallel_loop3A_81 : vector<16xi32>
        %parallel_loop3A_125 = tpu.vector_load_idx %arg5[%parallel_loop3A_121, %parallel_loop3A_124] : memref<64x128xf32, #tpu.memory_space<vmem>>[vector<16xi32>, vector<16xi32>], vector<16xf32>,
        tpu.vector_store_idx %arg7[%parallel_loop3A_81, %parallel_loop3A_121], %parallel_loop3A_125 : memref<64x128xf32, #tpu.memory_space<vmem>>[vector<16xi32>, vector<16xi32>], vector<16xf32>,
        %parallel_loop3A_126 = arith.constant 2 : i32
        %parallel_loop3A_127 = vector.broadcast %parallel_loop3A_126 : i32 to vector<16xi32>
        %parallel_loop3A_128 = arith.muli %parallel_loop3A_127, %parallel_loop3A_81 : vector<16xi32>
        %parallel_loop3A_129 = arith.constant 1 : i32
        %parallel_loop3A_130 = vector.broadcast %parallel_loop3A_129 : i32 to vector<16xi32>
        %parallel_loop3A_131 = arith.addi %parallel_loop3A_128, %parallel_loop3A_130 : vector<16xi32>
        %parallel_loop3A_132 = tpu.vector_load_idx %arg5[%parallel_loop3A_121, %parallel_loop3A_131] : memref<64x128xf32, #tpu.memory_space<vmem>>[vector<16xi32>, vector<16xi32>], vector<16xf32>,
        %parallel_loop3A_133 = arith.constant 64 : i32
        %parallel_loop3A_134 = vector.broadcast %parallel_loop3A_133 : i32 to vector<16xi32>
        %parallel_loop3A_135 = arith.addi %parallel_loop3A_121, %parallel_loop3A_134 : vector<16xi32>
        tpu.vector_store_idx %arg7[%parallel_loop3A_81, %parallel_loop3A_135], %parallel_loop3A_132 : memref<64x128xf32, #tpu.memory_space<vmem>>[vector<16xi32>, vector<16xi32>], vector<16xf32>,
        %parallel_loop3A_136 = tpu.iota {dimensions = array<i32: 0>} : vector<16xi32>
        %parallel_loop3A_137 = arith.constant 48 : i32
        %parallel_loop3A_138 = vector.broadcast %parallel_loop3A_137 : i32 to vector<16xi32>
        %parallel_loop3A_139 = arith.addi %parallel_loop3A_136, %parallel_loop3A_138 : vector<16xi32>
        %parallel_loop3A_140 = arith.constant 2 : i32
        %parallel_loop3A_141 = vector.broadcast %parallel_loop3A_140 : i32 to vector<16xi32>
        %parallel_loop3A_142 = arith.muli %parallel_loop3A_141, %parallel_loop3A_81 : vector<16xi32>
        %parallel_loop3A_143 = tpu.vector_load_idx %arg5[%parallel_loop3A_139, %parallel_loop3A_142] : memref<64x128xf32, #tpu.memory_space<vmem>>[vector<16xi32>, vector<16xi32>], vector<16xf32>,
        tpu.vector_store_idx %arg7[%parallel_loop3A_81, %parallel_loop3A_139], %parallel_loop3A_143 : memref<64x128xf32, #tpu.memory_space<vmem>>[vector<16xi32>, vector<16xi32>], vector<16xf32>,
        %parallel_loop3A_144 = arith.constant 2 : i32
        %parallel_loop3A_145 = vector.broadcast %parallel_loop3A_144 : i32 to vector<16xi32>
        %parallel_loop3A_146 = arith.muli %parallel_loop3A_145, %parallel_loop3A_81 : vector<16xi32>
        %parallel_loop3A_147 = arith.constant 1 : i32
        %parallel_loop3A_148 = vector.broadcast %parallel_loop3A_147 : i32 to vector<16xi32>
        %parallel_loop3A_149 = arith.addi %parallel_loop3A_146, %parallel_loop3A_148 : vector<16xi32>
        %parallel_loop3A_150 = tpu.vector_load_idx %arg5[%parallel_loop3A_139, %parallel_loop3A_149] : memref<64x128xf32, #tpu.memory_space<vmem>>[vector<16xi32>, vector<16xi32>], vector<16xf32>,
        %parallel_loop3A_151 = arith.constant 64 : i32
        %parallel_loop3A_152 = vector.broadcast %parallel_loop3A_151 : i32 to vector<16xi32>
        %parallel_loop3A_153 = arith.addi %parallel_loop3A_139, %parallel_loop3A_152 : vector<16xi32>
        tpu.vector_store_idx %arg7[%parallel_loop3A_81, %parallel_loop3A_153], %parallel_loop3A_150 : memref<64x128xf32, #tpu.memory_space<vmem>>[vector<16xi32>, vector<16xi32>], vector<16xf32>,
      } {sc.loop_unroll_factor = 8 : i64, sc.parallel_access}
      %mul3A_56 = arith.constant 64 : i32
      %mul3A_57 = arith.muli %add3A_40, %mul3A_56 : i32
      %multiple_of3A_58 = tpu.assume_multiple %mul3A_57, 64 : i32
      %dma_start3A_59 = arith.constant 0 : i32
      %dma_start3A_60 = tpu.memref_slice %arg4[%multiple_of3A_58, %dma_start3A_59] : memref<500000x128xf32, #tpu.memory_space<hbm>> -> memref<64x128xf32, #tpu.memory_space<hbm>>
      %dma_start3A_61 = arith.constant 0 : i32
      %dma_start3A_62 = tpu.memref_slice %arg4[%multiple_of3A_58, %dma_start3A_61] : memref<500000x128xf32, #tpu.memory_space<hbm>> -> memref<64x128xf32, #tpu.memory_space<hbm>>
      tpu.enqueue_dma source(%arg7 : memref<64x128xf32, #tpu.memory_space<vmem>>) target(%dma_start3A_62 : memref<64x128xf32, #tpu.memory_space<hbm>>) target_semaphore(%arg11 : memref<!tpu.dma_semaphore, #tpu.memory_space<semaphore_mem>>)
      %dma_wait3A_63 = arith.constant 0 : i32
      %dma_wait3A_64 = arith.constant 0 : i32
      %dma_wait3A_65 = tpu.memref_slice %arg4[%dma_wait3A_63, %dma_wait3A_64] : memref<500000x128xf32, #tpu.memory_space<hbm>> -> memref<64x128xf32, #tpu.memory_space<hbm>>
      %dma_wait3A_66 = arith.constant 0 : i32
      %dma_wait3A_67 = arith.constant 0 : i32
      %dma_wait3A_68 = tpu.memref_slice %arg4[%dma_wait3A_66, %dma_wait3A_67] : memref<500000x128xf32, #tpu.memory_space<hbm>> -> memref<64x128xf32, #tpu.memory_space<hbm>>
      tpu.wait_dma2 semaphore(%arg11 : memref<!tpu.dma_semaphore, #tpu.memory_space<semaphore_mem>>) src(%arg7 : memref<64x128xf32, #tpu.memory_space<vmem>>) dst(%dma_wait3A_68 : memref<64x128xf32, #tpu.memory_space<hbm>>)
    } else {
    }
    %eq3A = arith.constant 4 : i32
    %eq3A_35 = arith.cmpi eq, %add3A, %eq3A : i32
    %convert_element_type3A_36 = arith.extui %eq3A_35 : i1 to i32
    %cond3A_37 = arith.constant 0 : i32
    %cond3A_38 = arith.cmpi ne, %convert_element_type3A_36, %cond3A_37 : i32
    scf.if %cond3A_38 {
      %dma_start3A_39 = arith.constant 0 : i32
      %dma_start3A_40 = arith.constant 0 : i32
      %dma_start3A_41 = tpu.memref_slice %arg5[%dma_start3A_39, %dma_start3A_40] : memref<64x128xf32, #tpu.memory_space<vmem>> -> memref<32x128xf32, #tpu.memory_space<vmem>>
      %dma_start3A_42 = arith.constant 0 : i32
      %dma_start3A_43 = arith.constant 0 : i32
      %dma_start3A_44 = tpu.memref_slice %arg5[%dma_start3A_42, %dma_start3A_43] : memref<64x128xf32, #tpu.memory_space<vmem>> -> memref<32x128xf32, #tpu.memory_space<vmem>>
      tpu.enqueue_dma source(%arg3 : memref<32x128xf32, #tpu.memory_space<hbm>>) target(%dma_start3A_44 : memref<32x128xf32, #tpu.memory_space<vmem>>) target_semaphore(%arg9 : memref<!tpu.dma_semaphore, #tpu.memory_space<semaphore_mem>>)
      %dma_wait3A_45 = arith.constant 0 : i32
      %dma_wait3A_46 = arith.constant 0 : i32
      %dma_wait3A_47 = tpu.memref_slice %arg5[%dma_wait3A_45, %dma_wait3A_46] : memref<64x128xf32, #tpu.memory_space<vmem>> -> memref<32x128xf32, #tpu.memory_space<vmem>>
      %dma_wait3A_48 = arith.constant 0 : i32
      %dma_wait3A_49 = arith.constant 0 : i32
      %dma_wait3A_50 = tpu.memref_slice %arg5[%dma_wait3A_48, %dma_wait3A_49] : memref<64x128xf32, #tpu.memory_space<vmem>> -> memref<32x128xf32, #tpu.memory_space<vmem>>
      tpu.wait_dma2 semaphore(%arg9 : memref<!tpu.dma_semaphore, #tpu.memory_space<semaphore_mem>>) src(%arg3 : memref<32x128xf32, #tpu.memory_space<hbm>>) dst(%dma_wait3A_50 : memref<32x128xf32, #tpu.memory_space<vmem>>)
      %dma_start3A_51 = arith.constant 0 : i32
      %dma_start3A_52 = arith.constant 0 : i32
      %dma_start3A_53 = tpu.memref_slice %arg5[%dma_start3A_51, %dma_start3A_52] : memref<64x128xf32, #tpu.memory_space<vmem>> -> memref<32x128xf32, #tpu.memory_space<vmem>>
      %dma_start3A_54 = arith.constant 499968 : i32
      %dma_start3A_55 = arith.constant 0 : i32
      %dma_start3A_56 = tpu.memref_slice %arg4[%dma_start3A_54, %dma_start3A_55] : memref<500000x128xf32, #tpu.memory_space<hbm>> -> memref<32x128xf32, #tpu.memory_space<hbm>>
      %dma_start3A_57 = arith.constant 499968 : i32
      %dma_start3A_58 = arith.constant 0 : i32
      %dma_start3A_59 = tpu.memref_slice %arg4[%dma_start3A_57, %dma_start3A_58] : memref<500000x128xf32, #tpu.memory_space<hbm>> -> memref<32x128xf32, #tpu.memory_space<hbm>>
      %dma_start3A_60 = arith.constant 0 : i32
      %dma_start3A_61 = arith.constant 0 : i32
      %dma_start3A_62 = tpu.memref_slice %arg5[%dma_start3A_60, %dma_start3A_61] : memref<64x128xf32, #tpu.memory_space<vmem>> -> memref<32x128xf32, #tpu.memory_space<vmem>>
      tpu.enqueue_dma source(%dma_start3A_62 : memref<32x128xf32, #tpu.memory_space<vmem>>) target(%dma_start3A_59 : memref<32x128xf32, #tpu.memory_space<hbm>>) target_semaphore(%arg11 : memref<!tpu.dma_semaphore, #tpu.memory_space<semaphore_mem>>)
      %dma_wait3A_63 = arith.constant 0 : i32
      %dma_wait3A_64 = arith.constant 0 : i32
      %dma_wait3A_65 = tpu.memref_slice %arg5[%dma_wait3A_63, %dma_wait3A_64] : memref<64x128xf32, #tpu.memory_space<vmem>> -> memref<32x128xf32, #tpu.memory_space<vmem>>
      %dma_wait3A_66 = arith.constant 499968 : i32
      %dma_wait3A_67 = arith.constant 0 : i32
      %dma_wait3A_68 = tpu.memref_slice %arg4[%dma_wait3A_66, %dma_wait3A_67] : memref<500000x128xf32, #tpu.memory_space<hbm>> -> memref<32x128xf32, #tpu.memory_space<hbm>>
      %dma_wait3A_69 = arith.constant 499968 : i32
      %dma_wait3A_70 = arith.constant 0 : i32
      %dma_wait3A_71 = tpu.memref_slice %arg4[%dma_wait3A_69, %dma_wait3A_70] : memref<500000x128xf32, #tpu.memory_space<hbm>> -> memref<32x128xf32, #tpu.memory_space<hbm>>
      %dma_wait3A_72 = arith.constant 0 : i32
      %dma_wait3A_73 = arith.constant 0 : i32
      %dma_wait3A_74 = tpu.memref_slice %arg5[%dma_wait3A_72, %dma_wait3A_73] : memref<64x128xf32, #tpu.memory_space<vmem>> -> memref<32x128xf32, #tpu.memory_space<vmem>>
      tpu.wait_dma2 semaphore(%arg11 : memref<!tpu.dma_semaphore, #tpu.memory_space<semaphore_mem>>) src(%dma_wait3A_74 : memref<32x128xf32, #tpu.memory_space<vmem>>) dst(%dma_wait3A_71 : memref<32x128xf32, #tpu.memory_space<hbm>>)
    } else {
    }
    return
  }
}

</mosaic_0001>

<sc_bundles>
// kernel: kernel.4.cloned.1.call-start
scs
__scs_entry_jumppad:
0x0: {  	(pc) =	sbr.rel $0x88, $3  }
0x1: {  	(tag) =	ssettag $0x0;
	lr =	simm.s32 $0x1  }
0x2: {  	[smem:$0x3F9F] =	sst lr;
	_ =	strace $0xD0000000  }
0x3: {  	_ = 	snop  }
0x4: {  	_ = 	snop  }
0x5: {  	_ = 	snop  }
0x6: {  	_ = 	snop  }
0x7: {  	_ = 	snop  }
__scs_overlays_trampoline_lowered:
0x8: {  	[smem:$0x3FAE] =	sst s0  }
0x9: {  	[smem:$0x3FAF] =	sst s1  }
0xa: {  	[smem:$0x3FB0] =	sst s2  }
0xb: {  	[smem:$0x3FB1] =	sst s3  }
0xc: {  	[smem:$0x3FB2] =	sst s4  }
0xd: {  	[smem:$0x3FB3] =	sst s5  }
0xe: {  	[smem:$0x3FB4] =	sst s6  }
0xf: {  	[smem:$0x3FB5] =	sst s7  }
0x10: {  	[smem:$0x3FB6] =	sst s8  }
0x11: {  	[smem:$0x3FB7] =	sst s9;
	s0 =	simm.s32 @!p0 $0x0  }
0x12: {  	s1 =	sld [smem:$0x3F9D];
	s0 =	simm.s32 @p0 $0x1  }
0x13: {  	[smem:$0x3FB8] =	sst s0;
	s0 =	simm.s32 @!p1 $0x0  }
0x14: {  	s2 =	sld [smem:$0x3F9C];
	s0 =	simm.s32 @p1 $0x1  }
0x15: {  	[smem:$0x3FB9] =	sst s0;
	s0 =	simm.s32 @!p2 $0x0  }
0x16: {  	s3 =	sld [smem:$0x3FDB];
	s0 =	simm.s32 @p2 $0x1  }
0x17: {  	s4 =	simm.s32 $0x1BF5;
	[smem:$0x3FBB] =	sst s0  }
0x18: {  	s0 =	sld [smem:$0x3F9E];
	_ =	swait.ge [sflag:s4], $0x0  }
0x19: {  	s7 =	sld [smem:$0x3F9F]  }
0x1a: {  	s8 =	sadd.s32 $0xFFFFE003, lr  }
0x1b: {  	s9 =	sadd.s32 $0xFFFFFEF7, lr;
	s5 =	simm.s32 $0xFFFFFFFF;
	p2 =	slt.u32 s8, $0xFFFFF086  }
0x1c: {  	p1 =	slt.u32 s9, $0xF7A;
	s5 =	simm.s32 @!p2 $0x0  }
0x1d: {  	s5 =	simm.s32 @p1 $0x1;
	p0 =	seq.s32 s7, s2  }
0x1e: {  	s7 =	smul.u32 @!p0 $0xF7A, s2;
	p2 =	seq.s32 @!p0 s5, $0x0  }
0x1f: {  	s9 =	smul.u32 $0xF7A, s1;
	s8 =	simm.s32 @!p0 $0x1BF5;
	p2 =	por !p2, p0  }
0x20: {  	[sflag:s8] =	ssyncset.s32 @!p0 $0xFFFFF086;
	s6 =	sadd.s32 @!p0 s3, s7;
	s7 =	simm.s32 @!p0 $0x108  }
0x21: {  	s3 =	sadd.s32 s3, s9;
	s6 =	sadd.s32 @!p0 $0x88, s6;
	s7 =	simm.s32 @p2 $0x1082  }
0x22: {  	[simem:s7], [sflag:s8] =	dma.local @!p0 [hbm:s6], $0xF7A  }
0x23: {  	s9 =	sor.u32 $0xD0000000, s2;
	s6 =	simm.s32 $0x108;
	_ =	swait.ge @!p0 [sflag:s8], $0x0  }
0x24: {  	s3 =	sadd.s32 $0x88, s3;
	s6 =	simm.s32 @!p1 $0x1082;
	[sflag:s4] =	ssyncset.s32 $0xFFFFF086  }
0x25: {  	[simem:s6], [sflag:s4] =	dma.local [hbm:s3], $0xF7A  }
0x26: {  	[smem:$0x3F9F] =	sst s1;
	(tag) =	ssettag s2;
	_ =	strace s9  }
0x27: {  	s1 =	sld [smem:$0x3FAF]  }
0x28: {  	s2 =	sld [smem:$0x3FB0]  }
0x29: {  	s4 =	sld [smem:$0x3FB2]  }
0x2a: {  	p0 =	seq.s32 s5, $0x0;
	s5 =	sld [smem:$0x3FB3]  }
0x2b: {  	s6 =	sld [smem:$0x3FB4]  }
0x2c: {  	s7 =	sld [smem:$0x3FB5]  }
0x2d: {  	s3 =	simm.s32 $0x108;
	s8 =	sld [smem:$0x3FB6]  }
0x2e: {  	s3 =	simm.s32 @!p0 $0x1082;
	s9 =	sld [smem:$0x3FB7]  }
0x2f: {  	lr =	sadd.s32 s0, s3;
	s0 =	sld [smem:$0x3FAE]  }
0x30: {  	s3 =	sld [smem:$0x3FB1]  }
0x31: {  	[smem:$0x3FBA] =	sst s10  }
0x32: {  	s10 =	sld [smem:$0x3FB8];
	_ =	sdelay $0x3  }
0x33: {  	p0 =	seq.s32 s10, $0x1;
	s10 =	sld [smem:$0x3FBA];
	_ =	sdelay $0x3  }
0x34: {  	[smem:$0x3FBA] =	sst s10  }
0x35: {  	s10 =	sld [smem:$0x3FB9];
	_ =	sdelay $0x3  }
0x36: {  	p1 =	seq.s32 s10, $0x1;
	s10 =	sld [smem:$0x3FBA];
	_ =	sdelay $0x3  }
0x37: {  	[smem:$0x3FBA] =	sst s10  }
0x38: {  	s10 =	sld [smem:$0x3FBB]  }
0x39: {  	_ = 	snop;
	(pc) =	sbr.ind lr, $3  }
0x3a: {  	_ = 	snop  }
0x3b: {  	_ = 	snop  }
0x3c: {  	p2 =	seq.s32 s10, $0x1;
	s10 =	sld [smem:$0x3FBA]  }
0x3d: {  	_ =	shalt  }
0x3e: {  	_ =	shalt  }
0x3f: {  	_ =	shalt  }
0x40: {  	_ =	shalt  }
0x41: {  	_ =	shalt  }
0x42: {  	_ =	shalt  }
0x43: {  	_ =	shalt  }
0x44: {  	_ =	shalt  }
0x45: {  	_ =	shalt  }
0x46: {  	_ =	shalt  }
0x47: {  	_ =	shalt  }
0x48: {  	_ =	shalt  }
0x49: {  	_ =	shalt  }
0x4a: {  	_ =	shalt  }
0x4b: {  	_ =	shalt  }
0x4c: {  	_ =	shalt  }
0x4d: {  	_ =	shalt  }
0x4e: {  	_ =	shalt  }
0x4f: {  	_ =	shalt  }
0x50: {  	_ =	shalt  }
0x51: {  	_ =	shalt  }
0x52: {  	_ =	shalt  }
0x53: {  	_ =	shalt  }
0x54: {  	_ =	shalt  }
0x55: {  	_ =	shalt  }
0x56: {  	_ =	shalt  }
0x57: {  	_ =	shalt  }
0x58: {  	_ =	shalt  }
0x59: {  	_ =	shalt  }
0x5a: {  	_ =	shalt  }
0x5b: {  	_ =	shalt  }
0x5c: {  	_ =	shalt  }
0x5d: {  	_ =	shalt  }
0x5e: {  	_ =	shalt  }
0x5f: {  	_ =	shalt  }
0x60: {  	_ =	shalt  }
0x61: {  	_ =	shalt  }
0x62: {  	_ =	shalt  }
0x63: {  	_ =	shalt  }
0x64: {  	_ =	shalt  }
0x65: {  	_ =	shalt  }
0x66: {  	_ =	shalt  }
0x67: {  	_ =	shalt  }
0x68: {  	_ =	shalt  }
0x69: {  	_ =	shalt  }
0x6a: {  	_ =	shalt  }
0x6b: {  	_ =	shalt  }
0x6c: {  	_ =	shalt  }
0x6d: {  	_ =	shalt  }
0x6e: {  	_ =	shalt  }
0x6f: {  	_ =	shalt  }
0x70: {  	_ =	shalt  }
0x71: {  	_ =	shalt  }
0x72: {  	_ =	shalt  }
0x73: {  	_ =	shalt  }
0x74: {  	_ =	shalt  }
0x75: {  	_ =	shalt  }
0x76: {  	_ =	shalt  }
0x77: {  	_ =	shalt  }
0x78: {  	_ =	shalt  }
0x79: {  	_ =	shalt  }
0x7a: {  	_ =	shalt  }
0x7b: {  	_ =	shalt  }
0x7c: {  	_ =	shalt  }
0x7d: {  	_ =	shalt  }
0x7e: {  	_ =	shalt  }
0x7f: {  	_ =	shalt  }
0x80: {  	_ =	shalt  }
0x81: {  	_ =	shalt  }
0x82: {  	_ =	shalt  }
0x83: {  	_ =	shalt  }
0x84: {  	_ =	shalt  }
0x85: {  	_ =	shalt  }
0x86: {  	_ =	shalt  }
0x87: {  	_ =	shalt  }
.Lfunc_end0:
.L_simem_size_0:
called_computation_lowered:
.L_overlay_start_0:
0x88: {  	s2 =	sld [smem:$0x3FD9]  }
0x89: {  	s3 =	sld [smem:$0x3FFE];
	_ =	sdelay $0x1  }
0x8a: {  	s1 =	srdreg.scid  }
0x8b: {  	s0 =	sand.u32 $0x1, s1  }
0x8c: {  	s17 =	sshll.u32 s0, $0xA;
	s2 =	sadd.s32 s3, s2  }
0x8d: {  	s2 =	sadd.s32 s2, s17  }
0x8e: {  	[smem:$0x3FC6] =	sst s2  }
0x8f: {  	_ = 	snop  }
0x90: {  	s2 =	sld [smem:$0x3FC8]  }
0x91: {  	s18 =	sld [smem:$0x3FD0];
	(tm) =	ssettm $0x1  }
0x92: {  	s4 =	sld [smem:$0x3FFB];
	_ =	sdelay $0x3  }
0x93: {  	_ =	strace s4  }
0x94: {  	s4 =	sld [smem:$0x3FFC];
	_ =	sdelay $0x3  }
0x95: {  	_ =	strace s4  }
0x96: {  	s4 =	sld [smem:$0x3FFD];
	_ =	sdelay $0x3  }
0x97: {  	_ =	strace s4  }
0x98: {  	_ =	strace $0x8FFFFFFF  }
0x99: {  	s19 =	sld [smem:$0x3FDB];
	_ =	sdelay $0x1  }
0x9a: {  	s5 =	simm.s32 $_scs_section_size  }
0x9b: {  	s6 =	simm.s32 $_size__tile_overlayer_lowered;
	s7 =	simm.s32 $_tile_overlayer_lowered  }
0x9c: {  	s22 =	simm.s32 $0x1BFF;
	s21 =	sshll.u32 s7, $0x1;
	s4 =	sadd.s32 s5, s19  }
0x9d: {  	s8 =	simm.s32 $0x0;
	s20 =	sshll.u32 s6, $0x1;
	s6 =	sadd.s32 s21, s4  }
0x9e: {  	[timem:s8], [sflag:s22] =	dma.local [hbm:s6], s20  }
0x9f: {  	_ =	swait.ge [sflag:s22], s20  }
0xa0: {  	s5 =	ssub.s32 $0x0, s20;
	[sflag:s22] =	ssyncset.done $0x0  }
0xa1: {  	[sflag:s22] =	ssyncadd.s32 s5;
	_ =	sdelay $0x1  }
0xa2: {  	s23 =	simm.s32 $0x1B8B  }
0xa3: {  	_ =	swait.ge [sflag:s23], $0x1  }
0xa4: {  	[sflag:s23] =	ssyncset.done $0x0  }
0xa5: {  	s25 =	simm.s32 $0x1B8E;
	s24 =	sld [smem:$0x3FFE];
	[sflag:s23] =	ssyncadd.s32 $0xFFFFFFFF  }
0xa6: {  	s26 =	simm.s32 $execute0_lowered;
	[smem:$0x3FD2] =	sst s25  }
0xa7: {  	s6 =	sshll.u32 s26, $0x1;
	_ =	strace $0x80000046;
	[dreg:$0x1] =	wrdreg $0xFFFFFFFF  }
0xa8: {  	s28 =	simm.s32 $_size_execute0_lowered;
	s4 =	sadd.s32 s4, s6;
	[dreg:$0x0] =	wrdreg $0x0  }
0xa9: {  	s6 =	sshll.u32 s28, $0x1;
	[dreg:$0x2] =	wrdreg s4  }
0xaa: {  	[dreg:$0x3] =	wrdreg s6  }
0xab: {  	[dreg:$0x4] =	wrdreg $0xC0  }
0xac: {  	_ =	task [dreg:s8], $0x5FFFF  }
0xad: {  	[dreg:$0x1] =	wrdreg $0xFFFFFFFF  }
0xae: {  	[dreg:$0x0] =	wrdreg $0x60  }
0xaf: {  	[dreg:$0x2] =	wrdreg s2  }
0xb0: {  	[dreg:$0x3] =	wrdreg s18  }
0xb1: {  	[dreg:$0x4] =	wrdreg s24  }
0xb2: {  	[dreg:$0x5] =	wrdreg $0x9  }
0xb3: {  	_ =	task.clear_ibuf [dreg:s8], $0x6FFFF;
	_ =	strace $0x90000046  }
0xb4: {  	s29 =	simm.s32 $0x9;
	_ =	strace $0x80000048  }
0xb5: {  	_ =	swait.ge [sflag:s29], $0x1  }
0xb6: {  	[sflag:s29] =	ssyncadd.s32 $0xFFFFFFFF  }
0xb7: {  	_ =	strace $0x90000048  }
0xb8: {  	_ =	sfence  }
0xb9: {  	s30 =	sld [smem:$0x0];
	_ =	sdelay $0x2  }
0xba: {  	s31 =	sshll.u32 s1, $0xD;
	s1 =	sshrl.u32 s1, $0x2  }
0xbb: {  	s3 =	sand.u32 $0x4000, s31;
	s1 =	sadd.s32 s1, s30  }
0xbc: {  	s0 =	sor.u32 s3, s0;
	s1 =	sshll.u32 s1, $0x11  }
0xbd: {  	s0 =	sor.u32 s1, s0  }
0xbe: {  	s0 =	sadd.s32 $0x8F2B, s0  }
0xbf: {  	[sflag:s0] =	ssyncadd.remote.s32 $0x1  }
0xc0: {  	_ =	sfence.sel $0xFFFF  }
0xc1: {  	[dreg:$0x0] =	wrdreg $0xFFFFFFFF;
	(pc) =	sbr.abs _section_cstart, $3  }
0xc2: {  	[dreg:$0x1] =	wrdreg $0xFFFFFFFF  }
0xc3: {  	_ =	task.clear_ibuf [dreg:s8], $0x2FFFF;
	_ =	strace $0x9FFFFFFF  }
0xc4: {  	(tm) =	ssettm $0x7FFFFFFF  }
0xc5: {  	_ =	shalt  }
tec
execute0_lowered:
.L_overlay_start_1:
0x0: {  	(tag) =	ssettag $0x1  }
0x1: {  	s11 =	rddreg [dreg:$0x0]  }
0x2: {  	s2 =	rddreg [dreg:$0x1]  }
0x3: {  	s1 =	srdreg.scid;
	s0 =	stileid.u32  }
0x4: {  	s13 =	rddreg [dreg:$0x2];
	s3 =	simm.s32 $0x0;
	s16 =	simm.s32 $0x7A1400  }
0x5: {  	s17 =	simm.s32 $0x2000;
	s18 =	simm.s32 $0x1;
	s19 =	simm.s32 $0x4000  }
0x6: {  	s20 =	simm.s32 $0x2;
	s21 =	simm.s32 $0x4;
	s22 =	simm.s32 $0x6000  }
0x7: {  	s23 =	simm.s32 $0x3;
	s4 =	sand.u32 $0x1, s1;
	s1 =	rddreg [dreg:$0x3]  }
0x8: {  	s5 =	sshll.u32 s0, $0x1;
	[smem:$0x7FF] =	sst s3;
	s8 =	sadd.s32 $0x100, s11  }
0x9: {  	s9 =	sadd.s32 $0xC00, s13;
	s10 =	sadd.s32 $0x180, s11;
	p0 =	sgt.u32 s0, $0x1  }
0xa: {  	s24 =	sor.u32 s4, s5;
	s31 =	ssub.s32 $0x2, s4;
	_ =	strace $0x80000047  }
0xb: {  	s4 =	sadd.s32 $0x800, s13;
	s13 =	sadd.s32 $0x7A1800, s13;
	s6 =	smul.u32 $0x7A00, s24  }
.Ltmp0:
0xc: {  	v0 =	vlaneseq.u32;
	s7 =	sshrl.u32 s31, $0x1;
	s12 =	sor.u32 $0x1E80, s24;
	(pc) =	sbr.rel .LBB2_1-.Ltmp0, $4  }
0xd: {  	v2 =	vimm.s32 $0xFFFFFFC0;
	v1 =	vmul.u32 $0x80, v0;
	v3 =	vor.u32 $0x40, v0;
	p1 =	sne.s32 s24, $0x4;
	s14 =	ssub.s32 s31, s7;
	s15 =	sshll.u32 s12, $0x7  }
0xe: {  	v5 =	vor.u32 $0x10, v0;
	v6 =	vor.u32 $0x50, v0;
	v8 =	vor.u32 $0x20, v0;
	s12 =	sshll.u32 s12, $0xA;
	s5 =	sadd.s32 s11, s6;
	s6 =	smul.u32 $0xF4, s24  }
0xf: {  	v9 =	vor.u32 $0x60, v0;
	v11 =	vor.u32 $0x30, v0;
	v12 =	vor.u32 $0x70, v0;
	s11 =	sadd.s32 s11, s15;
	s12 =	sadd.s32 s4, s12;
	s14 =	smax.u32 s14, $0x1  }
0x10: {  	v4 =	vor.u32 $0x800, v1;
	v7 =	vor.u32 $0x1000, v1;
	v10 =	vor.u32 $0x1800, v1;
	s15 =	simm.s32 $0x400;
	s24 =	simm.s32 $0x0;
	s7 =	sadd.s32 $0x80, s5  }
.LBB2_16:
0x11: {  	s25 =	simm.s32 @!p1 $0x0;
	s26 =	simm.s32 @!p1 $0x1  }
0x12: {  	[tilespmem:s25], [sflag:$0x1] =	stream.linear.gather @!p1 [hbm4b:s2+s25], $0x1000, $0x38;
	[tilespmem:$0x8000] =	vst v63  }
0x13: {  	_ =	swait.ge @!p1 [sflag:s26], $0x1000  }
0x14: {  	s24 =	sadd.s32 $0x1, s24;
	[sflag:s26] =	ssyncset.done @!p1 $0x0  }
0x15: {  	p2 =	sne.s32 s24, s14;
	[sflag:s26] =	ssyncadd.s32 @!p1 $0xFFFFF000  }
0x16: {  	[hbm4b:s13+s25] =	stream.linear.scatter @!p1 [tilespmem:s25], [sflag:$0x3], $0x1000, $0x38;
	[tilespmem:$0x8000] =	vst v63  }
.Ltmp1:
0x17: {  	_ = 	snop;
	(pc) =	sbr.rel @!p2 .LBB2_17-.Ltmp1, $4  }
0x18: {  	s25 =	simm.s32 @!p1 $0x3  }
0x19: {  	_ =	swait.ge @!p1 [sflag:s25], $0x1000  }
0x1a: {  	[sflag:s25] =	ssyncset.done @!p1 $0x0  }
0x1b: {  	[sflag:s25] =	ssyncadd.s32 @!p1 $0xFFFFF000  }
.LBB2_1:
0x1c: {  	[tilespmem:s3], [sflag:$0x1] =	stream.strided.gather [hbm4b:s5+s15], $0x2000, s16, s15, $0x38;
	[tilespmem:$0x8000] =	vst v63  }
0x1d: {  	s25 =	simm.s32 $0x0  }
0x1e: {  	[tilespmem:s17], [sflag:$0x2] =	stream.strided.gather [hbm4b:s7+s15], $0x2000, s16, s15, $0x38;
	[tilespmem:$0x8000] =	vst v63  }
.LBB2_2:
0x1f: {  	_ =	swait.ge [sflag:s18], $0x2000  }
0x20: {  	p2 =	seq.s32 s25, $0x0;
	[sflag:s18] =	ssyncset.done $0x0  }
0x21: {  	s28 =	simm.s32 @!p2 $0x3;
	[sflag:s18] =	ssyncadd.s32 $0xFFFFE000  }
0x22: {  	_ =	swait.ge @!p2 [sflag:s28], $0x2000  }
0x23: {  	s26 =	sshll.u32 s25, $0x1;
	[sflag:s28] =	ssyncset.done @!p2 $0x0  }
0x24: {  	s26 =	sadd.s32 s6, s26;
	[sflag:s28] =	ssyncadd.s32 @!p2 $0xFFFFE000;
	s28 =	simm.s32 $0x0  }
.LBB2_3:
0x25: {  	v13 =	vadd.s32 s28, v0  }
0x26: {  	s29 =	sadd.s32 $0x1, s28;
	vm0 =	vlt.u32 v13, $0x40  }
0x27: {  	v18 =	vadd.s32 s29, v0;
	v14 =	vsel vm0, $0x0, v2  }
0x28: {  	vm9 =	vlt.u32 v18, $0x40;
	v13 =	vadd.s32 v13, v14  }
0x29: {  	v19 =	vsel vm9, $0x0, v2;
	v14 =	vshll.u32 v13, $0x1  }
0x2a: {  	v20 =	vshll.u32 v13, $0x7;
	v13 =	vadd.s32 v18, v19;
	v16 =	vand.u32 $0xFFFFFF80, v14  }
0x2b: {  	v14 =	vand.u32 $0x7E, v14;
	v21 =	vshll.u32 v13, $0x1;
	v15 =	vadd.s32 v1, v16  }
0x2c: {  	v22 =	vand.u32 $0xFFFFFF80, v21;
	v17 =	vor.u32 v14, v15  }
0x2d: {  	v21 =	vand.u32 $0x7E, v21;
	v23 =	vadd.s32 v1, v22  }
0x2e: {  	v24 =	vor.u32 v21, v23;
	_ =	sdelay $0x2  }
0x2f: {  	v62 =	vor.u32 v0, v20;
	v63 =	vor.u32 $0x1, v14;
	v17 =	vld.idx.msk [tilespmem:v17+s3+$0x0], $0xffff  }
0x30: {  	v26 =	vshll.u32 v13, $0x7;
	v15 =	vor.u32 v63, v15  }
0x31: {  	v37 =	vor.u32 v0, v26;
	v27 =	vor.u32 $0x1, v21;
	v13 =	vld.idx.msk [tilespmem:v24+s3+$0x0], $0xffff  }
0x32: {  	v23 =	vor.u32 v27, v23;
	_ =	sdelay $0x1  }
0x33: {  	[tilespmem:v62+s19+$0x0] =	vst.idx.msk $0xffff, v17  }
0x34: {  	v35 =	vor.u32 v3, v20;
	v36 =	vadd.s32 v4, v16;
	v15 =	vld.idx.msk [tilespmem:v15+s3+$0x0], $0xffff  }
0x35: {  	v25 =	vor.u32 v14, v36;
	[tilespmem:v37+s19+$0x0] =	vst.idx.msk $0xffff, v13  }
0x36: {  	v39 =	vor.u32 v3, v26;
	v40 =	vadd.s32 v4, v22;
	v13 =	vld.idx.msk [tilespmem:v23+s3+$0x0], $0xffff  }
0x37: {  	v41 =	vor.u32 v21, v40;
	_ =	sdelay $0x1  }
0x38: {  	[tilespmem:v35+s19+$0x0] =	vst.idx.msk $0xffff, v15  }
0x39: {  	v38 =	vor.u32 v5, v20;
	v15 =	vld.idx.msk [tilespmem:v25+s3+$0x0], $0xffff  }
0x3a: {  	v18 =	vor.u32 v63, v36;
	[tilespmem:v39+s19+$0x0] =	vst.idx.msk $0xffff, v13  }
0x3b: {  	v44 =	vor.u32 v5, v26;
	v13 =	vld.idx.msk [tilespmem:v41+s3+$0x0], $0xffff  }
0x3c: {  	v24 =	vor.u32 v27, v40;
	_ =	sdelay $0x1  }
0x3d: {  	[tilespmem:v38+s19+$0x0] =	vst.idx.msk $0xffff, v15  }
0x3e: {  	v42 =	vor.u32 v6, v20;
	v15 =	vld.idx.msk [tilespmem:v18+s3+$0x0], $0xffff  }
0x3f: {  	v43 =	vadd.s32 v7, v16;
	[tilespmem:v44+s19+$0x0] =	vst.idx.msk $0xffff, v13  }
0x40: {  	s30 =	sadd.s32 $0x2, s28;
	s31 =	sadd.s32 $0x3, s28;
	v46 =	vor.u32 v6, v26;
	v28 =	vor.u32 v14, v43;
	v47 =	vadd.s32 v7, v22;
	v23 =	vld.idx.msk [tilespmem:v24+s3+$0x0], $0xffff  }
0x41: {  	v45 =	vadd.s32 s30, v0;
	v59 =	vadd.s32 s31, v0;
	v30 =	vor.u32 v21, v47  }
0x42: {  	vm10 =	vlt.u32 v45, $0x40;
	v29 =	vor.u32 v8, v20;
	v49 =	vor.u32 v9, v20  }
0x43: {  	v32 =	vor.u32 v11, v20;
	v33 =	vor.u32 v12, v20;
	[tilespmem:v42+s19+$0x0] =	vst.idx.msk $0xffff, v15;
	v15 =	vsel vm10, $0x0, v2  }
0x44: {  	v16 =	vadd.s32 v10, v16;
	v50 =	vor.u32 v8, v26;
	v13 =	vadd.s32 v45, v15  }
0x45: {  	vm11 =	vlt.u32 v59, $0x40;
	v55 =	vor.u32 v9, v26;
	v28 =	vld.idx.msk [tilespmem:v28+s3+$0x0], $0xffff;
	[tilespmem:v46+s19+$0x0] =	vst.idx.msk $0xffff, v23;
	v15 =	vshll.u32 v13, $0x1  }
0x46: {  	v58 =	vor.u32 v11, v26;
	v18 =	vor.u32 v63, v43;
	v23 =	vld.idx.msk [tilespmem:v30+s3+$0x0], $0xffff;
	v17 =	vand.u32 $0xFFFFFF80, v15  }
0x47: {  	v25 =	vor.u32 v27, v47;
	v15 =	vand.u32 $0x7E, v15;
	v31 =	vadd.s32 v1, v17  }
0x48: {  	s30 =	sadd.s32 $0x4, s28;
	v60 =	vor.u32 v12, v26;
	v51 =	vor.u32 v14, v16;
	v48 =	vor.u32 v15, v31  }
0x49: {  	v19 =	vor.u32 v63, v16;
	v54 =	vadd.s32 v10, v22;
	v41 =	vadd.s32 s30, v0  }
0x4a: {  	v56 =	vor.u32 v21, v54;
	v27 =	vor.u32 v27, v54;
	vm12 =	vlt.u32 v41, $0x40;
	[tilespmem:v29+s19+$0x0] =	vst.idx.msk $0xffff, v28  }
0x4b: {  	v47 =	vsel vm12, $0x0, v2;
	v45 =	vsel vm11, $0x0, v2;
	v13 =	vshll.u32 v13, $0x7;
	v18 =	vld.idx.msk [tilespmem:v18+s3+$0x0], $0xffff;
	[tilespmem:v50+s19+$0x0] =	vst.idx.msk $0xffff, v23  }
0x4c: {  	v16 =	vadd.s32 v59, v45;
	v53 =	vor.u32 v0, v13;
	v62 =	vor.u32 v3, v13;
	v23 =	vld.idx.msk [tilespmem:v25+s3+$0x0], $0xffff  }
0x4d: {  	v34 =	vor.u32 v5, v13;
	v36 =	vor.u32 v6, v13;
	v14 =	vor.u32 $0x1, v15;
	v52 =	vld.idx.msk [tilespmem:v48+s3+$0x0], $0xffff  }
0x4e: {  	v39 =	vor.u32 v8, v13;
	v61 =	vadd.s32 v4, v17;
	v57 =	vor.u32 v14, v31  }
0x4f: {  	v37 =	vadd.s32 v7, v17;
	v63 =	vor.u32 v15, v61;
	v35 =	vor.u32 v14, v61  }
0x50: {  	s31 =	sadd.s32 $0x5, s28;
	v38 =	vor.u32 v15, v37;
	v48 =	vadd.s32 v41, v47;
	[tilespmem:v49+s19+$0x0] =	vst.idx.msk $0xffff, v18;
	v18 =	vshll.u32 v16, $0x1  }
0x51: {  	v16 =	vshll.u32 v16, $0x7;
	v49 =	vadd.s32 s31, v0;
	v30 =	vld.idx.msk [tilespmem:v51+s3+$0x0], $0xffff;
	v21 =	vand.u32 $0xFFFFFF80, v18;
	[tilespmem:v55+s19+$0x0] =	vst.idx.msk $0xffff, v23  }
0x52: {  	v20 =	vand.u32 $0x7E, v18;
	v42 =	vor.u32 v0, v16;
	v40 =	vadd.s32 v1, v21;
	[tilespmem:v53+s19+$0x0] =	vst.idx.msk $0xffff, v52  }
0x53: {  	s30 =	sadd.s32 $0x6, s28;
	s31 =	sadd.s32 $0x7, s28;
	v43 =	vor.u32 v3, v16;
	v23 =	vshll.u32 v48, $0x1;
	v46 =	vor.u32 v20, v40;
	v28 =	vld.idx.msk [tilespmem:v57+s3+$0x0], $0xffff  }
0x54: {  	vm13 =	vlt.u32 v49, $0x40;
	v51 =	vadd.s32 s30, v0;
	v54 =	vadd.s32 s31, v0;
	v29 =	vld.idx.msk [tilespmem:v56+s3+$0x0], $0xffff  }
0x55: {  	v18 =	vor.u32 $0x1, v20;
	v24 =	vand.u32 $0xFFFFFF80, v23;
	v23 =	vand.u32 $0x7E, v23  }
0x56: {  	v50 =	vsel vm13, $0x0, v2;
	vm14 =	vlt.u32 v51, $0x40;
	vm15 =	vlt.u32 v54, $0x40;
	[tilespmem:v32+s19+$0x0] =	vst.idx.msk $0xffff, v30  }
0x57: {  	v40 =	vor.u32 v18, v40;
	v44 =	vadd.s32 v1, v24;
	v41 =	vadd.s32 v49, v50;
	v30 =	vld.idx.msk [tilespmem:v19+s3+$0x0], $0xffff  }
0x58: {  	v53 =	vsel vm14, $0x0, v2;
	v45 =	vor.u32 v23, v44;
	v52 =	vshll.u32 v41, $0x1;
	v22 =	vld.idx.msk [tilespmem:v46+s3+$0x0], $0xffff;
	[tilespmem:v62+s19+$0x0] =	vst.idx.msk $0xffff, v28  }
0x59: {  	[tilespmem:v58+s19+$0x0] =	vst.idx.msk $0xffff, v29;
	v19 =	vshll.u32 v48, $0x7;
	v29 =	vand.u32 $0x7E, v52;
	v28 =	vand.u32 $0xFFFFFF80, v52;
	v26 =	vld.idx.msk [tilespmem:v63+s3+$0x0], $0xffff  }
0x5a: {  	v58 =	vsel vm15, $0x0, v2;
	v27 =	vld.idx.msk [tilespmem:v27+s3+$0x0], $0xffff;
	v46 =	vadd.s32 v51, v53;
	v56 =	vadd.s32 v1, v28  }
0x5b: {  	v48 =	vadd.s32 v54, v58;
	v32 =	vshll.u32 v46, $0x1;
	v57 =	vor.u32 v29, v56  }
0x5c: {  	v49 =	vor.u32 v0, v19;
	v58 =	vor.u32 v3, v19;
	v31 =	vand.u32 $0xFFFFFF80, v32  }
0x5d: {  	v45 =	vld.idx.msk [tilespmem:v45+s3+$0x0], $0xffff;
	v32 =	vand.u32 $0x7E, v32;
	v47 =	vadd.s32 v1, v31;
	[tilespmem:v42+s19+$0x0] =	vst.idx.msk $0xffff, v22  }
0x5e: {  	v25 =	vshll.u32 v46, $0x7;
	v59 =	vor.u32 v32, v47;
	v40 =	vld.idx.msk [tilespmem:v40+s3+$0x0], $0xffff;
	[tilespmem:v34+s19+$0x0] =	vst.idx.msk $0xffff, v26;
	v26 =	vor.u32 $0x1, v23  }
0x5f: {  	[tilespmem:v60+s19+$0x0] =	vst.idx.msk $0xffff, v27;
	v60 =	vshll.u32 v48, $0x1;
	v22 =	vshll.u32 v41, $0x7;
	v55 =	vld.idx.msk [tilespmem:v35+s3+$0x0], $0xffff;
	v44 =	vor.u32 v26, v44  }
0x60: {  	[tilespmem:v33+s19+$0x0] =	vst.idx.msk $0xffff, v30;
	v30 =	vor.u32 $0x1, v29;
	v63 =	vor.u32 v0, v22;
	v35 =	vand.u32 $0xFFFFFF80, v60;
	v62 =	vld.idx.msk [tilespmem:v57+s3+$0x0], $0xffff  }
0x61: {  	v56 =	vor.u32 v30, v56;
	v34 =	vand.u32 $0x7E, v60;
	v61 =	vadd.s32 v1, v35  }
0x62: {  	v52 =	vor.u32 v0, v25;
	[tilespmem:v49+s19+$0x0] =	vst.idx.msk $0xffff, v45;
	v50 =	vor.u32 v34, v61  }
0x63: {  	v54 =	vadd.s32 v4, v28;
	v51 =	vld.idx.msk [tilespmem:v59+s3+$0x0], $0xffff;
	[tilespmem:v43+s19+$0x0] =	vst.idx.msk $0xffff, v40;
	v40 =	vadd.s32 v4, v21  }
0x64: {  	v33 =	vor.u32 $0x1, v32;
	v57 =	vor.u32 v20, v40;
	[tilespmem:v36+s19+$0x0] =	vst.idx.msk $0xffff, v55;
	v44 =	vld.idx.msk [tilespmem:v44+s3+$0x0], $0xffff  }
0x65: {  	v47 =	vor.u32 v33, v47;
	v45 =	vadd.s32 v4, v24;
	[tilespmem:v63+s19+$0x0] =	vst.idx.msk $0xffff, v62;
	v38 =	vld.idx.msk [tilespmem:v38+s3+$0x0], $0xffff  }
0x66: {  	v27 =	vshll.u32 v48, $0x7;
	v53 =	vor.u32 v23, v45;
	v60 =	vor.u32 v3, v22;
	v43 =	vld.idx.msk [tilespmem:v56+s3+$0x0], $0xffff  }
0x67: {  	v48 =	vor.u32 v0, v27;
	v36 =	vor.u32 $0x1, v34;
	v62 =	vor.u32 v29, v54;
	v59 =	vld.idx.msk [tilespmem:v50+s3+$0x0], $0xffff  }
0x68: {  	v41 =	vor.u32 v36, v61;
	[tilespmem:v52+s19+$0x0] =	vst.idx.msk $0xffff, v51  }
0x69: {  	v40 =	vor.u32 v18, v40;
	v61 =	vor.u32 v5, v16;
	v46 =	vld.idx.msk [tilespmem:v57+s3+$0x0], $0xffff;
	[tilespmem:v58+s19+$0x0] =	vst.idx.msk $0xffff, v44  }
0x6a: {  	v63 =	vor.u32 v3, v25;
	[tilespmem:v39+s19+$0x0] =	vst.idx.msk $0xffff, v38;
	v38 =	vld.idx.msk [tilespmem:v47+s3+$0x0], $0xffff;
	v47 =	vadd.s32 v4, v31  }
0x6b: {  	v57 =	vor.u32 v5, v19;
	v49 =	vld.idx.msk [tilespmem:v53+s3+$0x0], $0xffff;
	[tilespmem:v60+s19+$0x0] =	vst.idx.msk $0xffff, v43;
	v56 =	vor.u32 v32, v47  }
0x6c: {  	v45 =	vor.u32 v26, v45;
	v60 =	vor.u32 v5, v22;
	[tilespmem:v48+s19+$0x0] =	vst.idx.msk $0xffff, v59;
	v59 =	vld.idx.msk [tilespmem:v62+s3+$0x0], $0xffff  }
0x6d: {  	v58 =	vor.u32 v3, v27;
	v43 =	vadd.s32 v4, v35;
	v62 =	vor.u32 v30, v54;
	v41 =	vld.idx.msk [tilespmem:v41+s3+$0x0], $0xffff  }
0x6e: {  	v37 =	vor.u32 v14, v37;
	[tilespmem:v61+s19+$0x0] =	vst.idx.msk $0xffff, v46;
	v61 =	vor.u32 v34, v43  }
0x6f: {  	v39 =	vadd.s32 v7, v21;
	v40 =	vld.idx.msk [tilespmem:v40+s3+$0x0], $0xffff;
	[tilespmem:v63+s19+$0x0] =	vst.idx.msk $0xffff, v38;
	v38 =	vor.u32 v6, v16  }
0x70: {  	v53 =	vadd.s32 v7, v24;
	v63 =	vor.u32 v5, v25;
	[tilespmem:v57+s19+$0x0] =	vst.idx.msk $0xffff, v49;
	v44 =	vld.idx.msk [tilespmem:v56+s3+$0x0], $0xffff  }
0x71: {  	v54 =	vor.u32 v20, v39;
	v57 =	vor.u32 v6, v19;
	v45 =	vld.idx.msk [tilespmem:v45+s3+$0x0], $0xffff;
	[tilespmem:v60+s19+$0x0] =	vst.idx.msk $0xffff, v59  }
0x72: {  	v47 =	vor.u32 v33, v47;
	v60 =	vor.u32 v6, v22;
	[tilespmem:v58+s19+$0x0] =	vst.idx.msk $0xffff, v41;
	v48 =	vld.idx.msk [tilespmem:v62+s3+$0x0], $0xffff  }
0x73: {  	v59 =	vor.u32 v5, v27;
	v58 =	vor.u32 v23, v53;
	v42 =	vld.idx.msk [tilespmem:v61+s3+$0x0], $0xffff  }
0x74: {  	v51 =	vadd.s32 v7, v28;
	v43 =	vor.u32 v36, v43;
	[tilespmem:v38+s19+$0x0] =	vst.idx.msk $0xffff, v40  }
0x75: {  	v37 =	vld.idx.msk [tilespmem:v37+s3+$0x0], $0xffff;
	v62 =	vor.u32 v29, v51;
	[tilespmem:v63+s19+$0x0] =	vst.idx.msk $0xffff, v44  }
0x76: {  	v61 =	vor.u32 v9, v13;
	v54 =	vld.idx.msk [tilespmem:v54+s3+$0x0], $0xffff;
	[tilespmem:v57+s19+$0x0] =	vst.idx.msk $0xffff, v45  }
0x77: {  	v55 =	vor.u32 v8, v16;
	v38 =	vld.idx.msk [tilespmem:v47+s3+$0x0], $0xffff;
	[tilespmem:v60+s19+$0x0] =	vst.idx.msk $0xffff, v48  }
0x78: {  	v63 =	vor.u32 v6, v25;
	v47 =	vadd.s32 v7, v31;
	v41 =	vld.idx.msk [tilespmem:v58+s3+$0x0], $0xffff;
	[tilespmem:v59+s19+$0x0] =	vst.idx.msk $0xffff, v42  }
0x79: {  	v58 =	vor.u32 v6, v27;
	v56 =	vor.u32 v32, v47;
	v59 =	vadd.s32 v7, v35;
	v43 =	vld.idx.msk [tilespmem:v43+s3+$0x0], $0xffff  }
0x7a: {  	v60 =	vld.idx.msk [tilespmem:v62+s3+$0x0], $0xffff;
	v62 =	vor.u32 v34, v59  }
0x7b: {  	v17 =	vadd.s32 v10, v17;
	v57 =	vor.u32 v8, v19;
	[tilespmem:v61+s19+$0x0] =	vst.idx.msk $0xffff, v37  }
0x7c: {  	v53 =	vor.u32 v26, v53;
	v61 =	vor.u32 v8, v22;
	[tilespmem:v55+s19+$0x0] =	vst.idx.msk $0xffff, v54  }
0x7d: {  	v15 =	vor.u32 v15, v17;
	v54 =	vor.u32 v30, v51;
	[tilespmem:v63+s19+$0x0] =	vst.idx.msk $0xffff, v38  }
0x7e: {  	v52 =	vor.u32 v8, v25;
	v63 =	vor.u32 v18, v39;
	v49 =	vld.idx.msk [tilespmem:v56+s3+$0x0], $0xffff;
	[tilespmem:v58+s19+$0x0] =	vst.idx.msk $0xffff, v43  }
0x7f: {  	v28 =	vadd.s32 v10, v28;
	v55 =	vor.u32 v33, v47;
	v56 =	vor.u32 v8, v27;
	v43 =	vld.idx.msk [tilespmem:v62+s3+$0x0], $0xffff  }
0x80: {  	v21 =	vadd.s32 v10, v21;
	[tilespmem:v57+s19+$0x0] =	vst.idx.msk $0xffff, v41;
	v57 =	vor.u32 v36, v59  }
0x81: {  	v24 =	vadd.s32 v10, v24;
	[tilespmem:v61+s19+$0x0] =	vst.idx.msk $0xffff, v60;
	v59 =	vld.idx.msk [tilespmem:v53+s3+$0x0], $0xffff;
	v60 =	vor.u32 v9, v19  }
0x82: {  	v20 =	vor.u32 v20, v21;
	v23 =	vor.u32 v23, v24;
	v62 =	vor.u32 v9, v22;
	v61 =	vld.idx.msk [tilespmem:v54+s3+$0x0], $0xffff  }
0x83: {  	v29 =	vor.u32 v29, v28;
	v58 =	vor.u32 v9, v16;
	v38 =	vld.idx.msk [tilespmem:v63+s3+$0x0], $0xffff;
	[tilespmem:v52+s19+$0x0] =	vst.idx.msk $0xffff, v49  }
0x84: {  	v31 =	vadd.s32 v10, v31;
	v63 =	vor.u32 v9, v25;
	v37 =	vld.idx.msk [tilespmem:v55+s3+$0x0], $0xffff;
	[tilespmem:v56+s19+$0x0] =	vst.idx.msk $0xffff, v43  }
0x85: {  	v48 =	vor.u32 v9, v27;
	v32 =	vor.u32 v32, v31;
	v35 =	vadd.s32 v10, v35;
	v44 =	vld.idx.msk [tilespmem:v57+s3+$0x0], $0xffff  }
0x86: {  	v15 =	vld.idx.msk [tilespmem:v15+s3+$0x0], $0xffff;
	v34 =	vor.u32 v34, v35;
	v49 =	vor.u32 v11, v13;
	[tilespmem:v60+s19+$0x0] =	vst.idx.msk $0xffff, v59  }
0x87: {  	v14 =	vor.u32 v14, v17;
	v53 =	vor.u32 v11, v19;
	v52 =	vld.idx.msk [tilespmem:v23+s3+$0x0], $0xffff;
	[tilespmem:v62+s19+$0x0] =	vst.idx.msk $0xffff, v61  }
0x88: {  	v24 =	vor.u32 v26, v24;
	v55 =	vor.u32 v11, v22;
	[tilespmem:v58+s19+$0x0] =	vst.idx.msk $0xffff, v38;
	v54 =	vld.idx.msk [tilespmem:v29+s3+$0x0], $0xffff  }
0x89: {  	v28 =	vor.u32 v30, v28;
	v51 =	vor.u32 v11, v16;
	v50 =	vld.idx.msk [tilespmem:v20+s3+$0x0], $0xffff;
	[tilespmem:v63+s19+$0x0] =	vst.idx.msk $0xffff, v37  }
0x8a: {  	v18 =	vor.u32 v18, v21;
	v57 =	vor.u32 v11, v25;
	v56 =	vld.idx.msk [tilespmem:v32+s3+$0x0], $0xffff;
	[tilespmem:v48+s19+$0x0] =	vst.idx.msk $0xffff, v44  }
0x8b: {  	v59 =	vor.u32 v11, v27;
	[tilespmem:v49+s19+$0x0] =	vst.idx.msk $0xffff, v15;
	v15 =	vor.u32 v33, v31;
	v58 =	vld.idx.msk [tilespmem:v34+s3+$0x0], $0xffff  }
0x8c: {  	v60 =	vor.u32 v36, v35;
	v13 =	vor.u32 v12, v13;
	v14 =	vld.idx.msk [tilespmem:v14+s3+$0x0], $0xffff;
	[tilespmem:v53+s19+$0x0] =	vst.idx.msk $0xffff, v52  }
0x8d: {  	v19 =	vor.u32 v12, v19;
	v61 =	vld.idx.msk [tilespmem:v24+s3+$0x0], $0xffff;
	[tilespmem:v55+s19+$0x0] =	vst.idx.msk $0xffff, v54  }
0x8e: {  	v22 =	vor.u32 v12, v22;
	[tilespmem:v51+s19+$0x0] =	vst.idx.msk $0xffff, v50;
	v62 =	vld.idx.msk [tilespmem:v28+s3+$0x0], $0xffff  }
0x8f: {  	v16 =	vor.u32 v12, v16;
	v18 =	vld.idx.msk [tilespmem:v18+s3+$0x0], $0xffff;
	[tilespmem:v57+s19+$0x0] =	vst.idx.msk $0xffff, v56  }
0x90: {  	v63 =	vor.u32 v12, v25;
	v15 =	vld.idx.msk [tilespmem:v15+s3+$0x0], $0xffff;
	[tilespmem:v59+s19+$0x0] =	vst.idx.msk $0xffff, v58  }
0x91: {  	p3 =	slt.u32 s28, $0x38;
	[tilespmem:v13+s19+$0x0] =	vst.idx.msk $0xffff, v14;
	v14 =	vor.u32 v12, v27;
	v13 =	vld.idx.msk [tilespmem:v60+s3+$0x0], $0xffff  }
.Ltmp2:
0x92: {  	[tilespmem:v19+s19+$0x0] =	vst.idx.msk $0xffff, v61;
	(pc) =	sbr.rel @p3 .LBB2_3-.Ltmp2, $4  }
0x93: {  	[tilespmem:v22+s19+$0x0] =	vst.idx.msk $0xffff, v62  }
0x94: {  	[tilespmem:v16+s19+$0x0] =	vst.idx.msk $0xffff, v18  }
0x95: {  	[tilespmem:v63+s19+$0x0] =	vst.idx.msk $0xffff, v15  }
0x96: {  	s28 =	sadd.s32 $0x8, s28;
	[tilespmem:v14+s19+$0x0] =	vst.idx.msk $0xffff, v13  }
0x97: {  	p3 =	sne.s32 s25, $0x79  }
.Ltmp3:
0x98: {  	_ = 	snop;
	(pc) =	sbr.rel @p3 .LBB2_6-.Ltmp3, $4  }
0x99: {  	_ = 	snop  }
0x9a: {  	s28 =	sshll.u32 s26, $0xA  }
0x9b: {  	s29 =	sadd.s32 s4, s28  }
0x9c: {  	[hbm4b:s29+s3] =	stream.linear.scatter [tilespmem:s19], [sflag:$0x3], $0x2000, $0x38;
	[tilespmem:$0x8000] =	vst v63  }
.Ltmp4:
0x9d: {  	(pc) =	sbr.rel .LBB2_7-.Ltmp4, $4  }
0x9e: {  	_ = 	snop  }
0x9f: {  	_ =	swait.ge [sflag:s20], $0x2000  }
0xa0: {  	[sflag:s20] =	ssyncset.done $0x0  }
0xa1: {  	[sflag:s20] =	ssyncadd.s32 $0xFFFFE000  }
.LBB2_6:
0xa2: {  	s29 =	sshll.u32 s26, $0x7  }
.Ltmp5:
0xa3: {  	s29 =	sadd.s32 s29, s8;
	(pc) =	sbr.rel @p2 .LBB2_8-.Ltmp5, $4  }
0xa4: {  	[tilespmem:s3], [sflag:$0x1] =	stream.strided.gather [hbm4b:s29+s15], $0x2000, s16, s15, $0x38;
	[tilespmem:$0x8000] =	vst v63  }
0xa5: {  	_ =	swait.ge [sflag:s20], $0x2000  }
0xa6: {  	[sflag:s20] =	ssyncset.done $0x0  }
0xa7: {  	[sflag:s20] =	ssyncadd.s32 $0xFFFFE000  }
.LBB2_7:
0xa8: {  	_ =	swait.ge [sflag:s21], $0x2000  }
0xa9: {  	[sflag:s21] =	ssyncset.done $0x0  }
0xaa: {  	[sflag:s21] =	ssyncadd.s32 $0xFFFFE000  }
.LBB2_8:
0xab: {  	s29 =	simm.s32 $0x0  }
.LBB2_9:
0xac: {  	v13 =	vadd.s32 s29, v0  }
0xad: {  	s30 =	sadd.s32 $0x1, s29;
	vm0 =	vlt.u32 v13, $0x40  }
0xae: {  	v18 =	vadd.s32 s30, v0;
	v14 =	vsel vm0, $0x0, v2  }
0xaf: {  	vm9 =	vlt.u32 v18, $0x40;
	v13 =	vadd.s32 v13, v14  }
0xb0: {  	v19 =	vsel vm9, $0x0, v2;
	v14 =	vshll.u32 v13, $0x1  }
0xb1: {  	v20 =	vshll.u32 v13, $0x7;
	v13 =	vadd.s32 v18, v19;
	v16 =	vand.u32 $0xFFFFFF80, v14  }
0xb2: {  	v14 =	vand.u32 $0x7E, v14;
	v21 =	vshll.u32 v13, $0x1;
	v15 =	vadd.s32 v1, v16  }
0xb3: {  	v22 =	vand.u32 $0xFFFFFF80, v21;
	v17 =	vor.u32 v14, v15  }
0xb4: {  	v21 =	vand.u32 $0x7E, v21;
	v23 =	vadd.s32 v1, v22  }
0xb5: {  	v24 =	vor.u32 v21, v23;
	_ =	sdelay $0x2  }
0xb6: {  	v62 =	vor.u32 v0, v20;
	v63 =	vor.u32 $0x1, v14;
	v17 =	vld.idx.msk [tilespmem:v17+s17+$0x0], $0xffff  }
0xb7: {  	v26 =	vshll.u32 v13, $0x7;
	v15 =	vor.u32 v63, v15  }
0xb8: {  	v37 =	vor.u32 v0, v26;
	v27 =	vor.u32 $0x1, v21;
	v13 =	vld.idx.msk [tilespmem:v24+s17+$0x0], $0xffff  }
0xb9: {  	v23 =	vor.u32 v27, v23;
	_ =	sdelay $0x1  }
0xba: {  	[tilespmem:v62+s22+$0x0] =	vst.idx.msk $0xffff, v17  }
0xbb: {  	v35 =	vor.u32 v3, v20;
	v36 =	vadd.s32 v4, v16;
	v15 =	vld.idx.msk [tilespmem:v15+s17+$0x0], $0xffff  }
0xbc: {  	v25 =	vor.u32 v14, v36;
	[tilespmem:v37+s22+$0x0] =	vst.idx.msk $0xffff, v13  }
0xbd: {  	v39 =	vor.u32 v3, v26;
	v40 =	vadd.s32 v4, v22;
	v13 =	vld.idx.msk [tilespmem:v23+s17+$0x0], $0xffff  }
0xbe: {  	v41 =	vor.u32 v21, v40;
	_ =	sdelay $0x1  }
0xbf: {  	[tilespmem:v35+s22+$0x0] =	vst.idx.msk $0xffff, v15  }
0xc0: {  	v38 =	vor.u32 v5, v20;
	v15 =	vld.idx.msk [tilespmem:v25+s17+$0x0], $0xffff  }
0xc1: {  	v18 =	vor.u32 v63, v36;
	[tilespmem:v39+s22+$0x0] =	vst.idx.msk $0xffff, v13  }
0xc2: {  	v44 =	vor.u32 v5, v26;
	v13 =	vld.idx.msk [tilespmem:v41+s17+$0x0], $0xffff  }
0xc3: {  	v24 =	vor.u32 v27, v40;
	_ =	sdelay $0x1  }
0xc4: {  	[tilespmem:v38+s22+$0x0] =	vst.idx.msk $0xffff, v15  }
0xc5: {  	s31 =	sadd.s32 $0x2, s29;
	v42 =	vor.u32 v6, v20;
	v15 =	vld.idx.msk [tilespmem:v18+s17+$0x0], $0xffff  }
0xc6: {  	v45 =	vadd.s32 s31, v0;
	v43 =	vadd.s32 v7, v16;
	[tilespmem:v44+s22+$0x0] =	vst.idx.msk $0xffff, v13  }
0xc7: {  	v46 =	vor.u32 v6, v26;
	v28 =	vor.u32 v14, v43;
	v47 =	vadd.s32 v7, v22;
	v23 =	vld.idx.msk [tilespmem:v24+s17+$0x0], $0xffff  }
0xc8: {  	s31 =	sadd.s32 $0x3, s29;
	vm10 =	vlt.u32 v45, $0x40;
	v30 =	vor.u32 v21, v47  }
0xc9: {  	v59 =	vadd.s32 s31, v0;
	v29 =	vor.u32 v8, v20;
	v49 =	vor.u32 v9, v20  }
0xca: {  	v32 =	vor.u32 v11, v20;
	v33 =	vor.u32 v12, v20;
	[tilespmem:v42+s22+$0x0] =	vst.idx.msk $0xffff, v15;
	v15 =	vsel vm10, $0x0, v2  }
0xcb: {  	v16 =	vadd.s32 v10, v16;
	v50 =	vor.u32 v8, v26;
	v13 =	vadd.s32 v45, v15  }
0xcc: {  	vm11 =	vlt.u32 v59, $0x40;
	v55 =	vor.u32 v9, v26;
	v28 =	vld.idx.msk [tilespmem:v28+s17+$0x0], $0xffff;
	[tilespmem:v46+s22+$0x0] =	vst.idx.msk $0xffff, v23;
	v15 =	vshll.u32 v13, $0x1  }
0xcd: {  	v58 =	vor.u32 v11, v26;
	v18 =	vor.u32 v63, v43;
	v23 =	vld.idx.msk [tilespmem:v30+s17+$0x0], $0xffff;
	v17 =	vand.u32 $0xFFFFFF80, v15  }
0xce: {  	v25 =	vor.u32 v27, v47;
	v15 =	vand.u32 $0x7E, v15;
	v31 =	vadd.s32 v1, v17  }
0xcf: {  	s31 =	sadd.s32 $0x4, s29;
	v60 =	vor.u32 v12, v26;
	v51 =	vor.u32 v14, v16;
	v48 =	vor.u32 v15, v31  }
0xd0: {  	v19 =	vor.u32 v63, v16;
	v54 =	vadd.s32 v10, v22;
	v41 =	vadd.s32 s31, v0  }
0xd1: {  	v56 =	vor.u32 v21, v54;
	v27 =	vor.u32 v27, v54;
	vm12 =	vlt.u32 v41, $0x40;
	[tilespmem:v29+s22+$0x0] =	vst.idx.msk $0xffff, v28  }
0xd2: {  	v47 =	vsel vm12, $0x0, v2;
	v45 =	vsel vm11, $0x0, v2;
	v13 =	vshll.u32 v13, $0x7;
	v18 =	vld.idx.msk [tilespmem:v18+s17+$0x0], $0xffff;
	[tilespmem:v50+s22+$0x0] =	vst.idx.msk $0xffff, v23  }
0xd3: {  	v16 =	vadd.s32 v59, v45;
	v53 =	vor.u32 v0, v13;
	v62 =	vor.u32 v3, v13;
	v23 =	vld.idx.msk [tilespmem:v25+s17+$0x0], $0xffff  }
0xd4: {  	v34 =	vor.u32 v5, v13;
	v36 =	vor.u32 v6, v13;
	v14 =	vor.u32 $0x1, v15;
	v52 =	vld.idx.msk [tilespmem:v48+s17+$0x0], $0xffff  }
0xd5: {  	v39 =	vor.u32 v8, v13;
	v61 =	vadd.s32 v4, v17;
	v57 =	vor.u32 v14, v31  }
0xd6: {  	v37 =	vadd.s32 v7, v17;
	v63 =	vor.u32 v15, v61;
	v35 =	vor.u32 v14, v61  }
0xd7: {  	s31 =	sadd.s32 $0x5, s29;
	v38 =	vor.u32 v15, v37;
	v48 =	vadd.s32 v41, v47;
	[tilespmem:v49+s22+$0x0] =	vst.idx.msk $0xffff, v18;
	v18 =	vshll.u32 v16, $0x1  }
0xd8: {  	v16 =	vshll.u32 v16, $0x7;
	v49 =	vadd.s32 s31, v0;
	v30 =	vld.idx.msk [tilespmem:v51+s17+$0x0], $0xffff;
	v21 =	vand.u32 $0xFFFFFF80, v18;
	[tilespmem:v55+s22+$0x0] =	vst.idx.msk $0xffff, v23  }
0xd9: {  	v20 =	vand.u32 $0x7E, v18;
	v42 =	vor.u32 v0, v16;
	v40 =	vadd.s32 v1, v21;
	[tilespmem:v53+s22+$0x0] =	vst.idx.msk $0xffff, v52  }
0xda: {  	s31 =	sadd.s32 $0x6, s29;
	v43 =	vor.u32 v3, v16;
	v23 =	vshll.u32 v48, $0x1;
	v46 =	vor.u32 v20, v40;
	v28 =	vld.idx.msk [tilespmem:v57+s17+$0x0], $0xffff  }
0xdb: {  	vm13 =	vlt.u32 v49, $0x40;
	v51 =	vadd.s32 s31, v0;
	v29 =	vld.idx.msk [tilespmem:v56+s17+$0x0], $0xffff;
	v18 =	vor.u32 $0x1, v20  }
0xdc: {  	s31 =	sadd.s32 $0x7, s29;
	v24 =	vand.u32 $0xFFFFFF80, v23;
	v23 =	vand.u32 $0x7E, v23;
	v50 =	vsel vm13, $0x0, v2  }
0xdd: {  	vm14 =	vlt.u32 v51, $0x40;
	v54 =	vadd.s32 s31, v0;
	v40 =	vor.u32 v18, v40;
	[tilespmem:v32+s22+$0x0] =	vst.idx.msk $0xffff, v30  }
0xde: {  	v44 =	vadd.s32 v1, v24;
	v41 =	vadd.s32 v49, v50;
	v53 =	vsel vm14, $0x0, v2;
	v30 =	vld.idx.msk [tilespmem:v19+s17+$0x0], $0xffff  }
0xdf: {  	vm15 =	vlt.u32 v54, $0x40;
	v45 =	vor.u32 v23, v44;
	v52 =	vshll.u32 v41, $0x1;
	v22 =	vld.idx.msk [tilespmem:v46+s17+$0x0], $0xffff;
	[tilespmem:v62+s22+$0x0] =	vst.idx.msk $0xffff, v28  }
0xe0: {  	[tilespmem:v58+s22+$0x0] =	vst.idx.msk $0xffff, v29;
	v19 =	vshll.u32 v48, $0x7;
	v29 =	vand.u32 $0x7E, v52;
	v28 =	vand.u32 $0xFFFFFF80, v52;
	v26 =	vld.idx.msk [tilespmem:v63+s17+$0x0], $0xffff  }
0xe1: {  	v58 =	vsel vm15, $0x0, v2;
	v27 =	vld.idx.msk [tilespmem:v27+s17+$0x0], $0xffff;
	v46 =	vadd.s32 v51, v53;
	v56 =	vadd.s32 v1, v28  }
0xe2: {  	v48 =	vadd.s32 v54, v58;
	v32 =	vshll.u32 v46, $0x1;
	v57 =	vor.u32 v29, v56  }
0xe3: {  	v49 =	vor.u32 v0, v19;
	v58 =	vor.u32 v3, v19;
	v31 =	vand.u32 $0xFFFFFF80, v32  }
0xe4: {  	v45 =	vld.idx.msk [tilespmem:v45+s17+$0x0], $0xffff;
	v32 =	vand.u32 $0x7E, v32;
	v47 =	vadd.s32 v1, v31;
	[tilespmem:v42+s22+$0x0] =	vst.idx.msk $0xffff, v22  }
0xe5: {  	v25 =	vshll.u32 v46, $0x7;
	v59 =	vor.u32 v32, v47;
	v40 =	vld.idx.msk [tilespmem:v40+s17+$0x0], $0xffff;
	[tilespmem:v34+s22+$0x0] =	vst.idx.msk $0xffff, v26;
	v26 =	vor.u32 $0x1, v23  }
0xe6: {  	[tilespmem:v60+s22+$0x0] =	vst.idx.msk $0xffff, v27;
	v60 =	vshll.u32 v48, $0x1;
	v22 =	vshll.u32 v41, $0x7;
	v55 =	vld.idx.msk [tilespmem:v35+s17+$0x0], $0xffff;
	v44 =	vor.u32 v26, v44  }
0xe7: {  	[tilespmem:v33+s22+$0x0] =	vst.idx.msk $0xffff, v30;
	v30 =	vor.u32 $0x1, v29;
	v63 =	vor.u32 v0, v22;
	v35 =	vand.u32 $0xFFFFFF80, v60;
	v62 =	vld.idx.msk [tilespmem:v57+s17+$0x0], $0xffff  }
0xe8: {  	v56 =	vor.u32 v30, v56;
	v34 =	vand.u32 $0x7E, v60;
	v61 =	vadd.s32 v1, v35  }
0xe9: {  	v52 =	vor.u32 v0, v25;
	[tilespmem:v49+s22+$0x0] =	vst.idx.msk $0xffff, v45;
	v50 =	vor.u32 v34, v61  }
0xea: {  	v54 =	vadd.s32 v4, v28;
	v51 =	vld.idx.msk [tilespmem:v59+s17+$0x0], $0xffff;
	[tilespmem:v43+s22+$0x0] =	vst.idx.msk $0xffff, v40;
	v40 =	vadd.s32 v4, v21  }
0xeb: {  	v33 =	vor.u32 $0x1, v32;
	v57 =	vor.u32 v20, v40;
	[tilespmem:v36+s22+$0x0] =	vst.idx.msk $0xffff, v55;
	v44 =	vld.idx.msk [tilespmem:v44+s17+$0x0], $0xffff  }
0xec: {  	v47 =	vor.u32 v33, v47;
	v45 =	vadd.s32 v4, v24;
	[tilespmem:v63+s22+$0x0] =	vst.idx.msk $0xffff, v62;
	v38 =	vld.idx.msk [tilespmem:v38+s17+$0x0], $0xffff  }
0xed: {  	v27 =	vshll.u32 v48, $0x7;
	v53 =	vor.u32 v23, v45;
	v60 =	vor.u32 v3, v22;
	v43 =	vld.idx.msk [tilespmem:v56+s17+$0x0], $0xffff  }
0xee: {  	v48 =	vor.u32 v0, v27;
	v36 =	vor.u32 $0x1, v34;
	v62 =	vor.u32 v29, v54;
	v59 =	vld.idx.msk [tilespmem:v50+s17+$0x0], $0xffff  }
0xef: {  	v41 =	vor.u32 v36, v61;
	[tilespmem:v52+s22+$0x0] =	vst.idx.msk $0xffff, v51  }
0xf0: {  	v40 =	vor.u32 v18, v40;
	v61 =	vor.u32 v5, v16;
	v46 =	vld.idx.msk [tilespmem:v57+s17+$0x0], $0xffff;
	[tilespmem:v58+s22+$0x0] =	vst.idx.msk $0xffff, v44  }
0xf1: {  	v63 =	vor.u32 v3, v25;
	[tilespmem:v39+s22+$0x0] =	vst.idx.msk $0xffff, v38;
	v38 =	vld.idx.msk [tilespmem:v47+s17+$0x0], $0xffff;
	v47 =	vadd.s32 v4, v31  }
0xf2: {  	v57 =	vor.u32 v5, v19;
	v49 =	vld.idx.msk [tilespmem:v53+s17+$0x0], $0xffff;
	[tilespmem:v60+s22+$0x0] =	vst.idx.msk $0xffff, v43;
	v56 =	vor.u32 v32, v47  }
0xf3: {  	v45 =	vor.u32 v26, v45;
	v60 =	vor.u32 v5, v22;
	[tilespmem:v48+s22+$0x0] =	vst.idx.msk $0xffff, v59;
	v59 =	vld.idx.msk [tilespmem:v62+s17+$0x0], $0xffff  }
0xf4: {  	v58 =	vor.u32 v3, v27;
	v43 =	vadd.s32 v4, v35;
	v62 =	vor.u32 v30, v54;
	v41 =	vld.idx.msk [tilespmem:v41+s17+$0x0], $0xffff  }
0xf5: {  	v37 =	vor.u32 v14, v37;
	[tilespmem:v61+s22+$0x0] =	vst.idx.msk $0xffff, v46;
	v61 =	vor.u32 v34, v43  }
0xf6: {  	v39 =	vadd.s32 v7, v21;
	v40 =	vld.idx.msk [tilespmem:v40+s17+$0x0], $0xffff;
	[tilespmem:v63+s22+$0x0] =	vst.idx.msk $0xffff, v38;
	v38 =	vor.u32 v6, v16  }
0xf7: {  	v53 =	vadd.s32 v7, v24;
	v63 =	vor.u32 v5, v25;
	[tilespmem:v57+s22+$0x0] =	vst.idx.msk $0xffff, v49;
	v44 =	vld.idx.msk [tilespmem:v56+s17+$0x0], $0xffff  }
0xf8: {  	v54 =	vor.u32 v20, v39;
	v57 =	vor.u32 v6, v19;
	v45 =	vld.idx.msk [tilespmem:v45+s17+$0x0], $0xffff;
	[tilespmem:v60+s22+$0x0] =	vst.idx.msk $0xffff, v59  }
0xf9: {  	v47 =	vor.u32 v33, v47;
	v60 =	vor.u32 v6, v22;
	[tilespmem:v58+s22+$0x0] =	vst.idx.msk $0xffff, v41;
	v48 =	vld.idx.msk [tilespmem:v62+s17+$0x0], $0xffff  }
0xfa: {  	v59 =	vor.u32 v5, v27;
	v58 =	vor.u32 v23, v53;
	v42 =	vld.idx.msk [tilespmem:v61+s17+$0x0], $0xffff  }
0xfb: {  	v51 =	vadd.s32 v7, v28;
	v43 =	vor.u32 v36, v43;
	[tilespmem:v38+s22+$0x0] =	vst.idx.msk $0xffff, v40  }
0xfc: {  	v37 =	vld.idx.msk [tilespmem:v37+s17+$0x0], $0xffff;
	v62 =	vor.u32 v29, v51;
	[tilespmem:v63+s22+$0x0] =	vst.idx.msk $0xffff, v44  }
0xfd: {  	v61 =	vor.u32 v9, v13;
	v54 =	vld.idx.msk [tilespmem:v54+s17+$0x0], $0xffff;
	[tilespmem:v57+s22+$0x0] =	vst.idx.msk $0xffff, v45  }
0xfe: {  	v55 =	vor.u32 v8, v16;
	v38 =	vld.idx.msk [tilespmem:v47+s17+$0x0], $0xffff;
	[tilespmem:v60+s22+$0x0] =	vst.idx.msk $0xffff, v48  }
0xff: {  	v63 =	vor.u32 v6, v25;
	v47 =	vadd.s32 v7, v31;
	v41 =	vld.idx.msk [tilespmem:v58+s17+$0x0], $0xffff;
	[tilespmem:v59+s22+$0x0] =	vst.idx.msk $0xffff, v42  }
0x100: {  	v58 =	vor.u32 v6, v27;
	v56 =	vor.u32 v32, v47;
	v59 =	vadd.s32 v7, v35;
	v43 =	vld.idx.msk [tilespmem:v43+s17+$0x0], $0xffff  }
0x101: {  	v60 =	vld.idx.msk [tilespmem:v62+s17+$0x0], $0xffff;
	v62 =	vor.u32 v34, v59  }
0x102: {  	v17 =	vadd.s32 v10, v17;
	v57 =	vor.u32 v8, v19;
	[tilespmem:v61+s22+$0x0] =	vst.idx.msk $0xffff, v37  }
0x103: {  	v53 =	vor.u32 v26, v53;
	v61 =	vor.u32 v8, v22;
	[tilespmem:v55+s22+$0x0] =	vst.idx.msk $0xffff, v54  }
0x104: {  	v15 =	vor.u32 v15, v17;
	v54 =	vor.u32 v30, v51;
	[tilespmem:v63+s22+$0x0] =	vst.idx.msk $0xffff, v38  }
0x105: {  	v52 =	vor.u32 v8, v25;
	v63 =	vor.u32 v18, v39;
	v49 =	vld.idx.msk [tilespmem:v56+s17+$0x0], $0xffff;
	[tilespmem:v58+s22+$0x0] =	vst.idx.msk $0xffff, v43  }
0x106: {  	v28 =	vadd.s32 v10, v28;
	v55 =	vor.u32 v33, v47;
	v56 =	vor.u32 v8, v27;
	v43 =	vld.idx.msk [tilespmem:v62+s17+$0x0], $0xffff  }
0x107: {  	v21 =	vadd.s32 v10, v21;
	[tilespmem:v57+s22+$0x0] =	vst.idx.msk $0xffff, v41;
	v57 =	vor.u32 v36, v59  }
0x108: {  	v24 =	vadd.s32 v10, v24;
	[tilespmem:v61+s22+$0x0] =	vst.idx.msk $0xffff, v60;
	v59 =	vld.idx.msk [tilespmem:v53+s17+$0x0], $0xffff;
	v60 =	vor.u32 v9, v19  }
0x109: {  	v20 =	vor.u32 v20, v21;
	v23 =	vor.u32 v23, v24;
	v62 =	vor.u32 v9, v22;
	v61 =	vld.idx.msk [tilespmem:v54+s17+$0x0], $0xffff  }
0x10a: {  	v29 =	vor.u32 v29, v28;
	v58 =	vor.u32 v9, v16;
	v38 =	vld.idx.msk [tilespmem:v63+s17+$0x0], $0xffff;
	[tilespmem:v52+s22+$0x0] =	vst.idx.msk $0xffff, v49  }
0x10b: {  	v31 =	vadd.s32 v10, v31;
	v63 =	vor.u32 v9, v25;
	v37 =	vld.idx.msk [tilespmem:v55+s17+$0x0], $0xffff;
	[tilespmem:v56+s22+$0x0] =	vst.idx.msk $0xffff, v43  }
0x10c: {  	v48 =	vor.u32 v9, v27;
	v32 =	vor.u32 v32, v31;
	v35 =	vadd.s32 v10, v35;
	v44 =	vld.idx.msk [tilespmem:v57+s17+$0x0], $0xffff  }
0x10d: {  	v15 =	vld.idx.msk [tilespmem:v15+s17+$0x0], $0xffff;
	v34 =	vor.u32 v34, v35;
	v49 =	vor.u32 v11, v13;
	[tilespmem:v60+s22+$0x0] =	vst.idx.msk $0xffff, v59  }
0x10e: {  	v14 =	vor.u32 v14, v17;
	v53 =	vor.u32 v11, v19;
	v52 =	vld.idx.msk [tilespmem:v23+s17+$0x0], $0xffff;
	[tilespmem:v62+s22+$0x0] =	vst.idx.msk $0xffff, v61  }
0x10f: {  	v24 =	vor.u32 v26, v24;
	v55 =	vor.u32 v11, v22;
	[tilespmem:v58+s22+$0x0] =	vst.idx.msk $0xffff, v38;
	v54 =	vld.idx.msk [tilespmem:v29+s17+$0x0], $0xffff  }
0x110: {  	v28 =	vor.u32 v30, v28;
	v51 =	vor.u32 v11, v16;
	v50 =	vld.idx.msk [tilespmem:v20+s17+$0x0], $0xffff;
	[tilespmem:v63+s22+$0x0] =	vst.idx.msk $0xffff, v37  }
0x111: {  	v18 =	vor.u32 v18, v21;
	v57 =	vor.u32 v11, v25;
	v56 =	vld.idx.msk [tilespmem:v32+s17+$0x0], $0xffff;
	[tilespmem:v48+s22+$0x0] =	vst.idx.msk $0xffff, v44  }
0x112: {  	v59 =	vor.u32 v11, v27;
	[tilespmem:v49+s22+$0x0] =	vst.idx.msk $0xffff, v15;
	v15 =	vor.u32 v33, v31;
	v58 =	vld.idx.msk [tilespmem:v34+s17+$0x0], $0xffff  }
0x113: {  	v60 =	vor.u32 v36, v35;
	v13 =	vor.u32 v12, v13;
	v14 =	vld.idx.msk [tilespmem:v14+s17+$0x0], $0xffff;
	[tilespmem:v53+s22+$0x0] =	vst.idx.msk $0xffff, v52  }
0x114: {  	v19 =	vor.u32 v12, v19;
	v61 =	vld.idx.msk [tilespmem:v24+s17+$0x0], $0xffff;
	[tilespmem:v55+s22+$0x0] =	vst.idx.msk $0xffff, v54  }
0x115: {  	v22 =	vor.u32 v12, v22;
	[tilespmem:v51+s22+$0x0] =	vst.idx.msk $0xffff, v50;
	v62 =	vld.idx.msk [tilespmem:v28+s17+$0x0], $0xffff  }
0x116: {  	v16 =	vor.u32 v12, v16;
	v18 =	vld.idx.msk [tilespmem:v18+s17+$0x0], $0xffff;
	[tilespmem:v57+s22+$0x0] =	vst.idx.msk $0xffff, v56  }
0x117: {  	v63 =	vor.u32 v12, v25;
	v15 =	vld.idx.msk [tilespmem:v15+s17+$0x0], $0xffff;
	[tilespmem:v59+s22+$0x0] =	vst.idx.msk $0xffff, v58  }
0x118: {  	p2 =	slt.u32 s29, $0x38;
	[tilespmem:v13+s22+$0x0] =	vst.idx.msk $0xffff, v14;
	v14 =	vor.u32 v12, v27;
	v13 =	vld.idx.msk [tilespmem:v60+s17+$0x0], $0xffff  }
.Ltmp6:
0x119: {  	[tilespmem:v19+s22+$0x0] =	vst.idx.msk $0xffff, v61;
	(pc) =	sbr.rel @p2 .LBB2_9-.Ltmp6, $4  }
0x11a: {  	[tilespmem:v22+s22+$0x0] =	vst.idx.msk $0xffff, v62  }
0x11b: {  	[tilespmem:v16+s22+$0x0] =	vst.idx.msk $0xffff, v18  }
0x11c: {  	[tilespmem:v63+s22+$0x0] =	vst.idx.msk $0xffff, v15  }
0x11d: {  	s29 =	sadd.s32 $0x8, s29;
	[tilespmem:v14+s22+$0x0] =	vst.idx.msk $0xffff, v13  }
0x11e: {  	p2 =	seq.s32 s25, $0x79  }
.Ltmp7:
0x11f: {  	_ = 	snop;
	(pc) =	sbr.rel @p2 .LBB2_12-.Ltmp7, $3  }
0x120: {  	_ =	sdelay $0x1  }
0x121: {  	s28 =	sadd.s32 s28, s9  }
0x122: {  	[hbm4b:s28+s3] =	stream.linear.scatter [tilespmem:s22], [sflag:$0x4], $0x2000, $0x38;
	[tilespmem:$0x8000] =	vst v63  }
.Ltmp8:
0x123: {  	(pc) =	sbr.rel .LBB2_2-.Ltmp8, $4  }
0x124: {  	_ = 	snop  }
0x125: {  	s26 =	sshll.u32 s26, $0x7  }
0x126: {  	s25 =	sadd.s32 $0x1, s25;
	s26 =	sadd.s32 s26, s10  }
0x127: {  	[tilespmem:s17], [sflag:$0x2] =	stream.strided.gather [hbm4b:s26+s15], $0x2000, s16, s15, $0x38;
	[tilespmem:$0x8000] =	vst v63  }
.LBB2_12:
0x128: {  	_ =	swait.ge [sflag:s23], $0x2000  }
.Ltmp9:
0x129: {  	[sflag:s23] =	ssyncset.done $0x0;
	(pc) =	sbr.rel @p0 .LBB2_16-.Ltmp9, $4  }
0x12a: {  	[sflag:s23] =	ssyncadd.s32 $0xFFFFE000  }
0x12b: {  	_ =	swait.ge [sflag:s21], $0x2000  }
0x12c: {  	[sflag:s21] =	ssyncset.done $0x0  }
0x12d: {  	[sflag:s21] =	ssyncadd.s32 $0xFFFFE000  }
0x12e: {  	s25 =	simm.s32 $0x0  }
0x12f: {  	[tilespmem:s25], [sflag:$0x1] =	stream.strided.gather [hbm4b:s11+s15], $0x2000, s16, s15, $0x38;
	[tilespmem:$0x8000] =	vst v63  }
0x130: {  	_ =	swait.ge [sflag:s18], $0x2000  }
0x131: {  	[sflag:s18] =	ssyncset.done $0x0  }
0x132: {  	[sflag:s18] =	ssyncadd.s32 $0xFFFFE000  }
.LBB2_14:
0x133: {  	v13 =	vadd.s32 s25, v0  }
0x134: {  	vm0 =	vlt.u32 v13, $0x40  }
0x135: {  	v14 =	vsel vm0, $0x0, v2  }
0x136: {  	s26 =	sadd.s32 $0x1, s25;
	v13 =	vadd.s32 v13, v14  }
0x137: {  	v18 =	vadd.s32 s26, v0;
	v14 =	vshll.u32 v13, $0x1  }
0x138: {  	vm9 =	vlt.u32 v18, $0x40;
	v16 =	vand.u32 $0xFFFFFF80, v14  }
0x139: {  	v19 =	vsel vm9, $0x0, v2;
	v14 =	vand.u32 $0x7E, v14;
	v15 =	vadd.s32 v1, v16  }
0x13a: {  	v20 =	vshll.u32 v13, $0x7;
	v13 =	vadd.s32 v18, v19;
	v17 =	vor.u32 v14, v15  }
0x13b: {  	v21 =	vshll.u32 v13, $0x1  }
0x13c: {  	v22 =	vand.u32 $0xFFFFFF80, v21  }
0x13d: {  	v21 =	vand.u32 $0x7E, v21;
	v23 =	vadd.s32 v1, v22  }
0x13e: {  	v24 =	vor.u32 v21, v23  }
0x13f: {  	v62 =	vor.u32 v0, v20;
	v63 =	vor.u32 $0x1, v14;
	v17 =	vld.idx.msk [tilespmem:v17+s3+$0x0], $0xffff  }
0x140: {  	v15 =	vor.u32 v63, v15;
	_ =	sdelay $0x1  }
0x141: {  	v26 =	vshll.u32 v13, $0x7  }
0x142: {  	v37 =	vor.u32 v0, v26;
	v27 =	vor.u32 $0x1, v21;
	v13 =	vld.idx.msk [tilespmem:v24+s3+$0x0], $0xffff  }
0x143: {  	v23 =	vor.u32 v27, v23;
	[tilespmem:v62+s19+$0x0] =	vst.idx.msk $0xffff, v17  }
0x144: {  	v35 =	vor.u32 v3, v20;
	v36 =	vadd.s32 v4, v16;
	v15 =	vld.idx.msk [tilespmem:v15+s3+$0x0], $0xffff  }
0x145: {  	v25 =	vor.u32 v14, v36;
	_ =	sdelay $0x1  }
0x146: {  	[tilespmem:v37+s19+$0x0] =	vst.idx.msk $0xffff, v13  }
0x147: {  	v39 =	vor.u32 v3, v26;
	v40 =	vadd.s32 v4, v22;
	v13 =	vld.idx.msk [tilespmem:v23+s3+$0x0], $0xffff  }
0x148: {  	v41 =	vor.u32 v21, v40;
	[tilespmem:v35+s19+$0x0] =	vst.idx.msk $0xffff, v15  }
0x149: {  	v38 =	vor.u32 v5, v20;
	v15 =	vld.idx.msk [tilespmem:v25+s3+$0x0], $0xffff  }
0x14a: {  	v18 =	vor.u32 v63, v36;
	_ =	sdelay $0x1  }
0x14b: {  	[tilespmem:v39+s19+$0x0] =	vst.idx.msk $0xffff, v13  }
0x14c: {  	v44 =	vor.u32 v5, v26;
	v13 =	vld.idx.msk [tilespmem:v41+s3+$0x0], $0xffff  }
0x14d: {  	v24 =	vor.u32 v27, v40;
	[tilespmem:v38+s19+$0x0] =	vst.idx.msk $0xffff, v15  }
0x14e: {  	s30 =	sadd.s32 $0x2, s25;
	v42 =	vor.u32 v6, v20;
	v15 =	vld.idx.msk [tilespmem:v18+s3+$0x0], $0xffff  }
0x14f: {  	s31 =	sadd.s32 $0x3, s25;
	v45 =	vadd.s32 s30, v0;
	v43 =	vadd.s32 v7, v16  }
0x150: {  	v59 =	vadd.s32 s31, v0;
	vm10 =	vlt.u32 v45, $0x40;
	v28 =	vor.u32 v14, v43  }
0x151: {  	vm11 =	vlt.u32 v59, $0x40;
	v29 =	vor.u32 v8, v20;
	v49 =	vor.u32 v9, v20;
	[tilespmem:v44+s19+$0x0] =	vst.idx.msk $0xffff, v13  }
0x152: {  	v32 =	vor.u32 v11, v20;
	v46 =	vor.u32 v6, v26;
	v47 =	vadd.s32 v7, v22;
	v23 =	vld.idx.msk [tilespmem:v24+s3+$0x0], $0xffff  }
0x153: {  	v33 =	vor.u32 v12, v20;
	v30 =	vor.u32 v21, v47;
	[tilespmem:v42+s19+$0x0] =	vst.idx.msk $0xffff, v15;
	v15 =	vsel vm10, $0x0, v2  }
0x154: {  	v16 =	vadd.s32 v10, v16;
	v50 =	vor.u32 v8, v26;
	v13 =	vadd.s32 v45, v15  }
0x155: {  	v55 =	vor.u32 v9, v26;
	v58 =	vor.u32 v11, v26;
	v28 =	vld.idx.msk [tilespmem:v28+s3+$0x0], $0xffff;
	v15 =	vshll.u32 v13, $0x1  }
0x156: {  	v60 =	vor.u32 v12, v26;
	v18 =	vor.u32 v63, v43;
	v17 =	vand.u32 $0xFFFFFF80, v15  }
0x157: {  	v54 =	vadd.s32 v10, v22;
	[tilespmem:v46+s19+$0x0] =	vst.idx.msk $0xffff, v23;
	v15 =	vand.u32 $0x7E, v15;
	v31 =	vadd.s32 v1, v17  }
0x158: {  	s31 =	sadd.s32 $0x7, s25;
	v51 =	vor.u32 v14, v16;
	v56 =	vor.u32 v21, v54;
	v23 =	vld.idx.msk [tilespmem:v30+s3+$0x0], $0xffff;
	v48 =	vor.u32 v15, v31  }
0x159: {  	s28 =	sadd.s32 $0x4, s25;
	v25 =	vor.u32 v27, v47;
	v27 =	vor.u32 v27, v54;
	v54 =	vadd.s32 s31, v0  }
0x15a: {  	v19 =	vor.u32 v63, v16;
	v41 =	vadd.s32 s28, v0;
	vm15 =	vlt.u32 v54, $0x40;
	[tilespmem:v29+s19+$0x0] =	vst.idx.msk $0xffff, v28  }
0x15b: {  	vm12 =	vlt.u32 v41, $0x40;
	v45 =	vsel vm11, $0x0, v2;
	v13 =	vshll.u32 v13, $0x7;
	v18 =	vld.idx.msk [tilespmem:v18+s3+$0x0], $0xffff  }
0x15c: {  	v16 =	vadd.s32 v59, v45;
	v53 =	vor.u32 v0, v13;
	v62 =	vor.u32 v3, v13  }
0x15d: {  	v47 =	vsel vm12, $0x0, v2;
	v34 =	vor.u32 v5, v13;
	v14 =	vor.u32 $0x1, v15;
	[tilespmem:v50+s19+$0x0] =	vst.idx.msk $0xffff, v23;
	v52 =	vld.idx.msk [tilespmem:v48+s3+$0x0], $0xffff  }
0x15e: {  	v36 =	vor.u32 v6, v13;
	v61 =	vadd.s32 v4, v17;
	v57 =	vor.u32 v14, v31;
	v23 =	vld.idx.msk [tilespmem:v25+s3+$0x0], $0xffff  }
0x15f: {  	v39 =	vor.u32 v8, v13;
	v37 =	vadd.s32 v7, v17;
	v63 =	vor.u32 v15, v61  }
0x160: {  	v35 =	vor.u32 v14, v61;
	v38 =	vor.u32 v15, v37;
	[tilespmem:v49+s19+$0x0] =	vst.idx.msk $0xffff, v18;
	v18 =	vshll.u32 v16, $0x1  }
0x161: {  	s29 =	sadd.s32 $0x5, s25;
	v48 =	vadd.s32 v41, v47;
	v16 =	vshll.u32 v16, $0x7;
	v30 =	vld.idx.msk [tilespmem:v51+s3+$0x0], $0xffff;
	v21 =	vand.u32 $0xFFFFFF80, v18  }
0x162: {  	v49 =	vadd.s32 s29, v0;
	v20 =	vand.u32 $0x7E, v18;
	v40 =	vadd.s32 v1, v21;
	[tilespmem:v53+s19+$0x0] =	vst.idx.msk $0xffff, v52  }
0x163: {  	[tilespmem:v55+s19+$0x0] =	vst.idx.msk $0xffff, v23;
	v42 =	vor.u32 v0, v16;
	v46 =	vor.u32 v20, v40;
	v28 =	vld.idx.msk [tilespmem:v57+s3+$0x0], $0xffff  }
0x164: {  	s30 =	sadd.s32 $0x6, s25;
	v43 =	vor.u32 v3, v16;
	v23 =	vshll.u32 v48, $0x1;
	vm13 =	vlt.u32 v49, $0x40;
	v29 =	vld.idx.msk [tilespmem:v56+s3+$0x0], $0xffff  }
0x165: {  	v51 =	vadd.s32 s30, v0;
	v18 =	vor.u32 $0x1, v20;
	v24 =	vand.u32 $0xFFFFFF80, v23  }
0x166: {  	v23 =	vand.u32 $0x7E, v23;
	v50 =	vsel vm13, $0x0, v2;
	vm14 =	vlt.u32 v51, $0x40;
	[tilespmem:v32+s19+$0x0] =	vst.idx.msk $0xffff, v30  }
0x167: {  	v40 =	vor.u32 v18, v40;
	v44 =	vadd.s32 v1, v24;
	v41 =	vadd.s32 v49, v50;
	v30 =	vld.idx.msk [tilespmem:v19+s3+$0x0], $0xffff  }
0x168: {  	v53 =	vsel vm14, $0x0, v2;
	v45 =	vor.u32 v23, v44;
	v52 =	vshll.u32 v41, $0x1;
	v22 =	vld.idx.msk [tilespmem:v46+s3+$0x0], $0xffff;
	[tilespmem:v62+s19+$0x0] =	vst.idx.msk $0xffff, v28  }
0x169: {  	[tilespmem:v58+s19+$0x0] =	vst.idx.msk $0xffff, v29;
	v19 =	vshll.u32 v48, $0x7;
	v29 =	vand.u32 $0x7E, v52;
	v28 =	vand.u32 $0xFFFFFF80, v52;
	v26 =	vld.idx.msk [tilespmem:v63+s3+$0x0], $0xffff  }
0x16a: {  	v58 =	vsel vm15, $0x0, v2;
	v27 =	vld.idx.msk [tilespmem:v27+s3+$0x0], $0xffff;
	v46 =	vadd.s32 v51, v53;
	v56 =	vadd.s32 v1, v28  }
0x16b: {  	v48 =	vadd.s32 v54, v58;
	v32 =	vshll.u32 v46, $0x1;
	v57 =	vor.u32 v29, v56  }
0x16c: {  	v49 =	vor.u32 v0, v19;
	v58 =	vor.u32 v3, v19;
	v31 =	vand.u32 $0xFFFFFF80, v32  }
0x16d: {  	v45 =	vld.idx.msk [tilespmem:v45+s3+$0x0], $0xffff;
	v32 =	vand.u32 $0x7E, v32;
	v47 =	vadd.s32 v1, v31;
	[tilespmem:v42+s19+$0x0] =	vst.idx.msk $0xffff, v22  }
0x16e: {  	v25 =	vshll.u32 v46, $0x7;
	v59 =	vor.u32 v32, v47;
	v40 =	vld.idx.msk [tilespmem:v40+s3+$0x0], $0xffff;
	[tilespmem:v34+s19+$0x0] =	vst.idx.msk $0xffff, v26;
	v26 =	vor.u32 $0x1, v23  }
0x16f: {  	[tilespmem:v60+s19+$0x0] =	vst.idx.msk $0xffff, v27;
	v60 =	vshll.u32 v48, $0x1;
	v22 =	vshll.u32 v41, $0x7;
	v55 =	vld.idx.msk [tilespmem:v35+s3+$0x0], $0xffff;
	v44 =	vor.u32 v26, v44  }
0x170: {  	[tilespmem:v33+s19+$0x0] =	vst.idx.msk $0xffff, v30;
	v30 =	vor.u32 $0x1, v29;
	v63 =	vor.u32 v0, v22;
	v35 =	vand.u32 $0xFFFFFF80, v60;
	v62 =	vld.idx.msk [tilespmem:v57+s3+$0x0], $0xffff  }
0x171: {  	v56 =	vor.u32 v30, v56;
	v34 =	vand.u32 $0x7E, v60;
	v61 =	vadd.s32 v1, v35  }
0x172: {  	v52 =	vor.u32 v0, v25;
	[tilespmem:v49+s19+$0x0] =	vst.idx.msk $0xffff, v45;
	v50 =	vor.u32 v34, v61  }
0x173: {  	v54 =	vadd.s32 v4, v28;
	v51 =	vld.idx.msk [tilespmem:v59+s3+$0x0], $0xffff;
	[tilespmem:v43+s19+$0x0] =	vst.idx.msk $0xffff, v40;
	v40 =	vadd.s32 v4, v21  }
0x174: {  	v33 =	vor.u32 $0x1, v32;
	v57 =	vor.u32 v20, v40;
	[tilespmem:v36+s19+$0x0] =	vst.idx.msk $0xffff, v55;
	v44 =	vld.idx.msk [tilespmem:v44+s3+$0x0], $0xffff  }
0x175: {  	v47 =	vor.u32 v33, v47;
	v45 =	vadd.s32 v4, v24;
	[tilespmem:v63+s19+$0x0] =	vst.idx.msk $0xffff, v62;
	v38 =	vld.idx.msk [tilespmem:v38+s3+$0x0], $0xffff  }
0x176: {  	v27 =	vshll.u32 v48, $0x7;
	v53 =	vor.u32 v23, v45;
	v60 =	vor.u32 v3, v22;
	v43 =	vld.idx.msk [tilespmem:v56+s3+$0x0], $0xffff  }
0x177: {  	v48 =	vor.u32 v0, v27;
	v36 =	vor.u32 $0x1, v34;
	v62 =	vor.u32 v29, v54;
	v59 =	vld.idx.msk [tilespmem:v50+s3+$0x0], $0xffff  }
0x178: {  	v41 =	vor.u32 v36, v61;
	[tilespmem:v52+s19+$0x0] =	vst.idx.msk $0xffff, v51  }
0x179: {  	v40 =	vor.u32 v18, v40;
	v61 =	vor.u32 v5, v16;
	v46 =	vld.idx.msk [tilespmem:v57+s3+$0x0], $0xffff;
	[tilespmem:v58+s19+$0x0] =	vst.idx.msk $0xffff, v44  }
0x17a: {  	v63 =	vor.u32 v3, v25;
	[tilespmem:v39+s19+$0x0] =	vst.idx.msk $0xffff, v38;
	v38 =	vld.idx.msk [tilespmem:v47+s3+$0x0], $0xffff;
	v47 =	vadd.s32 v4, v31  }
0x17b: {  	v57 =	vor.u32 v5, v19;
	v49 =	vld.idx.msk [tilespmem:v53+s3+$0x0], $0xffff;
	[tilespmem:v60+s19+$0x0] =	vst.idx.msk $0xffff, v43;
	v56 =	vor.u32 v32, v47  }
0x17c: {  	v45 =	vor.u32 v26, v45;
	v60 =	vor.u32 v5, v22;
	[tilespmem:v48+s19+$0x0] =	vst.idx.msk $0xffff, v59;
	v59 =	vld.idx.msk [tilespmem:v62+s3+$0x0], $0xffff  }
0x17d: {  	v58 =	vor.u32 v3, v27;
	v43 =	vadd.s32 v4, v35;
	v62 =	vor.u32 v30, v54;
	v41 =	vld.idx.msk [tilespmem:v41+s3+$0x0], $0xffff  }
0x17e: {  	v37 =	vor.u32 v14, v37;
	[tilespmem:v61+s19+$0x0] =	vst.idx.msk $0xffff, v46;
	v61 =	vor.u32 v34, v43  }
0x17f: {  	v39 =	vadd.s32 v7, v21;
	v40 =	vld.idx.msk [tilespmem:v40+s3+$0x0], $0xffff;
	[tilespmem:v63+s19+$0x0] =	vst.idx.msk $0xffff, v38;
	v38 =	vor.u32 v6, v16  }
0x180: {  	v53 =	vadd.s32 v7, v24;
	v63 =	vor.u32 v5, v25;
	[tilespmem:v57+s19+$0x0] =	vst.idx.msk $0xffff, v49;
	v44 =	vld.idx.msk [tilespmem:v56+s3+$0x0], $0xffff  }
0x181: {  	v54 =	vor.u32 v20, v39;
	v57 =	vor.u32 v6, v19;
	v45 =	vld.idx.msk [tilespmem:v45+s3+$0x0], $0xffff;
	[tilespmem:v60+s19+$0x0] =	vst.idx.msk $0xffff, v59  }
0x182: {  	v47 =	vor.u32 v33, v47;
	v60 =	vor.u32 v6, v22;
	[tilespmem:v58+s19+$0x0] =	vst.idx.msk $0xffff, v41;
	v48 =	vld.idx.msk [tilespmem:v62+s3+$0x0], $0xffff  }
0x183: {  	v59 =	vor.u32 v5, v27;
	v58 =	vor.u32 v23, v53;
	v42 =	vld.idx.msk [tilespmem:v61+s3+$0x0], $0xffff  }
0x184: {  	v51 =	vadd.s32 v7, v28;
	v43 =	vor.u32 v36, v43;
	[tilespmem:v38+s19+$0x0] =	vst.idx.msk $0xffff, v40  }
0x185: {  	v37 =	vld.idx.msk [tilespmem:v37+s3+$0x0], $0xffff;
	v62 =	vor.u32 v29, v51;
	[tilespmem:v63+s19+$0x0] =	vst.idx.msk $0xffff, v44  }
0x186: {  	v61 =	vor.u32 v9, v13;
	v54 =	vld.idx.msk [tilespmem:v54+s3+$0x0], $0xffff;
	[tilespmem:v57+s19+$0x0] =	vst.idx.msk $0xffff, v45  }
0x187: {  	v55 =	vor.u32 v8, v16;
	v38 =	vld.idx.msk [tilespmem:v47+s3+$0x0], $0xffff;
	[tilespmem:v60+s19+$0x0] =	vst.idx.msk $0xffff, v48  }
0x188: {  	v63 =	vor.u32 v6, v25;
	v47 =	vadd.s32 v7, v31;
	v41 =	vld.idx.msk [tilespmem:v58+s3+$0x0], $0xffff;
	[tilespmem:v59+s19+$0x0] =	vst.idx.msk $0xffff, v42  }
0x189: {  	v58 =	vor.u32 v6, v27;
	v56 =	vor.u32 v32, v47;
	v59 =	vadd.s32 v7, v35;
	v43 =	vld.idx.msk [tilespmem:v43+s3+$0x0], $0xffff  }
0x18a: {  	v60 =	vld.idx.msk [tilespmem:v62+s3+$0x0], $0xffff;
	v62 =	vor.u32 v34, v59  }
0x18b: {  	v17 =	vadd.s32 v10, v17;
	v57 =	vor.u32 v8, v19;
	[tilespmem:v61+s19+$0x0] =	vst.idx.msk $0xffff, v37  }
0x18c: {  	v53 =	vor.u32 v26, v53;
	v61 =	vor.u32 v8, v22;
	[tilespmem:v55+s19+$0x0] =	vst.idx.msk $0xffff, v54  }
0x18d: {  	v15 =	vor.u32 v15, v17;
	v54 =	vor.u32 v30, v51;
	[tilespmem:v63+s19+$0x0] =	vst.idx.msk $0xffff, v38  }
0x18e: {  	v52 =	vor.u32 v8, v25;
	v63 =	vor.u32 v18, v39;
	v49 =	vld.idx.msk [tilespmem:v56+s3+$0x0], $0xffff;
	[tilespmem:v58+s19+$0x0] =	vst.idx.msk $0xffff, v43  }
0x18f: {  	v28 =	vadd.s32 v10, v28;
	v55 =	vor.u32 v33, v47;
	v56 =	vor.u32 v8, v27;
	v43 =	vld.idx.msk [tilespmem:v62+s3+$0x0], $0xffff  }
0x190: {  	v21 =	vadd.s32 v10, v21;
	[tilespmem:v57+s19+$0x0] =	vst.idx.msk $0xffff, v41;
	v57 =	vor.u32 v36, v59  }
0x191: {  	v24 =	vadd.s32 v10, v24;
	[tilespmem:v61+s19+$0x0] =	vst.idx.msk $0xffff, v60;
	v59 =	vld.idx.msk [tilespmem:v53+s3+$0x0], $0xffff;
	v60 =	vor.u32 v9, v19  }
0x192: {  	v20 =	vor.u32 v20, v21;
	v23 =	vor.u32 v23, v24;
	v62 =	vor.u32 v9, v22;
	v61 =	vld.idx.msk [tilespmem:v54+s3+$0x0], $0xffff  }
0x193: {  	v29 =	vor.u32 v29, v28;
	v58 =	vor.u32 v9, v16;
	v38 =	vld.idx.msk [tilespmem:v63+s3+$0x0], $0xffff;
	[tilespmem:v52+s19+$0x0] =	vst.idx.msk $0xffff, v49  }
0x194: {  	v31 =	vadd.s32 v10, v31;
	v63 =	vor.u32 v9, v25;
	v37 =	vld.idx.msk [tilespmem:v55+s3+$0x0], $0xffff;
	[tilespmem:v56+s19+$0x0] =	vst.idx.msk $0xffff, v43  }
0x195: {  	v48 =	vor.u32 v9, v27;
	v32 =	vor.u32 v32, v31;
	v35 =	vadd.s32 v10, v35;
	v44 =	vld.idx.msk [tilespmem:v57+s3+$0x0], $0xffff  }
0x196: {  	v15 =	vld.idx.msk [tilespmem:v15+s3+$0x0], $0xffff;
	v34 =	vor.u32 v34, v35;
	v49 =	vor.u32 v11, v13;
	[tilespmem:v60+s19+$0x0] =	vst.idx.msk $0xffff, v59  }
0x197: {  	v14 =	vor.u32 v14, v17;
	v53 =	vor.u32 v11, v19;
	v52 =	vld.idx.msk [tilespmem:v23+s3+$0x0], $0xffff;
	[tilespmem:v62+s19+$0x0] =	vst.idx.msk $0xffff, v61  }
0x198: {  	v24 =	vor.u32 v26, v24;
	v55 =	vor.u32 v11, v22;
	[tilespmem:v58+s19+$0x0] =	vst.idx.msk $0xffff, v38;
	v54 =	vld.idx.msk [tilespmem:v29+s3+$0x0], $0xffff  }
0x199: {  	v28 =	vor.u32 v30, v28;
	v51 =	vor.u32 v11, v16;
	v50 =	vld.idx.msk [tilespmem:v20+s3+$0x0], $0xffff;
	[tilespmem:v63+s19+$0x0] =	vst.idx.msk $0xffff, v37  }
0x19a: {  	v18 =	vor.u32 v18, v21;
	v57 =	vor.u32 v11, v25;
	v56 =	vld.idx.msk [tilespmem:v32+s3+$0x0], $0xffff;
	[tilespmem:v48+s19+$0x0] =	vst.idx.msk $0xffff, v44  }
0x19b: {  	v59 =	vor.u32 v11, v27;
	[tilespmem:v49+s19+$0x0] =	vst.idx.msk $0xffff, v15;
	v15 =	vor.u32 v33, v31;
	v58 =	vld.idx.msk [tilespmem:v34+s3+$0x0], $0xffff  }
0x19c: {  	v60 =	vor.u32 v36, v35;
	v13 =	vor.u32 v12, v13;
	v14 =	vld.idx.msk [tilespmem:v14+s3+$0x0], $0xffff;
	[tilespmem:v53+s19+$0x0] =	vst.idx.msk $0xffff, v52  }
0x19d: {  	v19 =	vor.u32 v12, v19;
	v61 =	vld.idx.msk [tilespmem:v24+s3+$0x0], $0xffff;
	[tilespmem:v55+s19+$0x0] =	vst.idx.msk $0xffff, v54  }
0x19e: {  	v22 =	vor.u32 v12, v22;
	[tilespmem:v51+s19+$0x0] =	vst.idx.msk $0xffff, v50;
	v62 =	vld.idx.msk [tilespmem:v28+s3+$0x0], $0xffff  }
0x19f: {  	v16 =	vor.u32 v12, v16;
	v18 =	vld.idx.msk [tilespmem:v18+s3+$0x0], $0xffff;
	[tilespmem:v57+s19+$0x0] =	vst.idx.msk $0xffff, v56  }
0x1a0: {  	v63 =	vor.u32 v12, v25;
	v15 =	vld.idx.msk [tilespmem:v15+s3+$0x0], $0xffff;
	[tilespmem:v59+s19+$0x0] =	vst.idx.msk $0xffff, v58  }
0x1a1: {  	p2 =	slt.u32 s25, $0x38;
	[tilespmem:v13+s19+$0x0] =	vst.idx.msk $0xffff, v14;
	v14 =	vor.u32 v12, v27;
	v13 =	vld.idx.msk [tilespmem:v60+s3+$0x0], $0xffff  }
.Ltmp10:
0x1a2: {  	[tilespmem:v19+s19+$0x0] =	vst.idx.msk $0xffff, v61;
	(pc) =	sbr.rel @p2 .LBB2_14-.Ltmp10, $4  }
0x1a3: {  	[tilespmem:v22+s19+$0x0] =	vst.idx.msk $0xffff, v62  }
0x1a4: {  	[tilespmem:v16+s19+$0x0] =	vst.idx.msk $0xffff, v18  }
0x1a5: {  	[tilespmem:v63+s19+$0x0] =	vst.idx.msk $0xffff, v15  }
0x1a6: {  	s25 =	sadd.s32 $0x8, s25;
	[tilespmem:v14+s19+$0x0] =	vst.idx.msk $0xffff, v13  }
.Ltmp11:
0x1a7: {  	(pc) =	sbr.rel .LBB2_16-.Ltmp11, $4  }
0x1a8: {  	[hbm4b:s12+s3] =	stream.linear.scatter [tilespmem:s19], [sflag:$0x3], $0x2000, $0x38;
	[tilespmem:$0x8000] =	vst v63  }
0x1a9: {  	_ =	swait.ge [sflag:s23], $0x2000  }
0x1aa: {  	[sflag:s23] =	ssyncset.done $0x0  }
0x1ab: {  	[sflag:s23] =	ssyncadd.s32 $0xFFFFE000  }
.LBB2_17:
0x1ac: {  	_ =	sfence.sel $0x180000  }
0x1ad: {  	[bflag:$0x0] =	sbarrier.arrive $0xFFFF  }
0x1ae: {  	p0 =	sne.s32 s0, $0x0;
	_ =	strace $0x90000047  }
0x1af: {  	s0 =	sadd.s32 @!p0 $0x100000, s1;
	[bflag:$0x2] =	sbarrier.arrive $0xFFFF  }
0x1b0: {  	[sflag:s0] =	ssyncadd.tile.s32 @!p0 $0x1;
	_ =	shalt  }
.Lfunc_end2:
_tile_overlayer_lowered:
.L_overlay_start_2:
0x1b1: {  	(tag) =	ssettag $0x2  }
0x1b2: {  	s0 =	rddreg [dreg:$0x0];
	s2 =	stileid.u32  }
0x1b3: {  	s1 =	rddreg [dreg:$0x1];
	p0 =	sne.s32 s2, $0x0  }
0x1b4: {  	s3 =	rddreg [dreg:$0x2];
	[bflag:$0x3] =	sbarrier.arrive $0xFFFF;
	s2 =	simm.s32 @!p0 $0x1C05  }
0x1b5: {  	[timem:s3], [sflag:s2] =	dma.local @!p0 [hbm:s0], s1  }
0x1b6: {  	s0 =	simm.s32 @!p0 $0x5  }
0x1b7: {  	_ =	swait.ge @!p0 [sflag:s0], s1  }
0x1b8: {  	s1 =	ssub.s32 @!p0 $0x0, s1;
	[sflag:s0] =	ssyncset.done @!p0 $0x0  }
0x1b9: {  	[sflag:s0] =	ssyncadd.s32 @!p0 s1  }
0x1ba: {  	[bflag:$0x3] =	sbarrier.arrive $0xFFFF  }
0x1bb: {  	_ =	shalt  }

// kernel: kernel.7.cloned.1.call-start
scs
__scs_entry_jumppad:
0x0: {  	(pc) =	sbr.rel $0x88, $3  }
0x1: {  	(tag) =	ssettag $0x0;
	lr =	simm.s32 $0x1  }
0x2: {  	[smem:$0x3F9F] =	sst lr;
	_ =	strace $0xD0000000  }
0x3: {  	_ = 	snop  }
0x4: {  	_ = 	snop  }
0x5: {  	_ = 	snop  }
0x6: {  	_ = 	snop  }
0x7: {  	_ = 	snop  }
__scs_overlays_trampoline_lowered:
0x8: {  	[smem:$0x3FAE] =	sst s0  }
0x9: {  	[smem:$0x3FAF] =	sst s1  }
0xa: {  	[smem:$0x3FB0] =	sst s2  }
0xb: {  	[smem:$0x3FB1] =	sst s3  }
0xc: {  	[smem:$0x3FB2] =	sst s4  }
0xd: {  	[smem:$0x3FB3] =	sst s5  }
0xe: {  	[smem:$0x3FB4] =	sst s6  }
0xf: {  	[smem:$0x3FB5] =	sst s7  }
0x10: {  	[smem:$0x3FB6] =	sst s8  }
0x11: {  	[smem:$0x3FB7] =	sst s9;
	s0 =	simm.s32 @!p0 $0x0  }
0x12: {  	s1 =	sld [smem:$0x3F9D];
	s0 =	simm.s32 @p0 $0x1  }
0x13: {  	[smem:$0x3FB8] =	sst s0;
	s0 =	simm.s32 @!p1 $0x0  }
0x14: {  	s2 =	sld [smem:$0x3F9C];
	s0 =	simm.s32 @p1 $0x1  }
0x15: {  	[smem:$0x3FB9] =	sst s0;
	s0 =	simm.s32 @!p2 $0x0  }
0x16: {  	s3 =	sld [smem:$0x3FDB];
	s0 =	simm.s32 @p2 $0x1  }
0x17: {  	s4 =	simm.s32 $0x1BF5;
	[smem:$0x3FBB] =	sst s0  }
0x18: {  	s0 =	sld [smem:$0x3F9E];
	_ =	swait.ge [sflag:s4], $0x0  }
0x19: {  	s7 =	sld [smem:$0x3F9F]  }
0x1a: {  	s8 =	sadd.s32 $0xFFFFE003, lr  }
0x1b: {  	s9 =	sadd.s32 $0xFFFFFEF7, lr;
	s5 =	simm.s32 $0xFFFFFFFF;
	p2 =	slt.u32 s8, $0xFFFFF086  }
0x1c: {  	p1 =	slt.u32 s9, $0xF7A;
	s5 =	simm.s32 @!p2 $0x0  }
0x1d: {  	s5 =	simm.s32 @p1 $0x1;
	p0 =	seq.s32 s7, s2  }
0x1e: {  	s7 =	smul.u32 @!p0 $0xF7A, s2;
	p2 =	seq.s32 @!p0 s5, $0x0  }
0x1f: {  	s9 =	smul.u32 $0xF7A, s1;
	s8 =	simm.s32 @!p0 $0x1BF5;
	p2 =	por !p2, p0  }
0x20: {  	[sflag:s8] =	ssyncset.s32 @!p0 $0xFFFFF086;
	s6 =	sadd.s32 @!p0 s3, s7;
	s7 =	simm.s32 @!p0 $0x108  }
0x21: {  	s3 =	sadd.s32 s3, s9;
	s6 =	sadd.s32 @!p0 $0x88, s6;
	s7 =	simm.s32 @p2 $0x1082  }
0x22: {  	[simem:s7], [sflag:s8] =	dma.local @!p0 [hbm:s6], $0xF7A  }
0x23: {  	s9 =	sor.u32 $0xD0000000, s2;
	s6 =	simm.s32 $0x108;
	_ =	swait.ge @!p0 [sflag:s8], $0x0  }
0x24: {  	s3 =	sadd.s32 $0x88, s3;
	s6 =	simm.s32 @!p1 $0x1082;
	[sflag:s4] =	ssyncset.s32 $0xFFFFF086  }
0x25: {  	[simem:s6], [sflag:s4] =	dma.local [hbm:s3], $0xF7A  }
0x26: {  	[smem:$0x3F9F] =	sst s1;
	(tag) =	ssettag s2;
	_ =	strace s9  }
0x27: {  	s1 =	sld [smem:$0x3FAF]  }
0x28: {  	s2 =	sld [smem:$0x3FB0]  }
0x29: {  	s4 =	sld [smem:$0x3FB2]  }
0x2a: {  	p0 =	seq.s32 s5, $0x0;
	s5 =	sld [smem:$0x3FB3]  }
0x2b: {  	s6 =	sld [smem:$0x3FB4]  }
0x2c: {  	s7 =	sld [smem:$0x3FB5]  }
0x2d: {  	s3 =	simm.s32 $0x108;
	s8 =	sld [smem:$0x3FB6]  }
0x2e: {  	s3 =	simm.s32 @!p0 $0x1082;
	s9 =	sld [smem:$0x3FB7]  }
0x2f: {  	lr =	sadd.s32 s0, s3;
	s0 =	sld [smem:$0x3FAE]  }
0x30: {  	s3 =	sld [smem:$0x3FB1]  }
0x31: {  	[smem:$0x3FBA] =	sst s10  }
0x32: {  	s10 =	sld [smem:$0x3FB8];
	_ =	sdelay $0x3  }
0x33: {  	p0 =	seq.s32 s10, $0x1;
	s10 =	sld [smem:$0x3FBA];
	_ =	sdelay $0x3  }
0x34: {  	[smem:$0x3FBA] =	sst s10  }
0x35: {  	s10 =	sld [smem:$0x3FB9];
	_ =	sdelay $0x3  }
0x36: {  	p1 =	seq.s32 s10, $0x1;
	s10 =	sld [smem:$0x3FBA];
	_ =	sdelay $0x3  }
0x37: {  	[smem:$0x3FBA] =	sst s10  }
0x38: {  	s10 =	sld [smem:$0x3FBB]  }
0x39: {  	_ = 	snop;
	(pc) =	sbr.ind lr, $3  }
0x3a: {  	_ = 	snop  }
0x3b: {  	_ = 	snop  }
0x3c: {  	p2 =	seq.s32 s10, $0x1;
	s10 =	sld [smem:$0x3FBA]  }
0x3d: {  	_ =	shalt  }
0x3e: {  	_ =	shalt  }
0x3f: {  	_ =	shalt  }
0x40: {  	_ =	shalt  }
0x41: {  	_ =	shalt  }
0x42: {  	_ =	shalt  }
0x43: {  	_ =	shalt  }
0x44: {  	_ =	shalt  }
0x45: {  	_ =	shalt  }
0x46: {  	_ =	shalt  }
0x47: {  	_ =	shalt  }
0x48: {  	_ =	shalt  }
0x49: {  	_ =	shalt  }
0x4a: {  	_ =	shalt  }
0x4b: {  	_ =	shalt  }
0x4c: {  	_ =	shalt  }
0x4d: {  	_ =	shalt  }
0x4e: {  	_ =	shalt  }
0x4f: {  	_ =	shalt  }
0x50: {  	_ =	shalt  }
0x51: {  	_ =	shalt  }
0x52: {  	_ =	shalt  }
0x53: {  	_ =	shalt  }
0x54: {  	_ =	shalt  }
0x55: {  	_ =	shalt  }
0x56: {  	_ =	shalt  }
0x57: {  	_ =	shalt  }
0x58: {  	_ =	shalt  }
0x59: {  	_ =	shalt  }
0x5a: {  	_ =	shalt  }
0x5b: {  	_ =	shalt  }
0x5c: {  	_ =	shalt  }
0x5d: {  	_ =	shalt  }
0x5e: {  	_ =	shalt  }
0x5f: {  	_ =	shalt  }
0x60: {  	_ =	shalt  }
0x61: {  	_ =	shalt  }
0x62: {  	_ =	shalt  }
0x63: {  	_ =	shalt  }
0x64: {  	_ =	shalt  }
0x65: {  	_ =	shalt  }
0x66: {  	_ =	shalt  }
0x67: {  	_ =	shalt  }
0x68: {  	_ =	shalt  }
0x69: {  	_ =	shalt  }
0x6a: {  	_ =	shalt  }
0x6b: {  	_ =	shalt  }
0x6c: {  	_ =	shalt  }
0x6d: {  	_ =	shalt  }
0x6e: {  	_ =	shalt  }
0x6f: {  	_ =	shalt  }
0x70: {  	_ =	shalt  }
0x71: {  	_ =	shalt  }
0x72: {  	_ =	shalt  }
0x73: {  	_ =	shalt  }
0x74: {  	_ =	shalt  }
0x75: {  	_ =	shalt  }
0x76: {  	_ =	shalt  }
0x77: {  	_ =	shalt  }
0x78: {  	_ =	shalt  }
0x79: {  	_ =	shalt  }
0x7a: {  	_ =	shalt  }
0x7b: {  	_ =	shalt  }
0x7c: {  	_ =	shalt  }
0x7d: {  	_ =	shalt  }
0x7e: {  	_ =	shalt  }
0x7f: {  	_ =	shalt  }
0x80: {  	_ =	shalt  }
0x81: {  	_ =	shalt  }
0x82: {  	_ =	shalt  }
0x83: {  	_ =	shalt  }
0x84: {  	_ =	shalt  }
0x85: {  	_ =	shalt  }
0x86: {  	_ =	shalt  }
0x87: {  	_ =	shalt  }
.Lfunc_end0:
.L_simem_size_0:
called_computation.1_lowered:
.L_overlay_start_0:
0x88: {  	s2 =	sld [smem:$0x3FD9]  }
0x89: {  	s3 =	sld [smem:$0x3FFE];
	_ =	sdelay $0x1  }
0x8a: {  	s1 =	srdreg.scid  }
0x8b: {  	s0 =	sand.u32 $0x1, s1  }
0x8c: {  	s17 =	sshll.u32 s0, $0xA;
	s2 =	sadd.s32 s3, s2  }
0x8d: {  	s2 =	sadd.s32 s2, s17  }
0x8e: {  	[smem:$0x3FC6] =	sst s2  }
0x8f: {  	_ = 	snop  }
0x90: {  	s2 =	sld [smem:$0x3FC9]  }
0x91: {  	s18 =	sld [smem:$0x3FD0];
	(tm) =	ssettm $0x1  }
0x92: {  	s4 =	sld [smem:$0x3FFB];
	_ =	sdelay $0x3  }
0x93: {  	_ =	strace s4  }
0x94: {  	s4 =	sld [smem:$0x3FFC];
	_ =	sdelay $0x3  }
0x95: {  	_ =	strace s4  }
0x96: {  	s4 =	sld [smem:$0x3FFD];
	_ =	sdelay $0x3  }
0x97: {  	_ =	strace s4  }
0x98: {  	_ =	strace $0x8FFFFFFF  }
0x99: {  	s19 =	sld [smem:$0x3FDB];
	_ =	sdelay $0x1  }
0x9a: {  	s5 =	simm.s32 $_scs_section_size  }
0x9b: {  	s6 =	simm.s32 $_size__tile_overlayer_lowered;
	s7 =	simm.s32 $_tile_overlayer_lowered  }
0x9c: {  	s22 =	simm.s32 $0x1BFF;
	s21 =	sshll.u32 s7, $0x1;
	s4 =	sadd.s32 s5, s19  }
0x9d: {  	s8 =	simm.s32 $0x0;
	s20 =	sshll.u32 s6, $0x1;
	s6 =	sadd.s32 s21, s4  }
0x9e: {  	[timem:s8], [sflag:s22] =	dma.local [hbm:s6], s20  }
0x9f: {  	_ =	swait.ge [sflag:s22], s20  }
0xa0: {  	s5 =	ssub.s32 $0x0, s20;
	[sflag:s22] =	ssyncset.done $0x0  }
0xa1: {  	[sflag:s22] =	ssyncadd.s32 s5;
	_ =	sdelay $0x1  }
0xa2: {  	s23 =	simm.s32 $0x1B8B  }
0xa3: {  	_ =	swait.ge [sflag:s23], $0x1  }
0xa4: {  	[sflag:s23] =	ssyncset.done $0x0  }
0xa5: {  	s25 =	simm.s32 $0x1B8E;
	s24 =	sld [smem:$0x3FFE];
	[sflag:s23] =	ssyncadd.s32 $0xFFFFFFFF  }
0xa6: {  	s26 =	simm.s32 $execute0_lowered;
	[smem:$0x3FD2] =	sst s25  }
0xa7: {  	s6 =	sshll.u32 s26, $0x1;
	_ =	strace $0x80000049;
	[dreg:$0x1] =	wrdreg $0xFFFFFFFF  }
0xa8: {  	s28 =	simm.s32 $_size_execute0_lowered;
	s4 =	sadd.s32 s4, s6;
	[dreg:$0x0] =	wrdreg $0x0  }
0xa9: {  	s6 =	sshll.u32 s28, $0x1;
	[dreg:$0x2] =	wrdreg s4  }
0xaa: {  	[dreg:$0x3] =	wrdreg s6  }
0xab: {  	[dreg:$0x4] =	wrdreg $0xC0  }
0xac: {  	_ =	task [dreg:s8], $0x5FFFF  }
0xad: {  	[dreg:$0x1] =	wrdreg $0xFFFFFFFF  }
0xae: {  	[dreg:$0x0] =	wrdreg $0x60  }
0xaf: {  	[dreg:$0x2] =	wrdreg s2  }
0xb0: {  	[dreg:$0x3] =	wrdreg s24  }
0xb1: {  	[dreg:$0x4] =	wrdreg s18  }
0xb2: {  	[dreg:$0x5] =	wrdreg $0x9  }
0xb3: {  	_ =	task.clear_ibuf [dreg:s8], $0x6FFFF;
	_ =	strace $0x90000049  }
0xb4: {  	s29 =	simm.s32 $0x9;
	_ =	strace $0x8000004B  }
0xb5: {  	_ =	swait.ge [sflag:s29], $0x1  }
0xb6: {  	[sflag:s29] =	ssyncadd.s32 $0xFFFFFFFF  }
0xb7: {  	_ =	strace $0x9000004B  }
0xb8: {  	_ =	sfence  }
0xb9: {  	s30 =	sld [smem:$0x0];
	_ =	sdelay $0x2  }
0xba: {  	s31 =	sshll.u32 s1, $0xD;
	s1 =	sshrl.u32 s1, $0x2  }
0xbb: {  	s3 =	sand.u32 $0x4000, s31;
	s1 =	sadd.s32 s1, s30  }
0xbc: {  	s0 =	sor.u32 s3, s0;
	s1 =	sshll.u32 s1, $0x11  }
0xbd: {  	s0 =	sor.u32 s1, s0  }
0xbe: {  	s0 =	sadd.s32 $0x8F2B, s0  }
0xbf: {  	[sflag:s0] =	ssyncadd.remote.s32 $0x1  }
0xc0: {  	_ =	sfence.sel $0xFFFF  }
0xc1: {  	[dreg:$0x0] =	wrdreg $0xFFFFFFFF;
	(pc) =	sbr.abs _section_cstart, $3  }
0xc2: {  	[dreg:$0x1] =	wrdreg $0xFFFFFFFF  }
0xc3: {  	_ =	task.clear_ibuf [dreg:s8], $0x2FFFF;
	_ =	strace $0x9FFFFFFF  }
0xc4: {  	(tm) =	ssettm $0x7FFFFFFF  }
0xc5: {  	_ =	shalt  }
tec
execute0_lowered:
.L_overlay_start_1:
0x0: {  	(tag) =	ssettag $0x1  }
0x1: {  	s6 =	rddreg [dreg:$0x0]  }
0x2: {  	s5 =	rddreg [dreg:$0x1]  }
0x3: {  	s1 =	rddreg [dreg:$0x2]  }
0x4: {  	s0 =	rddreg [dreg:$0x3]  }
0x5: {  	s3 =	simm.s32 $0x0;
	s4 =	srdreg.scid;
	s2 =	stileid.u32  }
0x6: {  	s10 =	simm.s32 $0x20000;
	s11 =	simm.s32 $0x5;
	s12 =	simm.s32 $0x80  }
0x7: {  	s13 =	simm.s32 $0x13000;
	s14 =	simm.s32 $0x7000;
	s15 =	simm.s32 $0x13080  }
0x8: {  	s16 =	simm.s32 $0xB000;
	s17 =	simm.s32 $0x1;
	s18 =	simm.s32 $0xF000  }
0x9: {  	s19 =	simm.s32 $0x400;
	s20 =	simm.s32 $0x2;
	s21 =	simm.s32 $0x4  }
0xa: {  	s22 =	simm.s32 $0x11000;
	s23 =	simm.s32 $0x3;
	s24 =	simm.s32 $0x0  }
.Ltmp0:
0xb: {  	[smem:$0x7FF] =	sst s3;
	s4 =	sand.u32 $0x1, s4;
	(pc) =	sbr.rel .LBB2_1-.Ltmp0, $4  }
0xc: {  	v0 =	vlaneseq.u32;
	s8 =	sshll.u32 s2, $0xA;
	s7 =	ssub.s32 $0x2, s4;
	s4 =	sshll.u32 s4, $0x9  }
0xd: {  	s5 =	sadd.s32 $0x800, s5;
	v1 =	vmul.u32 $0x80, v0;
	s9 =	sshrl.u32 s7, $0x1;
	s4 =	sor.u32 s4, s8  }
0xe: {  	v2 =	vimm.s32 $0xFFFFFFC0;
	v4 =	vor.u32 $0x10, v0;
	_ =	strace $0x8000004A;
	s31 =	ssub.s32 s7, s9;
	s6 =	sadd.s32 s6, s4  }
0xf: {  	v6 =	vor.u32 $0x20, v0;
	v3 =	vor.u32 $0x800, v1;
	v5 =	vor.u32 $0x1000, v1;
	s7 =	sadd.s32 $0x80, s1;
	s9 =	simm.s32 $0x1000;
	s8 =	smax.u32 s31, $0x1  }
.LBB2_40:
0x10: {  	s24 =	sadd.s32 $0x1, s24  }
0x11: {  	_ =	swait.ge [sflag:s23], $0x2000;
	p0 =	sne.s32 s24, s8  }
.Ltmp1:
0x12: {  	[sflag:s23] =	ssyncset.done $0x0;
	(pc) =	sbr.rel @!p0 .LBB2_41-.Ltmp1, $4  }
0x13: {  	[sflag:s23] =	ssyncadd.s32 $0xFFFFE000  }
0x14: {  	_ =	swait.ge [sflag:s21], $0x2000  }
0x15: {  	[sflag:s21] =	ssyncset.done $0x0  }
0x16: {  	[sflag:s21] =	ssyncadd.s32 $0xFFFFE000  }
.LBB2_1:
0x17: {  	[tilespmem:s3], [sflag:$0x5] =	stream.strided.gather [hbm4b:s6+s9], $0x7000, s10, s9, $0x38;
	[tilespmem:$0x13200] =	vst v63  }
0x18: {  	_ =	swait.ge [sflag:s11], $0x7000  }
0x19: {  	[sflag:s11] =	ssyncset.done $0x0  }
0x1a: {  	[sflag:s11] =	ssyncadd.s32 $0xFFFF9000  }
0x1b: {  	v7 =	vld [tilespmem:$0x0];
	_ =	sdelay $0x1  }
0x1c: {  	v8 =	vld [tilespmem:$0x10];
	_ =	sdelay $0x1  }
0x1d: {  	v9 =	vld [tilespmem:$0x20]  }
0x1e: {  	v10 =	vshra.s32 v7, $0x1;
	v7 =	vshll.u32 v7, $0x6  }
0x1f: {  	v54 =	vld [tilespmem:$0x30];
	[tilespmem:$0x13000] =	vst v10;
	v7 =	vand.u32 $0x40, v7  }
0x20: {  	[tilespmem:$0x13100] =	vst v7;
	v7 =	vshra.s32 v8, $0x1;
	v8 =	vshll.u32 v8, $0x6  }
0x21: {  	[tilespmem:$0x13010] =	vst v7;
	v7 =	vand.u32 $0x40, v8;
	v8 =	vld [tilespmem:$0x40]  }
0x22: {  	[tilespmem:$0x13110] =	vst v7;
	v7 =	vshra.s32 v9, $0x1;
	v9 =	vshll.u32 v9, $0x6  }
0x23: {  	v55 =	vld [tilespmem:$0x50];
	[tilespmem:$0x13020] =	vst v7;
	v7 =	vand.u32 $0x40, v9  }
0x24: {  	v10 =	vshll.u32 v54, $0x6;
	[tilespmem:$0x13120] =	vst v7;
	v7 =	vshra.s32 v54, $0x1  }
0x25: {  	v56 =	vld [tilespmem:$0x60];
	[tilespmem:$0x13030] =	vst v7;
	v7 =	vand.u32 $0x40, v10  }
0x26: {  	[tilespmem:$0x13130] =	vst v7;
	v7 =	vshra.s32 v8, $0x1;
	v8 =	vshll.u32 v8, $0x6  }
0x27: {  	[tilespmem:$0x13040] =	vst v7;
	v7 =	vand.u32 $0x40, v8;
	v8 =	vld [tilespmem:$0x70]  }
0x28: {  	v9 =	vshll.u32 v55, $0x6;
	[tilespmem:$0x13140] =	vst v7;
	v7 =	vshra.s32 v55, $0x1  }
0x29: {  	[tilespmem:$0x13050] =	vst v7;
	v7 =	vand.u32 $0x40, v9  }
0x2a: {  	v57 =	vshll.u32 v56, $0x6;
	[tilespmem:$0x13150] =	vst v7;
	v7 =	vshra.s32 v56, $0x1  }
0x2b: {  	[tilespmem:$0x13060] =	vst v7;
	v7 =	vand.u32 $0x40, v57  }
0x2c: {  	[tilespmem:$0x13160] =	vst v7;
	v7 =	vshra.s32 v8, $0x1;
	v8 =	vshll.u32 v8, $0x6  }
0x2d: {  	[tilespmem:$0x13070] =	vst v7;
	v7 =	vand.u32 $0x40, v8  }
0x2e: {  	[tilespmem:$0x13170] =	vst v7  }
0x2f: {  	[tilespmem:s14], [sflag:$0x1] =	stream.indirect.gather [hbm4b:s5+s12], $0x80, s13, s12, $0xb8;
	[tilespmem:$0x13200] =	vst v63  }
0x30: {  	v7 =	vld [tilespmem:$0x400];
	_ =	sdelay $0x1  }
0x31: {  	v8 =	vld [tilespmem:$0x410];
	_ =	sdelay $0x1  }
0x32: {  	v58 =	vld [tilespmem:$0x420]  }
0x33: {  	v59 =	vshra.s32 v7, $0x1;
	v7 =	vshll.u32 v7, $0x6  }
0x34: {  	v60 =	vld [tilespmem:$0x430];
	[tilespmem:$0x13080] =	vst v59;
	v7 =	vand.u32 $0x40, v7  }
0x35: {  	[tilespmem:$0x13180] =	vst v7;
	v7 =	vshra.s32 v8, $0x1;
	v8 =	vshll.u32 v8, $0x6  }
0x36: {  	[tilespmem:$0x13090] =	vst v7;
	v7 =	vand.u32 $0x40, v8;
	v8 =	vld [tilespmem:$0x440]  }
0x37: {  	v9 =	vshll.u32 v58, $0x6;
	[tilespmem:$0x13190] =	vst v7;
	v7 =	vshra.s32 v58, $0x1  }
0x38: {  	v61 =	vld [tilespmem:$0x450];
	[tilespmem:$0x130A0] =	vst v7;
	v7 =	vand.u32 $0x40, v9  }
0x39: {  	v10 =	vshll.u32 v60, $0x6;
	[tilespmem:$0x131A0] =	vst v7;
	v7 =	vshra.s32 v60, $0x1  }
0x3a: {  	v62 =	vld [tilespmem:$0x460];
	[tilespmem:$0x130B0] =	vst v7;
	v7 =	vand.u32 $0x40, v10  }
0x3b: {  	[tilespmem:$0x131B0] =	vst v7;
	v7 =	vshra.s32 v8, $0x1;
	v8 =	vshll.u32 v8, $0x6  }
0x3c: {  	[tilespmem:$0x130C0] =	vst v7;
	v7 =	vand.u32 $0x40, v8;
	v8 =	vld [tilespmem:$0x470]  }
0x3d: {  	v9 =	vshll.u32 v61, $0x6;
	[tilespmem:$0x131C0] =	vst v7;
	v7 =	vshra.s32 v61, $0x1  }
0x3e: {  	[tilespmem:$0x130D0] =	vst v7;
	v7 =	vand.u32 $0x40, v9  }
0x3f: {  	v63 =	vshll.u32 v62, $0x6;
	[tilespmem:$0x131D0] =	vst v7;
	v7 =	vshra.s32 v62, $0x1  }
0x40: {  	[tilespmem:$0x130E0] =	vst v7;
	v7 =	vand.u32 $0x40, v63  }
0x41: {  	[tilespmem:$0x131E0] =	vst v7;
	v7 =	vshra.s32 v8, $0x1;
	v8 =	vshll.u32 v8, $0x6  }
0x42: {  	[tilespmem:$0x130F0] =	vst v7;
	v7 =	vand.u32 $0x40, v8  }
0x43: {  	s25 =	simm.s32 $0x0;
	[tilespmem:$0x131F0] =	vst v7  }
0x44: {  	[tilespmem:s16], [sflag:$0x2] =	stream.indirect.gather [hbm4b:s5+s12], $0x80, s15, s12, $0xb8;
	[tilespmem:$0x13200] =	vst v63  }
.LBB2_2:
0x45: {  	_ =	swait.ge [sflag:s17], $0x4000  }
0x46: {  	p0 =	seq.s32 s25, $0x0;
	[sflag:s17] =	ssyncset.done $0x0  }
0x47: {  	s26 =	simm.s32 @!p0 $0x3;
	[sflag:s17] =	ssyncadd.s32 $0xFFFFC000  }
0x48: {  	_ =	swait.ge @!p0 [sflag:s26], $0x2000  }
0x49: {  	[sflag:s26] =	ssyncset.done @!p0 $0x0  }
0x4a: {  	s31 =	simm.s32 $0x0;
	[sflag:s26] =	ssyncadd.s32 @!p0 $0xFFFFE000  }
0x4b: {  	v8 =	vadd.s32 s31, v0;
	v7 =	vld [tilespmem:$0x13100]  }
0x4c: {  	s30 =	simm.s32 $0x7;
	s28 =	simm.s32 $0x5;
	vm0 =	vlt.u32 v8, $0x40  }
0x4d: {  	v10 =	vadd.s32 s30, v0;
	s30 =	simm.s32 $0x4;
	v13 =	vadd.s32 s28, v0;
	v9 =	vsel vm0, $0x0, v2  }
0x4e: {  	v15 =	vadd.s32 s30, v0;
	vm1 =	vlt.u32 v13, $0x40;
	v8 =	vadd.s32 v8, v9  }
0x4f: {  	vm0 =	vlt.u32 v10, $0x40;
	v16 =	vsel vm1, $0x0, v2;
	v9 =	vshll.u32 v8, $0x7  }
0x50: {  	s31 =	simm.s32 $0x6;
	v11 =	vsel vm0, $0x0, v2;
	v12 =	vadd.s32 v7, v8;
	v8 =	vor.u32 v0, v9  }
0x51: {  	s28 =	simm.s32 $0x2;
	v9 =	vadd.s32 v10, v11;
	v10 =	vadd.s32 v1, v12;
	v12 =	vadd.s32 s31, v0  }
0x52: {  	v19 =	vadd.s32 s28, v0;
	v13 =	vadd.s32 v13, v16;
	vm0 =	vlt.u32 v12, $0x40  }
0x53: {  	v17 =	vadd.s32 v7, v13;
	v14 =	vsel vm0, $0x0, v2;
	vm0 =	vlt.u32 v15, $0x40  }
0x54: {  	v11 =	vadd.s32 v7, v9;
	s31 =	simm.s32 $0x3;
	v14 =	vadd.s32 v12, v14;
	v12 =	vsel vm0, $0x0, v2  }
0x55: {  	v11 =	vadd.s32 v1, v11;
	v18 =	vadd.s32 s31, v0;
	v12 =	vadd.s32 v15, v12  }
0x56: {  	vm0 =	vlt.u32 v18, $0x40;
	v16 =	vadd.s32 v7, v14;
	v20 =	vadd.s32 v7, v12  }
0x57: {  	s29 =	simm.s32 $0x1;
	s28 =	simm.s32 $0x8;
	s26 =	sshll.u32 s25, $0x1;
	v15 =	vadd.s32 v1, v16;
	v16 =	vadd.s32 v1, v17;
	v17 =	vadd.s32 v1, v20  }
.LBB2_3:
0x58: {  	p1 =	slt.u32 s28, $0x38;
	v20 =	vadd.s32 s29, v0;
	vm1 =	vlt.u32 v19, $0x40;
	v21 =	vsel vm0, $0x0, v2  }
0x59: {  	vm0 =	vlt.u32 v20, $0x40;
	v22 =	vsel vm1, $0x0, v2;
	v18 =	vadd.s32 v18, v21  }
0x5a: {  	v21 =	vsel vm0, $0x0, v2;
	v19 =	vadd.s32 v19, v22;
	v22 =	vadd.s32 v7, v18  }
0x5b: {  	v10 =	vld.idx.msk [tilespmem:v10+s14+$0x0], $0xffff;
	v20 =	vadd.s32 v20, v21;
	v21 =	vadd.s32 v7, v19;
	v22 =	vadd.s32 v1, v22  }
0x5c: {  	v9 =	vshll.u32 v9, $0x7;
	v23 =	vadd.s32 v7, v20;
	v21 =	vadd.s32 v1, v21;
	v11 =	vld.idx.msk [tilespmem:v11+s14+$0x0], $0xffff  }
0x5d: {  	v14 =	vshll.u32 v14, $0x7;
	v9 =	vor.u32 v0, v9;
	v23 =	vadd.s32 v1, v23;
	v15 =	vld.idx.msk [tilespmem:v15+s14+$0x0], $0xffff  }
0x5e: {  	v13 =	vshll.u32 v13, $0x7;
	v14 =	vor.u32 v0, v14;
	v16 =	vld.idx.msk [tilespmem:v16+s14+$0x0], $0xffff  }
0x5f: {  	v24 =	vadd.s32 s28, v0;
	v12 =	vshll.u32 v12, $0x7;
	v13 =	vor.u32 v0, v13;
	v17 =	vld.idx.msk [tilespmem:v17+s14+$0x0], $0xffff  }
0x60: {  	v12 =	vor.u32 v0, v12;
	vm0 =	vlt.u32 v24, $0x40;
	v18 =	vshll.u32 v18, $0x7;
	v22 =	vld.idx.msk [tilespmem:v22+s14+$0x0], $0xffff  }
0x61: {  	s29 =	sadd.s32 $0x7, s28;
	v25 =	vsel vm0, $0x0, v2;
	v18 =	vor.u32 v0, v18;
	[tilespmem:v8+s18+$0x0] =	vst.idx.msk $0xffff, v10;
	v21 =	vld.idx.msk [tilespmem:v21+s14+$0x0], $0xffff;
	v8 =	vshll.u32 v19, $0x7  }
0x62: {  	v20 =	vshll.u32 v20, $0x7;
	v10 =	vadd.s32 s29, v0;
	v19 =	vld.idx.msk [tilespmem:v23+s14+$0x0], $0xffff;
	v23 =	vor.u32 v0, v8;
	[tilespmem:v9+s18+$0x0] =	vst.idx.msk $0xffff, v11  }
0x63: {  	v20 =	vor.u32 v0, v20;
	v8 =	vadd.s32 v24, v25;
	vm0 =	vlt.u32 v10, $0x40;
	[tilespmem:v14+s18+$0x0] =	vst.idx.msk $0xffff, v15  }
0x64: {  	v11 =	vadd.s32 v7, v8;
	v8 =	vshll.u32 v8, $0x7;
	v9 =	vsel vm0, $0x0, v2;
	[tilespmem:v13+s18+$0x0] =	vst.idx.msk $0xffff, v16  }
0x65: {  	s29 =	sadd.s32 $0x6, s28;
	v8 =	vor.u32 v0, v8;
	v9 =	vadd.s32 v10, v9;
	[tilespmem:v12+s18+$0x0] =	vst.idx.msk $0xffff, v17  }
0x66: {  	s30 =	sadd.s32 $0x5, s28;
	v10 =	vadd.s32 v1, v11;
	v12 =	vadd.s32 s29, v0;
	v11 =	vadd.s32 v7, v9;
	[tilespmem:v18+s18+$0x0] =	vst.idx.msk $0xffff, v22  }
0x67: {  	v13 =	vadd.s32 s30, v0;
	s29 =	sadd.s32 $0x4, s28;
	vm0 =	vlt.u32 v12, $0x40;
	v11 =	vadd.s32 v1, v11;
	[tilespmem:v23+s18+$0x0] =	vst.idx.msk $0xffff, v21  }
0x68: {  	vm1 =	vlt.u32 v13, $0x40;
	v15 =	vadd.s32 s29, v0;
	v14 =	vsel vm0, $0x0, v2;
	[tilespmem:v20+s18+$0x0] =	vst.idx.msk $0xffff, v19  }
.Ltmp2:
0x69: {  	v16 =	vsel vm1, $0x0, v2;
	vm0 =	vlt.u32 v15, $0x40;
	v14 =	vadd.s32 v12, v14;
	(pc) =	sbr.rel @p1 .LBB2_3-.Ltmp2, $4  }
0x6a: {  	v13 =	vadd.s32 v13, v16;
	v12 =	vsel vm0, $0x0, v2;
	v16 =	vadd.s32 v7, v14  }
0x6b: {  	s29 =	sadd.s32 $0x3, s28;
	v17 =	vadd.s32 v7, v13;
	v12 =	vadd.s32 v15, v12;
	v15 =	vadd.s32 v1, v16  }
0x6c: {  	s30 =	sadd.s32 $0x2, s28;
	v18 =	vadd.s32 s29, v0;
	v20 =	vadd.s32 v7, v12;
	v16 =	vadd.s32 v1, v17  }
0x6d: {  	s29 =	sadd.s32 $0x1, s28;
	s28 =	sadd.s32 $0x8, s28;
	v19 =	vadd.s32 s30, v0;
	vm0 =	vlt.u32 v18, $0x40;
	v17 =	vadd.s32 v1, v20  }
0x6e: {  	v20 =	vadd.s32 s29, v0;
	vm1 =	vlt.u32 v19, $0x40  }
0x6f: {  	v21 =	vsel vm0, $0x0, v2;
	v9 =	vshll.u32 v9, $0x7;
	v14 =	vshll.u32 v14, $0x7  }
0x70: {  	vm0 =	vlt.u32 v20, $0x40;
	v22 =	vsel vm1, $0x0, v2;
	v18 =	vadd.s32 v18, v21  }
0x71: {  	v61 =	vsel vm0, $0x0, v2;
	v19 =	vadd.s32 v19, v22;
	v62 =	vadd.s32 v7, v18  }
0x72: {  	v10 =	vld.idx.msk [tilespmem:v10+s14+$0x0], $0xffff;
	v20 =	vadd.s32 v20, v61;
	v63 =	vadd.s32 v7, v19;
	v22 =	vadd.s32 v1, v62  }
0x73: {  	v11 =	vld.idx.msk [tilespmem:v11+s14+$0x0], $0xffff;
	v9 =	vor.u32 v0, v9;
	v7 =	vadd.s32 v7, v20;
	v21 =	vadd.s32 v1, v63  }
0x74: {  	v15 =	vld.idx.msk [tilespmem:v15+s14+$0x0], $0xffff;
	v13 =	vshll.u32 v13, $0x7;
	v14 =	vor.u32 v0, v14;
	v7 =	vadd.s32 v1, v7  }
0x75: {  	v16 =	vld.idx.msk [tilespmem:v16+s14+$0x0], $0xffff;
	v12 =	vshll.u32 v12, $0x7;
	v13 =	vor.u32 v0, v13  }
0x76: {  	v17 =	vld.idx.msk [tilespmem:v17+s14+$0x0], $0xffff;
	v12 =	vor.u32 v0, v12;
	v18 =	vshll.u32 v18, $0x7  }
0x77: {  	[tilespmem:v8+s18+$0x0] =	vst.idx.msk $0xffff, v10;
	v8 =	vshll.u32 v19, $0x7;
	v10 =	vor.u32 v0, v18;
	v22 =	vld.idx.msk [tilespmem:v22+s14+$0x0], $0xffff  }
0x78: {  	v19 =	vshll.u32 v20, $0x7;
	v8 =	vor.u32 v0, v8;
	[tilespmem:v9+s18+$0x0] =	vst.idx.msk $0xffff, v11;
	v18 =	vld.idx.msk [tilespmem:v21+s14+$0x0], $0xffff  }
0x79: {  	v9 =	vor.u32 v0, v19;
	[tilespmem:v14+s18+$0x0] =	vst.idx.msk $0xffff, v15;
	v7 =	vld.idx.msk [tilespmem:v7+s14+$0x0], $0xffff  }
0x7a: {  	[tilespmem:v13+s18+$0x0] =	vst.idx.msk $0xffff, v16  }
0x7b: {  	[tilespmem:v12+s18+$0x0] =	vst.idx.msk $0xffff, v17  }
0x7c: {  	[tilespmem:v10+s18+$0x0] =	vst.idx.msk $0xffff, v22  }
0x7d: {  	[tilespmem:v8+s18+$0x0] =	vst.idx.msk $0xffff, v18  }
0x7e: {  	s28 =	simm.s32 $0x0;
	[tilespmem:v9+s18+$0x0] =	vst.idx.msk $0xffff, v7  }
0x7f: {  	v8 =	vadd.s32 s28, v0;
	v7 =	vld [tilespmem:$0x13110]  }
0x80: {  	s29 =	simm.s32 $0x5;
	s30 =	simm.s32 $0x2;
	vm0 =	vlt.u32 v8, $0x40  }
0x81: {  	v13 =	vadd.s32 s29, v0;
	v19 =	vadd.s32 s30, v0;
	s28 =	simm.s32 $0x7;
	v9 =	vsel vm0, $0x0, v2  }
0x82: {  	vm1 =	vlt.u32 v13, $0x40;
	v10 =	vadd.s32 s28, v0;
	v8 =	vadd.s32 v8, v9  }
0x83: {  	v16 =	vsel vm1, $0x0, v2;
	vm0 =	vlt.u32 v10, $0x40;
	v9 =	vshll.u32 v8, $0x7  }
0x84: {  	s28 =	simm.s32 $0x6;
	v11 =	vsel vm0, $0x0, v2;
	v12 =	vadd.s32 v7, v8;
	v8 =	vor.u32 v4, v9  }
0x85: {  	v9 =	vadd.s32 v10, v11;
	v10 =	vadd.s32 v3, v12;
	v12 =	vadd.s32 s28, v0;
	s28 =	simm.s32 $0x4  }
0x86: {  	v13 =	vadd.s32 v13, v16;
	vm0 =	vlt.u32 v12, $0x40;
	v15 =	vadd.s32 s28, v0  }
0x87: {  	v17 =	vadd.s32 v7, v13;
	v14 =	vsel vm0, $0x0, v2;
	vm0 =	vlt.u32 v15, $0x40  }
0x88: {  	v11 =	vadd.s32 v7, v9;
	s28 =	simm.s32 $0x3;
	v14 =	vadd.s32 v12, v14;
	v12 =	vsel vm0, $0x0, v2  }
0x89: {  	v11 =	vadd.s32 v3, v11;
	v18 =	vadd.s32 s28, v0;
	v12 =	vadd.s32 v15, v12  }
0x8a: {  	vm0 =	vlt.u32 v18, $0x40;
	v16 =	vadd.s32 v7, v14;
	v20 =	vadd.s32 v7, v12  }
0x8b: {  	s29 =	simm.s32 $0x1;
	s28 =	simm.s32 $0x8;
	v15 =	vadd.s32 v3, v16;
	v16 =	vadd.s32 v3, v17;
	v17 =	vadd.s32 v3, v20  }
.LBB2_5:
0x8c: {  	p1 =	slt.u32 s28, $0x38;
	v20 =	vadd.s32 s29, v0;
	vm1 =	vlt.u32 v19, $0x40;
	v21 =	vsel vm0, $0x0, v2  }
0x8d: {  	vm0 =	vlt.u32 v20, $0x40;
	v22 =	vsel vm1, $0x0, v2;
	v18 =	vadd.s32 v18, v21  }
0x8e: {  	v21 =	vsel vm0, $0x0, v2;
	v19 =	vadd.s32 v19, v22;
	v22 =	vadd.s32 v7, v18  }
0x8f: {  	v10 =	vld.idx.msk [tilespmem:v10+s14+$0x0], $0xffff;
	v20 =	vadd.s32 v20, v21;
	v21 =	vadd.s32 v7, v19;
	v22 =	vadd.s32 v3, v22  }
0x90: {  	v9 =	vshll.u32 v9, $0x7;
	v23 =	vadd.s32 v7, v20;
	v21 =	vadd.s32 v3, v21;
	v11 =	vld.idx.msk [tilespmem:v11+s14+$0x0], $0xffff  }
0x91: {  	v14 =	vshll.u32 v14, $0x7;
	v9 =	vor.u32 v4, v9;
	v23 =	vadd.s32 v3, v23;
	v15 =	vld.idx.msk [tilespmem:v15+s14+$0x0], $0xffff  }
0x92: {  	v13 =	vshll.u32 v13, $0x7;
	v14 =	vor.u32 v4, v14;
	v16 =	vld.idx.msk [tilespmem:v16+s14+$0x0], $0xffff  }
0x93: {  	v24 =	vadd.s32 s28, v0;
	v12 =	vshll.u32 v12, $0x7;
	v13 =	vor.u32 v4, v13;
	v17 =	vld.idx.msk [tilespmem:v17+s14+$0x0], $0xffff  }
0x94: {  	v12 =	vor.u32 v4, v12;
	vm0 =	vlt.u32 v24, $0x40;
	v18 =	vshll.u32 v18, $0x7;
	v22 =	vld.idx.msk [tilespmem:v22+s14+$0x0], $0xffff  }
0x95: {  	s29 =	sadd.s32 $0x7, s28;
	v25 =	vsel vm0, $0x0, v2;
	v18 =	vor.u32 v4, v18;
	[tilespmem:v8+s18+$0x0] =	vst.idx.msk $0xffff, v10;
	v21 =	vld.idx.msk [tilespmem:v21+s14+$0x0], $0xffff;
	v8 =	vshll.u32 v19, $0x7  }
0x96: {  	v20 =	vshll.u32 v20, $0x7;
	v10 =	vadd.s32 s29, v0;
	v19 =	vld.idx.msk [tilespmem:v23+s14+$0x0], $0xffff;
	v23 =	vor.u32 v4, v8;
	[tilespmem:v9+s18+$0x0] =	vst.idx.msk $0xffff, v11  }
0x97: {  	v20 =	vor.u32 v4, v20;
	v8 =	vadd.s32 v24, v25;
	vm0 =	vlt.u32 v10, $0x40;
	[tilespmem:v14+s18+$0x0] =	vst.idx.msk $0xffff, v15  }
0x98: {  	v11 =	vadd.s32 v7, v8;
	v8 =	vshll.u32 v8, $0x7;
	v9 =	vsel vm0, $0x0, v2;
	[tilespmem:v13+s18+$0x0] =	vst.idx.msk $0xffff, v16  }
0x99: {  	s29 =	sadd.s32 $0x6, s28;
	v8 =	vor.u32 v4, v8;
	v9 =	vadd.s32 v10, v9;
	[tilespmem:v12+s18+$0x0] =	vst.idx.msk $0xffff, v17  }
0x9a: {  	s30 =	sadd.s32 $0x5, s28;
	v10 =	vadd.s32 v3, v11;
	v12 =	vadd.s32 s29, v0;
	v11 =	vadd.s32 v7, v9;
	[tilespmem:v18+s18+$0x0] =	vst.idx.msk $0xffff, v22  }
0x9b: {  	v13 =	vadd.s32 s30, v0;
	s29 =	sadd.s32 $0x4, s28;
	vm0 =	vlt.u32 v12, $0x40;
	v11 =	vadd.s32 v3, v11;
	[tilespmem:v23+s18+$0x0] =	vst.idx.msk $0xffff, v21  }
0x9c: {  	vm1 =	vlt.u32 v13, $0x40;
	v15 =	vadd.s32 s29, v0;
	v14 =	vsel vm0, $0x0, v2;
	[tilespmem:v20+s18+$0x0] =	vst.idx.msk $0xffff, v19  }
.Ltmp3:
0x9d: {  	v16 =	vsel vm1, $0x0, v2;
	vm0 =	vlt.u32 v15, $0x40;
	v14 =	vadd.s32 v12, v14;
	(pc) =	sbr.rel @p1 .LBB2_5-.Ltmp3, $4  }
0x9e: {  	v13 =	vadd.s32 v13, v16;
	v12 =	vsel vm0, $0x0, v2;
	v16 =	vadd.s32 v7, v14  }
0x9f: {  	s29 =	sadd.s32 $0x3, s28;
	v17 =	vadd.s32 v7, v13;
	v12 =	vadd.s32 v15, v12;
	v15 =	vadd.s32 v3, v16  }
0xa0: {  	s30 =	sadd.s32 $0x2, s28;
	v18 =	vadd.s32 s29, v0;
	v20 =	vadd.s32 v7, v12;
	v16 =	vadd.s32 v3, v17  }
0xa1: {  	s29 =	sadd.s32 $0x1, s28;
	s28 =	sadd.s32 $0x8, s28;
	v19 =	vadd.s32 s30, v0;
	vm0 =	vlt.u32 v18, $0x40;
	v17 =	vadd.s32 v3, v20  }
0xa2: {  	v20 =	vadd.s32 s29, v0;
	vm1 =	vlt.u32 v19, $0x40  }
0xa3: {  	v21 =	vsel vm0, $0x0, v2;
	v9 =	vshll.u32 v9, $0x7;
	v14 =	vshll.u32 v14, $0x7  }
0xa4: {  	vm0 =	vlt.u32 v20, $0x40;
	v22 =	vsel vm1, $0x0, v2;
	v18 =	vadd.s32 v18, v21  }
0xa5: {  	v61 =	vsel vm0, $0x0, v2;
	v19 =	vadd.s32 v19, v22;
	v62 =	vadd.s32 v7, v18  }
0xa6: {  	v10 =	vld.idx.msk [tilespmem:v10+s14+$0x0], $0xffff;
	v20 =	vadd.s32 v20, v61;
	v63 =	vadd.s32 v7, v19;
	v22 =	vadd.s32 v3, v62  }
0xa7: {  	v11 =	vld.idx.msk [tilespmem:v11+s14+$0x0], $0xffff;
	v9 =	vor.u32 v4, v9;
	v7 =	vadd.s32 v7, v20;
	v21 =	vadd.s32 v3, v63  }
0xa8: {  	v15 =	vld.idx.msk [tilespmem:v15+s14+$0x0], $0xffff;
	v13 =	vshll.u32 v13, $0x7;
	v14 =	vor.u32 v4, v14;
	v7 =	vadd.s32 v3, v7  }
0xa9: {  	v16 =	vld.idx.msk [tilespmem:v16+s14+$0x0], $0xffff;
	v12 =	vshll.u32 v12, $0x7;
	v13 =	vor.u32 v4, v13  }
0xaa: {  	v17 =	vld.idx.msk [tilespmem:v17+s14+$0x0], $0xffff;
	v12 =	vor.u32 v4, v12;
	v18 =	vshll.u32 v18, $0x7  }
0xab: {  	[tilespmem:v8+s18+$0x0] =	vst.idx.msk $0xffff, v10;
	v8 =	vshll.u32 v19, $0x7;
	v10 =	vor.u32 v4, v18;
	v22 =	vld.idx.msk [tilespmem:v22+s14+$0x0], $0xffff  }
0xac: {  	v19 =	vshll.u32 v20, $0x7;
	v8 =	vor.u32 v4, v8;
	[tilespmem:v9+s18+$0x0] =	vst.idx.msk $0xffff, v11;
	v18 =	vld.idx.msk [tilespmem:v21+s14+$0x0], $0xffff  }
0xad: {  	v9 =	vor.u32 v4, v19;
	[tilespmem:v14+s18+$0x0] =	vst.idx.msk $0xffff, v15;
	v7 =	vld.idx.msk [tilespmem:v7+s14+$0x0], $0xffff  }
0xae: {  	[tilespmem:v13+s18+$0x0] =	vst.idx.msk $0xffff, v16  }
0xaf: {  	[tilespmem:v12+s18+$0x0] =	vst.idx.msk $0xffff, v17  }
0xb0: {  	[tilespmem:v10+s18+$0x0] =	vst.idx.msk $0xffff, v22  }
0xb1: {  	[tilespmem:v8+s18+$0x0] =	vst.idx.msk $0xffff, v18  }
0xb2: {  	s28 =	simm.s32 $0x0;
	[tilespmem:v9+s18+$0x0] =	vst.idx.msk $0xffff, v7  }
0xb3: {  	v8 =	vadd.s32 s28, v0;
	v7 =	vld [tilespmem:$0x13120]  }
0xb4: {  	s29 =	simm.s32 $0x5;
	s30 =	simm.s32 $0x2;
	vm0 =	vlt.u32 v8, $0x40  }
0xb5: {  	v13 =	vadd.s32 s29, v0;
	v19 =	vadd.s32 s30, v0;
	s28 =	simm.s32 $0x7;
	v9 =	vsel vm0, $0x0, v2  }
0xb6: {  	vm1 =	vlt.u32 v13, $0x40;
	v10 =	vadd.s32 s28, v0;
	v8 =	vadd.s32 v8, v9  }
0xb7: {  	v16 =	vsel vm1, $0x0, v2;
	vm0 =	vlt.u32 v10, $0x40;
	v9 =	vshll.u32 v8, $0x7  }
0xb8: {  	s28 =	simm.s32 $0x6;
	v11 =	vsel vm0, $0x0, v2;
	v12 =	vadd.s32 v7, v8;
	v8 =	vor.u32 v6, v9  }
0xb9: {  	v9 =	vadd.s32 v10, v11;
	v10 =	vadd.s32 v5, v12;
	v12 =	vadd.s32 s28, v0;
	s28 =	simm.s32 $0x4  }
0xba: {  	v13 =	vadd.s32 v13, v16;
	vm0 =	vlt.u32 v12, $0x40;
	v15 =	vadd.s32 s28, v0  }
0xbb: {  	v17 =	vadd.s32 v7, v13;
	v14 =	vsel vm0, $0x0, v2;
	vm0 =	vlt.u32 v15, $0x40  }
0xbc: {  	v11 =	vadd.s32 v7, v9;
	s28 =	simm.s32 $0x3;
	v14 =	vadd.s32 v12, v14;
	v12 =	vsel vm0, $0x0, v2  }
0xbd: {  	v11 =	vadd.s32 v5, v11;
	v18 =	vadd.s32 s28, v0;
	v12 =	vadd.s32 v15, v12  }
0xbe: {  	vm0 =	vlt.u32 v18, $0x40;
	v16 =	vadd.s32 v7, v14;
	v20 =	vadd.s32 v7, v12  }
0xbf: {  	s29 =	simm.s32 $0x1;
	s28 =	simm.s32 $0x8;
	v15 =	vadd.s32 v5, v16;
	v16 =	vadd.s32 v5, v17;
	v17 =	vadd.s32 v5, v20  }
.LBB2_7:
0xc0: {  	p1 =	slt.u32 s28, $0x38;
	v20 =	vadd.s32 s29, v0;
	vm1 =	vlt.u32 v19, $0x40;
	v21 =	vsel vm0, $0x0, v2  }
0xc1: {  	vm0 =	vlt.u32 v20, $0x40;
	v22 =	vsel vm1, $0x0, v2;
	v18 =	vadd.s32 v18, v21  }
0xc2: {  	v21 =	vsel vm0, $0x0, v2;
	v19 =	vadd.s32 v19, v22;
	v22 =	vadd.s32 v7, v18  }
0xc3: {  	v10 =	vld.idx.msk [tilespmem:v10+s14+$0x0], $0xffff;
	v20 =	vadd.s32 v20, v21;
	v21 =	vadd.s32 v7, v19;
	v22 =	vadd.s32 v5, v22  }
0xc4: {  	v9 =	vshll.u32 v9, $0x7;
	v23 =	vadd.s32 v7, v20;
	v21 =	vadd.s32 v5, v21;
	v11 =	vld.idx.msk [tilespmem:v11+s14+$0x0], $0xffff  }
0xc5: {  	v14 =	vshll.u32 v14, $0x7;
	v9 =	vor.u32 v6, v9;
	v23 =	vadd.s32 v5, v23;
	v15 =	vld.idx.msk [tilespmem:v15+s14+$0x0], $0xffff  }
0xc6: {  	v13 =	vshll.u32 v13, $0x7;
	v14 =	vor.u32 v6, v14;
	v16 =	vld.idx.msk [tilespmem:v16+s14+$0x0], $0xffff  }
0xc7: {  	v24 =	vadd.s32 s28, v0;
	v12 =	vshll.u32 v12, $0x7;
	v13 =	vor.u32 v6, v13;
	v17 =	vld.idx.msk [tilespmem:v17+s14+$0x0], $0xffff  }
0xc8: {  	v12 =	vor.u32 v6, v12;
	vm0 =	vlt.u32 v24, $0x40;
	v18 =	vshll.u32 v18, $0x7;
	v22 =	vld.idx.msk [tilespmem:v22+s14+$0x0], $0xffff  }
0xc9: {  	s29 =	sadd.s32 $0x7, s28;
	v25 =	vsel vm0, $0x0, v2;
	v18 =	vor.u32 v6, v18;
	[tilespmem:v8+s18+$0x0] =	vst.idx.msk $0xffff, v10;
	v21 =	vld.idx.msk [tilespmem:v21+s14+$0x0], $0xffff;
	v8 =	vshll.u32 v19, $0x7  }
0xca: {  	v20 =	vshll.u32 v20, $0x7;
	v10 =	vadd.s32 s29, v0;
	v19 =	vld.idx.msk [tilespmem:v23+s14+$0x0], $0xffff;
	v23 =	vor.u32 v6, v8;
	[tilespmem:v9+s18+$0x0] =	vst.idx.msk $0xffff, v11  }
0xcb: {  	v20 =	vor.u32 v6, v20;
	v8 =	vadd.s32 v24, v25;
	vm0 =	vlt.u32 v10, $0x40;
	[tilespmem:v14+s18+$0x0] =	vst.idx.msk $0xffff, v15  }
0xcc: {  	v11 =	vadd.s32 v7, v8;
	v8 =	vshll.u32 v8, $0x7;
	v9 =	vsel vm0, $0x0, v2;
	[tilespmem:v13+s18+$0x0] =	vst.idx.msk $0xffff, v16  }
0xcd: {  	s29 =	sadd.s32 $0x6, s28;
	v8 =	vor.u32 v6, v8;
	v9 =	vadd.s32 v10, v9;
	[tilespmem:v12+s18+$0x0] =	vst.idx.msk $0xffff, v17  }
0xce: {  	s30 =	sadd.s32 $0x5, s28;
	v10 =	vadd.s32 v5, v11;
	v12 =	vadd.s32 s29, v0;
	v11 =	vadd.s32 v7, v9;
	[tilespmem:v18+s18+$0x0] =	vst.idx.msk $0xffff, v22  }
0xcf: {  	v13 =	vadd.s32 s30, v0;
	s29 =	sadd.s32 $0x4, s28;
	vm0 =	vlt.u32 v12, $0x40;
	v11 =	vadd.s32 v5, v11;
	[tilespmem:v23+s18+$0x0] =	vst.idx.msk $0xffff, v21  }
0xd0: {  	vm1 =	vlt.u32 v13, $0x40;
	v15 =	vadd.s32 s29, v0;
	v14 =	vsel vm0, $0x0, v2;
	[tilespmem:v20+s18+$0x0] =	vst.idx.msk $0xffff, v19  }
.Ltmp4:
0xd1: {  	v16 =	vsel vm1, $0x0, v2;
	vm0 =	vlt.u32 v15, $0x40;
	v14 =	vadd.s32 v12, v14;
	(pc) =	sbr.rel @p1 .LBB2_7-.Ltmp4, $4  }
0xd2: {  	v13 =	vadd.s32 v13, v16;
	v12 =	vsel vm0, $0x0, v2;
	v16 =	vadd.s32 v7, v14  }
0xd3: {  	s29 =	sadd.s32 $0x3, s28;
	v17 =	vadd.s32 v7, v13;
	v12 =	vadd.s32 v15, v12;
	v15 =	vadd.s32 v5, v16  }
0xd4: {  	s30 =	sadd.s32 $0x2, s28;
	v18 =	vadd.s32 s29, v0;
	v20 =	vadd.s32 v7, v12;
	v16 =	vadd.s32 v5, v17  }
0xd5: {  	s29 =	sadd.s32 $0x1, s28;
	s28 =	sadd.s32 $0x8, s28;
	v19 =	vadd.s32 s30, v0;
	vm0 =	vlt.u32 v18, $0x40;
	v17 =	vadd.s32 v5, v20  }
0xd6: {  	v20 =	vadd.s32 s29, v0;
	vm1 =	vlt.u32 v19, $0x40  }
0xd7: {  	v21 =	vsel vm0, $0x0, v2;
	v9 =	vshll.u32 v9, $0x7;
	v14 =	vshll.u32 v14, $0x7  }
0xd8: {  	vm12 =	vlt.u32 v20, $0x40;
	v22 =	vsel vm1, $0x0, v2;
	v18 =	vadd.s32 v18, v21  }
0xd9: {  	v21 =	vsel vm12, $0x0, v2;
	v19 =	vadd.s32 v19, v22;
	v22 =	vadd.s32 v7, v18  }
0xda: {  	v10 =	vld.idx.msk [tilespmem:v10+s14+$0x0], $0xffff;
	v20 =	vadd.s32 v20, v21;
	v21 =	vadd.s32 v7, v19;
	v22 =	vadd.s32 v5, v22  }
0xdb: {  	v11 =	vld.idx.msk [tilespmem:v11+s14+$0x0], $0xffff;
	v9 =	vor.u32 v6, v9;
	v7 =	vadd.s32 v7, v20;
	v21 =	vadd.s32 v5, v21  }
0xdc: {  	v15 =	vld.idx.msk [tilespmem:v15+s14+$0x0], $0xffff;
	v13 =	vshll.u32 v13, $0x7;
	v14 =	vor.u32 v6, v14;
	v7 =	vadd.s32 v5, v7  }
0xdd: {  	v16 =	vld.idx.msk [tilespmem:v16+s14+$0x0], $0xffff;
	v12 =	vshll.u32 v12, $0x7;
	v13 =	vor.u32 v6, v13  }
0xde: {  	v17 =	vld.idx.msk [tilespmem:v17+s14+$0x0], $0xffff;
	v12 =	vor.u32 v6, v12;
	v18 =	vshll.u32 v18, $0x7  }
0xdf: {  	[tilespmem:v8+s18+$0x0] =	vst.idx.msk $0xffff, v10;
	v8 =	vshll.u32 v19, $0x7;
	v10 =	vor.u32 v6, v18;
	v22 =	vld.idx.msk [tilespmem:v22+s14+$0x0], $0xffff  }
0xe0: {  	v19 =	vshll.u32 v20, $0x7;
	v8 =	vor.u32 v6, v8;
	[tilespmem:v9+s18+$0x0] =	vst.idx.msk $0xffff, v11;
	v18 =	vld.idx.msk [tilespmem:v21+s14+$0x0], $0xffff  }
0xe1: {  	s30 =	simm.s32 $0x3;
	s31 =	simm.s32 $0x6;
	v9 =	vor.u32 v6, v19;
	[tilespmem:v14+s18+$0x0] =	vst.idx.msk $0xffff, v15;
	v7 =	vld.idx.msk [tilespmem:v7+s14+$0x0], $0xffff  }
0xe2: {  	[tilespmem:v13+s18+$0x0] =	vst.idx.msk $0xffff, v16;
	v11 =	vadd.s32 s30, v0;
	v14 =	vadd.s32 s31, v0;
	s31 =	simm.s32 $0xB  }
0xe3: {  	s28 =	simm.s32 $0x0;
	[tilespmem:v12+s18+$0x0] =	vst.idx.msk $0xffff, v17;
	vm2 =	vlt.u32 v11, $0x40;
	vm7 =	vlt.u32 v14, $0x40;
	v34 =	vadd.s32 s31, v0  }
0xe4: {  	s29 =	simm.s32 $0x2;
	v17 =	vsel vm2, $0x0, v2;
	vm12 =	vlt.u32 v34, $0x40;
	[tilespmem:v10+s18+$0x0] =	vst.idx.msk $0xffff, v22;
	v10 =	vadd.s32 s28, v0  }
0xe5: {  	v11 =	vadd.s32 v11, v17;
	s28 =	simm.s32 $0x1;
	[tilespmem:v8+s18+$0x0] =	vst.idx.msk $0xffff, v18;
	vm13 =	vlt.u32 v10, $0x40;
	v8 =	vadd.s32 s29, v0;
	s29 =	simm.s32 $0x5  }
0xe6: {  	[tilespmem:v9+s18+$0x0] =	vst.idx.msk $0xffff, v7;
	v7 =	vadd.s32 s28, v0;
	s28 =	simm.s32 $0x4;
	v13 =	vadd.s32 s29, v0;
	v15 =	vsel vm13, $0x0, v2  }
0xe7: {  	vm15 =	vlt.u32 v8, $0x40;
	v12 =	vadd.s32 s28, v0;
	vm14 =	vlt.u32 v7, $0x40  }
0xe8: {  	s29 =	simm.s32 $0xA;
	vm4 =	vlt.u32 v13, $0x40;
	v10 =	vadd.s32 v10, v15;
	v16 =	vsel vm15, $0x0, v2  }
0xe9: {  	v9 =	vld [tilespmem:$0x13130];
	v33 =	vadd.s32 s29, v0;
	vm3 =	vlt.u32 v12, $0x40;
	v15 =	vsel vm14, $0x0, v2  }
0xea: {  	v8 =	vadd.s32 v8, v16;
	v16 =	vsel vm7, $0x0, v2;
	vm11 =	vlt.u32 v33, $0x40  }
0xeb: {  	s28 =	simm.s32 $0x7;
	v18 =	vsel vm3, $0x0, v2;
	v15 =	vadd.s32 v7, v15;
	v7 =	vsel vm4, $0x0, v2  }
0xec: {  	v14 =	vadd.s32 v14, v16;
	v13 =	vadd.s32 v13, v7;
	v7 =	vadd.s32 s28, v0;
	s28 =	simm.s32 $0x8  }
0xed: {  	v12 =	vadd.s32 v12, v18;
	vm8 =	vlt.u32 v7, $0x40;
	v25 =	vadd.s32 s28, v0  }
0xee: {  	v19 =	vadd.s32 v9, v10;
	v17 =	vadd.s32 v9, v15;
	v16 =	vadd.s32 v9, v8  }
0xef: {  	v18 =	vadd.s32 v9, v11;
	v20 =	vsel vm8, $0x0, v2;
	v21 =	vadd.s32 v9, v12  }
0xf0: {  	v22 =	vadd.s32 v9, v13;
	v20 =	vadd.s32 v7, v20;
	v7 =	vor.u32 $0x1800, v1  }
0xf1: {  	v23 =	vadd.s32 v9, v14;
	v10 =	vshll.u32 v10, $0x7;
	v17 =	vadd.s32 v7, v17  }
0xf2: {  	v15 =	vshll.u32 v15, $0x7;
	v11 =	vshll.u32 v11, $0x7;
	v16 =	vadd.s32 v7, v16  }
0xf3: {  	v12 =	vshll.u32 v12, $0x7;
	v13 =	vshll.u32 v13, $0x7;
	v18 =	vadd.s32 v7, v18  }
0xf4: {  	v24 =	vadd.s32 v9, v20;
	v21 =	vadd.s32 v7, v21;
	v26 =	vadd.s32 v7, v19  }
0xf5: {  	v19 =	vshll.u32 v8, $0x7;
	v8 =	vor.u32 $0x30, v0;
	v24 =	vadd.s32 v7, v24  }
0xf6: {  	v14 =	vshll.u32 v14, $0x7;
	v22 =	vadd.s32 v7, v22;
	v15 =	vor.u32 v8, v15;
	v28 =	vld.idx.msk [tilespmem:v17+s14+$0x0], $0xffff  }
0xf7: {  	s28 =	simm.s32 $0x9;
	vm9 =	vlt.u32 v25, $0x40;
	v23 =	vadd.s32 v7, v23;
	v27 =	vor.u32 v8, v19;
	v16 =	vld.idx.msk [tilespmem:v16+s14+$0x0], $0xffff  }
0xf8: {  	v32 =	vadd.s32 s28, v0;
	v20 =	vshll.u32 v20, $0x7;
	v29 =	vor.u32 v8, v11;
	v18 =	vld.idx.msk [tilespmem:v18+s14+$0x0], $0xffff  }
0xf9: {  	vm10 =	vlt.u32 v32, $0x40;
	v20 =	vor.u32 v8, v20;
	v30 =	vor.u32 v8, v12;
	v21 =	vld.idx.msk [tilespmem:v21+s14+$0x0], $0xffff  }
0xfa: {  	s31 =	simm.s32 $0xE;
	s28 =	simm.s32 $0xC;
	v31 =	vor.u32 v8, v13;
	v10 =	vor.u32 v8, v10;
	v11 =	vor.u32 v8, v14;
	v24 =	vld.idx.msk [tilespmem:v24+s14+$0x0], $0xffff  }
0xfb: {  	s29 =	simm.s32 $0xD;
	v19 =	vadd.s32 s28, v0;
	v14 =	vadd.s32 s31, v0;
	v12 =	vsel vm9, $0x0, v2;
	v35 =	vld.idx.msk [tilespmem:v22+s14+$0x0], $0xffff;
	[tilespmem:v15+s18+$0x0] =	vst.idx.msk $0xffff, v28  }
0xfc: {  	vm13 =	vlt.u32 v19, $0x40;
	v12 =	vadd.s32 v25, v12;
	v17 =	vadd.s32 s29, v0;
	v13 =	vld.idx.msk [tilespmem:v23+s14+$0x0], $0xffff;
	[tilespmem:v27+s18+$0x0] =	vst.idx.msk $0xffff, v16  }
0xfd: {  	vm15 =	vlt.u32 v14, $0x40;
	v25 =	vsel vm12, $0x0, v2;
	vm14 =	vlt.u32 v17, $0x40;
	v15 =	vld.idx.msk [tilespmem:v26+s14+$0x0], $0xffff;
	[tilespmem:v29+s18+$0x0] =	vst.idx.msk $0xffff, v18  }
0xfe: {  	v22 =	vsel vm13, $0x0, v2;
	v23 =	vsel vm14, $0x0, v2;
	v16 =	vadd.s32 v9, v12;
	[tilespmem:v30+s18+$0x0] =	vst.idx.msk $0xffff, v21  }
0xff: {  	v18 =	vadd.s32 v34, v25;
	[tilespmem:v20+s18+$0x0] =	vst.idx.msk $0xffff, v24;
	v20 =	vsel vm10, $0x0, v2;
	v24 =	vsel vm11, $0x0, v2  }
0x100: {  	s28 =	simm.s32 $0x10;
	s29 =	simm.s32 $0xF;
	[tilespmem:v31+s18+$0x0] =	vst.idx.msk $0xffff, v35;
	v20 =	vadd.s32 v32, v20;
	v21 =	vadd.s32 v33, v24;
	v24 =	vsel vm15, $0x0, v2  }
.LBB2_9:
0x101: {  	p1 =	slt.u32 s28, $0x38;
	v19 =	vadd.s32 v19, v22;
	v17 =	vadd.s32 v17, v23;
	v22 =	vadd.s32 s29, v0;
	[tilespmem:v11+s18+$0x0] =	vst.idx.msk $0xffff, v13  }
0x102: {  	v11 =	vadd.s32 v9, v20;
	v13 =	vadd.s32 v14, v24;
	vm0 =	vlt.u32 v22, $0x40;
	[tilespmem:v10+s18+$0x0] =	vst.idx.msk $0xffff, v15  }
0x103: {  	v14 =	vadd.s32 v9, v18;
	v10 =	vadd.s32 v9, v21;
	v15 =	vsel vm0, $0x0, v2  }
0x104: {  	v23 =	vadd.s32 v9, v19;
	v24 =	vadd.s32 v9, v17;
	v15 =	vadd.s32 v22, v15  }
0x105: {  	v22 =	vadd.s32 v9, v13;
	v25 =	vadd.s32 v9, v15  }
0x106: {  	v11 =	vadd.s32 v7, v11;
	v10 =	vadd.s32 v7, v10;
	v25 =	vadd.s32 v7, v25  }
0x107: {  	v14 =	vadd.s32 v7, v14;
	v23 =	vadd.s32 v7, v23;
	v24 =	vadd.s32 v7, v24  }
0x108: {  	v26 =	vadd.s32 s28, v0;
	v16 =	vadd.s32 v7, v16;
	v22 =	vadd.s32 v7, v22  }
0x109: {  	v12 =	vshll.u32 v12, $0x7;
	v20 =	vshll.u32 v20, $0x7;
	v21 =	vshll.u32 v21, $0x7  }
0x10a: {  	v18 =	vshll.u32 v18, $0x7;
	v19 =	vshll.u32 v19, $0x7;
	v17 =	vshll.u32 v17, $0x7  }
0x10b: {  	v13 =	vshll.u32 v13, $0x7;
	v15 =	vshll.u32 v15, $0x7;
	v25 =	vld.idx.msk [tilespmem:v25+s14+$0x0], $0xffff  }
0x10c: {  	v20 =	vor.u32 v8, v20;
	v21 =	vor.u32 v8, v21;
	v15 =	vor.u32 v8, v15;
	v27 =	vld.idx.msk [tilespmem:v11+s14+$0x0], $0xffff  }
0x10d: {  	v18 =	vor.u32 v8, v18;
	v29 =	vor.u32 v8, v19;
	v30 =	vor.u32 v8, v17;
	v28 =	vld.idx.msk [tilespmem:v10+s14+$0x0], $0xffff  }
0x10e: {  	s29 =	sadd.s32 $0x1, s28;
	s30 =	sadd.s32 $0x2, s28;
	s31 =	sadd.s32 $0x3, s28;
	vm0 =	vlt.u32 v26, $0x40;
	v11 =	vor.u32 v8, v13;
	v10 =	vor.u32 v8, v12;
	v31 =	vld.idx.msk [tilespmem:v14+s14+$0x0], $0xffff  }
0x10f: {  	v32 =	vadd.s32 s29, v0;
	v33 =	vadd.s32 s30, v0;
	v34 =	vadd.s32 s31, v0;
	s29 =	sadd.s32 $0x4, s28;
	s30 =	sadd.s32 $0x5, s28;
	s31 =	sadd.s32 $0x6, s28;
	v35 =	vld.idx.msk [tilespmem:v23+s14+$0x0], $0xffff  }
0x110: {  	v19 =	vadd.s32 s29, v0;
	v17 =	vadd.s32 s30, v0;
	v14 =	vadd.s32 s31, v0;
	v36 =	vld.idx.msk [tilespmem:v24+s14+$0x0], $0xffff  }
0x111: {  	vm1 =	vlt.u32 v33, $0x40;
	v12 =	vsel vm0, $0x0, v2;
	vm0 =	vlt.u32 v32, $0x40;
	v13 =	vld.idx.msk [tilespmem:v22+s14+$0x0], $0xffff;
	[tilespmem:v15+s18+$0x0] =	vst.idx.msk $0xffff, v25  }
.Ltmp5:
0x112: {  	vm2 =	vlt.u32 v34, $0x40;
	vm3 =	vlt.u32 v19, $0x40;
	vm4 =	vlt.u32 v17, $0x40;
	v15 =	vld.idx.msk [tilespmem:v16+s14+$0x0], $0xffff;
	[tilespmem:v20+s18+$0x0] =	vst.idx.msk $0xffff, v27;
	(pc) =	sbr.rel @p1 .LBB2_9-.Ltmp5, $4  }
0x113: {  	v12 =	vadd.s32 v26, v12;
	v20 =	vsel vm0, $0x0, v2;
	vm0 =	vlt.u32 v14, $0x40;
	[tilespmem:v21+s18+$0x0] =	vst.idx.msk $0xffff, v28  }
0x114: {  	v24 =	vsel vm2, $0x0, v2;
	v22 =	vsel vm3, $0x0, v2;
	v21 =	vsel vm1, $0x0, v2;
	[tilespmem:v18+s18+$0x0] =	vst.idx.msk $0xffff, v31  }
0x115: {  	v23 =	vsel vm4, $0x0, v2;
	v16 =	vadd.s32 v9, v12;
	v20 =	vadd.s32 v32, v20;
	[tilespmem:v29+s18+$0x0] =	vst.idx.msk $0xffff, v35  }
0x116: {  	s29 =	sadd.s32 $0x7, s28;
	s28 =	sadd.s32 $0x8, s28;
	v21 =	vadd.s32 v33, v21;
	v18 =	vadd.s32 v34, v24;
	v24 =	vsel vm0, $0x0, v2;
	[tilespmem:v30+s18+$0x0] =	vst.idx.msk $0xffff, v36  }
0x117: {  	v25 =	vadd.s32 s29, v0;
	v19 =	vadd.s32 v19, v22  }
0x118: {  	v22 =	vadd.s32 v9, v20;
	v17 =	vadd.s32 v17, v23;
	v23 =	vadd.s32 v9, v21  }
0x119: {  	v14 =	vadd.s32 v14, v24;
	v24 =	vadd.s32 v9, v18;
	v16 =	vadd.s32 v7, v16  }
0x11a: {  	v18 =	vshll.u32 v18, $0x7;
	v27 =	vadd.s32 v9, v19;
	v24 =	vadd.s32 v7, v24  }
0x11b: {  	[tilespmem:v11+s18+$0x0] =	vst.idx.msk $0xffff, v13;
	vm0 =	vlt.u32 v25, $0x40;
	v28 =	vadd.s32 v9, v17;
	v27 =	vadd.s32 v7, v27  }
0x11c: {  	[tilespmem:v10+s18+$0x0] =	vst.idx.msk $0xffff, v15;
	v12 =	vshll.u32 v12, $0x7;
	v26 =	vsel vm0, $0x0, v2;
	v28 =	vadd.s32 v7, v28  }
0x11d: {  	v22 =	vadd.s32 v7, v22;
	v23 =	vadd.s32 v7, v23;
	v25 =	vadd.s32 v25, v26  }
0x11e: {  	v11 =	vshll.u32 v19, $0x7;
	v12 =	vor.u32 v8, v12;
	v26 =	vadd.s32 v9, v25;
	v16 =	vld.idx.msk [tilespmem:v16+s14+$0x0], $0xffff  }
0x11f: {  	v13 =	vor.u32 v8, v18;
	v9 =	vadd.s32 v9, v14;
	v26 =	vadd.s32 v7, v26;
	v18 =	vld.idx.msk [tilespmem:v24+s14+$0x0], $0xffff  }
0x120: {  	v10 =	vshll.u32 v17, $0x7;
	v11 =	vor.u32 v8, v11;
	v9 =	vadd.s32 v7, v9;
	v15 =	vld.idx.msk [tilespmem:v27+s14+$0x0], $0xffff  }
0x121: {  	v20 =	vshll.u32 v20, $0x7;
	v21 =	vshll.u32 v21, $0x7;
	v10 =	vor.u32 v8, v10;
	v17 =	vld.idx.msk [tilespmem:v28+s14+$0x0], $0xffff  }
0x122: {  	v20 =	vor.u32 v8, v20;
	v21 =	vor.u32 v8, v21;
	v25 =	vshll.u32 v25, $0x7;
	v22 =	vld.idx.msk [tilespmem:v22+s14+$0x0], $0xffff  }
0x123: {  	s29 =	simm.s32 $0x2;
	s31 =	simm.s32 $0x6;
	v14 =	vshll.u32 v14, $0x7;
	v25 =	vor.u32 v8, v25;
	v23 =	vld.idx.msk [tilespmem:v23+s14+$0x0], $0xffff;
	[tilespmem:v12+s18+$0x0] =	vst.idx.msk $0xffff, v16  }
0x124: {  	s30 =	simm.s32 $0x3;
	v14 =	vor.u32 v8, v14;
	v26 =	vld.idx.msk [tilespmem:v26+s14+$0x0], $0xffff;
	v12 =	vadd.s32 s29, v0;
	v16 =	vadd.s32 s31, v0;
	[tilespmem:v13+s18+$0x0] =	vst.idx.msk $0xffff, v18  }
0x125: {  	s28 =	simm.s32 $0x0;
	v9 =	vld.idx.msk [tilespmem:v9+s14+$0x0], $0xffff;
	s29 =	simm.s32 $0x5;
	s31 =	simm.s32 $0xB;
	v13 =	vadd.s32 s30, v0;
	vm1 =	vlt.u32 v12, $0x40;
	vm7 =	vlt.u32 v16, $0x40;
	[tilespmem:v11+s18+$0x0] =	vst.idx.msk $0xffff, v15  }
0x126: {  	v36 =	vadd.s32 s31, v0;
	[tilespmem:v10+s18+$0x0] =	vst.idx.msk $0xffff, v17;
	v10 =	vadd.s32 s28, v0;
	v15 =	vadd.s32 s29, v0  }
0x127: {  	[tilespmem:v20+s18+$0x0] =	vst.idx.msk $0xffff, v22;
	vm2 =	vlt.u32 v13, $0x40;
	v18 =	vsel vm1, $0x0, v2;
	vm12 =	vlt.u32 v36, $0x40  }
0x128: {  	[tilespmem:v21+s18+$0x0] =	vst.idx.msk $0xffff, v23;
	s29 =	simm.s32 $0xA;
	vm14 =	vlt.u32 v10, $0x40;
	vm4 =	vlt.u32 v15, $0x40;
	v19 =	vsel vm2, $0x0, v2  }
0x129: {  	s28 =	simm.s32 $0x1;
	v12 =	vadd.s32 v12, v18;
	v18 =	vsel vm7, $0x0, v2;
	v35 =	vadd.s32 s29, v0;
	[tilespmem:v25+s18+$0x0] =	vst.idx.msk $0xffff, v26  }
0x12a: {  	v17 =	vsel vm14, $0x0, v2;
	v13 =	vadd.s32 v13, v19;
	[tilespmem:v14+s18+$0x0] =	vst.idx.msk $0xffff, v9;
	v9 =	vadd.s32 s28, v0  }
0x12b: {  	v16 =	vadd.s32 v16, v18;
	vm11 =	vlt.u32 v35, $0x40;
	s28 =	simm.s32 $0x4;
	v11 =	vld [tilespmem:$0x13140];
	vm15 =	vlt.u32 v9, $0x40  }
0x12c: {  	v10 =	vadd.s32 v10, v17;
	v14 =	vadd.s32 s28, v0;
	v17 =	vsel vm15, $0x0, v2  }
0x12d: {  	s28 =	simm.s32 $0x7;
	vm3 =	vlt.u32 v14, $0x40;
	v17 =	vadd.s32 v9, v17;
	v9 =	vsel vm4, $0x0, v2  }
0x12e: {  	v20 =	vsel vm3, $0x0, v2;
	v15 =	vadd.s32 v15, v9;
	v9 =	vadd.s32 s28, v0;
	s28 =	simm.s32 $0x8  }
0x12f: {  	v14 =	vadd.s32 v14, v20;
	vm8 =	vlt.u32 v9, $0x40;
	v27 =	vadd.s32 s28, v0  }
0x130: {  	v21 =	vadd.s32 v11, v10;
	v19 =	vadd.s32 v11, v17;
	v18 =	vadd.s32 v11, v12  }
0x131: {  	v20 =	vadd.s32 v11, v13;
	v22 =	vsel vm8, $0x0, v2;
	v23 =	vadd.s32 v11, v14  }
0x132: {  	v24 =	vadd.s32 v11, v15;
	v22 =	vadd.s32 v9, v22;
	v9 =	vor.u32 $0x2000, v1  }
0x133: {  	v25 =	vadd.s32 v11, v16;
	v17 =	vshll.u32 v17, $0x7;
	v19 =	vadd.s32 v9, v19  }
0x134: {  	v12 =	vshll.u32 v12, $0x7;
	v13 =	vshll.u32 v13, $0x7;
	v18 =	vadd.s32 v9, v18  }
0x135: {  	v14 =	vshll.u32 v14, $0x7;
	v15 =	vshll.u32 v15, $0x7;
	v20 =	vadd.s32 v9, v20  }
0x136: {  	v26 =	vadd.s32 v11, v22;
	v23 =	vadd.s32 v9, v23;
	v63 =	vadd.s32 v9, v21  }
0x137: {  	v21 =	vshll.u32 v10, $0x7;
	v10 =	vor.u32 $0x40, v0;
	v26 =	vadd.s32 v9, v26  }
0x138: {  	v16 =	vshll.u32 v16, $0x7;
	v24 =	vadd.s32 v9, v24;
	v17 =	vor.u32 v10, v17;
	v30 =	vld.idx.msk [tilespmem:v19+s14+$0x0], $0xffff  }
0x139: {  	s28 =	simm.s32 $0x9;
	vm9 =	vlt.u32 v27, $0x40;
	v25 =	vadd.s32 v9, v25;
	v29 =	vor.u32 v10, v12;
	v18 =	vld.idx.msk [tilespmem:v18+s14+$0x0], $0xffff  }
0x13a: {  	v34 =	vadd.s32 s28, v0;
	v22 =	vshll.u32 v22, $0x7;
	v31 =	vor.u32 v10, v13;
	v20 =	vld.idx.msk [tilespmem:v20+s14+$0x0], $0xffff  }
0x13b: {  	vm10 =	vlt.u32 v34, $0x40;
	v22 =	vor.u32 v10, v22;
	v32 =	vor.u32 v10, v14;
	v23 =	vld.idx.msk [tilespmem:v23+s14+$0x0], $0xffff  }
0x13c: {  	s31 =	simm.s32 $0xE;
	s28 =	simm.s32 $0xC;
	v33 =	vor.u32 v10, v15;
	v12 =	vor.u32 v10, v21;
	v13 =	vor.u32 v10, v16;
	v26 =	vld.idx.msk [tilespmem:v26+s14+$0x0], $0xffff  }
0x13d: {  	s29 =	simm.s32 $0xD;
	v21 =	vadd.s32 s28, v0;
	v16 =	vadd.s32 s31, v0;
	v14 =	vsel vm9, $0x0, v2;
	v37 =	vld.idx.msk [tilespmem:v24+s14+$0x0], $0xffff;
	[tilespmem:v17+s18+$0x0] =	vst.idx.msk $0xffff, v30  }
0x13e: {  	vm13 =	vlt.u32 v21, $0x40;
	v14 =	vadd.s32 v27, v14;
	v19 =	vadd.s32 s29, v0;
	v15 =	vld.idx.msk [tilespmem:v25+s14+$0x0], $0xffff;
	[tilespmem:v29+s18+$0x0] =	vst.idx.msk $0xffff, v18  }
0x13f: {  	vm15 =	vlt.u32 v16, $0x40;
	v27 =	vsel vm12, $0x0, v2;
	vm14 =	vlt.u32 v19, $0x40;
	v17 =	vld.idx.msk [tilespmem:v63+s14+$0x0], $0xffff;
	[tilespmem:v31+s18+$0x0] =	vst.idx.msk $0xffff, v20  }
0x140: {  	v24 =	vsel vm13, $0x0, v2;
	v25 =	vsel vm14, $0x0, v2;
	v18 =	vadd.s32 v11, v14;
	[tilespmem:v32+s18+$0x0] =	vst.idx.msk $0xffff, v23  }
0x141: {  	v20 =	vadd.s32 v36, v27;
	[tilespmem:v22+s18+$0x0] =	vst.idx.msk $0xffff, v26;
	v22 =	vsel vm10, $0x0, v2;
	v26 =	vsel vm11, $0x0, v2  }
0x142: {  	s28 =	simm.s32 $0x10;
	s29 =	simm.s32 $0xF;
	[tilespmem:v33+s18+$0x0] =	vst.idx.msk $0xffff, v37;
	v22 =	vadd.s32 v34, v22;
	v23 =	vadd.s32 v35, v26;
	v26 =	vsel vm15, $0x0, v2  }
.LBB2_11:
0x143: {  	p1 =	slt.u32 s28, $0x38;
	v21 =	vadd.s32 v21, v24;
	v19 =	vadd.s32 v19, v25;
	v24 =	vadd.s32 s29, v0;
	[tilespmem:v13+s18+$0x0] =	vst.idx.msk $0xffff, v15  }
0x144: {  	v13 =	vadd.s32 v11, v22;
	v15 =	vadd.s32 v16, v26;
	vm0 =	vlt.u32 v24, $0x40;
	[tilespmem:v12+s18+$0x0] =	vst.idx.msk $0xffff, v17  }
0x145: {  	v16 =	vadd.s32 v11, v20;
	v12 =	vadd.s32 v11, v23;
	v17 =	vsel vm0, $0x0, v2  }
0x146: {  	v25 =	vadd.s32 v11, v21;
	v26 =	vadd.s32 v11, v19;
	v17 =	vadd.s32 v24, v17  }
0x147: {  	v24 =	vadd.s32 v11, v15;
	v27 =	vadd.s32 v11, v17  }
0x148: {  	v13 =	vadd.s32 v9, v13;
	v12 =	vadd.s32 v9, v12;
	v27 =	vadd.s32 v9, v27  }
0x149: {  	v16 =	vadd.s32 v9, v16;
	v25 =	vadd.s32 v9, v25;
	v26 =	vadd.s32 v9, v26  }
0x14a: {  	v28 =	vadd.s32 s28, v0;
	v18 =	vadd.s32 v9, v18;
	v24 =	vadd.s32 v9, v24  }
0x14b: {  	v14 =	vshll.u32 v14, $0x7;
	v22 =	vshll.u32 v22, $0x7;
	v23 =	vshll.u32 v23, $0x7  }
0x14c: {  	v20 =	vshll.u32 v20, $0x7;
	v21 =	vshll.u32 v21, $0x7;
	v19 =	vshll.u32 v19, $0x7  }
0x14d: {  	v15 =	vshll.u32 v15, $0x7;
	v17 =	vshll.u32 v17, $0x7;
	v27 =	vld.idx.msk [tilespmem:v27+s14+$0x0], $0xffff  }
0x14e: {  	v22 =	vor.u32 v10, v22;
	v23 =	vor.u32 v10, v23;
	v17 =	vor.u32 v10, v17;
	v29 =	vld.idx.msk [tilespmem:v13+s14+$0x0], $0xffff  }
0x14f: {  	v20 =	vor.u32 v10, v20;
	v31 =	vor.u32 v10, v21;
	v32 =	vor.u32 v10, v19;
	v30 =	vld.idx.msk [tilespmem:v12+s14+$0x0], $0xffff  }
0x150: {  	s29 =	sadd.s32 $0x1, s28;
	s30 =	sadd.s32 $0x2, s28;
	s31 =	sadd.s32 $0x3, s28;
	vm0 =	vlt.u32 v28, $0x40;
	v13 =	vor.u32 v10, v15;
	v12 =	vor.u32 v10, v14;
	v33 =	vld.idx.msk [tilespmem:v16+s14+$0x0], $0xffff  }
0x151: {  	v34 =	vadd.s32 s29, v0;
	v35 =	vadd.s32 s30, v0;
	v36 =	vadd.s32 s31, v0;
	s29 =	sadd.s32 $0x4, s28;
	s30 =	sadd.s32 $0x5, s28;
	s31 =	sadd.s32 $0x6, s28;
	v37 =	vld.idx.msk [tilespmem:v25+s14+$0x0], $0xffff  }
0x152: {  	v21 =	vadd.s32 s29, v0;
	v19 =	vadd.s32 s30, v0;
	v16 =	vadd.s32 s31, v0;
	v38 =	vld.idx.msk [tilespmem:v26+s14+$0x0], $0xffff  }
0x153: {  	vm1 =	vlt.u32 v35, $0x40;
	v14 =	vsel vm0, $0x0, v2;
	vm0 =	vlt.u32 v34, $0x40;
	v15 =	vld.idx.msk [tilespmem:v24+s14+$0x0], $0xffff;
	[tilespmem:v17+s18+$0x0] =	vst.idx.msk $0xffff, v27  }
.Ltmp6:
0x154: {  	vm2 =	vlt.u32 v36, $0x40;
	vm3 =	vlt.u32 v21, $0x40;
	vm4 =	vlt.u32 v19, $0x40;
	v17 =	vld.idx.msk [tilespmem:v18+s14+$0x0], $0xffff;
	[tilespmem:v22+s18+$0x0] =	vst.idx.msk $0xffff, v29;
	(pc) =	sbr.rel @p1 .LBB2_11-.Ltmp6, $4  }
0x155: {  	v14 =	vadd.s32 v28, v14;
	v22 =	vsel vm0, $0x0, v2;
	vm0 =	vlt.u32 v16, $0x40;
	[tilespmem:v23+s18+$0x0] =	vst.idx.msk $0xffff, v30  }
0x156: {  	v26 =	vsel vm2, $0x0, v2;
	v24 =	vsel vm3, $0x0, v2;
	v23 =	vsel vm1, $0x0, v2;
	[tilespmem:v20+s18+$0x0] =	vst.idx.msk $0xffff, v33  }
0x157: {  	v25 =	vsel vm4, $0x0, v2;
	v18 =	vadd.s32 v11, v14;
	v22 =	vadd.s32 v34, v22;
	[tilespmem:v31+s18+$0x0] =	vst.idx.msk $0xffff, v37  }
0x158: {  	s29 =	sadd.s32 $0x7, s28;
	s28 =	sadd.s32 $0x8, s28;
	v23 =	vadd.s32 v35, v23;
	v20 =	vadd.s32 v36, v26;
	v26 =	vsel vm0, $0x0, v2;
	[tilespmem:v32+s18+$0x0] =	vst.idx.msk $0xffff, v38  }
0x159: {  	v27 =	vadd.s32 s29, v0;
	v21 =	vadd.s32 v21, v24  }
0x15a: {  	v24 =	vadd.s32 v11, v22;
	v19 =	vadd.s32 v19, v25;
	v25 =	vadd.s32 v11, v23  }
0x15b: {  	v16 =	vadd.s32 v16, v26;
	v26 =	vadd.s32 v11, v20;
	v18 =	vadd.s32 v9, v18  }
0x15c: {  	v20 =	vshll.u32 v20, $0x7;
	v29 =	vadd.s32 v11, v21;
	v26 =	vadd.s32 v9, v26  }
0x15d: {  	[tilespmem:v13+s18+$0x0] =	vst.idx.msk $0xffff, v15;
	vm0 =	vlt.u32 v27, $0x40;
	v30 =	vadd.s32 v11, v19;
	v29 =	vadd.s32 v9, v29  }
0x15e: {  	[tilespmem:v12+s18+$0x0] =	vst.idx.msk $0xffff, v17;
	v14 =	vshll.u32 v14, $0x7;
	v28 =	vsel vm0, $0x0, v2;
	v30 =	vadd.s32 v9, v30  }
0x15f: {  	v24 =	vadd.s32 v9, v24;
	v25 =	vadd.s32 v9, v25;
	v27 =	vadd.s32 v27, v28  }
0x160: {  	v13 =	vshll.u32 v21, $0x7;
	v14 =	vor.u32 v10, v14;
	v28 =	vadd.s32 v11, v27;
	v18 =	vld.idx.msk [tilespmem:v18+s14+$0x0], $0xffff  }
0x161: {  	v15 =	vor.u32 v10, v20;
	v11 =	vadd.s32 v11, v16;
	v28 =	vadd.s32 v9, v28;
	v20 =	vld.idx.msk [tilespmem:v26+s14+$0x0], $0xffff  }
0x162: {  	v12 =	vshll.u32 v19, $0x7;
	v13 =	vor.u32 v10, v13;
	v11 =	vadd.s32 v9, v11;
	v17 =	vld.idx.msk [tilespmem:v29+s14+$0x0], $0xffff  }
0x163: {  	v22 =	vshll.u32 v22, $0x7;
	v23 =	vshll.u32 v23, $0x7;
	v12 =	vor.u32 v10, v12;
	v19 =	vld.idx.msk [tilespmem:v30+s14+$0x0], $0xffff  }
0x164: {  	v22 =	vor.u32 v10, v22;
	v23 =	vor.u32 v10, v23;
	v27 =	vshll.u32 v27, $0x7;
	v24 =	vld.idx.msk [tilespmem:v24+s14+$0x0], $0xffff  }
0x165: {  	s29 =	simm.s32 $0x2;
	s31 =	simm.s32 $0x6;
	v16 =	vshll.u32 v16, $0x7;
	v27 =	vor.u32 v10, v27;
	v25 =	vld.idx.msk [tilespmem:v25+s14+$0x0], $0xffff;
	[tilespmem:v14+s18+$0x0] =	vst.idx.msk $0xffff, v18  }
0x166: {  	s30 =	simm.s32 $0x3;
	v16 =	vor.u32 v10, v16;
	v28 =	vld.idx.msk [tilespmem:v28+s14+$0x0], $0xffff;
	v14 =	vadd.s32 s29, v0;
	v18 =	vadd.s32 s31, v0;
	[tilespmem:v15+s18+$0x0] =	vst.idx.msk $0xffff, v20  }
0x167: {  	s28 =	simm.s32 $0x0;
	v11 =	vld.idx.msk [tilespmem:v11+s14+$0x0], $0xffff;
	s29 =	simm.s32 $0x5;
	s31 =	simm.s32 $0xB;
	v15 =	vadd.s32 s30, v0;
	vm1 =	vlt.u32 v14, $0x40;
	vm7 =	vlt.u32 v18, $0x40;
	[tilespmem:v13+s18+$0x0] =	vst.idx.msk $0xffff, v17  }
0x168: {  	v38 =	vadd.s32 s31, v0;
	[tilespmem:v12+s18+$0x0] =	vst.idx.msk $0xffff, v19;
	v12 =	vadd.s32 s28, v0;
	v17 =	vadd.s32 s29, v0  }
0x169: {  	[tilespmem:v22+s18+$0x0] =	vst.idx.msk $0xffff, v24;
	vm2 =	vlt.u32 v15, $0x40;
	v20 =	vsel vm1, $0x0, v2;
	vm12 =	vlt.u32 v38, $0x40  }
0x16a: {  	[tilespmem:v23+s18+$0x0] =	vst.idx.msk $0xffff, v25;
	s29 =	simm.s32 $0xA;
	vm14 =	vlt.u32 v12, $0x40;
	vm4 =	vlt.u32 v17, $0x40;
	v21 =	vsel vm2, $0x0, v2  }
0x16b: {  	s28 =	simm.s32 $0x1;
	v14 =	vadd.s32 v14, v20;
	v20 =	vsel vm7, $0x0, v2;
	v37 =	vadd.s32 s29, v0;
	[tilespmem:v27+s18+$0x0] =	vst.idx.msk $0xffff, v28  }
0x16c: {  	v19 =	vsel vm14, $0x0, v2;
	v15 =	vadd.s32 v15, v21;
	[tilespmem:v16+s18+$0x0] =	vst.idx.msk $0xffff, v11;
	v11 =	vadd.s32 s28, v0  }
0x16d: {  	v18 =	vadd.s32 v18, v20;
	vm11 =	vlt.u32 v37, $0x40;
	s28 =	simm.s32 $0x4;
	v13 =	vld [tilespmem:$0x13150];
	vm15 =	vlt.u32 v11, $0x40  }
0x16e: {  	v12 =	vadd.s32 v12, v19;
	v16 =	vadd.s32 s28, v0;
	v19 =	vsel vm15, $0x0, v2  }
0x16f: {  	s28 =	simm.s32 $0x7;
	vm3 =	vlt.u32 v16, $0x40;
	v19 =	vadd.s32 v11, v19;
	v11 =	vsel vm4, $0x0, v2  }
0x170: {  	v22 =	vsel vm3, $0x0, v2;
	v17 =	vadd.s32 v17, v11;
	v11 =	vadd.s32 s28, v0;
	s28 =	simm.s32 $0x8  }
0x171: {  	v16 =	vadd.s32 v16, v22;
	vm8 =	vlt.u32 v11, $0x40;
	v29 =	vadd.s32 s28, v0  }
0x172: {  	v23 =	vadd.s32 v13, v12;
	v21 =	vadd.s32 v13, v19;
	v20 =	vadd.s32 v13, v14  }
0x173: {  	v22 =	vadd.s32 v13, v15;
	v24 =	vsel vm8, $0x0, v2;
	v25 =	vadd.s32 v13, v16  }
0x174: {  	v26 =	vadd.s32 v13, v17;
	v24 =	vadd.s32 v11, v24;
	v11 =	vor.u32 $0x2800, v1  }
0x175: {  	v27 =	vadd.s32 v13, v18;
	v19 =	vshll.u32 v19, $0x7;
	v21 =	vadd.s32 v11, v21  }
0x176: {  	v14 =	vshll.u32 v14, $0x7;
	v15 =	vshll.u32 v15, $0x7;
	v20 =	vadd.s32 v11, v20  }
0x177: {  	v16 =	vshll.u32 v16, $0x7;
	v17 =	vshll.u32 v17, $0x7;
	v22 =	vadd.s32 v11, v22  }
0x178: {  	v28 =	vadd.s32 v13, v24;
	v25 =	vadd.s32 v11, v25;
	v30 =	vadd.s32 v11, v23  }
0x179: {  	v23 =	vshll.u32 v12, $0x7;
	v12 =	vor.u32 $0x50, v0;
	v28 =	vadd.s32 v11, v28  }
0x17a: {  	v18 =	vshll.u32 v18, $0x7;
	v26 =	vadd.s32 v11, v26;
	v19 =	vor.u32 v12, v19;
	v32 =	vld.idx.msk [tilespmem:v21+s14+$0x0], $0xffff  }
0x17b: {  	s28 =	simm.s32 $0x9;
	vm9 =	vlt.u32 v29, $0x40;
	v27 =	vadd.s32 v11, v27;
	v31 =	vor.u32 v12, v14;
	v20 =	vld.idx.msk [tilespmem:v20+s14+$0x0], $0xffff  }
0x17c: {  	v36 =	vadd.s32 s28, v0;
	v24 =	vshll.u32 v24, $0x7;
	v33 =	vor.u32 v12, v15;
	v22 =	vld.idx.msk [tilespmem:v22+s14+$0x0], $0xffff  }
0x17d: {  	vm10 =	vlt.u32 v36, $0x40;
	v24 =	vor.u32 v12, v24;
	v34 =	vor.u32 v12, v16;
	v25 =	vld.idx.msk [tilespmem:v25+s14+$0x0], $0xffff  }
0x17e: {  	s31 =	simm.s32 $0xE;
	s28 =	simm.s32 $0xC;
	v35 =	vor.u32 v12, v17;
	v14 =	vor.u32 v12, v23;
	v15 =	vor.u32 v12, v18;
	v28 =	vld.idx.msk [tilespmem:v28+s14+$0x0], $0xffff  }
0x17f: {  	s29 =	simm.s32 $0xD;
	v23 =	vadd.s32 s28, v0;
	v18 =	vadd.s32 s31, v0;
	v16 =	vsel vm9, $0x0, v2;
	v39 =	vld.idx.msk [tilespmem:v26+s14+$0x0], $0xffff;
	[tilespmem:v19+s18+$0x0] =	vst.idx.msk $0xffff, v32  }
0x180: {  	vm13 =	vlt.u32 v23, $0x40;
	v16 =	vadd.s32 v29, v16;
	v21 =	vadd.s32 s29, v0;
	v17 =	vld.idx.msk [tilespmem:v27+s14+$0x0], $0xffff;
	[tilespmem:v31+s18+$0x0] =	vst.idx.msk $0xffff, v20  }
0x181: {  	vm15 =	vlt.u32 v18, $0x40;
	v29 =	vsel vm12, $0x0, v2;
	vm14 =	vlt.u32 v21, $0x40;
	v19 =	vld.idx.msk [tilespmem:v30+s14+$0x0], $0xffff;
	[tilespmem:v33+s18+$0x0] =	vst.idx.msk $0xffff, v22  }
0x182: {  	v26 =	vsel vm13, $0x0, v2;
	v27 =	vsel vm14, $0x0, v2;
	v20 =	vadd.s32 v13, v16;
	[tilespmem:v34+s18+$0x0] =	vst.idx.msk $0xffff, v25  }
0x183: {  	v22 =	vadd.s32 v38, v29;
	[tilespmem:v24+s18+$0x0] =	vst.idx.msk $0xffff, v28;
	v24 =	vsel vm10, $0x0, v2;
	v28 =	vsel vm11, $0x0, v2  }
0x184: {  	s28 =	simm.s32 $0x10;
	s29 =	simm.s32 $0xF;
	[tilespmem:v35+s18+$0x0] =	vst.idx.msk $0xffff, v39;
	v24 =	vadd.s32 v36, v24;
	v25 =	vadd.s32 v37, v28;
	v28 =	vsel vm15, $0x0, v2  }
.LBB2_13:
0x185: {  	p1 =	slt.u32 s28, $0x38;
	v23 =	vadd.s32 v23, v26;
	v21 =	vadd.s32 v21, v27;
	v26 =	vadd.s32 s29, v0;
	[tilespmem:v15+s18+$0x0] =	vst.idx.msk $0xffff, v17  }
0x186: {  	v15 =	vadd.s32 v13, v24;
	v17 =	vadd.s32 v18, v28;
	vm0 =	vlt.u32 v26, $0x40;
	[tilespmem:v14+s18+$0x0] =	vst.idx.msk $0xffff, v19  }
0x187: {  	v18 =	vadd.s32 v13, v22;
	v14 =	vadd.s32 v13, v25;
	v19 =	vsel vm0, $0x0, v2  }
0x188: {  	v27 =	vadd.s32 v13, v23;
	v28 =	vadd.s32 v13, v21;
	v19 =	vadd.s32 v26, v19  }
0x189: {  	v26 =	vadd.s32 v13, v17;
	v29 =	vadd.s32 v13, v19  }
0x18a: {  	v15 =	vadd.s32 v11, v15;
	v14 =	vadd.s32 v11, v14;
	v29 =	vadd.s32 v11, v29  }
0x18b: {  	v18 =	vadd.s32 v11, v18;
	v27 =	vadd.s32 v11, v27;
	v28 =	vadd.s32 v11, v28  }
0x18c: {  	v30 =	vadd.s32 s28, v0;
	v20 =	vadd.s32 v11, v20;
	v26 =	vadd.s32 v11, v26  }
0x18d: {  	v16 =	vshll.u32 v16, $0x7;
	v24 =	vshll.u32 v24, $0x7;
	v25 =	vshll.u32 v25, $0x7  }
0x18e: {  	v22 =	vshll.u32 v22, $0x7;
	v23 =	vshll.u32 v23, $0x7;
	v21 =	vshll.u32 v21, $0x7  }
0x18f: {  	v17 =	vshll.u32 v17, $0x7;
	v19 =	vshll.u32 v19, $0x7;
	v29 =	vld.idx.msk [tilespmem:v29+s14+$0x0], $0xffff  }
0x190: {  	v24 =	vor.u32 v12, v24;
	v25 =	vor.u32 v12, v25;
	v19 =	vor.u32 v12, v19;
	v31 =	vld.idx.msk [tilespmem:v15+s14+$0x0], $0xffff  }
0x191: {  	v22 =	vor.u32 v12, v22;
	v33 =	vor.u32 v12, v23;
	v34 =	vor.u32 v12, v21;
	v32 =	vld.idx.msk [tilespmem:v14+s14+$0x0], $0xffff  }
0x192: {  	s29 =	sadd.s32 $0x1, s28;
	s30 =	sadd.s32 $0x2, s28;
	s31 =	sadd.s32 $0x3, s28;
	vm0 =	vlt.u32 v30, $0x40;
	v15 =	vor.u32 v12, v17;
	v14 =	vor.u32 v12, v16;
	v35 =	vld.idx.msk [tilespmem:v18+s14+$0x0], $0xffff  }
0x193: {  	v36 =	vadd.s32 s29, v0;
	v37 =	vadd.s32 s30, v0;
	v38 =	vadd.s32 s31, v0;
	s29 =	sadd.s32 $0x4, s28;
	s30 =	sadd.s32 $0x5, s28;
	s31 =	sadd.s32 $0x6, s28;
	v39 =	vld.idx.msk [tilespmem:v27+s14+$0x0], $0xffff  }
0x194: {  	v23 =	vadd.s32 s29, v0;
	v21 =	vadd.s32 s30, v0;
	v18 =	vadd.s32 s31, v0;
	v40 =	vld.idx.msk [tilespmem:v28+s14+$0x0], $0xffff  }
0x195: {  	vm1 =	vlt.u32 v37, $0x40;
	v16 =	vsel vm0, $0x0, v2;
	vm0 =	vlt.u32 v36, $0x40;
	v17 =	vld.idx.msk [tilespmem:v26+s14+$0x0], $0xffff;
	[tilespmem:v19+s18+$0x0] =	vst.idx.msk $0xffff, v29  }
.Ltmp7:
0x196: {  	vm2 =	vlt.u32 v38, $0x40;
	vm3 =	vlt.u32 v23, $0x40;
	vm4 =	vlt.u32 v21, $0x40;
	v19 =	vld.idx.msk [tilespmem:v20+s14+$0x0], $0xffff;
	[tilespmem:v24+s18+$0x0] =	vst.idx.msk $0xffff, v31;
	(pc) =	sbr.rel @p1 .LBB2_13-.Ltmp7, $4  }
0x197: {  	v16 =	vadd.s32 v30, v16;
	v24 =	vsel vm0, $0x0, v2;
	vm0 =	vlt.u32 v18, $0x40;
	[tilespmem:v25+s18+$0x0] =	vst.idx.msk $0xffff, v32  }
0x198: {  	v28 =	vsel vm2, $0x0, v2;
	v26 =	vsel vm3, $0x0, v2;
	v25 =	vsel vm1, $0x0, v2;
	[tilespmem:v22+s18+$0x0] =	vst.idx.msk $0xffff, v35  }
0x199: {  	v27 =	vsel vm4, $0x0, v2;
	v20 =	vadd.s32 v13, v16;
	v24 =	vadd.s32 v36, v24;
	[tilespmem:v33+s18+$0x0] =	vst.idx.msk $0xffff, v39  }
0x19a: {  	s29 =	sadd.s32 $0x7, s28;
	s28 =	sadd.s32 $0x8, s28;
	v25 =	vadd.s32 v37, v25;
	v22 =	vadd.s32 v38, v28;
	v28 =	vsel vm0, $0x0, v2;
	[tilespmem:v34+s18+$0x0] =	vst.idx.msk $0xffff, v40  }
0x19b: {  	v29 =	vadd.s32 s29, v0;
	v23 =	vadd.s32 v23, v26  }
0x19c: {  	v26 =	vadd.s32 v13, v24;
	v21 =	vadd.s32 v21, v27;
	v27 =	vadd.s32 v13, v25  }
0x19d: {  	v18 =	vadd.s32 v18, v28;
	v28 =	vadd.s32 v13, v22;
	v20 =	vadd.s32 v11, v20  }
0x19e: {  	v22 =	vshll.u32 v22, $0x7;
	v31 =	vadd.s32 v13, v23;
	v28 =	vadd.s32 v11, v28  }
0x19f: {  	[tilespmem:v15+s18+$0x0] =	vst.idx.msk $0xffff, v17;
	vm0 =	vlt.u32 v29, $0x40;
	v32 =	vadd.s32 v13, v21;
	v31 =	vadd.s32 v11, v31  }
0x1a0: {  	[tilespmem:v14+s18+$0x0] =	vst.idx.msk $0xffff, v19;
	v16 =	vshll.u32 v16, $0x7;
	v30 =	vsel vm0, $0x0, v2;
	v32 =	vadd.s32 v11, v32  }
0x1a1: {  	v26 =	vadd.s32 v11, v26;
	v27 =	vadd.s32 v11, v27;
	v29 =	vadd.s32 v29, v30  }
0x1a2: {  	v15 =	vshll.u32 v23, $0x7;
	v16 =	vor.u32 v12, v16;
	v30 =	vadd.s32 v13, v29;
	v20 =	vld.idx.msk [tilespmem:v20+s14+$0x0], $0xffff  }
0x1a3: {  	v17 =	vor.u32 v12, v22;
	v13 =	vadd.s32 v13, v18;
	v30 =	vadd.s32 v11, v30;
	v22 =	vld.idx.msk [tilespmem:v28+s14+$0x0], $0xffff  }
0x1a4: {  	v14 =	vshll.u32 v21, $0x7;
	v15 =	vor.u32 v12, v15;
	v13 =	vadd.s32 v11, v13;
	v19 =	vld.idx.msk [tilespmem:v31+s14+$0x0], $0xffff  }
0x1a5: {  	v24 =	vshll.u32 v24, $0x7;
	v25 =	vshll.u32 v25, $0x7;
	v14 =	vor.u32 v12, v14;
	v21 =	vld.idx.msk [tilespmem:v32+s14+$0x0], $0xffff  }
0x1a6: {  	v24 =	vor.u32 v12, v24;
	v25 =	vor.u32 v12, v25;
	v29 =	vshll.u32 v29, $0x7;
	v26 =	vld.idx.msk [tilespmem:v26+s14+$0x0], $0xffff  }
0x1a7: {  	s29 =	simm.s32 $0x2;
	s31 =	simm.s32 $0x6;
	v18 =	vshll.u32 v18, $0x7;
	v29 =	vor.u32 v12, v29;
	v27 =	vld.idx.msk [tilespmem:v27+s14+$0x0], $0xffff;
	[tilespmem:v16+s18+$0x0] =	vst.idx.msk $0xffff, v20  }
0x1a8: {  	s30 =	simm.s32 $0x3;
	v18 =	vor.u32 v12, v18;
	v30 =	vld.idx.msk [tilespmem:v30+s14+$0x0], $0xffff;
	v16 =	vadd.s32 s29, v0;
	v20 =	vadd.s32 s31, v0;
	[tilespmem:v17+s18+$0x0] =	vst.idx.msk $0xffff, v22  }
0x1a9: {  	s28 =	simm.s32 $0x0;
	v13 =	vld.idx.msk [tilespmem:v13+s14+$0x0], $0xffff;
	s29 =	simm.s32 $0x5;
	s31 =	simm.s32 $0xB;
	v17 =	vadd.s32 s30, v0;
	vm1 =	vlt.u32 v16, $0x40;
	vm7 =	vlt.u32 v20, $0x40;
	[tilespmem:v15+s18+$0x0] =	vst.idx.msk $0xffff, v19  }
0x1aa: {  	v40 =	vadd.s32 s31, v0;
	[tilespmem:v14+s18+$0x0] =	vst.idx.msk $0xffff, v21;
	v14 =	vadd.s32 s28, v0;
	v19 =	vadd.s32 s29, v0  }
0x1ab: {  	[tilespmem:v24+s18+$0x0] =	vst.idx.msk $0xffff, v26;
	vm2 =	vlt.u32 v17, $0x40;
	v22 =	vsel vm1, $0x0, v2;
	vm12 =	vlt.u32 v40, $0x40  }
0x1ac: {  	[tilespmem:v25+s18+$0x0] =	vst.idx.msk $0xffff, v27;
	s29 =	simm.s32 $0xA;
	vm14 =	vlt.u32 v14, $0x40;
	vm4 =	vlt.u32 v19, $0x40;
	v23 =	vsel vm2, $0x0, v2  }
0x1ad: {  	s28 =	simm.s32 $0x1;
	v16 =	vadd.s32 v16, v22;
	v22 =	vsel vm7, $0x0, v2;
	v39 =	vadd.s32 s29, v0;
	[tilespmem:v29+s18+$0x0] =	vst.idx.msk $0xffff, v30  }
0x1ae: {  	v21 =	vsel vm14, $0x0, v2;
	v17 =	vadd.s32 v17, v23;
	[tilespmem:v18+s18+$0x0] =	vst.idx.msk $0xffff, v13;
	v13 =	vadd.s32 s28, v0  }
0x1af: {  	v20 =	vadd.s32 v20, v22;
	vm11 =	vlt.u32 v39, $0x40;
	s28 =	simm.s32 $0x4;
	v15 =	vld [tilespmem:$0x13160];
	vm15 =	vlt.u32 v13, $0x40  }
0x1b0: {  	v14 =	vadd.s32 v14, v21;
	v18 =	vadd.s32 s28, v0;
	v21 =	vsel vm15, $0x0, v2  }
0x1b1: {  	s28 =	simm.s32 $0x7;
	vm3 =	vlt.u32 v18, $0x40;
	v21 =	vadd.s32 v13, v21;
	v13 =	vsel vm4, $0x0, v2  }
0x1b2: {  	v24 =	vsel vm3, $0x0, v2;
	v19 =	vadd.s32 v19, v13;
	v13 =	vadd.s32 s28, v0;
	s28 =	simm.s32 $0x8  }
0x1b3: {  	v18 =	vadd.s32 v18, v24;
	vm8 =	vlt.u32 v13, $0x40;
	v31 =	vadd.s32 s28, v0  }
0x1b4: {  	v25 =	vadd.s32 v15, v14;
	v23 =	vadd.s32 v15, v21;
	v22 =	vadd.s32 v15, v16  }
0x1b5: {  	v24 =	vadd.s32 v15, v17;
	v26 =	vsel vm8, $0x0, v2;
	v27 =	vadd.s32 v15, v18  }
0x1b6: {  	v28 =	vadd.s32 v15, v19;
	v26 =	vadd.s32 v13, v26;
	v13 =	vor.u32 $0x3000, v1  }
0x1b7: {  	v29 =	vadd.s32 v15, v20;
	v21 =	vshll.u32 v21, $0x7;
	v23 =	vadd.s32 v13, v23  }
0x1b8: {  	v16 =	vshll.u32 v16, $0x7;
	v17 =	vshll.u32 v17, $0x7;
	v22 =	vadd.s32 v13, v22  }
0x1b9: {  	v18 =	vshll.u32 v18, $0x7;
	v19 =	vshll.u32 v19, $0x7;
	v24 =	vadd.s32 v13, v24  }
0x1ba: {  	v30 =	vadd.s32 v15, v26;
	v27 =	vadd.s32 v13, v27;
	v63 =	vadd.s32 v13, v25  }
0x1bb: {  	v25 =	vshll.u32 v14, $0x7;
	v14 =	vor.u32 $0x60, v0;
	v30 =	vadd.s32 v13, v30  }
0x1bc: {  	v20 =	vshll.u32 v20, $0x7;
	v28 =	vadd.s32 v13, v28;
	v21 =	vor.u32 v14, v21;
	v34 =	vld.idx.msk [tilespmem:v23+s14+$0x0], $0xffff  }
0x1bd: {  	s28 =	simm.s32 $0x9;
	vm9 =	vlt.u32 v31, $0x40;
	v29 =	vadd.s32 v13, v29;
	v33 =	vor.u32 v14, v16;
	v22 =	vld.idx.msk [tilespmem:v22+s14+$0x0], $0xffff  }
0x1be: {  	v38 =	vadd.s32 s28, v0;
	v26 =	vshll.u32 v26, $0x7;
	v35 =	vor.u32 v14, v17;
	v24 =	vld.idx.msk [tilespmem:v24+s14+$0x0], $0xffff  }
0x1bf: {  	vm10 =	vlt.u32 v38, $0x40;
	v26 =	vor.u32 v14, v26;
	v36 =	vor.u32 v14, v18;
	v27 =	vld.idx.msk [tilespmem:v27+s14+$0x0], $0xffff  }
0x1c0: {  	s31 =	simm.s32 $0xE;
	s28 =	simm.s32 $0xC;
	v37 =	vor.u32 v14, v19;
	v16 =	vor.u32 v14, v25;
	v17 =	vor.u32 v14, v20;
	v30 =	vld.idx.msk [tilespmem:v30+s14+$0x0], $0xffff  }
0x1c1: {  	s29 =	simm.s32 $0xD;
	v25 =	vadd.s32 s28, v0;
	v20 =	vadd.s32 s31, v0;
	v18 =	vsel vm9, $0x0, v2;
	v41 =	vld.idx.msk [tilespmem:v28+s14+$0x0], $0xffff;
	[tilespmem:v21+s18+$0x0] =	vst.idx.msk $0xffff, v34  }
0x1c2: {  	vm13 =	vlt.u32 v25, $0x40;
	v18 =	vadd.s32 v31, v18;
	v23 =	vadd.s32 s29, v0;
	v19 =	vld.idx.msk [tilespmem:v29+s14+$0x0], $0xffff;
	[tilespmem:v33+s18+$0x0] =	vst.idx.msk $0xffff, v22  }
0x1c3: {  	vm15 =	vlt.u32 v20, $0x40;
	v31 =	vsel vm12, $0x0, v2;
	vm14 =	vlt.u32 v23, $0x40;
	v21 =	vld.idx.msk [tilespmem:v63+s14+$0x0], $0xffff;
	[tilespmem:v35+s18+$0x0] =	vst.idx.msk $0xffff, v24  }
0x1c4: {  	v28 =	vsel vm13, $0x0, v2;
	v29 =	vsel vm14, $0x0, v2;
	v22 =	vadd.s32 v15, v18;
	[tilespmem:v36+s18+$0x0] =	vst.idx.msk $0xffff, v27  }
0x1c5: {  	v24 =	vadd.s32 v40, v31;
	[tilespmem:v26+s18+$0x0] =	vst.idx.msk $0xffff, v30;
	v26 =	vsel vm10, $0x0, v2;
	v30 =	vsel vm11, $0x0, v2  }
0x1c6: {  	s28 =	simm.s32 $0x10;
	s29 =	simm.s32 $0xF;
	[tilespmem:v37+s18+$0x0] =	vst.idx.msk $0xffff, v41;
	v26 =	vadd.s32 v38, v26;
	v27 =	vadd.s32 v39, v30;
	v30 =	vsel vm15, $0x0, v2  }
.LBB2_15:
0x1c7: {  	p1 =	slt.u32 s28, $0x38;
	v25 =	vadd.s32 v25, v28;
	v23 =	vadd.s32 v23, v29;
	v28 =	vadd.s32 s29, v0;
	[tilespmem:v17+s18+$0x0] =	vst.idx.msk $0xffff, v19  }
0x1c8: {  	v17 =	vadd.s32 v15, v26;
	v19 =	vadd.s32 v20, v30;
	vm0 =	vlt.u32 v28, $0x40;
	[tilespmem:v16+s18+$0x0] =	vst.idx.msk $0xffff, v21  }
0x1c9: {  	v20 =	vadd.s32 v15, v24;
	v16 =	vadd.s32 v15, v27;
	v21 =	vsel vm0, $0x0, v2  }
0x1ca: {  	v29 =	vadd.s32 v15, v25;
	v30 =	vadd.s32 v15, v23;
	v21 =	vadd.s32 v28, v21  }
0x1cb: {  	v28 =	vadd.s32 v15, v19;
	v31 =	vadd.s32 v15, v21  }
0x1cc: {  	v17 =	vadd.s32 v13, v17;
	v16 =	vadd.s32 v13, v16;
	v31 =	vadd.s32 v13, v31  }
0x1cd: {  	v20 =	vadd.s32 v13, v20;
	v29 =	vadd.s32 v13, v29;
	v30 =	vadd.s32 v13, v30  }
0x1ce: {  	v32 =	vadd.s32 s28, v0;
	v22 =	vadd.s32 v13, v22;
	v28 =	vadd.s32 v13, v28  }
0x1cf: {  	v18 =	vshll.u32 v18, $0x7;
	v26 =	vshll.u32 v26, $0x7;
	v27 =	vshll.u32 v27, $0x7  }
0x1d0: {  	v24 =	vshll.u32 v24, $0x7;
	v25 =	vshll.u32 v25, $0x7;
	v23 =	vshll.u32 v23, $0x7  }
0x1d1: {  	v19 =	vshll.u32 v19, $0x7;
	v21 =	vshll.u32 v21, $0x7;
	v31 =	vld.idx.msk [tilespmem:v31+s14+$0x0], $0xffff  }
0x1d2: {  	v26 =	vor.u32 v14, v26;
	v27 =	vor.u32 v14, v27;
	v21 =	vor.u32 v14, v21;
	v33 =	vld.idx.msk [tilespmem:v17+s14+$0x0], $0xffff  }
0x1d3: {  	v24 =	vor.u32 v14, v24;
	v35 =	vor.u32 v14, v25;
	v36 =	vor.u32 v14, v23;
	v34 =	vld.idx.msk [tilespmem:v16+s14+$0x0], $0xffff  }
0x1d4: {  	s29 =	sadd.s32 $0x1, s28;
	s30 =	sadd.s32 $0x2, s28;
	s31 =	sadd.s32 $0x3, s28;
	vm0 =	vlt.u32 v32, $0x40;
	v17 =	vor.u32 v14, v19;
	v16 =	vor.u32 v14, v18;
	v37 =	vld.idx.msk [tilespmem:v20+s14+$0x0], $0xffff  }
0x1d5: {  	v38 =	vadd.s32 s29, v0;
	v39 =	vadd.s32 s30, v0;
	v40 =	vadd.s32 s31, v0;
	s29 =	sadd.s32 $0x4, s28;
	s30 =	sadd.s32 $0x5, s28;
	s31 =	sadd.s32 $0x6, s28;
	v41 =	vld.idx.msk [tilespmem:v29+s14+$0x0], $0xffff  }
0x1d6: {  	v25 =	vadd.s32 s29, v0;
	v23 =	vadd.s32 s30, v0;
	v20 =	vadd.s32 s31, v0;
	v42 =	vld.idx.msk [tilespmem:v30+s14+$0x0], $0xffff  }
0x1d7: {  	vm1 =	vlt.u32 v39, $0x40;
	v18 =	vsel vm0, $0x0, v2;
	vm0 =	vlt.u32 v38, $0x40;
	v19 =	vld.idx.msk [tilespmem:v28+s14+$0x0], $0xffff;
	[tilespmem:v21+s18+$0x0] =	vst.idx.msk $0xffff, v31  }
.Ltmp8:
0x1d8: {  	vm2 =	vlt.u32 v40, $0x40;
	vm3 =	vlt.u32 v25, $0x40;
	vm4 =	vlt.u32 v23, $0x40;
	v21 =	vld.idx.msk [tilespmem:v22+s14+$0x0], $0xffff;
	[tilespmem:v26+s18+$0x0] =	vst.idx.msk $0xffff, v33;
	(pc) =	sbr.rel @p1 .LBB2_15-.Ltmp8, $4  }
0x1d9: {  	v18 =	vadd.s32 v32, v18;
	v26 =	vsel vm0, $0x0, v2;
	vm0 =	vlt.u32 v20, $0x40;
	[tilespmem:v27+s18+$0x0] =	vst.idx.msk $0xffff, v34  }
0x1da: {  	v30 =	vsel vm2, $0x0, v2;
	v28 =	vsel vm3, $0x0, v2;
	v27 =	vsel vm1, $0x0, v2;
	[tilespmem:v24+s18+$0x0] =	vst.idx.msk $0xffff, v37  }
0x1db: {  	v29 =	vsel vm4, $0x0, v2;
	v22 =	vadd.s32 v15, v18;
	v26 =	vadd.s32 v38, v26;
	[tilespmem:v35+s18+$0x0] =	vst.idx.msk $0xffff, v41  }
0x1dc: {  	s29 =	sadd.s32 $0x7, s28;
	s28 =	sadd.s32 $0x8, s28;
	v27 =	vadd.s32 v39, v27;
	v24 =	vadd.s32 v40, v30;
	v30 =	vsel vm0, $0x0, v2;
	[tilespmem:v36+s18+$0x0] =	vst.idx.msk $0xffff, v42  }
0x1dd: {  	v31 =	vadd.s32 s29, v0;
	v25 =	vadd.s32 v25, v28  }
0x1de: {  	v28 =	vadd.s32 v15, v26;
	v23 =	vadd.s32 v23, v29;
	v29 =	vadd.s32 v15, v27  }
0x1df: {  	v20 =	vadd.s32 v20, v30;
	v30 =	vadd.s32 v15, v24;
	v22 =	vadd.s32 v13, v22  }
0x1e0: {  	v24 =	vshll.u32 v24, $0x7;
	v33 =	vadd.s32 v15, v25;
	v30 =	vadd.s32 v13, v30  }
0x1e1: {  	[tilespmem:v17+s18+$0x0] =	vst.idx.msk $0xffff, v19;
	vm0 =	vlt.u32 v31, $0x40;
	v34 =	vadd.s32 v15, v23;
	v33 =	vadd.s32 v13, v33  }
0x1e2: {  	[tilespmem:v16+s18+$0x0] =	vst.idx.msk $0xffff, v21;
	v18 =	vshll.u32 v18, $0x7;
	v32 =	vsel vm0, $0x0, v2;
	v34 =	vadd.s32 v13, v34  }
0x1e3: {  	v28 =	vadd.s32 v13, v28;
	v29 =	vadd.s32 v13, v29;
	v31 =	vadd.s32 v31, v32  }
0x1e4: {  	v17 =	vshll.u32 v25, $0x7;
	v18 =	vor.u32 v14, v18;
	v32 =	vadd.s32 v15, v31;
	v22 =	vld.idx.msk [tilespmem:v22+s14+$0x0], $0xffff  }
0x1e5: {  	v19 =	vor.u32 v14, v24;
	v15 =	vadd.s32 v15, v20;
	v32 =	vadd.s32 v13, v32;
	v24 =	vld.idx.msk [tilespmem:v30+s14+$0x0], $0xffff  }
0x1e6: {  	v16 =	vshll.u32 v23, $0x7;
	v17 =	vor.u32 v14, v17;
	v15 =	vadd.s32 v13, v15;
	v21 =	vld.idx.msk [tilespmem:v33+s14+$0x0], $0xffff  }
0x1e7: {  	v26 =	vshll.u32 v26, $0x7;
	v27 =	vshll.u32 v27, $0x7;
	v16 =	vor.u32 v14, v16;
	v23 =	vld.idx.msk [tilespmem:v34+s14+$0x0], $0xffff  }
0x1e8: {  	v26 =	vor.u32 v14, v26;
	v27 =	vor.u32 v14, v27;
	v31 =	vshll.u32 v31, $0x7;
	v28 =	vld.idx.msk [tilespmem:v28+s14+$0x0], $0xffff  }
0x1e9: {  	s29 =	simm.s32 $0x2;
	s31 =	simm.s32 $0x6;
	v20 =	vshll.u32 v20, $0x7;
	v31 =	vor.u32 v14, v31;
	v29 =	vld.idx.msk [tilespmem:v29+s14+$0x0], $0xffff;
	[tilespmem:v18+s18+$0x0] =	vst.idx.msk $0xffff, v22  }
0x1ea: {  	s30 =	simm.s32 $0x3;
	v20 =	vor.u32 v14, v20;
	v32 =	vld.idx.msk [tilespmem:v32+s14+$0x0], $0xffff;
	v18 =	vadd.s32 s29, v0;
	v22 =	vadd.s32 s31, v0;
	[tilespmem:v19+s18+$0x0] =	vst.idx.msk $0xffff, v24  }
0x1eb: {  	s28 =	simm.s32 $0x0;
	v15 =	vld.idx.msk [tilespmem:v15+s14+$0x0], $0xffff;
	s29 =	simm.s32 $0x5;
	s31 =	simm.s32 $0xB;
	v19 =	vadd.s32 s30, v0;
	vm1 =	vlt.u32 v18, $0x40;
	vm7 =	vlt.u32 v22, $0x40;
	[tilespmem:v17+s18+$0x0] =	vst.idx.msk $0xffff, v21  }
0x1ec: {  	v42 =	vadd.s32 s31, v0;
	[tilespmem:v16+s18+$0x0] =	vst.idx.msk $0xffff, v23;
	v16 =	vadd.s32 s28, v0;
	v21 =	vadd.s32 s29, v0  }
0x1ed: {  	[tilespmem:v26+s18+$0x0] =	vst.idx.msk $0xffff, v28;
	vm2 =	vlt.u32 v19, $0x40;
	v24 =	vsel vm1, $0x0, v2;
	vm12 =	vlt.u32 v42, $0x40  }
0x1ee: {  	[tilespmem:v27+s18+$0x0] =	vst.idx.msk $0xffff, v29;
	s29 =	simm.s32 $0xA;
	vm14 =	vlt.u32 v16, $0x40;
	vm4 =	vlt.u32 v21, $0x40;
	v25 =	vsel vm2, $0x0, v2  }
0x1ef: {  	v18 =	vadd.s32 v18, v24;
	v24 =	vsel vm7, $0x0, v2;
	v41 =	vadd.s32 s29, v0;
	[tilespmem:v31+s18+$0x0] =	vst.idx.msk $0xffff, v32  }
0x1f0: {  	s28 =	simm.s32 $0x1;
	v63 =	vsel vm12, $0x0, v2;
	v23 =	vsel vm14, $0x0, v2;
	v19 =	vadd.s32 v19, v25;
	[tilespmem:v20+s18+$0x0] =	vst.idx.msk $0xffff, v15  }
0x1f1: {  	v22 =	vadd.s32 v22, v24;
	vm11 =	vlt.u32 v41, $0x40;
	v15 =	vadd.s32 s28, v0;
	s28 =	simm.s32 $0x4;
	v17 =	vld [tilespmem:$0x13170]  }
0x1f2: {  	v16 =	vadd.s32 v16, v23;
	v20 =	vadd.s32 s28, v0;
	vm15 =	vlt.u32 v15, $0x40  }
0x1f3: {  	v62 =	vsel vm11, $0x0, v2;
	vm3 =	vlt.u32 v20, $0x40;
	v23 =	vsel vm15, $0x0, v2  }
0x1f4: {  	s28 =	simm.s32 $0x7;
	v26 =	vsel vm3, $0x0, v2;
	v23 =	vadd.s32 v15, v23;
	v15 =	vsel vm4, $0x0, v2  }
0x1f5: {  	v20 =	vadd.s32 v20, v26;
	v21 =	vadd.s32 v21, v15;
	v15 =	vadd.s32 s28, v0;
	s28 =	simm.s32 $0x8  }
0x1f6: {  	vm8 =	vlt.u32 v15, $0x40;
	v60 =	vadd.s32 s28, v0;
	v27 =	vadd.s32 v17, v16  }
0x1f7: {  	v25 =	vadd.s32 v17, v23;
	v24 =	vadd.s32 v17, v18;
	v28 =	vsel vm8, $0x0, v2  }
0x1f8: {  	v26 =	vadd.s32 v17, v19;
	v28 =	vadd.s32 v15, v28;
	v15 =	vor.u32 $0x3800, v1  }
0x1f9: {  	v29 =	vadd.s32 v17, v20;
	v30 =	vadd.s32 v17, v21;
	v25 =	vadd.s32 v15, v25  }
0x1fa: {  	v31 =	vadd.s32 v17, v22;
	v23 =	vshll.u32 v23, $0x7;
	v24 =	vadd.s32 v15, v24  }
0x1fb: {  	v18 =	vshll.u32 v18, $0x7;
	v19 =	vshll.u32 v19, $0x7;
	v26 =	vadd.s32 v15, v26  }
0x1fc: {  	v59 =	vadd.s32 v17, v28;
	v29 =	vadd.s32 v15, v29;
	v61 =	vadd.s32 v15, v27  }
0x1fd: {  	v27 =	vshll.u32 v16, $0x7;
	v16 =	vor.u32 $0x70, v0;
	v32 =	vadd.s32 v15, v59  }
0x1fe: {  	v20 =	vshll.u32 v20, $0x7;
	v30 =	vadd.s32 v15, v30;
	v23 =	vor.u32 v16, v23;
	v36 =	vld.idx.msk [tilespmem:v25+s14+$0x0], $0xffff  }
0x1ff: {  	v21 =	vshll.u32 v21, $0x7;
	v31 =	vadd.s32 v15, v31;
	v35 =	vor.u32 v16, v18;
	v24 =	vld.idx.msk [tilespmem:v24+s14+$0x0], $0xffff  }
0x200: {  	s28 =	simm.s32 $0x9;
	v22 =	vshll.u32 v22, $0x7;
	vm9 =	vlt.u32 v60, $0x40;
	v37 =	vor.u32 v16, v19;
	v26 =	vld.idx.msk [tilespmem:v26+s14+$0x0], $0xffff  }
0x201: {  	v40 =	vadd.s32 s28, v0;
	v28 =	vshll.u32 v28, $0x7;
	v38 =	vor.u32 v16, v20;
	v29 =	vld.idx.msk [tilespmem:v29+s14+$0x0], $0xffff  }
0x202: {  	s28 =	simm.s32 $0xC;
	v28 =	vor.u32 v16, v28;
	v39 =	vor.u32 v16, v21;
	v18 =	vor.u32 v16, v27;
	v32 =	vld.idx.msk [tilespmem:v32+s14+$0x0], $0xffff  }
0x203: {  	s31 =	simm.s32 $0xE;
	s29 =	simm.s32 $0xD;
	vm10 =	vlt.u32 v40, $0x40;
	v19 =	vor.u32 v16, v22;
	v27 =	vadd.s32 s28, v0;
	v43 =	vld.idx.msk [tilespmem:v30+s14+$0x0], $0xffff;
	[tilespmem:v23+s18+$0x0] =	vst.idx.msk $0xffff, v36  }
0x204: {  	v22 =	vadd.s32 s31, v0;
	v20 =	vsel vm9, $0x0, v2;
	v25 =	vadd.s32 s29, v0;
	v21 =	vld.idx.msk [tilespmem:v31+s14+$0x0], $0xffff;
	[tilespmem:v35+s18+$0x0] =	vst.idx.msk $0xffff, v24  }
0x205: {  	vm13 =	vlt.u32 v27, $0x40;
	v20 =	vadd.s32 v60, v20;
	vm14 =	vlt.u32 v25, $0x40;
	v23 =	vld.idx.msk [tilespmem:v61+s14+$0x0], $0xffff;
	[tilespmem:v37+s18+$0x0] =	vst.idx.msk $0xffff, v26  }
0x206: {  	vm15 =	vlt.u32 v22, $0x40;
	v30 =	vsel vm13, $0x0, v2;
	v31 =	vsel vm14, $0x0, v2;
	[tilespmem:v38+s18+$0x0] =	vst.idx.msk $0xffff, v29  }
0x207: {  	v24 =	vadd.s32 v17, v20;
	v29 =	vadd.s32 v41, v62;
	[tilespmem:v28+s18+$0x0] =	vst.idx.msk $0xffff, v32;
	v28 =	vsel vm10, $0x0, v2  }
0x208: {  	s28 =	simm.s32 $0x10;
	s29 =	simm.s32 $0xF;
	v26 =	vadd.s32 v42, v63;
	[tilespmem:v39+s18+$0x0] =	vst.idx.msk $0xffff, v43;
	v32 =	vsel vm15, $0x0, v2;
	v28 =	vadd.s32 v40, v28  }
.LBB2_17:
0x209: {  	p1 =	slt.u32 s28, $0x38;
	v27 =	vadd.s32 v27, v30;
	v25 =	vadd.s32 v25, v31;
	v30 =	vadd.s32 s29, v0;
	[tilespmem:v19+s18+$0x0] =	vst.idx.msk $0xffff, v21  }
0x20a: {  	v19 =	vadd.s32 v17, v28;
	v21 =	vadd.s32 v22, v32;
	vm0 =	vlt.u32 v30, $0x40;
	[tilespmem:v18+s18+$0x0] =	vst.idx.msk $0xffff, v23  }
0x20b: {  	v22 =	vadd.s32 v17, v26;
	v18 =	vadd.s32 v17, v29;
	v23 =	vsel vm0, $0x0, v2  }
0x20c: {  	v31 =	vadd.s32 v17, v27;
	v32 =	vadd.s32 v17, v25;
	v23 =	vadd.s32 v30, v23  }
0x20d: {  	v30 =	vadd.s32 v17, v21;
	v33 =	vadd.s32 v17, v23  }
0x20e: {  	v19 =	vadd.s32 v15, v19;
	v18 =	vadd.s32 v15, v18;
	v33 =	vadd.s32 v15, v33  }
0x20f: {  	v22 =	vadd.s32 v15, v22;
	v31 =	vadd.s32 v15, v31;
	v32 =	vadd.s32 v15, v32  }
0x210: {  	v34 =	vadd.s32 s28, v0;
	v24 =	vadd.s32 v15, v24;
	v30 =	vadd.s32 v15, v30  }
0x211: {  	v20 =	vshll.u32 v20, $0x7;
	v28 =	vshll.u32 v28, $0x7;
	v29 =	vshll.u32 v29, $0x7  }
0x212: {  	v26 =	vshll.u32 v26, $0x7;
	v27 =	vshll.u32 v27, $0x7;
	v25 =	vshll.u32 v25, $0x7  }
0x213: {  	v21 =	vshll.u32 v21, $0x7;
	v23 =	vshll.u32 v23, $0x7;
	v33 =	vld.idx.msk [tilespmem:v33+s14+$0x0], $0xffff  }
0x214: {  	v28 =	vor.u32 v16, v28;
	v29 =	vor.u32 v16, v29;
	v23 =	vor.u32 v16, v23;
	v35 =	vld.idx.msk [tilespmem:v19+s14+$0x0], $0xffff  }
0x215: {  	v26 =	vor.u32 v16, v26;
	v37 =	vor.u32 v16, v27;
	v38 =	vor.u32 v16, v25;
	v36 =	vld.idx.msk [tilespmem:v18+s14+$0x0], $0xffff  }
0x216: {  	s29 =	sadd.s32 $0x1, s28;
	s30 =	sadd.s32 $0x2, s28;
	s31 =	sadd.s32 $0x3, s28;
	vm0 =	vlt.u32 v34, $0x40;
	v19 =	vor.u32 v16, v21;
	v18 =	vor.u32 v16, v20;
	v39 =	vld.idx.msk [tilespmem:v22+s14+$0x0], $0xffff  }
0x217: {  	v40 =	vadd.s32 s29, v0;
	v41 =	vadd.s32 s30, v0;
	v42 =	vadd.s32 s31, v0;
	s29 =	sadd.s32 $0x4, s28;
	s30 =	sadd.s32 $0x5, s28;
	s31 =	sadd.s32 $0x6, s28;
	v43 =	vld.idx.msk [tilespmem:v31+s14+$0x0], $0xffff  }
0x218: {  	v27 =	vadd.s32 s29, v0;
	v25 =	vadd.s32 s30, v0;
	v22 =	vadd.s32 s31, v0;
	v44 =	vld.idx.msk [tilespmem:v32+s14+$0x0], $0xffff  }
0x219: {  	vm1 =	vlt.u32 v41, $0x40;
	v20 =	vsel vm0, $0x0, v2;
	vm0 =	vlt.u32 v40, $0x40;
	v21 =	vld.idx.msk [tilespmem:v30+s14+$0x0], $0xffff;
	[tilespmem:v23+s18+$0x0] =	vst.idx.msk $0xffff, v33  }
.Ltmp9:
0x21a: {  	vm2 =	vlt.u32 v42, $0x40;
	vm3 =	vlt.u32 v27, $0x40;
	vm4 =	vlt.u32 v25, $0x40;
	v23 =	vld.idx.msk [tilespmem:v24+s14+$0x0], $0xffff;
	[tilespmem:v28+s18+$0x0] =	vst.idx.msk $0xffff, v35;
	(pc) =	sbr.rel @p1 .LBB2_17-.Ltmp9, $4  }
0x21b: {  	v20 =	vadd.s32 v34, v20;
	v28 =	vsel vm0, $0x0, v2;
	vm0 =	vlt.u32 v22, $0x40;
	[tilespmem:v29+s18+$0x0] =	vst.idx.msk $0xffff, v36  }
0x21c: {  	v32 =	vsel vm2, $0x0, v2;
	v30 =	vsel vm3, $0x0, v2;
	v29 =	vsel vm1, $0x0, v2;
	[tilespmem:v26+s18+$0x0] =	vst.idx.msk $0xffff, v39  }
0x21d: {  	v31 =	vsel vm4, $0x0, v2;
	v24 =	vadd.s32 v17, v20;
	v28 =	vadd.s32 v40, v28;
	[tilespmem:v37+s18+$0x0] =	vst.idx.msk $0xffff, v43  }
0x21e: {  	s29 =	sadd.s32 $0x7, s28;
	s28 =	sadd.s32 $0x8, s28;
	v29 =	vadd.s32 v41, v29;
	v26 =	vadd.s32 v42, v32;
	v32 =	vsel vm0, $0x0, v2;
	[tilespmem:v38+s18+$0x0] =	vst.idx.msk $0xffff, v44  }
0x21f: {  	v33 =	vadd.s32 s29, v0;
	v27 =	vadd.s32 v27, v30  }
0x220: {  	v54 =	vadd.s32 v17, v28;
	v25 =	vadd.s32 v25, v31;
	v55 =	vadd.s32 v17, v29  }
0x221: {  	v22 =	vadd.s32 v22, v32;
	v56 =	vadd.s32 v17, v26;
	v24 =	vadd.s32 v15, v24  }
0x222: {  	v57 =	vshll.u32 v28, $0x7;
	v58 =	vshll.u32 v29, $0x7;
	v30 =	vadd.s32 v15, v54  }
0x223: {  	v20 =	vshll.u32 v20, $0x7;
	vm0 =	vlt.u32 v33, $0x40;
	v31 =	vadd.s32 v15, v55  }
0x224: {  	v35 =	vadd.s32 v17, v27;
	v32 =	vadd.s32 v15, v56;
	v34 =	vsel vm0, $0x0, v2  }
0x225: {  	v36 =	vadd.s32 v17, v25;
	v35 =	vadd.s32 v15, v35;
	v33 =	vadd.s32 v33, v34  }
0x226: {  	v20 =	vor.u32 v16, v20;
	v36 =	vadd.s32 v15, v36;
	v34 =	vadd.s32 v17, v33;
	v24 =	vld.idx.msk [tilespmem:v24+s14+$0x0], $0xffff  }
0x227: {  	v28 =	vor.u32 v16, v57;
	v17 =	vadd.s32 v17, v22;
	v34 =	vadd.s32 v15, v34;
	v30 =	vld.idx.msk [tilespmem:v30+s14+$0x0], $0xffff  }
0x228: {  	v59 =	vshll.u32 v26, $0x7;
	v29 =	vor.u32 v16, v58;
	v17 =	vadd.s32 v15, v17;
	v31 =	vld.idx.msk [tilespmem:v31+s14+$0x0], $0xffff  }
0x229: {  	[tilespmem:v19+s18+$0x0] =	vst.idx.msk $0xffff, v21;
	v19 =	vshll.u32 v27, $0x7;
	v60 =	vor.u32 v16, v59;
	v61 =	vld.idx.msk [tilespmem:v32+s14+$0x0], $0xffff  }
0x22a: {  	[tilespmem:v18+s18+$0x0] =	vst.idx.msk $0xffff, v23;
	v18 =	vshll.u32 v25, $0x7;
	v19 =	vor.u32 v16, v19;
	v62 =	vld.idx.msk [tilespmem:v35+s14+$0x0], $0xffff  }
0x22b: {  	v18 =	vor.u32 v16, v18;
	v33 =	vshll.u32 v33, $0x7;
	v63 =	vld.idx.msk [tilespmem:v36+s14+$0x0], $0xffff;
	[tilespmem:v20+s18+$0x0] =	vst.idx.msk $0xffff, v24  }
0x22c: {  	v22 =	vshll.u32 v22, $0x7;
	v33 =	vor.u32 v16, v33;
	v34 =	vld.idx.msk [tilespmem:v34+s14+$0x0], $0xffff;
	[tilespmem:v28+s18+$0x0] =	vst.idx.msk $0xffff, v30  }
0x22d: {  	v22 =	vor.u32 v16, v22;
	v17 =	vld.idx.msk [tilespmem:v17+s14+$0x0], $0xffff;
	[tilespmem:v29+s18+$0x0] =	vst.idx.msk $0xffff, v31  }
0x22e: {  	s28 =	sshll.u32 s25, $0x8;
	s30 =	sshll.u32 s25, $0x10;
	p1 =	sne.s32 s25, $0x63;
	[tilespmem:v60+s18+$0x0] =	vst.idx.msk $0xffff, v61  }
.Ltmp10:
0x22f: {  	s28 =	sand.u32 $0x100, s28;
	s29 =	sand.u32 $0x7E0000, s30;
	[tilespmem:v19+s18+$0x0] =	vst.idx.msk $0xffff, v62;
	(pc) =	sbr.rel @p1 .LBB2_20-.Ltmp10, $4  }
0x230: {  	s28 =	sor.u32 s28, s29;
	[tilespmem:v18+s18+$0x0] =	vst.idx.msk $0xffff, v63  }
0x231: {  	s28 =	sor.u32 s4, s28;
	[tilespmem:v33+s18+$0x0] =	vst.idx.msk $0xffff, v34  }
0x232: {  	s31 =	sadd.s32 s1, s28;
	[tilespmem:v22+s18+$0x0] =	vst.idx.msk $0xffff, v17  }
0x233: {  	[hbm4b:s31+s19] =	stream.strided.scatter [tilespmem:s18], [sflag:$0x3], $0x2000, s10, s19, $0x38;
	[tilespmem:$0x13200] =	vst v63  }
.Ltmp11:
0x234: {  	(pc) =	sbr.rel .LBB2_21-.Ltmp11, $4  }
0x235: {  	_ = 	snop  }
0x236: {  	_ =	swait.ge [sflag:s20], $0x4000  }
0x237: {  	[sflag:s20] =	ssyncset.done $0x0  }
0x238: {  	[sflag:s20] =	ssyncadd.s32 $0xFFFFC000  }
.LBB2_20:
0x239: {  	s29 =	sadd.s32 $0x2, s26  }
0x23a: {  	s30 =	sshll.u32 s29, $0x7;
	s31 =	sshll.u32 s29, $0xA  }
0x23b: {  	s29 =	sshll.u32 s29, $0x5;
	s30 =	sand.u32 $0xF000, s30;
	s31 =	sand.u32 $0x800, s31  }
0x23c: {  	s29 =	sand.u32 $0x380, s29;
	s30 =	sor.u32 s31, s30  }
0x23d: {  	s29 =	sor.u32 s29, s30  }
0x23e: {  	v17 =	vld [tilespmem:s29+$0x0];
	_ =	sdelay $0x4  }
0x23f: {  	v18 =	vshra.s32 v17, $0x1;
	v17 =	vshll.u32 v17, $0x6  }
0x240: {  	[tilespmem:$0x13000] =	vst v18;
	v17 =	vand.u32 $0x40, v17  }
0x241: {  	[tilespmem:$0x13100] =	vst v17  }
0x242: {  	v17 =	vld [tilespmem:s29+$0x10];
	_ =	sdelay $0x4  }
0x243: {  	v18 =	vshra.s32 v17, $0x1;
	v17 =	vshll.u32 v17, $0x6  }
0x244: {  	[tilespmem:$0x13010] =	vst v18;
	v17 =	vand.u32 $0x40, v17  }
0x245: {  	[tilespmem:$0x13110] =	vst v17  }
0x246: {  	v17 =	vld [tilespmem:s29+$0x20];
	_ =	sdelay $0x4  }
0x247: {  	v18 =	vshra.s32 v17, $0x1;
	v17 =	vshll.u32 v17, $0x6  }
0x248: {  	[tilespmem:$0x13020] =	vst v18;
	v17 =	vand.u32 $0x40, v17  }
0x249: {  	[tilespmem:$0x13120] =	vst v17  }
0x24a: {  	v17 =	vld [tilespmem:s29+$0x30];
	_ =	sdelay $0x4  }
0x24b: {  	v18 =	vshra.s32 v17, $0x1;
	v17 =	vshll.u32 v17, $0x6  }
0x24c: {  	[tilespmem:$0x13030] =	vst v18;
	v17 =	vand.u32 $0x40, v17  }
0x24d: {  	[tilespmem:$0x13130] =	vst v17  }
0x24e: {  	v17 =	vld [tilespmem:s29+$0x40];
	_ =	sdelay $0x4  }
0x24f: {  	v18 =	vshra.s32 v17, $0x1;
	v17 =	vshll.u32 v17, $0x6  }
0x250: {  	[tilespmem:$0x13040] =	vst v18;
	v17 =	vand.u32 $0x40, v17  }
0x251: {  	[tilespmem:$0x13140] =	vst v17  }
0x252: {  	v17 =	vld [tilespmem:s29+$0x50];
	_ =	sdelay $0x4  }
0x253: {  	v18 =	vshra.s32 v17, $0x1;
	v17 =	vshll.u32 v17, $0x6  }
0x254: {  	[tilespmem:$0x13050] =	vst v18;
	v17 =	vand.u32 $0x40, v17  }
0x255: {  	[tilespmem:$0x13150] =	vst v17  }
0x256: {  	v17 =	vld [tilespmem:s29+$0x60];
	_ =	sdelay $0x4  }
0x257: {  	v18 =	vshra.s32 v17, $0x1;
	v17 =	vshll.u32 v17, $0x6  }
0x258: {  	[tilespmem:$0x13060] =	vst v18;
	v17 =	vand.u32 $0x40, v17  }
0x259: {  	[tilespmem:$0x13160] =	vst v17  }
0x25a: {  	v17 =	vld [tilespmem:s29+$0x70];
	_ =	sdelay $0x4  }
0x25b: {  	v18 =	vshra.s32 v17, $0x1;
	v17 =	vshll.u32 v17, $0x6  }
0x25c: {  	[tilespmem:$0x13070] =	vst v18;
	v17 =	vand.u32 $0x40, v17  }
.Ltmp12:
0x25d: {  	[tilespmem:$0x13170] =	vst v17;
	(pc) =	sbr.rel @p0 .LBB2_22-.Ltmp12, $4  }
0x25e: {  	[tilespmem:s14], [sflag:$0x1] =	stream.indirect.gather [hbm4b:s5+s12], $0x80, s13, s12, $0xb8;
	[tilespmem:$0x13200] =	vst v63  }
0x25f: {  	_ =	swait.ge [sflag:s20], $0x4000  }
0x260: {  	[sflag:s20] =	ssyncset.done $0x0  }
0x261: {  	[sflag:s20] =	ssyncadd.s32 $0xFFFFC000  }
.LBB2_21:
0x262: {  	_ =	swait.ge [sflag:s21], $0x2000  }
0x263: {  	[sflag:s21] =	ssyncset.done $0x0  }
0x264: {  	[sflag:s21] =	ssyncadd.s32 $0xFFFFE000  }
.LBB2_22:
0x265: {  	s29 =	simm.s32 $0x0  }
0x266: {  	v17 =	vld [tilespmem:$0x13180];
	v18 =	vadd.s32 s29, v0  }
0x267: {  	s30 =	simm.s32 $0x5;
	s31 =	simm.s32 $0x2;
	vm0 =	vlt.u32 v18, $0x40  }
0x268: {  	s29 =	simm.s32 $0x7;
	v23 =	vadd.s32 s30, v0;
	v29 =	vadd.s32 s31, v0;
	v19 =	vsel vm0, $0x0, v2  }
0x269: {  	v20 =	vadd.s32 s29, v0;
	vm1 =	vlt.u32 v23, $0x40;
	v18 =	vadd.s32 v18, v19  }
0x26a: {  	vm0 =	vlt.u32 v20, $0x40;
	v26 =	vsel vm1, $0x0, v2;
	v19 =	vshll.u32 v18, $0x7  }
0x26b: {  	s29 =	simm.s32 $0x6;
	v21 =	vsel vm0, $0x0, v2;
	v22 =	vadd.s32 v17, v18;
	v18 =	vor.u32 v0, v19  }
0x26c: {  	v19 =	vadd.s32 v20, v21;
	v20 =	vadd.s32 v1, v22;
	v22 =	vadd.s32 s29, v0;
	s29 =	simm.s32 $0x4  }
0x26d: {  	v23 =	vadd.s32 v23, v26;
	vm0 =	vlt.u32 v22, $0x40;
	v25 =	vadd.s32 s29, v0  }
0x26e: {  	v27 =	vadd.s32 v17, v23;
	v24 =	vsel vm0, $0x0, v2;
	vm0 =	vlt.u32 v25, $0x40  }
0x26f: {  	v21 =	vadd.s32 v17, v19;
	s29 =	simm.s32 $0x3;
	v24 =	vadd.s32 v22, v24;
	v22 =	vsel vm0, $0x0, v2  }
0x270: {  	v21 =	vadd.s32 v1, v21;
	v28 =	vadd.s32 s29, v0;
	v22 =	vadd.s32 v25, v22  }
0x271: {  	vm0 =	vlt.u32 v28, $0x40;
	v26 =	vadd.s32 v17, v24;
	v30 =	vadd.s32 v17, v22  }
0x272: {  	s30 =	simm.s32 $0x1;
	s29 =	simm.s32 $0x8;
	v25 =	vadd.s32 v1, v26;
	v26 =	vadd.s32 v1, v27;
	v27 =	vadd.s32 v1, v30  }
.LBB2_23:
0x273: {  	p0 =	slt.u32 s29, $0x38;
	v30 =	vadd.s32 s30, v0;
	vm1 =	vlt.u32 v29, $0x40;
	v31 =	vsel vm0, $0x0, v2  }
0x274: {  	vm0 =	vlt.u32 v30, $0x40;
	v32 =	vsel vm1, $0x0, v2;
	v28 =	vadd.s32 v28, v31  }
0x275: {  	v31 =	vsel vm0, $0x0, v2;
	v29 =	vadd.s32 v29, v32;
	v32 =	vadd.s32 v17, v28  }
0x276: {  	v20 =	vld.idx.msk [tilespmem:v20+s16+$0x0], $0xffff;
	v30 =	vadd.s32 v30, v31;
	v31 =	vadd.s32 v17, v29;
	v32 =	vadd.s32 v1, v32  }
0x277: {  	v19 =	vshll.u32 v19, $0x7;
	v33 =	vadd.s32 v17, v30;
	v31 =	vadd.s32 v1, v31;
	v21 =	vld.idx.msk [tilespmem:v21+s16+$0x0], $0xffff  }
0x278: {  	v24 =	vshll.u32 v24, $0x7;
	v19 =	vor.u32 v0, v19;
	v33 =	vadd.s32 v1, v33;
	v25 =	vld.idx.msk [tilespmem:v25+s16+$0x0], $0xffff  }
0x279: {  	v23 =	vshll.u32 v23, $0x7;
	v24 =	vor.u32 v0, v24;
	v26 =	vld.idx.msk [tilespmem:v26+s16+$0x0], $0xffff  }
0x27a: {  	v34 =	vadd.s32 s29, v0;
	v22 =	vshll.u32 v22, $0x7;
	v23 =	vor.u32 v0, v23;
	v27 =	vld.idx.msk [tilespmem:v27+s16+$0x0], $0xffff  }
0x27b: {  	v22 =	vor.u32 v0, v22;
	vm0 =	vlt.u32 v34, $0x40;
	v28 =	vshll.u32 v28, $0x7;
	v32 =	vld.idx.msk [tilespmem:v32+s16+$0x0], $0xffff  }
0x27c: {  	s30 =	sadd.s32 $0x7, s29;
	v35 =	vsel vm0, $0x0, v2;
	v28 =	vor.u32 v0, v28;
	[tilespmem:v18+s22+$0x0] =	vst.idx.msk $0xffff, v20;
	v31 =	vld.idx.msk [tilespmem:v31+s16+$0x0], $0xffff;
	v18 =	vshll.u32 v29, $0x7  }
0x27d: {  	v30 =	vshll.u32 v30, $0x7;
	v20 =	vadd.s32 s30, v0;
	v29 =	vld.idx.msk [tilespmem:v33+s16+$0x0], $0xffff;
	v33 =	vor.u32 v0, v18;
	[tilespmem:v19+s22+$0x0] =	vst.idx.msk $0xffff, v21  }
0x27e: {  	v30 =	vor.u32 v0, v30;
	v18 =	vadd.s32 v34, v35;
	vm0 =	vlt.u32 v20, $0x40;
	[tilespmem:v24+s22+$0x0] =	vst.idx.msk $0xffff, v25  }
0x27f: {  	v21 =	vadd.s32 v17, v18;
	v18 =	vshll.u32 v18, $0x7;
	v19 =	vsel vm0, $0x0, v2;
	[tilespmem:v23+s22+$0x0] =	vst.idx.msk $0xffff, v26  }
0x280: {  	s30 =	sadd.s32 $0x6, s29;
	v18 =	vor.u32 v0, v18;
	v19 =	vadd.s32 v20, v19;
	[tilespmem:v22+s22+$0x0] =	vst.idx.msk $0xffff, v27  }
0x281: {  	s31 =	sadd.s32 $0x5, s29;
	v20 =	vadd.s32 v1, v21;
	v22 =	vadd.s32 s30, v0;
	v21 =	vadd.s32 v17, v19;
	[tilespmem:v28+s22+$0x0] =	vst.idx.msk $0xffff, v32  }
0x282: {  	v23 =	vadd.s32 s31, v0;
	s30 =	sadd.s32 $0x4, s29;
	vm0 =	vlt.u32 v22, $0x40;
	v21 =	vadd.s32 v1, v21;
	[tilespmem:v33+s22+$0x0] =	vst.idx.msk $0xffff, v31  }
0x283: {  	vm1 =	vlt.u32 v23, $0x40;
	v25 =	vadd.s32 s30, v0;
	v24 =	vsel vm0, $0x0, v2;
	[tilespmem:v30+s22+$0x0] =	vst.idx.msk $0xffff, v29  }
.Ltmp13:
0x284: {  	v26 =	vsel vm1, $0x0, v2;
	vm0 =	vlt.u32 v25, $0x40;
	v24 =	vadd.s32 v22, v24;
	(pc) =	sbr.rel @p0 .LBB2_23-.Ltmp13, $4  }
0x285: {  	v23 =	vadd.s32 v23, v26;
	v22 =	vsel vm0, $0x0, v2;
	v26 =	vadd.s32 v17, v24  }
0x286: {  	s30 =	sadd.s32 $0x3, s29;
	v27 =	vadd.s32 v17, v23;
	v22 =	vadd.s32 v25, v22;
	v25 =	vadd.s32 v1, v26  }
0x287: {  	s31 =	sadd.s32 $0x2, s29;
	v28 =	vadd.s32 s30, v0;
	v30 =	vadd.s32 v17, v22;
	v26 =	vadd.s32 v1, v27  }
0x288: {  	s30 =	sadd.s32 $0x1, s29;
	s29 =	sadd.s32 $0x8, s29;
	v29 =	vadd.s32 s31, v0;
	vm0 =	vlt.u32 v28, $0x40;
	v27 =	vadd.s32 v1, v30  }
0x289: {  	v30 =	vadd.s32 s30, v0;
	vm1 =	vlt.u32 v29, $0x40  }
0x28a: {  	v31 =	vsel vm0, $0x0, v2;
	v19 =	vshll.u32 v19, $0x7;
	v24 =	vshll.u32 v24, $0x7  }
0x28b: {  	vm0 =	vlt.u32 v30, $0x40;
	v32 =	vsel vm1, $0x0, v2;
	v28 =	vadd.s32 v28, v31  }
0x28c: {  	v31 =	vsel vm0, $0x0, v2;
	v29 =	vadd.s32 v29, v32;
	v63 =	vadd.s32 v17, v28  }
0x28d: {  	v20 =	vld.idx.msk [tilespmem:v20+s16+$0x0], $0xffff;
	v30 =	vadd.s32 v30, v31;
	v31 =	vadd.s32 v17, v29;
	v32 =	vadd.s32 v1, v63  }
0x28e: {  	v21 =	vld.idx.msk [tilespmem:v21+s16+$0x0], $0xffff;
	v19 =	vor.u32 v0, v19;
	v17 =	vadd.s32 v17, v30;
	v31 =	vadd.s32 v1, v31  }
0x28f: {  	v25 =	vld.idx.msk [tilespmem:v25+s16+$0x0], $0xffff;
	v23 =	vshll.u32 v23, $0x7;
	v24 =	vor.u32 v0, v24;
	v17 =	vadd.s32 v1, v17  }
0x290: {  	v26 =	vld.idx.msk [tilespmem:v26+s16+$0x0], $0xffff;
	v22 =	vshll.u32 v22, $0x7;
	v23 =	vor.u32 v0, v23  }
0x291: {  	v27 =	vld.idx.msk [tilespmem:v27+s16+$0x0], $0xffff;
	v22 =	vor.u32 v0, v22;
	v28 =	vshll.u32 v28, $0x7  }
0x292: {  	[tilespmem:v18+s22+$0x0] =	vst.idx.msk $0xffff, v20;
	v18 =	vshll.u32 v29, $0x7;
	v20 =	vor.u32 v0, v28;
	v32 =	vld.idx.msk [tilespmem:v32+s16+$0x0], $0xffff  }
0x293: {  	v29 =	vshll.u32 v30, $0x7;
	v18 =	vor.u32 v0, v18;
	[tilespmem:v19+s22+$0x0] =	vst.idx.msk $0xffff, v21;
	v28 =	vld.idx.msk [tilespmem:v31+s16+$0x0], $0xffff  }
0x294: {  	v19 =	vor.u32 v0, v29;
	[tilespmem:v24+s22+$0x0] =	vst.idx.msk $0xffff, v25;
	v17 =	vld.idx.msk [tilespmem:v17+s16+$0x0], $0xffff  }
0x295: {  	[tilespmem:v23+s22+$0x0] =	vst.idx.msk $0xffff, v26  }
0x296: {  	[tilespmem:v22+s22+$0x0] =	vst.idx.msk $0xffff, v27  }
0x297: {  	[tilespmem:v20+s22+$0x0] =	vst.idx.msk $0xffff, v32  }
0x298: {  	[tilespmem:v18+s22+$0x0] =	vst.idx.msk $0xffff, v28  }
0x299: {  	s29 =	simm.s32 $0x0;
	[tilespmem:v19+s22+$0x0] =	vst.idx.msk $0xffff, v17  }
0x29a: {  	v18 =	vadd.s32 s29, v0;
	v17 =	vld [tilespmem:$0x13190]  }
0x29b: {  	s30 =	simm.s32 $0x5;
	s31 =	simm.s32 $0x2;
	vm0 =	vlt.u32 v18, $0x40  }
0x29c: {  	v23 =	vadd.s32 s30, v0;
	v29 =	vadd.s32 s31, v0;
	s29 =	simm.s32 $0x7;
	v19 =	vsel vm0, $0x0, v2  }
0x29d: {  	vm1 =	vlt.u32 v23, $0x40;
	v20 =	vadd.s32 s29, v0;
	v18 =	vadd.s32 v18, v19  }
0x29e: {  	v26 =	vsel vm1, $0x0, v2;
	vm0 =	vlt.u32 v20, $0x40;
	v19 =	vshll.u32 v18, $0x7  }
0x29f: {  	s29 =	simm.s32 $0x6;
	v21 =	vsel vm0, $0x0, v2;
	v22 =	vadd.s32 v17, v18;
	v18 =	vor.u32 v4, v19  }
0x2a0: {  	v19 =	vadd.s32 v20, v21;
	v20 =	vadd.s32 v3, v22;
	v22 =	vadd.s32 s29, v0;
	s29 =	simm.s32 $0x4  }
0x2a1: {  	v23 =	vadd.s32 v23, v26;
	vm0 =	vlt.u32 v22, $0x40;
	v25 =	vadd.s32 s29, v0  }
0x2a2: {  	v27 =	vadd.s32 v17, v23;
	v24 =	vsel vm0, $0x0, v2;
	vm0 =	vlt.u32 v25, $0x40  }
0x2a3: {  	v21 =	vadd.s32 v17, v19;
	s29 =	simm.s32 $0x3;
	v24 =	vadd.s32 v22, v24;
	v22 =	vsel vm0, $0x0, v2  }
0x2a4: {  	v21 =	vadd.s32 v3, v21;
	v28 =	vadd.s32 s29, v0;
	v22 =	vadd.s32 v25, v22  }
0x2a5: {  	vm0 =	vlt.u32 v28, $0x40;
	v26 =	vadd.s32 v17, v24;
	v30 =	vadd.s32 v17, v22  }
0x2a6: {  	s30 =	simm.s32 $0x1;
	s29 =	simm.s32 $0x8;
	v25 =	vadd.s32 v3, v26;
	v26 =	vadd.s32 v3, v27;
	v27 =	vadd.s32 v3, v30  }
.LBB2_25:
0x2a7: {  	p0 =	slt.u32 s29, $0x38;
	v30 =	vadd.s32 s30, v0;
	vm1 =	vlt.u32 v29, $0x40;
	v31 =	vsel vm0, $0x0, v2  }
0x2a8: {  	vm0 =	vlt.u32 v30, $0x40;
	v32 =	vsel vm1, $0x0, v2;
	v28 =	vadd.s32 v28, v31  }
0x2a9: {  	v31 =	vsel vm0, $0x0, v2;
	v29 =	vadd.s32 v29, v32;
	v32 =	vadd.s32 v17, v28  }
0x2aa: {  	v20 =	vld.idx.msk [tilespmem:v20+s16+$0x0], $0xffff;
	v30 =	vadd.s32 v30, v31;
	v31 =	vadd.s32 v17, v29;
	v32 =	vadd.s32 v3, v32  }
0x2ab: {  	v19 =	vshll.u32 v19, $0x7;
	v33 =	vadd.s32 v17, v30;
	v31 =	vadd.s32 v3, v31;
	v21 =	vld.idx.msk [tilespmem:v21+s16+$0x0], $0xffff  }
0x2ac: {  	v24 =	vshll.u32 v24, $0x7;
	v19 =	vor.u32 v4, v19;
	v33 =	vadd.s32 v3, v33;
	v25 =	vld.idx.msk [tilespmem:v25+s16+$0x0], $0xffff  }
0x2ad: {  	v23 =	vshll.u32 v23, $0x7;
	v24 =	vor.u32 v4, v24;
	v26 =	vld.idx.msk [tilespmem:v26+s16+$0x0], $0xffff  }
0x2ae: {  	v34 =	vadd.s32 s29, v0;
	v22 =	vshll.u32 v22, $0x7;
	v23 =	vor.u32 v4, v23;
	v27 =	vld.idx.msk [tilespmem:v27+s16+$0x0], $0xffff  }
0x2af: {  	v22 =	vor.u32 v4, v22;
	vm0 =	vlt.u32 v34, $0x40;
	v28 =	vshll.u32 v28, $0x7;
	v32 =	vld.idx.msk [tilespmem:v32+s16+$0x0], $0xffff  }
0x2b0: {  	s30 =	sadd.s32 $0x7, s29;
	v35 =	vsel vm0, $0x0, v2;
	v28 =	vor.u32 v4, v28;
	[tilespmem:v18+s22+$0x0] =	vst.idx.msk $0xffff, v20;
	v31 =	vld.idx.msk [tilespmem:v31+s16+$0x0], $0xffff;
	v18 =	vshll.u32 v29, $0x7  }
0x2b1: {  	v30 =	vshll.u32 v30, $0x7;
	v20 =	vadd.s32 s30, v0;
	v29 =	vld.idx.msk [tilespmem:v33+s16+$0x0], $0xffff;
	v33 =	vor.u32 v4, v18;
	[tilespmem:v19+s22+$0x0] =	vst.idx.msk $0xffff, v21  }
0x2b2: {  	v30 =	vor.u32 v4, v30;
	v18 =	vadd.s32 v34, v35;
	vm0 =	vlt.u32 v20, $0x40;
	[tilespmem:v24+s22+$0x0] =	vst.idx.msk $0xffff, v25  }
0x2b3: {  	v21 =	vadd.s32 v17, v18;
	v18 =	vshll.u32 v18, $0x7;
	v19 =	vsel vm0, $0x0, v2;
	[tilespmem:v23+s22+$0x0] =	vst.idx.msk $0xffff, v26  }
0x2b4: {  	s30 =	sadd.s32 $0x6, s29;
	v18 =	vor.u32 v4, v18;
	v19 =	vadd.s32 v20, v19;
	[tilespmem:v22+s22+$0x0] =	vst.idx.msk $0xffff, v27  }
0x2b5: {  	s31 =	sadd.s32 $0x5, s29;
	v20 =	vadd.s32 v3, v21;
	v22 =	vadd.s32 s30, v0;
	v21 =	vadd.s32 v17, v19;
	[tilespmem:v28+s22+$0x0] =	vst.idx.msk $0xffff, v32  }
0x2b6: {  	v23 =	vadd.s32 s31, v0;
	s30 =	sadd.s32 $0x4, s29;
	vm0 =	vlt.u32 v22, $0x40;
	v21 =	vadd.s32 v3, v21;
	[tilespmem:v33+s22+$0x0] =	vst.idx.msk $0xffff, v31  }
0x2b7: {  	vm1 =	vlt.u32 v23, $0x40;
	v25 =	vadd.s32 s30, v0;
	v24 =	vsel vm0, $0x0, v2;
	[tilespmem:v30+s22+$0x0] =	vst.idx.msk $0xffff, v29  }
.Ltmp14:
0x2b8: {  	v26 =	vsel vm1, $0x0, v2;
	vm0 =	vlt.u32 v25, $0x40;
	v24 =	vadd.s32 v22, v24;
	(pc) =	sbr.rel @p0 .LBB2_25-.Ltmp14, $4  }
0x2b9: {  	v23 =	vadd.s32 v23, v26;
	v22 =	vsel vm0, $0x0, v2;
	v26 =	vadd.s32 v17, v24  }
0x2ba: {  	s30 =	sadd.s32 $0x3, s29;
	v27 =	vadd.s32 v17, v23;
	v22 =	vadd.s32 v25, v22;
	v25 =	vadd.s32 v3, v26  }
0x2bb: {  	s31 =	sadd.s32 $0x2, s29;
	v28 =	vadd.s32 s30, v0;
	v30 =	vadd.s32 v17, v22;
	v26 =	vadd.s32 v3, v27  }
0x2bc: {  	s30 =	sadd.s32 $0x1, s29;
	s29 =	sadd.s32 $0x8, s29;
	v29 =	vadd.s32 s31, v0;
	vm0 =	vlt.u32 v28, $0x40;
	v27 =	vadd.s32 v3, v30  }
0x2bd: {  	v30 =	vadd.s32 s30, v0;
	vm1 =	vlt.u32 v29, $0x40  }
0x2be: {  	v31 =	vsel vm0, $0x0, v2;
	v19 =	vshll.u32 v19, $0x7;
	v24 =	vshll.u32 v24, $0x7  }
0x2bf: {  	vm0 =	vlt.u32 v30, $0x40;
	v32 =	vsel vm1, $0x0, v2;
	v28 =	vadd.s32 v28, v31  }
0x2c0: {  	v31 =	vsel vm0, $0x0, v2;
	v29 =	vadd.s32 v29, v32;
	v63 =	vadd.s32 v17, v28  }
0x2c1: {  	v20 =	vld.idx.msk [tilespmem:v20+s16+$0x0], $0xffff;
	v30 =	vadd.s32 v30, v31;
	v31 =	vadd.s32 v17, v29;
	v32 =	vadd.s32 v3, v63  }
0x2c2: {  	v21 =	vld.idx.msk [tilespmem:v21+s16+$0x0], $0xffff;
	v19 =	vor.u32 v4, v19;
	v17 =	vadd.s32 v17, v30;
	v31 =	vadd.s32 v3, v31  }
0x2c3: {  	v25 =	vld.idx.msk [tilespmem:v25+s16+$0x0], $0xffff;
	v23 =	vshll.u32 v23, $0x7;
	v24 =	vor.u32 v4, v24;
	v17 =	vadd.s32 v3, v17  }
0x2c4: {  	v26 =	vld.idx.msk [tilespmem:v26+s16+$0x0], $0xffff;
	v22 =	vshll.u32 v22, $0x7;
	v23 =	vor.u32 v4, v23  }
0x2c5: {  	v27 =	vld.idx.msk [tilespmem:v27+s16+$0x0], $0xffff;
	v22 =	vor.u32 v4, v22;
	v28 =	vshll.u32 v28, $0x7  }
0x2c6: {  	[tilespmem:v18+s22+$0x0] =	vst.idx.msk $0xffff, v20;
	v18 =	vshll.u32 v29, $0x7;
	v20 =	vor.u32 v4, v28;
	v32 =	vld.idx.msk [tilespmem:v32+s16+$0x0], $0xffff  }
0x2c7: {  	v29 =	vshll.u32 v30, $0x7;
	v18 =	vor.u32 v4, v18;
	[tilespmem:v19+s22+$0x0] =	vst.idx.msk $0xffff, v21;
	v28 =	vld.idx.msk [tilespmem:v31+s16+$0x0], $0xffff  }
0x2c8: {  	v19 =	vor.u32 v4, v29;
	[tilespmem:v24+s22+$0x0] =	vst.idx.msk $0xffff, v25;
	v17 =	vld.idx.msk [tilespmem:v17+s16+$0x0], $0xffff  }
0x2c9: {  	[tilespmem:v23+s22+$0x0] =	vst.idx.msk $0xffff, v26  }
0x2ca: {  	[tilespmem:v22+s22+$0x0] =	vst.idx.msk $0xffff, v27  }
0x2cb: {  	[tilespmem:v20+s22+$0x0] =	vst.idx.msk $0xffff, v32  }
0x2cc: {  	[tilespmem:v18+s22+$0x0] =	vst.idx.msk $0xffff, v28  }
0x2cd: {  	s29 =	simm.s32 $0x0;
	[tilespmem:v19+s22+$0x0] =	vst.idx.msk $0xffff, v17  }
0x2ce: {  	v18 =	vadd.s32 s29, v0;
	v17 =	vld [tilespmem:$0x131A0]  }
0x2cf: {  	s30 =	simm.s32 $0x5;
	s31 =	simm.s32 $0x2;
	vm0 =	vlt.u32 v18, $0x40  }
0x2d0: {  	v23 =	vadd.s32 s30, v0;
	v29 =	vadd.s32 s31, v0;
	s29 =	simm.s32 $0x7;
	v19 =	vsel vm0, $0x0, v2  }
0x2d1: {  	vm1 =	vlt.u32 v23, $0x40;
	v20 =	vadd.s32 s29, v0;
	v18 =	vadd.s32 v18, v19  }
0x2d2: {  	v26 =	vsel vm1, $0x0, v2;
	vm0 =	vlt.u32 v20, $0x40;
	v19 =	vshll.u32 v18, $0x7  }
0x2d3: {  	s29 =	simm.s32 $0x6;
	v21 =	vsel vm0, $0x0, v2;
	v22 =	vadd.s32 v17, v18;
	v18 =	vor.u32 v6, v19  }
0x2d4: {  	v19 =	vadd.s32 v20, v21;
	v20 =	vadd.s32 v5, v22;
	v22 =	vadd.s32 s29, v0;
	s29 =	simm.s32 $0x4  }
0x2d5: {  	v23 =	vadd.s32 v23, v26;
	vm0 =	vlt.u32 v22, $0x40;
	v25 =	vadd.s32 s29, v0  }
0x2d6: {  	v27 =	vadd.s32 v17, v23;
	v24 =	vsel vm0, $0x0, v2;
	vm0 =	vlt.u32 v25, $0x40  }
0x2d7: {  	v21 =	vadd.s32 v17, v19;
	s29 =	simm.s32 $0x3;
	v24 =	vadd.s32 v22, v24;
	v22 =	vsel vm0, $0x0, v2  }
0x2d8: {  	v21 =	vadd.s32 v5, v21;
	v28 =	vadd.s32 s29, v0;
	v22 =	vadd.s32 v25, v22  }
0x2d9: {  	vm0 =	vlt.u32 v28, $0x40;
	v26 =	vadd.s32 v17, v24;
	v30 =	vadd.s32 v17, v22  }
0x2da: {  	s30 =	simm.s32 $0x1;
	s29 =	simm.s32 $0x8;
	v25 =	vadd.s32 v5, v26;
	v26 =	vadd.s32 v5, v27;
	v27 =	vadd.s32 v5, v30  }
.LBB2_27:
0x2db: {  	p0 =	slt.u32 s29, $0x38;
	v30 =	vadd.s32 s30, v0;
	vm1 =	vlt.u32 v29, $0x40;
	v31 =	vsel vm0, $0x0, v2  }
0x2dc: {  	vm0 =	vlt.u32 v30, $0x40;
	v32 =	vsel vm1, $0x0, v2;
	v28 =	vadd.s32 v28, v31  }
0x2dd: {  	v31 =	vsel vm0, $0x0, v2;
	v29 =	vadd.s32 v29, v32;
	v32 =	vadd.s32 v17, v28  }
0x2de: {  	v20 =	vld.idx.msk [tilespmem:v20+s16+$0x0], $0xffff;
	v30 =	vadd.s32 v30, v31;
	v31 =	vadd.s32 v17, v29;
	v32 =	vadd.s32 v5, v32  }
0x2df: {  	v19 =	vshll.u32 v19, $0x7;
	v33 =	vadd.s32 v17, v30;
	v31 =	vadd.s32 v5, v31;
	v21 =	vld.idx.msk [tilespmem:v21+s16+$0x0], $0xffff  }
0x2e0: {  	v24 =	vshll.u32 v24, $0x7;
	v19 =	vor.u32 v6, v19;
	v33 =	vadd.s32 v5, v33;
	v25 =	vld.idx.msk [tilespmem:v25+s16+$0x0], $0xffff  }
0x2e1: {  	v23 =	vshll.u32 v23, $0x7;
	v24 =	vor.u32 v6, v24;
	v26 =	vld.idx.msk [tilespmem:v26+s16+$0x0], $0xffff  }
0x2e2: {  	v34 =	vadd.s32 s29, v0;
	v22 =	vshll.u32 v22, $0x7;
	v23 =	vor.u32 v6, v23;
	v27 =	vld.idx.msk [tilespmem:v27+s16+$0x0], $0xffff  }
0x2e3: {  	v22 =	vor.u32 v6, v22;
	vm0 =	vlt.u32 v34, $0x40;
	v28 =	vshll.u32 v28, $0x7;
	v32 =	vld.idx.msk [tilespmem:v32+s16+$0x0], $0xffff  }
0x2e4: {  	s30 =	sadd.s32 $0x7, s29;
	v35 =	vsel vm0, $0x0, v2;
	v28 =	vor.u32 v6, v28;
	[tilespmem:v18+s22+$0x0] =	vst.idx.msk $0xffff, v20;
	v31 =	vld.idx.msk [tilespmem:v31+s16+$0x0], $0xffff;
	v18 =	vshll.u32 v29, $0x7  }
0x2e5: {  	v30 =	vshll.u32 v30, $0x7;
	v20 =	vadd.s32 s30, v0;
	v29 =	vld.idx.msk [tilespmem:v33+s16+$0x0], $0xffff;
	v33 =	vor.u32 v6, v18;
	[tilespmem:v19+s22+$0x0] =	vst.idx.msk $0xffff, v21  }
0x2e6: {  	v30 =	vor.u32 v6, v30;
	v18 =	vadd.s32 v34, v35;
	vm0 =	vlt.u32 v20, $0x40;
	[tilespmem:v24+s22+$0x0] =	vst.idx.msk $0xffff, v25  }
0x2e7: {  	v21 =	vadd.s32 v17, v18;
	v18 =	vshll.u32 v18, $0x7;
	v19 =	vsel vm0, $0x0, v2;
	[tilespmem:v23+s22+$0x0] =	vst.idx.msk $0xffff, v26  }
0x2e8: {  	s30 =	sadd.s32 $0x6, s29;
	v18 =	vor.u32 v6, v18;
	v19 =	vadd.s32 v20, v19;
	[tilespmem:v22+s22+$0x0] =	vst.idx.msk $0xffff, v27  }
0x2e9: {  	s31 =	sadd.s32 $0x5, s29;
	v20 =	vadd.s32 v5, v21;
	v22 =	vadd.s32 s30, v0;
	v21 =	vadd.s32 v17, v19;
	[tilespmem:v28+s22+$0x0] =	vst.idx.msk $0xffff, v32  }
0x2ea: {  	v23 =	vadd.s32 s31, v0;
	s30 =	sadd.s32 $0x4, s29;
	vm0 =	vlt.u32 v22, $0x40;
	v21 =	vadd.s32 v5, v21;
	[tilespmem:v33+s22+$0x0] =	vst.idx.msk $0xffff, v31  }
0x2eb: {  	vm1 =	vlt.u32 v23, $0x40;
	v25 =	vadd.s32 s30, v0;
	v24 =	vsel vm0, $0x0, v2;
	[tilespmem:v30+s22+$0x0] =	vst.idx.msk $0xffff, v29  }
.Ltmp15:
0x2ec: {  	v26 =	vsel vm1, $0x0, v2;
	vm0 =	vlt.u32 v25, $0x40;
	v24 =	vadd.s32 v22, v24;
	(pc) =	sbr.rel @p0 .LBB2_27-.Ltmp15, $4  }
0x2ed: {  	v23 =	vadd.s32 v23, v26;
	v22 =	vsel vm0, $0x0, v2;
	v26 =	vadd.s32 v17, v24  }
0x2ee: {  	s30 =	sadd.s32 $0x3, s29;
	v27 =	vadd.s32 v17, v23;
	v22 =	vadd.s32 v25, v22;
	v25 =	vadd.s32 v5, v26  }
0x2ef: {  	s31 =	sadd.s32 $0x2, s29;
	v28 =	vadd.s32 s30, v0;
	v30 =	vadd.s32 v17, v22;
	v26 =	vadd.s32 v5, v27  }
0x2f0: {  	s30 =	sadd.s32 $0x1, s29;
	s29 =	sadd.s32 $0x8, s29;
	v29 =	vadd.s32 s31, v0;
	vm0 =	vlt.u32 v28, $0x40;
	v27 =	vadd.s32 v5, v30  }
0x2f1: {  	v30 =	vadd.s32 s30, v0;
	vm1 =	vlt.u32 v29, $0x40  }
0x2f2: {  	v31 =	vsel vm0, $0x0, v2;
	v19 =	vshll.u32 v19, $0x7;
	v24 =	vshll.u32 v24, $0x7  }
0x2f3: {  	vm0 =	vlt.u32 v30, $0x40;
	v32 =	vsel vm1, $0x0, v2;
	v28 =	vadd.s32 v28, v31  }
0x2f4: {  	v31 =	vsel vm0, $0x0, v2;
	v29 =	vadd.s32 v29, v32;
	v63 =	vadd.s32 v17, v28  }
0x2f5: {  	v20 =	vld.idx.msk [tilespmem:v20+s16+$0x0], $0xffff;
	v30 =	vadd.s32 v30, v31;
	v31 =	vadd.s32 v17, v29;
	v32 =	vadd.s32 v5, v63  }
0x2f6: {  	v21 =	vld.idx.msk [tilespmem:v21+s16+$0x0], $0xffff;
	v19 =	vor.u32 v6, v19;
	v17 =	vadd.s32 v17, v30;
	v31 =	vadd.s32 v5, v31  }
0x2f7: {  	v25 =	vld.idx.msk [tilespmem:v25+s16+$0x0], $0xffff;
	v23 =	vshll.u32 v23, $0x7;
	v24 =	vor.u32 v6, v24;
	v17 =	vadd.s32 v5, v17  }
0x2f8: {  	v26 =	vld.idx.msk [tilespmem:v26+s16+$0x0], $0xffff;
	v22 =	vshll.u32 v22, $0x7;
	v23 =	vor.u32 v6, v23  }
0x2f9: {  	v27 =	vld.idx.msk [tilespmem:v27+s16+$0x0], $0xffff;
	v22 =	vor.u32 v6, v22;
	v28 =	vshll.u32 v28, $0x7  }
0x2fa: {  	[tilespmem:v18+s22+$0x0] =	vst.idx.msk $0xffff, v20;
	v18 =	vshll.u32 v29, $0x7;
	v20 =	vor.u32 v6, v28;
	v32 =	vld.idx.msk [tilespmem:v32+s16+$0x0], $0xffff  }
0x2fb: {  	v29 =	vshll.u32 v30, $0x7;
	v18 =	vor.u32 v6, v18;
	[tilespmem:v19+s22+$0x0] =	vst.idx.msk $0xffff, v21;
	v28 =	vld.idx.msk [tilespmem:v31+s16+$0x0], $0xffff  }
0x2fc: {  	v19 =	vor.u32 v6, v29;
	[tilespmem:v24+s22+$0x0] =	vst.idx.msk $0xffff, v25;
	v17 =	vld.idx.msk [tilespmem:v17+s16+$0x0], $0xffff  }
0x2fd: {  	[tilespmem:v23+s22+$0x0] =	vst.idx.msk $0xffff, v26  }
0x2fe: {  	[tilespmem:v22+s22+$0x0] =	vst.idx.msk $0xffff, v27  }
0x2ff: {  	[tilespmem:v20+s22+$0x0] =	vst.idx.msk $0xffff, v32  }
0x300: {  	[tilespmem:v18+s22+$0x0] =	vst.idx.msk $0xffff, v28  }
0x301: {  	s29 =	simm.s32 $0x0;
	[tilespmem:v19+s22+$0x0] =	vst.idx.msk $0xffff, v17  }
0x302: {  	v18 =	vadd.s32 s29, v0;
	v17 =	vld [tilespmem:$0x131B0]  }
0x303: {  	s30 =	simm.s32 $0x5;
	s31 =	simm.s32 $0x2;
	vm0 =	vlt.u32 v18, $0x40  }
0x304: {  	v23 =	vadd.s32 s30, v0;
	v29 =	vadd.s32 s31, v0;
	s29 =	simm.s32 $0x7;
	v19 =	vsel vm0, $0x0, v2  }
0x305: {  	vm1 =	vlt.u32 v23, $0x40;
	v20 =	vadd.s32 s29, v0;
	v18 =	vadd.s32 v18, v19  }
0x306: {  	v26 =	vsel vm1, $0x0, v2;
	vm0 =	vlt.u32 v20, $0x40;
	v19 =	vshll.u32 v18, $0x7  }
0x307: {  	s29 =	simm.s32 $0x6;
	v21 =	vsel vm0, $0x0, v2;
	v22 =	vadd.s32 v17, v18;
	v18 =	vor.u32 v8, v19  }
0x308: {  	v19 =	vadd.s32 v20, v21;
	v20 =	vadd.s32 v7, v22;
	v22 =	vadd.s32 s29, v0;
	s29 =	simm.s32 $0x4  }
0x309: {  	v23 =	vadd.s32 v23, v26;
	vm0 =	vlt.u32 v22, $0x40;
	v25 =	vadd.s32 s29, v0  }
0x30a: {  	v27 =	vadd.s32 v17, v23;
	v24 =	vsel vm0, $0x0, v2;
	vm0 =	vlt.u32 v25, $0x40  }
0x30b: {  	v21 =	vadd.s32 v17, v19;
	s29 =	simm.s32 $0x3;
	v24 =	vadd.s32 v22, v24;
	v22 =	vsel vm0, $0x0, v2  }
0x30c: {  	v21 =	vadd.s32 v7, v21;
	v28 =	vadd.s32 s29, v0;
	v22 =	vadd.s32 v25, v22  }
0x30d: {  	vm0 =	vlt.u32 v28, $0x40;
	v26 =	vadd.s32 v17, v24;
	v30 =	vadd.s32 v17, v22  }
0x30e: {  	s30 =	simm.s32 $0x1;
	s29 =	simm.s32 $0x8;
	v25 =	vadd.s32 v7, v26;
	v26 =	vadd.s32 v7, v27;
	v27 =	vadd.s32 v7, v30  }
.LBB2_29:
0x30f: {  	p0 =	slt.u32 s29, $0x38;
	v30 =	vadd.s32 s30, v0;
	vm1 =	vlt.u32 v29, $0x40;
	v31 =	vsel vm0, $0x0, v2  }
0x310: {  	vm0 =	vlt.u32 v30, $0x40;
	v32 =	vsel vm1, $0x0, v2;
	v28 =	vadd.s32 v28, v31  }
0x311: {  	v31 =	vsel vm0, $0x0, v2;
	v29 =	vadd.s32 v29, v32;
	v32 =	vadd.s32 v17, v28  }
0x312: {  	v20 =	vld.idx.msk [tilespmem:v20+s16+$0x0], $0xffff;
	v30 =	vadd.s32 v30, v31;
	v31 =	vadd.s32 v17, v29;
	v32 =	vadd.s32 v7, v32  }
0x313: {  	v19 =	vshll.u32 v19, $0x7;
	v33 =	vadd.s32 v17, v30;
	v31 =	vadd.s32 v7, v31;
	v21 =	vld.idx.msk [tilespmem:v21+s16+$0x0], $0xffff  }
0x314: {  	v24 =	vshll.u32 v24, $0x7;
	v19 =	vor.u32 v8, v19;
	v33 =	vadd.s32 v7, v33;
	v25 =	vld.idx.msk [tilespmem:v25+s16+$0x0], $0xffff  }
0x315: {  	v23 =	vshll.u32 v23, $0x7;
	v24 =	vor.u32 v8, v24;
	v26 =	vld.idx.msk [tilespmem:v26+s16+$0x0], $0xffff  }
0x316: {  	v34 =	vadd.s32 s29, v0;
	v22 =	vshll.u32 v22, $0x7;
	v23 =	vor.u32 v8, v23;
	v27 =	vld.idx.msk [tilespmem:v27+s16+$0x0], $0xffff  }
0x317: {  	v22 =	vor.u32 v8, v22;
	vm0 =	vlt.u32 v34, $0x40;
	v28 =	vshll.u32 v28, $0x7;
	v32 =	vld.idx.msk [tilespmem:v32+s16+$0x0], $0xffff  }
0x318: {  	s30 =	sadd.s32 $0x7, s29;
	v35 =	vsel vm0, $0x0, v2;
	v28 =	vor.u32 v8, v28;
	[tilespmem:v18+s22+$0x0] =	vst.idx.msk $0xffff, v20;
	v31 =	vld.idx.msk [tilespmem:v31+s16+$0x0], $0xffff;
	v18 =	vshll.u32 v29, $0x7  }
0x319: {  	v30 =	vshll.u32 v30, $0x7;
	v20 =	vadd.s32 s30, v0;
	v29 =	vld.idx.msk [tilespmem:v33+s16+$0x0], $0xffff;
	v33 =	vor.u32 v8, v18;
	[tilespmem:v19+s22+$0x0] =	vst.idx.msk $0xffff, v21  }
0x31a: {  	v30 =	vor.u32 v8, v30;
	v18 =	vadd.s32 v34, v35;
	vm0 =	vlt.u32 v20, $0x40;
	[tilespmem:v24+s22+$0x0] =	vst.idx.msk $0xffff, v25  }
0x31b: {  	v21 =	vadd.s32 v17, v18;
	v18 =	vshll.u32 v18, $0x7;
	v19 =	vsel vm0, $0x0, v2;
	[tilespmem:v23+s22+$0x0] =	vst.idx.msk $0xffff, v26  }
0x31c: {  	s30 =	sadd.s32 $0x6, s29;
	v18 =	vor.u32 v8, v18;
	v19 =	vadd.s32 v20, v19;
	[tilespmem:v22+s22+$0x0] =	vst.idx.msk $0xffff, v27  }
0x31d: {  	s31 =	sadd.s32 $0x5, s29;
	v20 =	vadd.s32 v7, v21;
	v22 =	vadd.s32 s30, v0;
	v21 =	vadd.s32 v17, v19;
	[tilespmem:v28+s22+$0x0] =	vst.idx.msk $0xffff, v32  }
0x31e: {  	v23 =	vadd.s32 s31, v0;
	s30 =	sadd.s32 $0x4, s29;
	vm0 =	vlt.u32 v22, $0x40;
	v21 =	vadd.s32 v7, v21;
	[tilespmem:v33+s22+$0x0] =	vst.idx.msk $0xffff, v31  }
0x31f: {  	vm1 =	vlt.u32 v23, $0x40;
	v25 =	vadd.s32 s30, v0;
	v24 =	vsel vm0, $0x0, v2;
	[tilespmem:v30+s22+$0x0] =	vst.idx.msk $0xffff, v29  }
.Ltmp16:
0x320: {  	v26 =	vsel vm1, $0x0, v2;
	vm0 =	vlt.u32 v25, $0x40;
	v24 =	vadd.s32 v22, v24;
	(pc) =	sbr.rel @p0 .LBB2_29-.Ltmp16, $4  }
0x321: {  	v23 =	vadd.s32 v23, v26;
	v22 =	vsel vm0, $0x0, v2;
	v26 =	vadd.s32 v17, v24  }
0x322: {  	s30 =	sadd.s32 $0x3, s29;
	v27 =	vadd.s32 v17, v23;
	v22 =	vadd.s32 v25, v22;
	v25 =	vadd.s32 v7, v26  }
0x323: {  	s31 =	sadd.s32 $0x2, s29;
	v28 =	vadd.s32 s30, v0;
	v30 =	vadd.s32 v17, v22;
	v26 =	vadd.s32 v7, v27  }
0x324: {  	s30 =	sadd.s32 $0x1, s29;
	s29 =	sadd.s32 $0x8, s29;
	v29 =	vadd.s32 s31, v0;
	vm0 =	vlt.u32 v28, $0x40;
	v27 =	vadd.s32 v7, v30  }
0x325: {  	v30 =	vadd.s32 s30, v0;
	vm1 =	vlt.u32 v29, $0x40  }
0x326: {  	v31 =	vsel vm0, $0x0, v2;
	v19 =	vshll.u32 v19, $0x7;
	v24 =	vshll.u32 v24, $0x7  }
0x327: {  	vm0 =	vlt.u32 v30, $0x40;
	v32 =	vsel vm1, $0x0, v2;
	v28 =	vadd.s32 v28, v31  }
0x328: {  	v61 =	vsel vm0, $0x0, v2;
	v29 =	vadd.s32 v29, v32;
	v62 =	vadd.s32 v17, v28  }
0x329: {  	v20 =	vld.idx.msk [tilespmem:v20+s16+$0x0], $0xffff;
	v30 =	vadd.s32 v30, v61;
	v63 =	vadd.s32 v17, v29;
	v32 =	vadd.s32 v7, v62  }
0x32a: {  	v21 =	vld.idx.msk [tilespmem:v21+s16+$0x0], $0xffff;
	v19 =	vor.u32 v8, v19;
	v17 =	vadd.s32 v17, v30;
	v31 =	vadd.s32 v7, v63  }
0x32b: {  	v23 =	vshll.u32 v23, $0x7;
	v24 =	vor.u32 v8, v24;
	v7 =	vadd.s32 v7, v17;
	v17 =	vld.idx.msk [tilespmem:v25+s16+$0x0], $0xffff  }
0x32c: {  	v22 =	vshll.u32 v22, $0x7;
	v23 =	vor.u32 v8, v23;
	v25 =	vld.idx.msk [tilespmem:v26+s16+$0x0], $0xffff  }
0x32d: {  	v22 =	vor.u32 v8, v22;
	v26 =	vld.idx.msk [tilespmem:v27+s16+$0x0], $0xffff;
	v27 =	vshll.u32 v28, $0x7  }
0x32e: {  	[tilespmem:v18+s22+$0x0] =	vst.idx.msk $0xffff, v20;
	v18 =	vshll.u32 v29, $0x7;
	v20 =	vor.u32 v8, v27;
	v28 =	vld.idx.msk [tilespmem:v32+s16+$0x0], $0xffff  }
0x32f: {  	v29 =	vshll.u32 v30, $0x7;
	v18 =	vor.u32 v8, v18;
	[tilespmem:v19+s22+$0x0] =	vst.idx.msk $0xffff, v21;
	v27 =	vld.idx.msk [tilespmem:v31+s16+$0x0], $0xffff  }
0x330: {  	v8 =	vor.u32 v8, v29;
	v7 =	vld.idx.msk [tilespmem:v7+s16+$0x0], $0xffff;
	[tilespmem:v24+s22+$0x0] =	vst.idx.msk $0xffff, v17  }
0x331: {  	[tilespmem:v23+s22+$0x0] =	vst.idx.msk $0xffff, v25  }
0x332: {  	[tilespmem:v22+s22+$0x0] =	vst.idx.msk $0xffff, v26  }
0x333: {  	[tilespmem:v20+s22+$0x0] =	vst.idx.msk $0xffff, v28  }
0x334: {  	[tilespmem:v18+s22+$0x0] =	vst.idx.msk $0xffff, v27  }
0x335: {  	s29 =	simm.s32 $0x0;
	[tilespmem:v8+s22+$0x0] =	vst.idx.msk $0xffff, v7  }
0x336: {  	s30 =	simm.s32 $0x5;
	v8 =	vadd.s32 s29, v0;
	v7 =	vld [tilespmem:$0x131C0]  }
0x337: {  	v21 =	vadd.s32 s30, v0;
	vm0 =	vlt.u32 v8, $0x40  }
0x338: {  	vm1 =	vlt.u32 v21, $0x40;
	s29 =	simm.s32 $0x7;
	v17 =	vsel vm0, $0x0, v2  }
0x339: {  	v24 =	vsel vm1, $0x0, v2;
	v18 =	vadd.s32 s29, v0;
	v8 =	vadd.s32 v8, v17  }
0x33a: {  	v21 =	vadd.s32 v21, v24;
	vm0 =	vlt.u32 v18, $0x40;
	v17 =	vshll.u32 v8, $0x7  }
0x33b: {  	s29 =	simm.s32 $0x6;
	v19 =	vsel vm0, $0x0, v2;
	v20 =	vadd.s32 v7, v8;
	v8 =	vor.u32 v10, v17  }
0x33c: {  	s31 =	simm.s32 $0x2;
	v17 =	vadd.s32 v18, v19;
	v18 =	vadd.s32 v9, v20;
	v20 =	vadd.s32 s29, v0;
	s29 =	simm.s32 $0x4  }
0x33d: {  	v27 =	vadd.s32 s31, v0;
	vm0 =	vlt.u32 v20, $0x40;
	v23 =	vadd.s32 s29, v0  }
0x33e: {  	v25 =	vadd.s32 v7, v21;
	v22 =	vsel vm0, $0x0, v2;
	vm0 =	vlt.u32 v23, $0x40  }
0x33f: {  	v19 =	vadd.s32 v7, v17;
	s29 =	simm.s32 $0x3;
	v22 =	vadd.s32 v20, v22;
	v20 =	vsel vm0, $0x0, v2  }
0x340: {  	v19 =	vadd.s32 v9, v19;
	v26 =	vadd.s32 s29, v0;
	v20 =	vadd.s32 v23, v20  }
0x341: {  	vm0 =	vlt.u32 v26, $0x40;
	v24 =	vadd.s32 v7, v22;
	v28 =	vadd.s32 v7, v20  }
0x342: {  	s30 =	simm.s32 $0x1;
	s29 =	simm.s32 $0x8;
	v23 =	vadd.s32 v9, v24;
	v24 =	vadd.s32 v9, v25;
	v25 =	vadd.s32 v9, v28  }
.LBB2_31:
0x343: {  	p0 =	slt.u32 s29, $0x38;
	v28 =	vadd.s32 s30, v0;
	vm1 =	vlt.u32 v27, $0x40;
	v29 =	vsel vm0, $0x0, v2  }
0x344: {  	vm0 =	vlt.u32 v28, $0x40;
	v30 =	vsel vm1, $0x0, v2;
	v26 =	vadd.s32 v26, v29  }
0x345: {  	v29 =	vsel vm0, $0x0, v2;
	v27 =	vadd.s32 v27, v30;
	v30 =	vadd.s32 v7, v26  }
0x346: {  	v18 =	vld.idx.msk [tilespmem:v18+s16+$0x0], $0xffff;
	v28 =	vadd.s32 v28, v29;
	v29 =	vadd.s32 v7, v27;
	v30 =	vadd.s32 v9, v30  }
0x347: {  	v17 =	vshll.u32 v17, $0x7;
	v31 =	vadd.s32 v7, v28;
	v29 =	vadd.s32 v9, v29;
	v19 =	vld.idx.msk [tilespmem:v19+s16+$0x0], $0xffff  }
0x348: {  	v22 =	vshll.u32 v22, $0x7;
	v17 =	vor.u32 v10, v17;
	v31 =	vadd.s32 v9, v31;
	v23 =	vld.idx.msk [tilespmem:v23+s16+$0x0], $0xffff  }
0x349: {  	v21 =	vshll.u32 v21, $0x7;
	v22 =	vor.u32 v10, v22;
	v24 =	vld.idx.msk [tilespmem:v24+s16+$0x0], $0xffff  }
0x34a: {  	v32 =	vadd.s32 s29, v0;
	v20 =	vshll.u32 v20, $0x7;
	v21 =	vor.u32 v10, v21;
	v25 =	vld.idx.msk [tilespmem:v25+s16+$0x0], $0xffff  }
0x34b: {  	v20 =	vor.u32 v10, v20;
	vm0 =	vlt.u32 v32, $0x40;
	v26 =	vshll.u32 v26, $0x7;
	v30 =	vld.idx.msk [tilespmem:v30+s16+$0x0], $0xffff  }
0x34c: {  	s30 =	sadd.s32 $0x7, s29;
	v33 =	vsel vm0, $0x0, v2;
	v26 =	vor.u32 v10, v26;
	[tilespmem:v8+s22+$0x0] =	vst.idx.msk $0xffff, v18;
	v29 =	vld.idx.msk [tilespmem:v29+s16+$0x0], $0xffff;
	v8 =	vshll.u32 v27, $0x7  }
0x34d: {  	v28 =	vshll.u32 v28, $0x7;
	v18 =	vadd.s32 s30, v0;
	v27 =	vld.idx.msk [tilespmem:v31+s16+$0x0], $0xffff;
	v31 =	vor.u32 v10, v8;
	[tilespmem:v17+s22+$0x0] =	vst.idx.msk $0xffff, v19  }
0x34e: {  	v28 =	vor.u32 v10, v28;
	v8 =	vadd.s32 v32, v33;
	vm0 =	vlt.u32 v18, $0x40;
	[tilespmem:v22+s22+$0x0] =	vst.idx.msk $0xffff, v23  }
0x34f: {  	v19 =	vadd.s32 v7, v8;
	v8 =	vshll.u32 v8, $0x7;
	v17 =	vsel vm0, $0x0, v2;
	[tilespmem:v21+s22+$0x0] =	vst.idx.msk $0xffff, v24  }
0x350: {  	s30 =	sadd.s32 $0x6, s29;
	v8 =	vor.u32 v10, v8;
	v17 =	vadd.s32 v18, v17;
	[tilespmem:v20+s22+$0x0] =	vst.idx.msk $0xffff, v25  }
0x351: {  	s31 =	sadd.s32 $0x5, s29;
	v18 =	vadd.s32 v9, v19;
	v20 =	vadd.s32 s30, v0;
	v19 =	vadd.s32 v7, v17;
	[tilespmem:v26+s22+$0x0] =	vst.idx.msk $0xffff, v30  }
0x352: {  	v21 =	vadd.s32 s31, v0;
	s30 =	sadd.s32 $0x4, s29;
	vm0 =	vlt.u32 v20, $0x40;
	v19 =	vadd.s32 v9, v19;
	[tilespmem:v31+s22+$0x0] =	vst.idx.msk $0xffff, v29  }
0x353: {  	vm1 =	vlt.u32 v21, $0x40;
	v23 =	vadd.s32 s30, v0;
	v22 =	vsel vm0, $0x0, v2;
	[tilespmem:v28+s22+$0x0] =	vst.idx.msk $0xffff, v27  }
.Ltmp17:
0x354: {  	v24 =	vsel vm1, $0x0, v2;
	vm0 =	vlt.u32 v23, $0x40;
	v22 =	vadd.s32 v20, v22;
	(pc) =	sbr.rel @p0 .LBB2_31-.Ltmp17, $4  }
0x355: {  	v21 =	vadd.s32 v21, v24;
	v20 =	vsel vm0, $0x0, v2;
	v24 =	vadd.s32 v7, v22  }
0x356: {  	s30 =	sadd.s32 $0x3, s29;
	v25 =	vadd.s32 v7, v21;
	v20 =	vadd.s32 v23, v20;
	v23 =	vadd.s32 v9, v24  }
0x357: {  	s31 =	sadd.s32 $0x2, s29;
	v26 =	vadd.s32 s30, v0;
	v28 =	vadd.s32 v7, v20;
	v24 =	vadd.s32 v9, v25  }
0x358: {  	s30 =	sadd.s32 $0x1, s29;
	s29 =	sadd.s32 $0x8, s29;
	v27 =	vadd.s32 s31, v0;
	vm0 =	vlt.u32 v26, $0x40;
	v25 =	vadd.s32 v9, v28  }
0x359: {  	v28 =	vadd.s32 s30, v0;
	vm1 =	vlt.u32 v27, $0x40  }
0x35a: {  	v29 =	vsel vm0, $0x0, v2;
	v17 =	vshll.u32 v17, $0x7;
	v22 =	vshll.u32 v22, $0x7  }
0x35b: {  	vm0 =	vlt.u32 v28, $0x40;
	v30 =	vsel vm1, $0x0, v2;
	v26 =	vadd.s32 v26, v29  }
0x35c: {  	v61 =	vsel vm0, $0x0, v2;
	v27 =	vadd.s32 v27, v30;
	v62 =	vadd.s32 v7, v26  }
0x35d: {  	v18 =	vld.idx.msk [tilespmem:v18+s16+$0x0], $0xffff;
	v28 =	vadd.s32 v28, v61;
	v63 =	vadd.s32 v7, v27;
	v30 =	vadd.s32 v9, v62  }
0x35e: {  	v19 =	vld.idx.msk [tilespmem:v19+s16+$0x0], $0xffff;
	v17 =	vor.u32 v10, v17;
	v7 =	vadd.s32 v7, v28;
	v29 =	vadd.s32 v9, v63  }
0x35f: {  	v21 =	vshll.u32 v21, $0x7;
	v22 =	vor.u32 v10, v22;
	v7 =	vadd.s32 v9, v7;
	v9 =	vld.idx.msk [tilespmem:v23+s16+$0x0], $0xffff  }
0x360: {  	v20 =	vshll.u32 v20, $0x7;
	v21 =	vor.u32 v10, v21;
	v23 =	vld.idx.msk [tilespmem:v24+s16+$0x0], $0xffff  }
0x361: {  	v20 =	vor.u32 v10, v20;
	v24 =	vld.idx.msk [tilespmem:v25+s16+$0x0], $0xffff;
	v25 =	vshll.u32 v26, $0x7  }
0x362: {  	[tilespmem:v8+s22+$0x0] =	vst.idx.msk $0xffff, v18;
	v8 =	vshll.u32 v27, $0x7;
	v18 =	vor.u32 v10, v25;
	v26 =	vld.idx.msk [tilespmem:v30+s16+$0x0], $0xffff  }
0x363: {  	v27 =	vshll.u32 v28, $0x7;
	v8 =	vor.u32 v10, v8;
	[tilespmem:v17+s22+$0x0] =	vst.idx.msk $0xffff, v19;
	v25 =	vld.idx.msk [tilespmem:v29+s16+$0x0], $0xffff  }
0x364: {  	v10 =	vor.u32 v10, v27;
	v7 =	vld.idx.msk [tilespmem:v7+s16+$0x0], $0xffff;
	[tilespmem:v22+s22+$0x0] =	vst.idx.msk $0xffff, v9  }
0x365: {  	[tilespmem:v21+s22+$0x0] =	vst.idx.msk $0xffff, v23  }
0x366: {  	[tilespmem:v20+s22+$0x0] =	vst.idx.msk $0xffff, v24  }
0x367: {  	[tilespmem:v18+s22+$0x0] =	vst.idx.msk $0xffff, v26  }
0x368: {  	[tilespmem:v8+s22+$0x0] =	vst.idx.msk $0xffff, v25  }
0x369: {  	s29 =	simm.s32 $0x0;
	[tilespmem:v10+s22+$0x0] =	vst.idx.msk $0xffff, v7  }
0x36a: {  	s30 =	simm.s32 $0x5;
	v8 =	vadd.s32 s29, v0;
	v7 =	vld [tilespmem:$0x131D0]  }
0x36b: {  	v19 =	vadd.s32 s30, v0;
	vm0 =	vlt.u32 v8, $0x40  }
0x36c: {  	vm1 =	vlt.u32 v19, $0x40;
	s29 =	simm.s32 $0x7;
	v9 =	vsel vm0, $0x0, v2  }
0x36d: {  	v22 =	vsel vm1, $0x0, v2;
	v10 =	vadd.s32 s29, v0;
	v8 =	vadd.s32 v8, v9  }
0x36e: {  	v19 =	vadd.s32 v19, v22;
	vm0 =	vlt.u32 v10, $0x40;
	v9 =	vshll.u32 v8, $0x7  }
0x36f: {  	s29 =	simm.s32 $0x6;
	v17 =	vsel vm0, $0x0, v2;
	v18 =	vadd.s32 v7, v8;
	v8 =	vor.u32 v12, v9  }
0x370: {  	s31 =	simm.s32 $0x2;
	v9 =	vadd.s32 v10, v17;
	v10 =	vadd.s32 v11, v18;
	v18 =	vadd.s32 s29, v0;
	s29 =	simm.s32 $0x4  }
0x371: {  	v25 =	vadd.s32 s31, v0;
	vm0 =	vlt.u32 v18, $0x40;
	v21 =	vadd.s32 s29, v0  }
0x372: {  	v23 =	vadd.s32 v7, v19;
	v20 =	vsel vm0, $0x0, v2;
	vm0 =	vlt.u32 v21, $0x40  }
0x373: {  	v17 =	vadd.s32 v7, v9;
	s29 =	simm.s32 $0x3;
	v20 =	vadd.s32 v18, v20;
	v18 =	vsel vm0, $0x0, v2  }
0x374: {  	v17 =	vadd.s32 v11, v17;
	v24 =	vadd.s32 s29, v0;
	v18 =	vadd.s32 v21, v18  }
0x375: {  	vm0 =	vlt.u32 v24, $0x40;
	v22 =	vadd.s32 v7, v20;
	v26 =	vadd.s32 v7, v18  }
0x376: {  	s30 =	simm.s32 $0x1;
	s29 =	simm.s32 $0x8;
	v21 =	vadd.s32 v11, v22;
	v22 =	vadd.s32 v11, v23;
	v23 =	vadd.s32 v11, v26  }
.LBB2_33:
0x377: {  	p0 =	slt.u32 s29, $0x38;
	v26 =	vadd.s32 s30, v0;
	vm1 =	vlt.u32 v25, $0x40;
	v27 =	vsel vm0, $0x0, v2  }
0x378: {  	vm0 =	vlt.u32 v26, $0x40;
	v28 =	vsel vm1, $0x0, v2;
	v24 =	vadd.s32 v24, v27  }
0x379: {  	v27 =	vsel vm0, $0x0, v2;
	v25 =	vadd.s32 v25, v28;
	v28 =	vadd.s32 v7, v24  }
0x37a: {  	v10 =	vld.idx.msk [tilespmem:v10+s16+$0x0], $0xffff;
	v26 =	vadd.s32 v26, v27;
	v27 =	vadd.s32 v7, v25;
	v28 =	vadd.s32 v11, v28  }
0x37b: {  	v9 =	vshll.u32 v9, $0x7;
	v29 =	vadd.s32 v7, v26;
	v27 =	vadd.s32 v11, v27;
	v17 =	vld.idx.msk [tilespmem:v17+s16+$0x0], $0xffff  }
0x37c: {  	v20 =	vshll.u32 v20, $0x7;
	v9 =	vor.u32 v12, v9;
	v29 =	vadd.s32 v11, v29;
	v21 =	vld.idx.msk [tilespmem:v21+s16+$0x0], $0xffff  }
0x37d: {  	v19 =	vshll.u32 v19, $0x7;
	v20 =	vor.u32 v12, v20;
	v22 =	vld.idx.msk [tilespmem:v22+s16+$0x0], $0xffff  }
0x37e: {  	v30 =	vadd.s32 s29, v0;
	v18 =	vshll.u32 v18, $0x7;
	v19 =	vor.u32 v12, v19;
	v23 =	vld.idx.msk [tilespmem:v23+s16+$0x0], $0xffff  }
0x37f: {  	v18 =	vor.u32 v12, v18;
	vm0 =	vlt.u32 v30, $0x40;
	v24 =	vshll.u32 v24, $0x7;
	v28 =	vld.idx.msk [tilespmem:v28+s16+$0x0], $0xffff  }
0x380: {  	s30 =	sadd.s32 $0x7, s29;
	v31 =	vsel vm0, $0x0, v2;
	v24 =	vor.u32 v12, v24;
	[tilespmem:v8+s22+$0x0] =	vst.idx.msk $0xffff, v10;
	v27 =	vld.idx.msk [tilespmem:v27+s16+$0x0], $0xffff;
	v8 =	vshll.u32 v25, $0x7  }
0x381: {  	v26 =	vshll.u32 v26, $0x7;
	v10 =	vadd.s32 s30, v0;
	v25 =	vld.idx.msk [tilespmem:v29+s16+$0x0], $0xffff;
	v29 =	vor.u32 v12, v8;
	[tilespmem:v9+s22+$0x0] =	vst.idx.msk $0xffff, v17  }
0x382: {  	v26 =	vor.u32 v12, v26;
	v8 =	vadd.s32 v30, v31;
	vm0 =	vlt.u32 v10, $0x40;
	[tilespmem:v20+s22+$0x0] =	vst.idx.msk $0xffff, v21  }
0x383: {  	v17 =	vadd.s32 v7, v8;
	v8 =	vshll.u32 v8, $0x7;
	v9 =	vsel vm0, $0x0, v2;
	[tilespmem:v19+s22+$0x0] =	vst.idx.msk $0xffff, v22  }
0x384: {  	s30 =	sadd.s32 $0x6, s29;
	v8 =	vor.u32 v12, v8;
	v9 =	vadd.s32 v10, v9;
	[tilespmem:v18+s22+$0x0] =	vst.idx.msk $0xffff, v23  }
0x385: {  	s31 =	sadd.s32 $0x5, s29;
	v10 =	vadd.s32 v11, v17;
	v18 =	vadd.s32 s30, v0;
	v17 =	vadd.s32 v7, v9;
	[tilespmem:v24+s22+$0x0] =	vst.idx.msk $0xffff, v28  }
0x386: {  	v19 =	vadd.s32 s31, v0;
	s30 =	sadd.s32 $0x4, s29;
	vm0 =	vlt.u32 v18, $0x40;
	v17 =	vadd.s32 v11, v17;
	[tilespmem:v29+s22+$0x0] =	vst.idx.msk $0xffff, v27  }
0x387: {  	vm1 =	vlt.u32 v19, $0x40;
	v21 =	vadd.s32 s30, v0;
	v20 =	vsel vm0, $0x0, v2;
	[tilespmem:v26+s22+$0x0] =	vst.idx.msk $0xffff, v25  }
.Ltmp18:
0x388: {  	v22 =	vsel vm1, $0x0, v2;
	vm0 =	vlt.u32 v21, $0x40;
	v20 =	vadd.s32 v18, v20;
	(pc) =	sbr.rel @p0 .LBB2_33-.Ltmp18, $4  }
0x389: {  	v19 =	vadd.s32 v19, v22;
	v18 =	vsel vm0, $0x0, v2;
	v22 =	vadd.s32 v7, v20  }
0x38a: {  	s30 =	sadd.s32 $0x3, s29;
	v23 =	vadd.s32 v7, v19;
	v18 =	vadd.s32 v21, v18;
	v21 =	vadd.s32 v11, v22  }
0x38b: {  	s31 =	sadd.s32 $0x2, s29;
	v24 =	vadd.s32 s30, v0;
	v26 =	vadd.s32 v7, v18;
	v22 =	vadd.s32 v11, v23  }
0x38c: {  	s30 =	sadd.s32 $0x1, s29;
	s29 =	sadd.s32 $0x8, s29;
	v25 =	vadd.s32 s31, v0;
	vm0 =	vlt.u32 v24, $0x40;
	v23 =	vadd.s32 v11, v26  }
0x38d: {  	v26 =	vadd.s32 s30, v0;
	vm1 =	vlt.u32 v25, $0x40  }
0x38e: {  	v27 =	vsel vm0, $0x0, v2;
	v9 =	vshll.u32 v9, $0x7;
	v20 =	vshll.u32 v20, $0x7  }
0x38f: {  	vm0 =	vlt.u32 v26, $0x40;
	v28 =	vsel vm1, $0x0, v2;
	v24 =	vadd.s32 v24, v27  }
0x390: {  	v57 =	vsel vm0, $0x0, v2;
	v58 =	vadd.s32 v25, v28;
	v59 =	vadd.s32 v7, v24  }
0x391: {  	v10 =	vld.idx.msk [tilespmem:v10+s16+$0x0], $0xffff;
	v26 =	vadd.s32 v26, v57;
	v60 =	vadd.s32 v7, v58;
	v28 =	vadd.s32 v11, v59  }
0x392: {  	v17 =	vld.idx.msk [tilespmem:v17+s16+$0x0], $0xffff;
	v9 =	vor.u32 v12, v9;
	v7 =	vadd.s32 v7, v26;
	v27 =	vadd.s32 v11, v60  }
0x393: {  	v19 =	vshll.u32 v19, $0x7;
	v20 =	vor.u32 v12, v20;
	v7 =	vadd.s32 v11, v7;
	v11 =	vld.idx.msk [tilespmem:v21+s16+$0x0], $0xffff  }
0x394: {  	v18 =	vshll.u32 v18, $0x7;
	v19 =	vor.u32 v12, v19;
	v21 =	vld.idx.msk [tilespmem:v22+s16+$0x0], $0xffff  }
0x395: {  	v18 =	vor.u32 v12, v18;
	v22 =	vld.idx.msk [tilespmem:v23+s16+$0x0], $0xffff;
	v23 =	vshll.u32 v24, $0x7  }
0x396: {  	[tilespmem:v8+s22+$0x0] =	vst.idx.msk $0xffff, v10;
	v8 =	vshll.u32 v58, $0x7;
	v10 =	vor.u32 v12, v23;
	v61 =	vld.idx.msk [tilespmem:v28+s16+$0x0], $0xffff  }
0x397: {  	v62 =	vshll.u32 v26, $0x7;
	v8 =	vor.u32 v12, v8;
	[tilespmem:v9+s22+$0x0] =	vst.idx.msk $0xffff, v17;
	v23 =	vld.idx.msk [tilespmem:v27+s16+$0x0], $0xffff  }
0x398: {  	v9 =	vor.u32 v12, v62;
	v7 =	vld.idx.msk [tilespmem:v7+s16+$0x0], $0xffff;
	[tilespmem:v20+s22+$0x0] =	vst.idx.msk $0xffff, v11  }
0x399: {  	[tilespmem:v19+s22+$0x0] =	vst.idx.msk $0xffff, v21  }
0x39a: {  	[tilespmem:v18+s22+$0x0] =	vst.idx.msk $0xffff, v22  }
0x39b: {  	[tilespmem:v10+s22+$0x0] =	vst.idx.msk $0xffff, v61  }
0x39c: {  	[tilespmem:v8+s22+$0x0] =	vst.idx.msk $0xffff, v23  }
0x39d: {  	s29 =	simm.s32 $0x0;
	[tilespmem:v9+s22+$0x0] =	vst.idx.msk $0xffff, v7  }
0x39e: {  	s30 =	simm.s32 $0x5;
	v8 =	vadd.s32 s29, v0;
	v7 =	vld [tilespmem:$0x131E0]  }
0x39f: {  	v17 =	vadd.s32 s30, v0;
	vm0 =	vlt.u32 v8, $0x40  }
0x3a0: {  	vm1 =	vlt.u32 v17, $0x40;
	s29 =	simm.s32 $0x7;
	v9 =	vsel vm0, $0x0, v2  }
0x3a1: {  	v20 =	vsel vm1, $0x0, v2;
	v10 =	vadd.s32 s29, v0;
	v8 =	vadd.s32 v8, v9  }
0x3a2: {  	v17 =	vadd.s32 v17, v20;
	vm0 =	vlt.u32 v10, $0x40;
	v9 =	vshll.u32 v8, $0x7  }
0x3a3: {  	s29 =	simm.s32 $0x6;
	v11 =	vsel vm0, $0x0, v2;
	v12 =	vadd.s32 v7, v8;
	v8 =	vor.u32 v14, v9  }
0x3a4: {  	s31 =	simm.s32 $0x2;
	v9 =	vadd.s32 v10, v11;
	v10 =	vadd.s32 v13, v12;
	v12 =	vadd.s32 s29, v0;
	s29 =	simm.s32 $0x4  }
0x3a5: {  	v23 =	vadd.s32 s31, v0;
	vm0 =	vlt.u32 v12, $0x40;
	v19 =	vadd.s32 s29, v0  }
0x3a6: {  	v21 =	vadd.s32 v7, v17;
	v18 =	vsel vm0, $0x0, v2;
	vm0 =	vlt.u32 v19, $0x40  }
0x3a7: {  	v11 =	vadd.s32 v7, v9;
	s29 =	simm.s32 $0x3;
	v18 =	vadd.s32 v12, v18;
	v12 =	vsel vm0, $0x0, v2  }
0x3a8: {  	v11 =	vadd.s32 v13, v11;
	v22 =	vadd.s32 s29, v0;
	v12 =	vadd.s32 v19, v12  }
0x3a9: {  	vm0 =	vlt.u32 v22, $0x40;
	v20 =	vadd.s32 v7, v18;
	v63 =	vadd.s32 v7, v12  }
0x3aa: {  	s30 =	simm.s32 $0x1;
	s29 =	simm.s32 $0x8;
	v19 =	vadd.s32 v13, v20;
	v20 =	vadd.s32 v13, v21;
	v21 =	vadd.s32 v13, v63  }
.LBB2_35:
0x3ab: {  	p0 =	slt.u32 s29, $0x38;
	v24 =	vadd.s32 s30, v0;
	vm1 =	vlt.u32 v23, $0x40;
	v25 =	vsel vm0, $0x0, v2  }
0x3ac: {  	vm0 =	vlt.u32 v24, $0x40;
	v26 =	vsel vm1, $0x0, v2;
	v22 =	vadd.s32 v22, v25  }
0x3ad: {  	v25 =	vsel vm0, $0x0, v2;
	v23 =	vadd.s32 v23, v26;
	v26 =	vadd.s32 v7, v22  }
0x3ae: {  	v10 =	vld.idx.msk [tilespmem:v10+s16+$0x0], $0xffff;
	v24 =	vadd.s32 v24, v25;
	v25 =	vadd.s32 v7, v23;
	v26 =	vadd.s32 v13, v26  }
0x3af: {  	v9 =	vshll.u32 v9, $0x7;
	v27 =	vadd.s32 v7, v24;
	v25 =	vadd.s32 v13, v25;
	v11 =	vld.idx.msk [tilespmem:v11+s16+$0x0], $0xffff  }
0x3b0: {  	v18 =	vshll.u32 v18, $0x7;
	v9 =	vor.u32 v14, v9;
	v27 =	vadd.s32 v13, v27;
	v19 =	vld.idx.msk [tilespmem:v19+s16+$0x0], $0xffff  }
0x3b1: {  	v17 =	vshll.u32 v17, $0x7;
	v18 =	vor.u32 v14, v18;
	v20 =	vld.idx.msk [tilespmem:v20+s16+$0x0], $0xffff  }
0x3b2: {  	v28 =	vadd.s32 s29, v0;
	v12 =	vshll.u32 v12, $0x7;
	v17 =	vor.u32 v14, v17;
	v21 =	vld.idx.msk [tilespmem:v21+s16+$0x0], $0xffff  }
0x3b3: {  	v12 =	vor.u32 v14, v12;
	vm0 =	vlt.u32 v28, $0x40;
	v22 =	vshll.u32 v22, $0x7;
	v26 =	vld.idx.msk [tilespmem:v26+s16+$0x0], $0xffff  }
0x3b4: {  	s30 =	sadd.s32 $0x7, s29;
	v29 =	vsel vm0, $0x0, v2;
	v22 =	vor.u32 v14, v22;
	[tilespmem:v8+s22+$0x0] =	vst.idx.msk $0xffff, v10;
	v25 =	vld.idx.msk [tilespmem:v25+s16+$0x0], $0xffff;
	v8 =	vshll.u32 v23, $0x7  }
0x3b5: {  	v24 =	vshll.u32 v24, $0x7;
	v10 =	vadd.s32 s30, v0;
	v23 =	vld.idx.msk [tilespmem:v27+s16+$0x0], $0xffff;
	v27 =	vor.u32 v14, v8;
	[tilespmem:v9+s22+$0x0] =	vst.idx.msk $0xffff, v11  }
0x3b6: {  	v24 =	vor.u32 v14, v24;
	v8 =	vadd.s32 v28, v29;
	vm0 =	vlt.u32 v10, $0x40;
	[tilespmem:v18+s22+$0x0] =	vst.idx.msk $0xffff, v19  }
0x3b7: {  	v11 =	vadd.s32 v7, v8;
	v8 =	vshll.u32 v8, $0x7;
	v9 =	vsel vm0, $0x0, v2;
	[tilespmem:v17+s22+$0x0] =	vst.idx.msk $0xffff, v20  }
0x3b8: {  	s30 =	sadd.s32 $0x6, s29;
	v8 =	vor.u32 v14, v8;
	v9 =	vadd.s32 v10, v9;
	[tilespmem:v12+s22+$0x0] =	vst.idx.msk $0xffff, v21  }
0x3b9: {  	s31 =	sadd.s32 $0x5, s29;
	v10 =	vadd.s32 v13, v11;
	v12 =	vadd.s32 s30, v0;
	v11 =	vadd.s32 v7, v9;
	[tilespmem:v22+s22+$0x0] =	vst.idx.msk $0xffff, v26  }
0x3ba: {  	v17 =	vadd.s32 s31, v0;
	s30 =	sadd.s32 $0x4, s29;
	vm0 =	vlt.u32 v12, $0x40;
	v11 =	vadd.s32 v13, v11;
	[tilespmem:v27+s22+$0x0] =	vst.idx.msk $0xffff, v25  }
0x3bb: {  	vm1 =	vlt.u32 v17, $0x40;
	v19 =	vadd.s32 s30, v0;
	v18 =	vsel vm0, $0x0, v2;
	[tilespmem:v24+s22+$0x0] =	vst.idx.msk $0xffff, v23  }
.Ltmp19:
0x3bc: {  	v20 =	vsel vm1, $0x0, v2;
	vm0 =	vlt.u32 v19, $0x40;
	v18 =	vadd.s32 v12, v18;
	(pc) =	sbr.rel @p0 .LBB2_35-.Ltmp19, $4  }
0x3bd: {  	v17 =	vadd.s32 v17, v20;
	v12 =	vsel vm0, $0x0, v2;
	v20 =	vadd.s32 v7, v18  }
0x3be: {  	s30 =	sadd.s32 $0x3, s29;
	v21 =	vadd.s32 v7, v17;
	v12 =	vadd.s32 v19, v12;
	v19 =	vadd.s32 v13, v20  }
0x3bf: {  	s31 =	sadd.s32 $0x2, s29;
	v22 =	vadd.s32 s30, v0;
	v24 =	vadd.s32 v7, v12;
	v20 =	vadd.s32 v13, v21  }
0x3c0: {  	s30 =	sadd.s32 $0x1, s29;
	s29 =	sadd.s32 $0x8, s29;
	v23 =	vadd.s32 s31, v0;
	vm0 =	vlt.u32 v22, $0x40;
	v21 =	vadd.s32 v13, v24  }
0x3c1: {  	v24 =	vadd.s32 s30, v0;
	vm1 =	vlt.u32 v23, $0x40  }
0x3c2: {  	v25 =	vsel vm0, $0x0, v2;
	v9 =	vshll.u32 v9, $0x7;
	v18 =	vshll.u32 v18, $0x7  }
0x3c3: {  	vm0 =	vlt.u32 v24, $0x40;
	v26 =	vsel vm1, $0x0, v2;
	v22 =	vadd.s32 v22, v25  }
0x3c4: {  	v61 =	vsel vm0, $0x0, v2;
	v23 =	vadd.s32 v23, v26;
	v62 =	vadd.s32 v7, v22  }
0x3c5: {  	v10 =	vld.idx.msk [tilespmem:v10+s16+$0x0], $0xffff;
	v24 =	vadd.s32 v24, v61;
	v63 =	vadd.s32 v7, v23;
	v26 =	vadd.s32 v13, v62  }
0x3c6: {  	v11 =	vld.idx.msk [tilespmem:v11+s16+$0x0], $0xffff;
	v9 =	vor.u32 v14, v9;
	v7 =	vadd.s32 v7, v24;
	v25 =	vadd.s32 v13, v63  }
0x3c7: {  	v17 =	vshll.u32 v17, $0x7;
	v18 =	vor.u32 v14, v18;
	v7 =	vadd.s32 v13, v7;
	v13 =	vld.idx.msk [tilespmem:v19+s16+$0x0], $0xffff  }
0x3c8: {  	v12 =	vshll.u32 v12, $0x7;
	v17 =	vor.u32 v14, v17;
	v19 =	vld.idx.msk [tilespmem:v20+s16+$0x0], $0xffff  }
0x3c9: {  	v12 =	vor.u32 v14, v12;
	v20 =	vld.idx.msk [tilespmem:v21+s16+$0x0], $0xffff;
	v21 =	vshll.u32 v22, $0x7  }
0x3ca: {  	[tilespmem:v8+s22+$0x0] =	vst.idx.msk $0xffff, v10;
	v8 =	vshll.u32 v23, $0x7;
	v10 =	vor.u32 v14, v21;
	v22 =	vld.idx.msk [tilespmem:v26+s16+$0x0], $0xffff  }
0x3cb: {  	v23 =	vshll.u32 v24, $0x7;
	v8 =	vor.u32 v14, v8;
	[tilespmem:v9+s22+$0x0] =	vst.idx.msk $0xffff, v11;
	v21 =	vld.idx.msk [tilespmem:v25+s16+$0x0], $0xffff  }
0x3cc: {  	v9 =	vor.u32 v14, v23;
	v7 =	vld.idx.msk [tilespmem:v7+s16+$0x0], $0xffff;
	[tilespmem:v18+s22+$0x0] =	vst.idx.msk $0xffff, v13  }
0x3cd: {  	[tilespmem:v17+s22+$0x0] =	vst.idx.msk $0xffff, v19  }
0x3ce: {  	[tilespmem:v12+s22+$0x0] =	vst.idx.msk $0xffff, v20  }
0x3cf: {  	[tilespmem:v10+s22+$0x0] =	vst.idx.msk $0xffff, v22  }
0x3d0: {  	[tilespmem:v8+s22+$0x0] =	vst.idx.msk $0xffff, v21  }
0x3d1: {  	s29 =	simm.s32 $0x0;
	[tilespmem:v9+s22+$0x0] =	vst.idx.msk $0xffff, v7  }
0x3d2: {  	s30 =	simm.s32 $0x5;
	v8 =	vadd.s32 s29, v0;
	v7 =	vld [tilespmem:$0x131F0]  }
0x3d3: {  	v13 =	vadd.s32 s30, v0;
	vm0 =	vlt.u32 v8, $0x40  }
0x3d4: {  	vm1 =	vlt.u32 v13, $0x40;
	s29 =	simm.s32 $0x7;
	v9 =	vsel vm0, $0x0, v2  }
0x3d5: {  	v18 =	vsel vm1, $0x0, v2;
	v10 =	vadd.s32 s29, v0;
	v8 =	vadd.s32 v8, v9  }
0x3d6: {  	v13 =	vadd.s32 v13, v18;
	vm0 =	vlt.u32 v10, $0x40;
	v9 =	vshll.u32 v8, $0x7  }
0x3d7: {  	s29 =	simm.s32 $0x6;
	v11 =	vsel vm0, $0x0, v2;
	v12 =	vadd.s32 v7, v8;
	v8 =	vor.u32 v16, v9  }
0x3d8: {  	s31 =	simm.s32 $0x2;
	v9 =	vadd.s32 v10, v11;
	v10 =	vadd.s32 v15, v12;
	v12 =	vadd.s32 s29, v0;
	s29 =	simm.s32 $0x4  }
0x3d9: {  	v21 =	vadd.s32 s31, v0;
	vm0 =	vlt.u32 v12, $0x40;
	v17 =	vadd.s32 s29, v0  }
0x3da: {  	v19 =	vadd.s32 v7, v13;
	v14 =	vsel vm0, $0x0, v2;
	vm0 =	vlt.u32 v17, $0x40  }
0x3db: {  	v11 =	vadd.s32 v7, v9;
	s29 =	simm.s32 $0x3;
	v14 =	vadd.s32 v12, v14;
	v12 =	vsel vm0, $0x0, v2  }
0x3dc: {  	v11 =	vadd.s32 v15, v11;
	v20 =	vadd.s32 s29, v0;
	v12 =	vadd.s32 v17, v12  }
0x3dd: {  	vm0 =	vlt.u32 v20, $0x40;
	v18 =	vadd.s32 v7, v14;
	v22 =	vadd.s32 v7, v12  }
0x3de: {  	s30 =	simm.s32 $0x1;
	s29 =	simm.s32 $0x8;
	v17 =	vadd.s32 v15, v18;
	v18 =	vadd.s32 v15, v19;
	v19 =	vadd.s32 v15, v22  }
.LBB2_37:
0x3df: {  	p0 =	slt.u32 s29, $0x38;
	v22 =	vadd.s32 s30, v0;
	vm1 =	vlt.u32 v21, $0x40;
	v23 =	vsel vm0, $0x0, v2  }
0x3e0: {  	vm0 =	vlt.u32 v22, $0x40;
	v24 =	vsel vm1, $0x0, v2;
	v20 =	vadd.s32 v20, v23  }
0x3e1: {  	v23 =	vsel vm0, $0x0, v2;
	v21 =	vadd.s32 v21, v24;
	v24 =	vadd.s32 v7, v20  }
0x3e2: {  	v10 =	vld.idx.msk [tilespmem:v10+s16+$0x0], $0xffff;
	v22 =	vadd.s32 v22, v23;
	v23 =	vadd.s32 v7, v21;
	v24 =	vadd.s32 v15, v24  }
0x3e3: {  	v9 =	vshll.u32 v9, $0x7;
	v25 =	vadd.s32 v7, v22;
	v23 =	vadd.s32 v15, v23;
	v11 =	vld.idx.msk [tilespmem:v11+s16+$0x0], $0xffff  }
0x3e4: {  	v14 =	vshll.u32 v14, $0x7;
	v9 =	vor.u32 v16, v9;
	v25 =	vadd.s32 v15, v25;
	v17 =	vld.idx.msk [tilespmem:v17+s16+$0x0], $0xffff  }
0x3e5: {  	v13 =	vshll.u32 v13, $0x7;
	v14 =	vor.u32 v16, v14;
	v18 =	vld.idx.msk [tilespmem:v18+s16+$0x0], $0xffff  }
0x3e6: {  	v26 =	vadd.s32 s29, v0;
	v12 =	vshll.u32 v12, $0x7;
	v13 =	vor.u32 v16, v13;
	v19 =	vld.idx.msk [tilespmem:v19+s16+$0x0], $0xffff  }
0x3e7: {  	v12 =	vor.u32 v16, v12;
	vm0 =	vlt.u32 v26, $0x40;
	v20 =	vshll.u32 v20, $0x7;
	v24 =	vld.idx.msk [tilespmem:v24+s16+$0x0], $0xffff  }
0x3e8: {  	s30 =	sadd.s32 $0x7, s29;
	v27 =	vsel vm0, $0x0, v2;
	v20 =	vor.u32 v16, v20;
	[tilespmem:v8+s22+$0x0] =	vst.idx.msk $0xffff, v10;
	v23 =	vld.idx.msk [tilespmem:v23+s16+$0x0], $0xffff;
	v8 =	vshll.u32 v21, $0x7  }
0x3e9: {  	v22 =	vshll.u32 v22, $0x7;
	v10 =	vadd.s32 s30, v0;
	v21 =	vld.idx.msk [tilespmem:v25+s16+$0x0], $0xffff;
	v25 =	vor.u32 v16, v8;
	[tilespmem:v9+s22+$0x0] =	vst.idx.msk $0xffff, v11  }
0x3ea: {  	v22 =	vor.u32 v16, v22;
	v8 =	vadd.s32 v26, v27;
	vm0 =	vlt.u32 v10, $0x40;
	[tilespmem:v14+s22+$0x0] =	vst.idx.msk $0xffff, v17  }
0x3eb: {  	v11 =	vadd.s32 v7, v8;
	v8 =	vshll.u32 v8, $0x7;
	v9 =	vsel vm0, $0x0, v2;
	[tilespmem:v13+s22+$0x0] =	vst.idx.msk $0xffff, v18  }
0x3ec: {  	s30 =	sadd.s32 $0x6, s29;
	v8 =	vor.u32 v16, v8;
	v9 =	vadd.s32 v10, v9;
	[tilespmem:v12+s22+$0x0] =	vst.idx.msk $0xffff, v19  }
0x3ed: {  	s31 =	sadd.s32 $0x5, s29;
	v10 =	vadd.s32 v15, v11;
	v12 =	vadd.s32 s30, v0;
	v11 =	vadd.s32 v7, v9;
	[tilespmem:v20+s22+$0x0] =	vst.idx.msk $0xffff, v24  }
0x3ee: {  	v13 =	vadd.s32 s31, v0;
	s30 =	sadd.s32 $0x4, s29;
	vm0 =	vlt.u32 v12, $0x40;
	v11 =	vadd.s32 v15, v11;
	[tilespmem:v25+s22+$0x0] =	vst.idx.msk $0xffff, v23  }
0x3ef: {  	vm1 =	vlt.u32 v13, $0x40;
	v17 =	vadd.s32 s30, v0;
	v14 =	vsel vm0, $0x0, v2;
	[tilespmem:v22+s22+$0x0] =	vst.idx.msk $0xffff, v21  }
.Ltmp20:
0x3f0: {  	v18 =	vsel vm1, $0x0, v2;
	vm0 =	vlt.u32 v17, $0x40;
	v14 =	vadd.s32 v12, v14;
	(pc) =	sbr.rel @p0 .LBB2_37-.Ltmp20, $4  }
0x3f1: {  	v13 =	vadd.s32 v13, v18;
	v12 =	vsel vm0, $0x0, v2;
	v18 =	vadd.s32 v7, v14  }
0x3f2: {  	s30 =	sadd.s32 $0x3, s29;
	v19 =	vadd.s32 v7, v13;
	v12 =	vadd.s32 v17, v12;
	v17 =	vadd.s32 v15, v18  }
0x3f3: {  	s31 =	sadd.s32 $0x2, s29;
	v20 =	vadd.s32 s30, v0;
	v22 =	vadd.s32 v7, v12;
	v18 =	vadd.s32 v15, v19  }
0x3f4: {  	s30 =	sadd.s32 $0x1, s29;
	s29 =	sadd.s32 $0x8, s29;
	v21 =	vadd.s32 s31, v0;
	vm0 =	vlt.u32 v20, $0x40;
	v19 =	vadd.s32 v15, v22  }
0x3f5: {  	v22 =	vadd.s32 s30, v0;
	vm1 =	vlt.u32 v21, $0x40  }
0x3f6: {  	v23 =	vsel vm0, $0x0, v2;
	v9 =	vshll.u32 v9, $0x7;
	v14 =	vshll.u32 v14, $0x7  }
0x3f7: {  	vm15 =	vlt.u32 v22, $0x40;
	v24 =	vsel vm1, $0x0, v2;
	v20 =	vadd.s32 v20, v23  }
0x3f8: {  	v51 =	vsel vm15, $0x0, v2;
	v52 =	vadd.s32 v21, v24;
	v53 =	vadd.s32 v7, v20  }
0x3f9: {  	v10 =	vld.idx.msk [tilespmem:v10+s16+$0x0], $0xffff;
	v22 =	vadd.s32 v22, v51;
	v54 =	vadd.s32 v7, v52;
	v24 =	vadd.s32 v15, v53  }
0x3fa: {  	v11 =	vld.idx.msk [tilespmem:v11+s16+$0x0], $0xffff;
	v9 =	vor.u32 v16, v9;
	v7 =	vadd.s32 v7, v22;
	v23 =	vadd.s32 v15, v54  }
0x3fb: {  	v55 =	vld.idx.msk [tilespmem:v17+s16+$0x0], $0xffff;
	v13 =	vshll.u32 v13, $0x7;
	v14 =	vor.u32 v16, v14;
	v7 =	vadd.s32 v15, v7  }
0x3fc: {  	v56 =	vld.idx.msk [tilespmem:v18+s16+$0x0], $0xffff;
	v12 =	vshll.u32 v12, $0x7;
	v13 =	vor.u32 v16, v13  }
0x3fd: {  	v57 =	vld.idx.msk [tilespmem:v19+s16+$0x0], $0xffff;
	v12 =	vor.u32 v16, v12;
	v58 =	vshll.u32 v20, $0x7  }
0x3fe: {  	v60 =	vor.u32 v16, v58;
	[tilespmem:v8+s22+$0x0] =	vst.idx.msk $0xffff, v10;
	v8 =	vshll.u32 v52, $0x7;
	v59 =	vld.idx.msk [tilespmem:v24+s16+$0x0], $0xffff  }
0x3ff: {  	v62 =	vshll.u32 v22, $0x7;
	v8 =	vor.u32 v16, v8;
	[tilespmem:v9+s22+$0x0] =	vst.idx.msk $0xffff, v11;
	v61 =	vld.idx.msk [tilespmem:v23+s16+$0x0], $0xffff  }
0x400: {  	v63 =	vor.u32 v16, v62;
	[tilespmem:v14+s22+$0x0] =	vst.idx.msk $0xffff, v55;
	v7 =	vld.idx.msk [tilespmem:v7+s16+$0x0], $0xffff  }
0x401: {  	p0 =	seq.s32 s25, $0x63;
	[tilespmem:v13+s22+$0x0] =	vst.idx.msk $0xffff, v56  }
.Ltmp21:
0x402: {  	[tilespmem:v12+s22+$0x0] =	vst.idx.msk $0xffff, v57;
	(pc) =	sbr.rel @p0 .LBB2_40-.Ltmp21, $4  }
0x403: {  	[tilespmem:v60+s22+$0x0] =	vst.idx.msk $0xffff, v59  }
0x404: {  	[tilespmem:v8+s22+$0x0] =	vst.idx.msk $0xffff, v61  }
0x405: {  	s28 =	sadd.s32 s28, s7;
	[tilespmem:v63+s22+$0x0] =	vst.idx.msk $0xffff, v7  }
0x406: {  	[hbm4b:s28+s19] =	stream.strided.scatter [tilespmem:s22], [sflag:$0x4], $0x2000, s10, s19, $0x38;
	[tilespmem:$0x13200] =	vst v63  }
0x407: {  	s26 =	sadd.s32 $0x3, s26  }
0x408: {  	s28 =	sshll.u32 s26, $0x7;
	s29 =	sshll.u32 s26, $0xA  }
0x409: {  	s26 =	sshll.u32 s26, $0x5;
	s28 =	sand.u32 $0xF000, s28;
	s29 =	sand.u32 $0xC00, s29  }
0x40a: {  	s26 =	sand.u32 $0x380, s26;
	s28 =	sor.u32 s29, s28  }
0x40b: {  	s26 =	sor.u32 s26, s28  }
0x40c: {  	v7 =	vld [tilespmem:s26+$0x0];
	_ =	sdelay $0x4  }
0x40d: {  	v8 =	vshra.s32 v7, $0x1;
	v7 =	vshll.u32 v7, $0x6  }
0x40e: {  	[tilespmem:$0x13080] =	vst v8;
	v7 =	vand.u32 $0x40, v7  }
0x40f: {  	[tilespmem:$0x13180] =	vst v7  }
0x410: {  	v7 =	vld [tilespmem:s26+$0x10];
	_ =	sdelay $0x4  }
0x411: {  	v8 =	vshra.s32 v7, $0x1;
	v7 =	vshll.u32 v7, $0x6  }
0x412: {  	[tilespmem:$0x13090] =	vst v8;
	v7 =	vand.u32 $0x40, v7  }
0x413: {  	[tilespmem:$0x13190] =	vst v7  }
0x414: {  	v7 =	vld [tilespmem:s26+$0x20];
	_ =	sdelay $0x4  }
0x415: {  	v8 =	vshra.s32 v7, $0x1;
	v7 =	vshll.u32 v7, $0x6  }
0x416: {  	[tilespmem:$0x130A0] =	vst v8;
	v7 =	vand.u32 $0x40, v7  }
0x417: {  	[tilespmem:$0x131A0] =	vst v7  }
0x418: {  	v7 =	vld [tilespmem:s26+$0x30];
	_ =	sdelay $0x4  }
0x419: {  	v8 =	vshra.s32 v7, $0x1;
	v7 =	vshll.u32 v7, $0x6  }
0x41a: {  	[tilespmem:$0x130B0] =	vst v8;
	v7 =	vand.u32 $0x40, v7  }
0x41b: {  	[tilespmem:$0x131B0] =	vst v7  }
0x41c: {  	v7 =	vld [tilespmem:s26+$0x40];
	_ =	sdelay $0x4  }
0x41d: {  	v8 =	vshra.s32 v7, $0x1;
	v7 =	vshll.u32 v7, $0x6  }
0x41e: {  	[tilespmem:$0x130C0] =	vst v8;
	v7 =	vand.u32 $0x40, v7  }
0x41f: {  	[tilespmem:$0x131C0] =	vst v7  }
0x420: {  	v7 =	vld [tilespmem:s26+$0x50];
	_ =	sdelay $0x4  }
0x421: {  	v8 =	vshra.s32 v7, $0x1;
	v7 =	vshll.u32 v7, $0x6  }
0x422: {  	[tilespmem:$0x130D0] =	vst v8;
	v7 =	vand.u32 $0x40, v7  }
0x423: {  	[tilespmem:$0x131D0] =	vst v7  }
0x424: {  	v7 =	vld [tilespmem:s26+$0x60];
	_ =	sdelay $0x4  }
0x425: {  	v8 =	vshra.s32 v7, $0x1;
	v7 =	vshll.u32 v7, $0x6  }
0x426: {  	[tilespmem:$0x130E0] =	vst v8;
	v7 =	vand.u32 $0x40, v7  }
0x427: {  	[tilespmem:$0x131E0] =	vst v7  }
0x428: {  	v7 =	vld [tilespmem:s26+$0x70];
	_ =	sdelay $0x3  }
.Ltmp22:
0x429: {  	_ = 	snop;
	(pc) =	sbr.rel .LBB2_2-.Ltmp22, $4  }
0x42a: {  	v8 =	vshra.s32 v7, $0x1;
	v7 =	vshll.u32 v7, $0x6  }
0x42b: {  	[tilespmem:$0x130F0] =	vst v8;
	v7 =	vand.u32 $0x40, v7  }
0x42c: {  	s25 =	sadd.s32 $0x1, s25;
	[tilespmem:$0x131F0] =	vst v7  }
0x42d: {  	[tilespmem:s16], [sflag:$0x2] =	stream.indirect.gather [hbm4b:s5+s12], $0x80, s15, s12, $0xb8;
	[tilespmem:$0x13200] =	vst v63  }
.LBB2_41:
0x42e: {  	_ =	sfence.sel $0x180000  }
0x42f: {  	[bflag:$0x0] =	sbarrier.arrive $0xFFFF  }
0x430: {  	p0 =	sne.s32 s2, $0x0;
	_ =	strace $0x9000004A  }
0x431: {  	s0 =	sadd.s32 @!p0 $0x100000, s0;
	[bflag:$0x2] =	sbarrier.arrive $0xFFFF  }
0x432: {  	[sflag:s0] =	ssyncadd.tile.s32 @!p0 $0x1;
	_ =	shalt  }
.Lfunc_end2:
_tile_overlayer_lowered:
.L_overlay_start_2:
0x433: {  	(tag) =	ssettag $0x2  }
0x434: {  	s0 =	rddreg [dreg:$0x0];
	s2 =	stileid.u32  }
0x435: {  	s1 =	rddreg [dreg:$0x1];
	p0 =	sne.s32 s2, $0x0  }
0x436: {  	s3 =	rddreg [dreg:$0x2];
	[bflag:$0x3] =	sbarrier.arrive $0xFFFF;
	s2 =	simm.s32 @!p0 $0x1C05  }
0x437: {  	[timem:s3], [sflag:s2] =	dma.local @!p0 [hbm:s0], s1  }
0x438: {  	s0 =	simm.s32 @!p0 $0x5  }
0x439: {  	_ =	swait.ge @!p0 [sflag:s0], s1  }
0x43a: {  	s1 =	ssub.s32 @!p0 $0x0, s1;
	[sflag:s0] =	ssyncset.done @!p0 $0x0  }
0x43b: {  	[sflag:s0] =	ssyncadd.s32 @!p0 s1  }
0x43c: {  	[bflag:$0x3] =	sbarrier.arrive $0xFFFF  }
0x43d: {  	_ =	shalt  }

</sc_bundles>
